<compile_context>
chip_gen: v7x
topology: tpu7x:2x2x1
jax: 0.10.2.dev20260603
libtpu: 0.0.44.dev20260713+nightly
codegen_flags: <defaults>
</compile_context>

<pallas_src>
import functools

import jax
import jax.numpy as jnp
from jax import lax
from jax.experimental import pallas as pl
from jax.experimental.pallas import tpu as pltpu
from jax.experimental.pallas import tpu_sc as plsc

NC = 2
NS = 16
CH = 128
NBUF = 6
CHUNK_FRACS = (2, 2)


def _sc_gather(tab_flat, fl_fm, F, V, D, B):
    b_shift = B.bit_length() - 1
    assert (1 << b_shift) == B and B % CH == 0
    NW = NC * NS
    n_tot = B * F
    n_per_w = n_tot // NW
    assert n_per_w * NW == n_tot and n_per_w % CH == 0
    n_sl = n_per_w // CH
    n_groups = (n_sl + NBUF - 1) // NBUF

    mesh = plsc.VectorSubcoreMesh(core_axis_name="c", subcore_axis_name="s")

    @functools.partial(
        pl.kernel,
        mesh=mesh,
        out_type=jax.ShapeDtypeStruct((n_tot, D), jnp.float32),
        scratch_types=(
            [pltpu.VMEM((n_per_w,), jnp.int32)]
            + [pltpu.VMEM((CH, D), jnp.float32) for _ in range(NBUF)]
            + [pltpu.SemaphoreType.DMA for _ in range(2 * NBUF)]
        ),
    )
    def gather_kernel(tab_hbm, fl_hbm, out_hbm, idx_v, *bufs_and_sems):
        rows = bufs_and_sems[:NBUF]
        gsem = bufs_and_sems[NBUF:2 * NBUF]
        ssem = bufs_and_sems[2 * NBUF:]
        wid = lax.axis_index("s") * NC + lax.axis_index("c")
        base = wid * n_per_w

        pltpu.sync_copy(fl_hbm.at[pl.ds(base, n_per_w)], idx_v)

        def prep_idx(s):
            fld = lax.shift_right_logical(base + s * CH, b_shift)
            offv = jnp.full((16,), fld * V, jnp.int32)
            for k in range(CH // 16):
                sl = pl.ds(s * CH + k * 16, 16)
                idx_v[sl] = idx_v[sl] + offv

        def g_src(s):
            return tab_hbm.at[idx_v.at[pl.ds(s * CH, CH)]]

        def s_dst(s):
            return out_hbm.at[pl.ds(base + s * CH, CH)]

        for q in range(NBUF):
            prep_idx(q)
            pltpu.async_copy(g_src(q), rows[q], gsem[q])

        def group_body(g, carry):
            s0 = g * NBUF
            for q in range(NBUF):
                s = s0 + q

                @pl.when(s < n_sl)
                def _():
                    pltpu.make_async_copy(g_src(s), rows[q], gsem[q]).wait()
                    pltpu.async_copy(rows[q], s_dst(s), ssem[q])

            for q in range(NBUF):
                s = s0 + q
                sn = s + NBUF

                @pl.when(s < n_sl)
                def _():
                    pltpu.make_async_copy(rows[q], s_dst(s), ssem[q]).wait()

                @pl.when(sn < n_sl)
                def _():
                    prep_idx(sn)
                    pltpu.async_copy(g_src(sn), rows[q], gsem[q])

            return carry

        lax.fori_loop(0, n_groups, group_body, 0)

    return gather_kernel(tab_flat, fl_fm)


def _tc_linear_relu(emb3, w_bf16, bias, F, B, D, DOUT):
    BM = 256

    def mm_kernel(e_ref, w_ref, b_ref, o_ref):
        acc = jnp.zeros((BM, DOUT), jnp.float32)
        for k in range(F // 2):
            e2 = jnp.concatenate(
                [e_ref[2 * k].astype(jnp.bfloat16),
                 e_ref[2 * k + 1].astype(jnp.bfloat16)], axis=-1)
            acc = acc + jnp.dot(e2, w_ref[pl.ds(2 * k * D, 2 * D), :],
                                preferred_element_type=jnp.float32)
        if F % 2:
            acc = acc + jnp.dot(e_ref[F - 1].astype(jnp.bfloat16),
                                w_ref[pl.ds((F - 1) * D, D), :],
                                preferred_element_type=jnp.float32)
        o_ref[...] = jnp.maximum(acc + b_ref[...], 0.0)

    return pl.pallas_call(
        mm_kernel,
        grid=(B // BM,),
        in_specs=[
            pl.BlockSpec((F, BM, D), lambda i: (0, i, 0)),
            pl.BlockSpec((F * D, DOUT), lambda i: (0, 0)),
            pl.BlockSpec((1, DOUT), lambda i: (0, 0)),
        ],
        out_specs=pl.BlockSpec((BM, DOUT), lambda i: (i, 0)),
        out_shape=jax.ShapeDtypeStruct((B, DOUT), jnp.float32),
    )(emb3, w_bf16, bias)


def kernel(f_list, tables, W, b):
    F, V, D = tables.shape
    B = f_list.shape[0]
    DOUT = W.shape[1]
    tab_flat = tables.reshape(F * V, D)
    fl_t = f_list.T.astype(jnp.int32)
    w_bf16 = W.astype(jnp.bfloat16)
    bias2 = b.reshape(1, DOUT)
    outs = []
    b0 = 0
    for frac in CHUNK_FRACS:
        bc = B // frac
        fl_c = fl_t[:, b0:b0 + bc].reshape(F * bc)
        emb_c = _sc_gather(tab_flat, fl_c, F, V, D, bc)
        outs.append(_tc_linear_relu(emb_c.reshape(F, bc, D), w_bf16, bias2,
                                    F, bc, D, DOUT))
        b0 += bc
    assert b0 == B
    return jnp.concatenate(outs, axis=0)

# --- scband reference (transcript-rebuilt; emitter-appended) ---
"""Pipeline reference for scband-feature-embed-72267119722899 (READ-ONLY COPY).

The authoritative reference and input builder live on the scoring server;
editing this copy changes nothing except your own understanding.
"""

import jax, jax.numpy as jnp
import numpy as np

F = 26
V = 100000
D = 128
B = 16384

def setup_inputs(seed: int = 0) -> dict:
    key = jax.random.key(seed)
    k1, k2, k3, k4 = jax.random.split(key, 4)
    f_list = jax.random.randint(k1, (B, F), 0, V, dtype=jnp.int64)
    # stacked embedding tables, one per field: [F, V, D]
    tables = jax.random.normal(k2, (F, V, D), dtype=jnp.float32) * 0.02
    # linear_out: in_features = F*D, out_features = D
    W = jax.random.normal(k3, (F * D, D), dtype=jnp.float32) * (1.0 / np.sqrt(F * D))
    b = jnp.zeros((D,), dtype=jnp.float32)
    return {"f_list": f_list, "tables": tables, "W": W, "b": b}

def reference(f_list, tables, W, b):
    # per-field embedding lookup: tables[i][f_list[:, i]] for each field i
    # advanced indexing broadcasts arange(F) [F] with f_list [B, F] -> [B, F, D]
    emb = tables[jnp.arange(F)[None, :], f_list]
    # concat along feature dim (dropout is identity, drop_ratio=0)
    emb = emb.reshape(emb.shape[0], F * D)
    out = jnp.maximum(emb @ W + b, 0.0)
    return out

if __name__ == "__main__":
    import jax
    _d = setup_inputs()
    print(jax.jit(kernel)(*tuple(_d.values())))

</pallas_src>

<mosaic_0001>
#map = affine_map<(d0, d1) -> (0, 0)>
#map1 = affine_map<(d0, d1) -> (0)>
module attributes {stable_mosaic.version = 14 : i64} {
  func.func @gather_kernel(%arg0: i32, %arg1: i32, %arg2: memref<2600000x128xf32, #tpu.memory_space<hbm>>, %arg3: memref<212992xi32, #tpu.memory_space<hbm>>, %arg4: memref<212992x128xf32, #tpu.memory_space<hbm>>, %arg5: memref<6656xi32, #tpu.memory_space<vmem>>, %arg6: memref<128x128xf32, #tpu.memory_space<vmem>>, %arg7: memref<128x128xf32, #tpu.memory_space<vmem>>, %arg8: memref<128x128xf32, #tpu.memory_space<vmem>>, %arg9: memref<128x128xf32, #tpu.memory_space<vmem>>, %arg10: memref<128x128xf32, #tpu.memory_space<vmem>>, %arg11: memref<128x128xf32, #tpu.memory_space<vmem>>, %arg12: memref<!tpu.dma_semaphore, #tpu.memory_space<semaphore_mem>>, %arg13: memref<!tpu.dma_semaphore, #tpu.memory_space<semaphore_mem>>, %arg14: memref<!tpu.dma_semaphore, #tpu.memory_space<semaphore_mem>>, %arg15: memref<!tpu.dma_semaphore, #tpu.memory_space<semaphore_mem>>, %arg16: memref<!tpu.dma_semaphore, #tpu.memory_space<semaphore_mem>>, %arg17: memref<!tpu.dma_semaphore, #tpu.memory_space<semaphore_mem>>, %arg18: memref<!tpu.dma_semaphore, #tpu.memory_space<semaphore_mem>>, %arg19: memref<!tpu.dma_semaphore, #tpu.memory_space<semaphore_mem>>, %arg20: memref<!tpu.dma_semaphore, #tpu.memory_space<semaphore_mem>>, %arg21: memref<!tpu.dma_semaphore, #tpu.memory_space<semaphore_mem>>, %arg22: memref<!tpu.dma_semaphore, #tpu.memory_space<semaphore_mem>>, %arg23: memref<!tpu.dma_semaphore, #tpu.memory_space<semaphore_mem>>) attributes {dimension_semantics = [#tpu.dimension_semantics<core_parallel>, #tpu.dimension_semantics<subcore_parallel>], iteration_bounds = array<i64: 2, 16>, scalar_prefetch = 0 : i64, scratch_operands = 19 : i64, tpu.core_type = #tpu.core_type<sc_vector_subcore>, window_params = [{transform_indices = #map}, {transform_indices = #map1}, {transform_indices = #map}]} {
    %mul3A = arith.constant 2 : i32
    %mul3A_0 = arith.muli %arg1, %mul3A : i32
    %add3A = arith.addi %mul3A_0, %arg0 : i32
    %mul3A_1 = arith.constant 6656 : i32
    %mul3A_2 = arith.muli %add3A, %mul3A_1 : i32
    "tpu.region"() ({
      %run_scoped3A = tpu.sem_alloc : memref<!tpu.dma_semaphore, #tpu.memory_space<semaphore_mem>>
      %dma_start3A_459 = tpu.memref_slice %arg3[%mul3A_2] : memref<212992xi32, #tpu.memory_space<hbm>> -> memref<6656xi32, #tpu.memory_space<hbm>>
      %dma_start3A_460 = tpu.memref_slice %arg3[%mul3A_2] : memref<212992xi32, #tpu.memory_space<hbm>> -> memref<6656xi32, #tpu.memory_space<hbm>>
      tpu.enqueue_dma source(%dma_start3A_460 : memref<6656xi32, #tpu.memory_space<hbm>>) target(%arg5 : memref<6656xi32, #tpu.memory_space<vmem>>) target_semaphore(%run_scoped3A : memref<!tpu.dma_semaphore, #tpu.memory_space<semaphore_mem>>)
      %dma_wait3A = tpu.memref_slice %arg3[%mul3A_2] : memref<212992xi32, #tpu.memory_space<hbm>> -> memref<6656xi32, #tpu.memory_space<hbm>>
      %dma_wait3A_461 = tpu.memref_slice %arg3[%mul3A_2] : memref<212992xi32, #tpu.memory_space<hbm>> -> memref<6656xi32, #tpu.memory_space<hbm>>
      tpu.wait_dma2 semaphore(%run_scoped3A : memref<!tpu.dma_semaphore, #tpu.memory_space<semaphore_mem>>) src(%dma_wait3A_461 : memref<6656xi32, #tpu.memory_space<hbm>>) dst(%arg5 : memref<6656xi32, #tpu.memory_space<vmem>>)
      tpu.yield
    }) : () -> ()
    %add3A_3 = arith.constant 0 : i32
    %add3A_4 = arith.addi %mul3A_2, %add3A_3 : i32
    %shift_right_logical3A = arith.constant 13 : i32
    %shift_right_logical3A_5 = arith.shrui %add3A_4, %shift_right_logical3A : i32
    %mul3A_6 = arith.constant 100000 : i32
    %mul3A_7 = arith.muli %shift_right_logical3A_5, %mul3A_6 : i32
    %broadcast_in_dim3A = vector.broadcast %mul3A_7 : i32 to vector<16xi32>
    %get3A = arith.constant 0 : index
    %get3A_8 = tpu.vector_load %arg5[%get3A] {strides = array<i32>} : memref<6656xi32, #tpu.memory_space<vmem>>, vector<16xi32>,
    %get3A_9 = vector.shape_cast %get3A_8 : vector<16xi32> to vector<16xi32>
    %add3A_10 = arith.addi %get3A_9, %broadcast_in_dim3A : vector<16xi32>
    %swap3A = arith.constant 0 : index
    %swap3A_11 = tpu.vector_load %arg5[%swap3A] {strides = array<i32>} : memref<6656xi32, #tpu.memory_space<vmem>>, vector<16xi32>,
    %swap3A_12 = vector.shape_cast %swap3A_11 : vector<16xi32> to vector<16xi32>
    %swap3A_13 = vector.shape_cast %add3A_10 : vector<16xi32> to vector<16xi32>
    tpu.vector_store %arg5[%swap3A], %swap3A_13 {strides = array<i32>} : memref<6656xi32, #tpu.memory_space<vmem>>, vector<16xi32>,
    %get3A_14 = arith.constant 16 : index
    %get3A_15 = tpu.vector_load %arg5[%get3A_14] {strides = array<i32>} : memref<6656xi32, #tpu.memory_space<vmem>>, vector<16xi32>,
    %get3A_16 = vector.shape_cast %get3A_15 : vector<16xi32> to vector<16xi32>
    %add3A_17 = arith.addi %get3A_16, %broadcast_in_dim3A : vector<16xi32>
    %swap3A_18 = arith.constant 16 : index
    %swap3A_19 = tpu.vector_load %arg5[%swap3A_18] {strides = array<i32>} : memref<6656xi32, #tpu.memory_space<vmem>>, vector<16xi32>,
    %swap3A_20 = vector.shape_cast %swap3A_19 : vector<16xi32> to vector<16xi32>
    %swap3A_21 = vector.shape_cast %add3A_17 : vector<16xi32> to vector<16xi32>
    tpu.vector_store %arg5[%swap3A_18], %swap3A_21 {strides = array<i32>} : memref<6656xi32, #tpu.memory_space<vmem>>, vector<16xi32>,
    %get3A_22 = arith.constant 32 : index
    %get3A_23 = tpu.vector_load %arg5[%get3A_22] {strides = array<i32>} : memref<6656xi32, #tpu.memory_space<vmem>>, vector<16xi32>,
    %get3A_24 = vector.shape_cast %get3A_23 : vector<16xi32> to vector<16xi32>
    %add3A_25 = arith.addi %get3A_24, %broadcast_in_dim3A : vector<16xi32>
    %swap3A_26 = arith.constant 32 : index
    %swap3A_27 = tpu.vector_load %arg5[%swap3A_26] {strides = array<i32>} : memref<6656xi32, #tpu.memory_space<vmem>>, vector<16xi32>,
    %swap3A_28 = vector.shape_cast %swap3A_27 : vector<16xi32> to vector<16xi32>
    %swap3A_29 = vector.shape_cast %add3A_25 : vector<16xi32> to vector<16xi32>
    tpu.vector_store %arg5[%swap3A_26], %swap3A_29 {strides = array<i32>} : memref<6656xi32, #tpu.memory_space<vmem>>, vector<16xi32>,
    %get3A_30 = arith.constant 48 : index
    %get3A_31 = tpu.vector_load %arg5[%get3A_30] {strides = array<i32>} : memref<6656xi32, #tpu.memory_space<vmem>>, vector<16xi32>,
    %get3A_32 = vector.shape_cast %get3A_31 : vector<16xi32> to vector<16xi32>
    %add3A_33 = arith.addi %get3A_32, %broadcast_in_dim3A : vector<16xi32>
    %swap3A_34 = arith.constant 48 : index
    %swap3A_35 = tpu.vector_load %arg5[%swap3A_34] {strides = array<i32>} : memref<6656xi32, #tpu.memory_space<vmem>>, vector<16xi32>,
    %swap3A_36 = vector.shape_cast %swap3A_35 : vector<16xi32> to vector<16xi32>
    %swap3A_37 = vector.shape_cast %add3A_33 : vector<16xi32> to vector<16xi32>
    tpu.vector_store %arg5[%swap3A_34], %swap3A_37 {strides = array<i32>} : memref<6656xi32, #tpu.memory_space<vmem>>, vector<16xi32>,
    %get3A_38 = arith.constant 64 : index
    %get3A_39 = tpu.vector_load %arg5[%get3A_38] {strides = array<i32>} : memref<6656xi32, #tpu.memory_space<vmem>>, vector<16xi32>,
    %get3A_40 = vector.shape_cast %get3A_39 : vector<16xi32> to vector<16xi32>
    %add3A_41 = arith.addi %get3A_40, %broadcast_in_dim3A : vector<16xi32>
    %swap3A_42 = arith.constant 64 : index
    %swap3A_43 = tpu.vector_load %arg5[%swap3A_42] {strides = array<i32>} : memref<6656xi32, #tpu.memory_space<vmem>>, vector<16xi32>,
    %swap3A_44 = vector.shape_cast %swap3A_43 : vector<16xi32> to vector<16xi32>
    %swap3A_45 = vector.shape_cast %add3A_41 : vector<16xi32> to vector<16xi32>
    tpu.vector_store %arg5[%swap3A_42], %swap3A_45 {strides = array<i32>} : memref<6656xi32, #tpu.memory_space<vmem>>, vector<16xi32>,
    %get3A_46 = arith.constant 80 : index
    %get3A_47 = tpu.vector_load %arg5[%get3A_46] {strides = array<i32>} : memref<6656xi32, #tpu.memory_space<vmem>>, vector<16xi32>,
    %get3A_48 = vector.shape_cast %get3A_47 : vector<16xi32> to vector<16xi32>
    %add3A_49 = arith.addi %get3A_48, %broadcast_in_dim3A : vector<16xi32>
    %swap3A_50 = arith.constant 80 : index
    %swap3A_51 = tpu.vector_load %arg5[%swap3A_50] {strides = array<i32>} : memref<6656xi32, #tpu.memory_space<vmem>>, vector<16xi32>,
    %swap3A_52 = vector.shape_cast %swap3A_51 : vector<16xi32> to vector<16xi32>
    %swap3A_53 = vector.shape_cast %add3A_49 : vector<16xi32> to vector<16xi32>
    tpu.vector_store %arg5[%swap3A_50], %swap3A_53 {strides = array<i32>} : memref<6656xi32, #tpu.memory_space<vmem>>, vector<16xi32>,
    %get3A_54 = arith.constant 96 : index
    %get3A_55 = tpu.vector_load %arg5[%get3A_54] {strides = array<i32>} : memref<6656xi32, #tpu.memory_space<vmem>>, vector<16xi32>,
    %get3A_56 = vector.shape_cast %get3A_55 : vector<16xi32> to vector<16xi32>
    %add3A_57 = arith.addi %get3A_56, %broadcast_in_dim3A : vector<16xi32>
    %swap3A_58 = arith.constant 96 : index
    %swap3A_59 = tpu.vector_load %arg5[%swap3A_58] {strides = array<i32>} : memref<6656xi32, #tpu.memory_space<vmem>>, vector<16xi32>,
    %swap3A_60 = vector.shape_cast %swap3A_59 : vector<16xi32> to vector<16xi32>
    %swap3A_61 = vector.shape_cast %add3A_57 : vector<16xi32> to vector<16xi32>
    tpu.vector_store %arg5[%swap3A_58], %swap3A_61 {strides = array<i32>} : memref<6656xi32, #tpu.memory_space<vmem>>, vector<16xi32>,
    %get3A_62 = arith.constant 112 : index
    %get3A_63 = tpu.vector_load %arg5[%get3A_62] {strides = array<i32>} : memref<6656xi32, #tpu.memory_space<vmem>>, vector<16xi32>,
    %get3A_64 = vector.shape_cast %get3A_63 : vector<16xi32> to vector<16xi32>
    %add3A_65 = arith.addi %get3A_64, %broadcast_in_dim3A : vector<16xi32>
    %swap3A_66 = arith.constant 112 : index
    %swap3A_67 = tpu.vector_load %arg5[%swap3A_66] {strides = array<i32>} : memref<6656xi32, #tpu.memory_space<vmem>>, vector<16xi32>,
    %swap3A_68 = vector.shape_cast %swap3A_67 : vector<16xi32> to vector<16xi32>
    %swap3A_69 = vector.shape_cast %add3A_65 : vector<16xi32> to vector<16xi32>
    tpu.vector_store %arg5[%swap3A_66], %swap3A_69 {strides = array<i32>} : memref<6656xi32, #tpu.memory_space<vmem>>, vector<16xi32>,
    %dma_start3A = arith.constant 0 : i32
    %dma_start3A_70 = tpu.memref_slice %arg5[%dma_start3A] : memref<6656xi32, #tpu.memory_space<vmem>> -> memref<128xi32, #tpu.memory_space<vmem>>
    %dma_start3A_71 = arith.constant 0 : i32
    %dma_start3A_72 = arith.constant 0 : i32
    %dma_start3A_73 = tpu.memref_slice %arg2[%dma_start3A_71, %dma_start3A_72] : memref<2600000x128xf32, #tpu.memory_space<hbm>> -> memref<2600000x128xf32, #tpu.memory_space<hbm>>
    tpu.enqueue_indirect_dma source(%dma_start3A_73 : memref<2600000x128xf32, #tpu.memory_space<hbm>>) target(%arg6 : memref<128x128xf32, #tpu.memory_space<vmem>>) offsets(%dma_start3A_70 : memref<128xi32, #tpu.memory_space<vmem>>) semaphore(%arg12 : memref<!tpu.dma_semaphore, #tpu.memory_space<semaphore_mem>>)
    %add3A_74 = arith.constant 128 : i32
    %add3A_75 = arith.addi %mul3A_2, %add3A_74 : i32
    %shift_right_logical3A_76 = arith.constant 13 : i32
    %shift_right_logical3A_77 = arith.shrui %add3A_75, %shift_right_logical3A_76 : i32
    %mul3A_78 = arith.constant 100000 : i32
    %mul3A_79 = arith.muli %shift_right_logical3A_77, %mul3A_78 : i32
    %broadcast_in_dim3A_80 = vector.broadcast %mul3A_79 : i32 to vector<16xi32>
    %get3A_81 = arith.constant 128 : index
    %get3A_82 = tpu.vector_load %arg5[%get3A_81] {strides = array<i32>} : memref<6656xi32, #tpu.memory_space<vmem>>, vector<16xi32>,
    %get3A_83 = vector.shape_cast %get3A_82 : vector<16xi32> to vector<16xi32>
    %add3A_84 = arith.addi %get3A_83, %broadcast_in_dim3A_80 : vector<16xi32>
    %swap3A_85 = arith.constant 128 : index
    %swap3A_86 = tpu.vector_load %arg5[%swap3A_85] {strides = array<i32>} : memref<6656xi32, #tpu.memory_space<vmem>>, vector<16xi32>,
    %swap3A_87 = vector.shape_cast %swap3A_86 : vector<16xi32> to vector<16xi32>
    %swap3A_88 = vector.shape_cast %add3A_84 : vector<16xi32> to vector<16xi32>
    tpu.vector_store %arg5[%swap3A_85], %swap3A_88 {strides = array<i32>} : memref<6656xi32, #tpu.memory_space<vmem>>, vector<16xi32>,
    %get3A_89 = arith.constant 144 : index
    %get3A_90 = tpu.vector_load %arg5[%get3A_89] {strides = array<i32>} : memref<6656xi32, #tpu.memory_space<vmem>>, vector<16xi32>,
    %get3A_91 = vector.shape_cast %get3A_90 : vector<16xi32> to vector<16xi32>
    %add3A_92 = arith.addi %get3A_91, %broadcast_in_dim3A_80 : vector<16xi32>
    %swap3A_93 = arith.constant 144 : index
    %swap3A_94 = tpu.vector_load %arg5[%swap3A_93] {strides = array<i32>} : memref<6656xi32, #tpu.memory_space<vmem>>, vector<16xi32>,
    %swap3A_95 = vector.shape_cast %swap3A_94 : vector<16xi32> to vector<16xi32>
    %swap3A_96 = vector.shape_cast %add3A_92 : vector<16xi32> to vector<16xi32>
    tpu.vector_store %arg5[%swap3A_93], %swap3A_96 {strides = array<i32>} : memref<6656xi32, #tpu.memory_space<vmem>>, vector<16xi32>,
    %get3A_97 = arith.constant 160 : index
    %get3A_98 = tpu.vector_load %arg5[%get3A_97] {strides = array<i32>} : memref<6656xi32, #tpu.memory_space<vmem>>, vector<16xi32>,
    %get3A_99 = vector.shape_cast %get3A_98 : vector<16xi32> to vector<16xi32>
    %add3A_100 = arith.addi %get3A_99, %broadcast_in_dim3A_80 : vector<16xi32>
    %swap3A_101 = arith.constant 160 : index
    %swap3A_102 = tpu.vector_load %arg5[%swap3A_101] {strides = array<i32>} : memref<6656xi32, #tpu.memory_space<vmem>>, vector<16xi32>,
    %swap3A_103 = vector.shape_cast %swap3A_102 : vector<16xi32> to vector<16xi32>
    %swap3A_104 = vector.shape_cast %add3A_100 : vector<16xi32> to vector<16xi32>
    tpu.vector_store %arg5[%swap3A_101], %swap3A_104 {strides = array<i32>} : memref<6656xi32, #tpu.memory_space<vmem>>, vector<16xi32>,
    %get3A_105 = arith.constant 176 : index
    %get3A_106 = tpu.vector_load %arg5[%get3A_105] {strides = array<i32>} : memref<6656xi32, #tpu.memory_space<vmem>>, vector<16xi32>,
    %get3A_107 = vector.shape_cast %get3A_106 : vector<16xi32> to vector<16xi32>
    %add3A_108 = arith.addi %get3A_107, %broadcast_in_dim3A_80 : vector<16xi32>
    %swap3A_109 = arith.constant 176 : index
    %swap3A_110 = tpu.vector_load %arg5[%swap3A_109] {strides = array<i32>} : memref<6656xi32, #tpu.memory_space<vmem>>, vector<16xi32>,
    %swap3A_111 = vector.shape_cast %swap3A_110 : vector<16xi32> to vector<16xi32>
    %swap3A_112 = vector.shape_cast %add3A_108 : vector<16xi32> to vector<16xi32>
    tpu.vector_store %arg5[%swap3A_109], %swap3A_112 {strides = array<i32>} : memref<6656xi32, #tpu.memory_space<vmem>>, vector<16xi32>,
    %get3A_113 = arith.constant 192 : index
    %get3A_114 = tpu.vector_load %arg5[%get3A_113] {strides = array<i32>} : memref<6656xi32, #tpu.memory_space<vmem>>, vector<16xi32>,
    %get3A_115 = vector.shape_cast %get3A_114 : vector<16xi32> to vector<16xi32>
    %add3A_116 = arith.addi %get3A_115, %broadcast_in_dim3A_80 : vector<16xi32>
    %swap3A_117 = arith.constant 192 : index
    %swap3A_118 = tpu.vector_load %arg5[%swap3A_117] {strides = array<i32>} : memref<6656xi32, #tpu.memory_space<vmem>>, vector<16xi32>,
    %swap3A_119 = vector.shape_cast %swap3A_118 : vector<16xi32> to vector<16xi32>
    %swap3A_120 = vector.shape_cast %add3A_116 : vector<16xi32> to vector<16xi32>
    tpu.vector_store %arg5[%swap3A_117], %swap3A_120 {strides = array<i32>} : memref<6656xi32, #tpu.memory_space<vmem>>, vector<16xi32>,
    %get3A_121 = arith.constant 208 : index
    %get3A_122 = tpu.vector_load %arg5[%get3A_121] {strides = array<i32>} : memref<6656xi32, #tpu.memory_space<vmem>>, vector<16xi32>,
    %get3A_123 = vector.shape_cast %get3A_122 : vector<16xi32> to vector<16xi32>
    %add3A_124 = arith.addi %get3A_123, %broadcast_in_dim3A_80 : vector<16xi32>
    %swap3A_125 = arith.constant 208 : index
    %swap3A_126 = tpu.vector_load %arg5[%swap3A_125] {strides = array<i32>} : memref<6656xi32, #tpu.memory_space<vmem>>, vector<16xi32>,
    %swap3A_127 = vector.shape_cast %swap3A_126 : vector<16xi32> to vector<16xi32>
    %swap3A_128 = vector.shape_cast %add3A_124 : vector<16xi32> to vector<16xi32>
    tpu.vector_store %arg5[%swap3A_125], %swap3A_128 {strides = array<i32>} : memref<6656xi32, #tpu.memory_space<vmem>>, vector<16xi32>,
    %get3A_129 = arith.constant 224 : index
    %get3A_130 = tpu.vector_load %arg5[%get3A_129] {strides = array<i32>} : memref<6656xi32, #tpu.memory_space<vmem>>, vector<16xi32>,
    %get3A_131 = vector.shape_cast %get3A_130 : vector<16xi32> to vector<16xi32>
    %add3A_132 = arith.addi %get3A_131, %broadcast_in_dim3A_80 : vector<16xi32>
    %swap3A_133 = arith.constant 224 : index
    %swap3A_134 = tpu.vector_load %arg5[%swap3A_133] {strides = array<i32>} : memref<6656xi32, #tpu.memory_space<vmem>>, vector<16xi32>,
    %swap3A_135 = vector.shape_cast %swap3A_134 : vector<16xi32> to vector<16xi32>
    %swap3A_136 = vector.shape_cast %add3A_132 : vector<16xi32> to vector<16xi32>
    tpu.vector_store %arg5[%swap3A_133], %swap3A_136 {strides = array<i32>} : memref<6656xi32, #tpu.memory_space<vmem>>, vector<16xi32>,
    %get3A_137 = arith.constant 240 : index
    %get3A_138 = tpu.vector_load %arg5[%get3A_137] {strides = array<i32>} : memref<6656xi32, #tpu.memory_space<vmem>>, vector<16xi32>,
    %get3A_139 = vector.shape_cast %get3A_138 : vector<16xi32> to vector<16xi32>
    %add3A_140 = arith.addi %get3A_139, %broadcast_in_dim3A_80 : vector<16xi32>
    %swap3A_141 = arith.constant 240 : index
    %swap3A_142 = tpu.vector_load %arg5[%swap3A_141] {strides = array<i32>} : memref<6656xi32, #tpu.memory_space<vmem>>, vector<16xi32>,
    %swap3A_143 = vector.shape_cast %swap3A_142 : vector<16xi32> to vector<16xi32>
    %swap3A_144 = vector.shape_cast %add3A_140 : vector<16xi32> to vector<16xi32>
    tpu.vector_store %arg5[%swap3A_141], %swap3A_144 {strides = array<i32>} : memref<6656xi32, #tpu.memory_space<vmem>>, vector<16xi32>,
    %dma_start3A_145 = arith.constant 128 : i32
    %dma_start3A_146 = tpu.memref_slice %arg5[%dma_start3A_145] : memref<6656xi32, #tpu.memory_space<vmem>> -> memref<128xi32, #tpu.memory_space<vmem>>
    %dma_start3A_147 = arith.constant 0 : i32
    %dma_start3A_148 = arith.constant 0 : i32
    %dma_start3A_149 = tpu.memref_slice %arg2[%dma_start3A_147, %dma_start3A_148] : memref<2600000x128xf32, #tpu.memory_space<hbm>> -> memref<2600000x128xf32, #tpu.memory_space<hbm>>
    tpu.enqueue_indirect_dma source(%dma_start3A_149 : memref<2600000x128xf32, #tpu.memory_space<hbm>>) target(%arg7 : memref<128x128xf32, #tpu.memory_space<vmem>>) offsets(%dma_start3A_146 : memref<128xi32, #tpu.memory_space<vmem>>) semaphore(%arg13 : memref<!tpu.dma_semaphore, #tpu.memory_space<semaphore_mem>>)
    %add3A_150 = arith.constant 256 : i32
    %add3A_151 = arith.addi %mul3A_2, %add3A_150 : i32
    %shift_right_logical3A_152 = arith.constant 13 : i32
    %shift_right_logical3A_153 = arith.shrui %add3A_151, %shift_right_logical3A_152 : i32
    %mul3A_154 = arith.constant 100000 : i32
    %mul3A_155 = arith.muli %shift_right_logical3A_153, %mul3A_154 : i32
    %broadcast_in_dim3A_156 = vector.broadcast %mul3A_155 : i32 to vector<16xi32>
    %get3A_157 = arith.constant 256 : index
    %get3A_158 = tpu.vector_load %arg5[%get3A_157] {strides = array<i32>} : memref<6656xi32, #tpu.memory_space<vmem>>, vector<16xi32>,
    %get3A_159 = vector.shape_cast %get3A_158 : vector<16xi32> to vector<16xi32>
    %add3A_160 = arith.addi %get3A_159, %broadcast_in_dim3A_156 : vector<16xi32>
    %swap3A_161 = arith.constant 256 : index
    %swap3A_162 = tpu.vector_load %arg5[%swap3A_161] {strides = array<i32>} : memref<6656xi32, #tpu.memory_space<vmem>>, vector<16xi32>,
    %swap3A_163 = vector.shape_cast %swap3A_162 : vector<16xi32> to vector<16xi32>
    %swap3A_164 = vector.shape_cast %add3A_160 : vector<16xi32> to vector<16xi32>
    tpu.vector_store %arg5[%swap3A_161], %swap3A_164 {strides = array<i32>} : memref<6656xi32, #tpu.memory_space<vmem>>, vector<16xi32>,
    %get3A_165 = arith.constant 272 : index
    %get3A_166 = tpu.vector_load %arg5[%get3A_165] {strides = array<i32>} : memref<6656xi32, #tpu.memory_space<vmem>>, vector<16xi32>,
    %get3A_167 = vector.shape_cast %get3A_166 : vector<16xi32> to vector<16xi32>
    %add3A_168 = arith.addi %get3A_167, %broadcast_in_dim3A_156 : vector<16xi32>
    %swap3A_169 = arith.constant 272 : index
    %swap3A_170 = tpu.vector_load %arg5[%swap3A_169] {strides = array<i32>} : memref<6656xi32, #tpu.memory_space<vmem>>, vector<16xi32>,
    %swap3A_171 = vector.shape_cast %swap3A_170 : vector<16xi32> to vector<16xi32>
    %swap3A_172 = vector.shape_cast %add3A_168 : vector<16xi32> to vector<16xi32>
    tpu.vector_store %arg5[%swap3A_169], %swap3A_172 {strides = array<i32>} : memref<6656xi32, #tpu.memory_space<vmem>>, vector<16xi32>,
    %get3A_173 = arith.constant 288 : index
    %get3A_174 = tpu.vector_load %arg5[%get3A_173] {strides = array<i32>} : memref<6656xi32, #tpu.memory_space<vmem>>, vector<16xi32>,
    %get3A_175 = vector.shape_cast %get3A_174 : vector<16xi32> to vector<16xi32>
    %add3A_176 = arith.addi %get3A_175, %broadcast_in_dim3A_156 : vector<16xi32>
    %swap3A_177 = arith.constant 288 : index
    %swap3A_178 = tpu.vector_load %arg5[%swap3A_177] {strides = array<i32>} : memref<6656xi32, #tpu.memory_space<vmem>>, vector<16xi32>,
    %swap3A_179 = vector.shape_cast %swap3A_178 : vector<16xi32> to vector<16xi32>
    %swap3A_180 = vector.shape_cast %add3A_176 : vector<16xi32> to vector<16xi32>
    tpu.vector_store %arg5[%swap3A_177], %swap3A_180 {strides = array<i32>} : memref<6656xi32, #tpu.memory_space<vmem>>, vector<16xi32>,
    %get3A_181 = arith.constant 304 : index
    %get3A_182 = tpu.vector_load %arg5[%get3A_181] {strides = array<i32>} : memref<6656xi32, #tpu.memory_space<vmem>>, vector<16xi32>,
    %get3A_183 = vector.shape_cast %get3A_182 : vector<16xi32> to vector<16xi32>
    %add3A_184 = arith.addi %get3A_183, %broadcast_in_dim3A_156 : vector<16xi32>
    %swap3A_185 = arith.constant 304 : index
    %swap3A_186 = tpu.vector_load %arg5[%swap3A_185] {strides = array<i32>} : memref<6656xi32, #tpu.memory_space<vmem>>, vector<16xi32>,
    %swap3A_187 = vector.shape_cast %swap3A_186 : vector<16xi32> to vector<16xi32>
    %swap3A_188 = vector.shape_cast %add3A_184 : vector<16xi32> to vector<16xi32>
    tpu.vector_store %arg5[%swap3A_185], %swap3A_188 {strides = array<i32>} : memref<6656xi32, #tpu.memory_space<vmem>>, vector<16xi32>,
    %get3A_189 = arith.constant 320 : index
    %get3A_190 = tpu.vector_load %arg5[%get3A_189] {strides = array<i32>} : memref<6656xi32, #tpu.memory_space<vmem>>, vector<16xi32>,
    %get3A_191 = vector.shape_cast %get3A_190 : vector<16xi32> to vector<16xi32>
    %add3A_192 = arith.addi %get3A_191, %broadcast_in_dim3A_156 : vector<16xi32>
    %swap3A_193 = arith.constant 320 : index
    %swap3A_194 = tpu.vector_load %arg5[%swap3A_193] {strides = array<i32>} : memref<6656xi32, #tpu.memory_space<vmem>>, vector<16xi32>,
    %swap3A_195 = vector.shape_cast %swap3A_194 : vector<16xi32> to vector<16xi32>
    %swap3A_196 = vector.shape_cast %add3A_192 : vector<16xi32> to vector<16xi32>
    tpu.vector_store %arg5[%swap3A_193], %swap3A_196 {strides = array<i32>} : memref<6656xi32, #tpu.memory_space<vmem>>, vector<16xi32>,
    %get3A_197 = arith.constant 336 : index
    %get3A_198 = tpu.vector_load %arg5[%get3A_197] {strides = array<i32>} : memref<6656xi32, #tpu.memory_space<vmem>>, vector<16xi32>,
    %get3A_199 = vector.shape_cast %get3A_198 : vector<16xi32> to vector<16xi32>
    %add3A_200 = arith.addi %get3A_199, %broadcast_in_dim3A_156 : vector<16xi32>
    %swap3A_201 = arith.constant 336 : index
    %swap3A_202 = tpu.vector_load %arg5[%swap3A_201] {strides = array<i32>} : memref<6656xi32, #tpu.memory_space<vmem>>, vector<16xi32>,
    %swap3A_203 = vector.shape_cast %swap3A_202 : vector<16xi32> to vector<16xi32>
    %swap3A_204 = vector.shape_cast %add3A_200 : vector<16xi32> to vector<16xi32>
    tpu.vector_store %arg5[%swap3A_201], %swap3A_204 {strides = array<i32>} : memref<6656xi32, #tpu.memory_space<vmem>>, vector<16xi32>,
    %get3A_205 = arith.constant 352 : index
    %get3A_206 = tpu.vector_load %arg5[%get3A_205] {strides = array<i32>} : memref<6656xi32, #tpu.memory_space<vmem>>, vector<16xi32>,
    %get3A_207 = vector.shape_cast %get3A_206 : vector<16xi32> to vector<16xi32>
    %add3A_208 = arith.addi %get3A_207, %broadcast_in_dim3A_156 : vector<16xi32>
    %swap3A_209 = arith.constant 352 : index
    %swap3A_210 = tpu.vector_load %arg5[%swap3A_209] {strides = array<i32>} : memref<6656xi32, #tpu.memory_space<vmem>>, vector<16xi32>,
    %swap3A_211 = vector.shape_cast %swap3A_210 : vector<16xi32> to vector<16xi32>
    %swap3A_212 = vector.shape_cast %add3A_208 : vector<16xi32> to vector<16xi32>
    tpu.vector_store %arg5[%swap3A_209], %swap3A_212 {strides = array<i32>} : memref<6656xi32, #tpu.memory_space<vmem>>, vector<16xi32>,
    %get3A_213 = arith.constant 368 : index
    %get3A_214 = tpu.vector_load %arg5[%get3A_213] {strides = array<i32>} : memref<6656xi32, #tpu.memory_space<vmem>>, vector<16xi32>,
    %get3A_215 = vector.shape_cast %get3A_214 : vector<16xi32> to vector<16xi32>
    %add3A_216 = arith.addi %get3A_215, %broadcast_in_dim3A_156 : vector<16xi32>
    %swap3A_217 = arith.constant 368 : index
    %swap3A_218 = tpu.vector_load %arg5[%swap3A_217] {strides = array<i32>} : memref<6656xi32, #tpu.memory_space<vmem>>, vector<16xi32>,
    %swap3A_219 = vector.shape_cast %swap3A_218 : vector<16xi32> to vector<16xi32>
    %swap3A_220 = vector.shape_cast %add3A_216 : vector<16xi32> to vector<16xi32>
    tpu.vector_store %arg5[%swap3A_217], %swap3A_220 {strides = array<i32>} : memref<6656xi32, #tpu.memory_space<vmem>>, vector<16xi32>,
    %dma_start3A_221 = arith.constant 256 : i32
    %dma_start3A_222 = tpu.memref_slice %arg5[%dma_start3A_221] : memref<6656xi32, #tpu.memory_space<vmem>> -> memref<128xi32, #tpu.memory_space<vmem>>
    %dma_start3A_223 = arith.constant 0 : i32
    %dma_start3A_224 = arith.constant 0 : i32
    %dma_start3A_225 = tpu.memref_slice %arg2[%dma_start3A_223, %dma_start3A_224] : memref<2600000x128xf32, #tpu.memory_space<hbm>> -> memref<2600000x128xf32, #tpu.memory_space<hbm>>
    tpu.enqueue_indirect_dma source(%dma_start3A_225 : memref<2600000x128xf32, #tpu.memory_space<hbm>>) target(%arg8 : memref<128x128xf32, #tpu.memory_space<vmem>>) offsets(%dma_start3A_222 : memref<128xi32, #tpu.memory_space<vmem>>) semaphore(%arg14 : memref<!tpu.dma_semaphore, #tpu.memory_space<semaphore_mem>>)
    %add3A_226 = arith.constant 384 : i32
    %add3A_227 = arith.addi %mul3A_2, %add3A_226 : i32
    %shift_right_logical3A_228 = arith.constant 13 : i32
    %shift_right_logical3A_229 = arith.shrui %add3A_227, %shift_right_logical3A_228 : i32
    %mul3A_230 = arith.constant 100000 : i32
    %mul3A_231 = arith.muli %shift_right_logical3A_229, %mul3A_230 : i32
    %broadcast_in_dim3A_232 = vector.broadcast %mul3A_231 : i32 to vector<16xi32>
    %get3A_233 = arith.constant 384 : index
    %get3A_234 = tpu.vector_load %arg5[%get3A_233] {strides = array<i32>} : memref<6656xi32, #tpu.memory_space<vmem>>, vector<16xi32>,
    %get3A_235 = vector.shape_cast %get3A_234 : vector<16xi32> to vector<16xi32>
    %add3A_236 = arith.addi %get3A_235, %broadcast_in_dim3A_232 : vector<16xi32>
    %swap3A_237 = arith.constant 384 : index
    %swap3A_238 = tpu.vector_load %arg5[%swap3A_237] {strides = array<i32>} : memref<6656xi32, #tpu.memory_space<vmem>>, vector<16xi32>,
    %swap3A_239 = vector.shape_cast %swap3A_238 : vector<16xi32> to vector<16xi32>
    %swap3A_240 = vector.shape_cast %add3A_236 : vector<16xi32> to vector<16xi32>
    tpu.vector_store %arg5[%swap3A_237], %swap3A_240 {strides = array<i32>} : memref<6656xi32, #tpu.memory_space<vmem>>, vector<16xi32>,
    %get3A_241 = arith.constant 400 : index
    %get3A_242 = tpu.vector_load %arg5[%get3A_241] {strides = array<i32>} : memref<6656xi32, #tpu.memory_space<vmem>>, vector<16xi32>,
    %get3A_243 = vector.shape_cast %get3A_242 : vector<16xi32> to vector<16xi32>
    %add3A_244 = arith.addi %get3A_243, %broadcast_in_dim3A_232 : vector<16xi32>
    %swap3A_245 = arith.constant 400 : index
    %swap3A_246 = tpu.vector_load %arg5[%swap3A_245] {strides = array<i32>} : memref<6656xi32, #tpu.memory_space<vmem>>, vector<16xi32>,
    %swap3A_247 = vector.shape_cast %swap3A_246 : vector<16xi32> to vector<16xi32>
    %swap3A_248 = vector.shape_cast %add3A_244 : vector<16xi32> to vector<16xi32>
    tpu.vector_store %arg5[%swap3A_245], %swap3A_248 {strides = array<i32>} : memref<6656xi32, #tpu.memory_space<vmem>>, vector<16xi32>,
    %get3A_249 = arith.constant 416 : index
    %get3A_250 = tpu.vector_load %arg5[%get3A_249] {strides = array<i32>} : memref<6656xi32, #tpu.memory_space<vmem>>, vector<16xi32>,
    %get3A_251 = vector.shape_cast %get3A_250 : vector<16xi32> to vector<16xi32>
    %add3A_252 = arith.addi %get3A_251, %broadcast_in_dim3A_232 : vector<16xi32>
    %swap3A_253 = arith.constant 416 : index
    %swap3A_254 = tpu.vector_load %arg5[%swap3A_253] {strides = array<i32>} : memref<6656xi32, #tpu.memory_space<vmem>>, vector<16xi32>,
    %swap3A_255 = vector.shape_cast %swap3A_254 : vector<16xi32> to vector<16xi32>
    %swap3A_256 = vector.shape_cast %add3A_252 : vector<16xi32> to vector<16xi32>
    tpu.vector_store %arg5[%swap3A_253], %swap3A_256 {strides = array<i32>} : memref<6656xi32, #tpu.memory_space<vmem>>, vector<16xi32>,
    %get3A_257 = arith.constant 432 : index
    %get3A_258 = tpu.vector_load %arg5[%get3A_257] {strides = array<i32>} : memref<6656xi32, #tpu.memory_space<vmem>>, vector<16xi32>,
    %get3A_259 = vector.shape_cast %get3A_258 : vector<16xi32> to vector<16xi32>
    %add3A_260 = arith.addi %get3A_259, %broadcast_in_dim3A_232 : vector<16xi32>
    %swap3A_261 = arith.constant 432 : index
    %swap3A_262 = tpu.vector_load %arg5[%swap3A_261] {strides = array<i32>} : memref<6656xi32, #tpu.memory_space<vmem>>, vector<16xi32>,
    %swap3A_263 = vector.shape_cast %swap3A_262 : vector<16xi32> to vector<16xi32>
    %swap3A_264 = vector.shape_cast %add3A_260 : vector<16xi32> to vector<16xi32>
    tpu.vector_store %arg5[%swap3A_261], %swap3A_264 {strides = array<i32>} : memref<6656xi32, #tpu.memory_space<vmem>>, vector<16xi32>,
    %get3A_265 = arith.constant 448 : index
    %get3A_266 = tpu.vector_load %arg5[%get3A_265] {strides = array<i32>} : memref<6656xi32, #tpu.memory_space<vmem>>, vector<16xi32>,
    %get3A_267 = vector.shape_cast %get3A_266 : vector<16xi32> to vector<16xi32>
    %add3A_268 = arith.addi %get3A_267, %broadcast_in_dim3A_232 : vector<16xi32>
    %swap3A_269 = arith.constant 448 : index
    %swap3A_270 = tpu.vector_load %arg5[%swap3A_269] {strides = array<i32>} : memref<6656xi32, #tpu.memory_space<vmem>>, vector<16xi32>,
    %swap3A_271 = vector.shape_cast %swap3A_270 : vector<16xi32> to vector<16xi32>
    %swap3A_272 = vector.shape_cast %add3A_268 : vector<16xi32> to vector<16xi32>
    tpu.vector_store %arg5[%swap3A_269], %swap3A_272 {strides = array<i32>} : memref<6656xi32, #tpu.memory_space<vmem>>, vector<16xi32>,
    %get3A_273 = arith.constant 464 : index
    %get3A_274 = tpu.vector_load %arg5[%get3A_273] {strides = array<i32>} : memref<6656xi32, #tpu.memory_space<vmem>>, vector<16xi32>,
    %get3A_275 = vector.shape_cast %get3A_274 : vector<16xi32> to vector<16xi32>
    %add3A_276 = arith.addi %get3A_275, %broadcast_in_dim3A_232 : vector<16xi32>
    %swap3A_277 = arith.constant 464 : index
    %swap3A_278 = tpu.vector_load %arg5[%swap3A_277] {strides = array<i32>} : memref<6656xi32, #tpu.memory_space<vmem>>, vector<16xi32>,
    %swap3A_279 = vector.shape_cast %swap3A_278 : vector<16xi32> to vector<16xi32>
    %swap3A_280 = vector.shape_cast %add3A_276 : vector<16xi32> to vector<16xi32>
    tpu.vector_store %arg5[%swap3A_277], %swap3A_280 {strides = array<i32>} : memref<6656xi32, #tpu.memory_space<vmem>>, vector<16xi32>,
    %get3A_281 = arith.constant 480 : index
    %get3A_282 = tpu.vector_load %arg5[%get3A_281] {strides = array<i32>} : memref<6656xi32, #tpu.memory_space<vmem>>, vector<16xi32>,
    %get3A_283 = vector.shape_cast %get3A_282 : vector<16xi32> to vector<16xi32>
    %add3A_284 = arith.addi %get3A_283, %broadcast_in_dim3A_232 : vector<16xi32>
    %swap3A_285 = arith.constant 480 : index
    %swap3A_286 = tpu.vector_load %arg5[%swap3A_285] {strides = array<i32>} : memref<6656xi32, #tpu.memory_space<vmem>>, vector<16xi32>,
    %swap3A_287 = vector.shape_cast %swap3A_286 : vector<16xi32> to vector<16xi32>
    %swap3A_288 = vector.shape_cast %add3A_284 : vector<16xi32> to vector<16xi32>
    tpu.vector_store %arg5[%swap3A_285], %swap3A_288 {strides = array<i32>} : memref<6656xi32, #tpu.memory_space<vmem>>, vector<16xi32>,
    %get3A_289 = arith.constant 496 : index
    %get3A_290 = tpu.vector_load %arg5[%get3A_289] {strides = array<i32>} : memref<6656xi32, #tpu.memory_space<vmem>>, vector<16xi32>,
    %get3A_291 = vector.shape_cast %get3A_290 : vector<16xi32> to vector<16xi32>
    %add3A_292 = arith.addi %get3A_291, %broadcast_in_dim3A_232 : vector<16xi32>
    %swap3A_293 = arith.constant 496 : index
    %swap3A_294 = tpu.vector_load %arg5[%swap3A_293] {strides = array<i32>} : memref<6656xi32, #tpu.memory_space<vmem>>, vector<16xi32>,
    %swap3A_295 = vector.shape_cast %swap3A_294 : vector<16xi32> to vector<16xi32>
    %swap3A_296 = vector.shape_cast %add3A_292 : vector<16xi32> to vector<16xi32>
    tpu.vector_store %arg5[%swap3A_293], %swap3A_296 {strides = array<i32>} : memref<6656xi32, #tpu.memory_space<vmem>>, vector<16xi32>,
    %dma_start3A_297 = arith.constant 384 : i32
    %dma_start3A_298 = tpu.memref_slice %arg5[%dma_start3A_297] : memref<6656xi32, #tpu.memory_space<vmem>> -> memref<128xi32, #tpu.memory_space<vmem>>
    %dma_start3A_299 = arith.constant 0 : i32
    %dma_start3A_300 = arith.constant 0 : i32
    %dma_start3A_301 = tpu.memref_slice %arg2[%dma_start3A_299, %dma_start3A_300] : memref<2600000x128xf32, #tpu.memory_space<hbm>> -> memref<2600000x128xf32, #tpu.memory_space<hbm>>
    tpu.enqueue_indirect_dma source(%dma_start3A_301 : memref<2600000x128xf32, #tpu.memory_space<hbm>>) target(%arg9 : memref<128x128xf32, #tpu.memory_space<vmem>>) offsets(%dma_start3A_298 : memref<128xi32, #tpu.memory_space<vmem>>) semaphore(%arg15 : memref<!tpu.dma_semaphore, #tpu.memory_space<semaphore_mem>>)
    %add3A_302 = arith.constant 512 : i32
    %add3A_303 = arith.addi %mul3A_2, %add3A_302 : i32
    %shift_right_logical3A_304 = arith.constant 13 : i32
    %shift_right_logical3A_305 = arith.shrui %add3A_303, %shift_right_logical3A_304 : i32
    %mul3A_306 = arith.constant 100000 : i32
    %mul3A_307 = arith.muli %shift_right_logical3A_305, %mul3A_306 : i32
    %broadcast_in_dim3A_308 = vector.broadcast %mul3A_307 : i32 to vector<16xi32>
    %get3A_309 = arith.constant 512 : index
    %get3A_310 = tpu.vector_load %arg5[%get3A_309] {strides = array<i32>} : memref<6656xi32, #tpu.memory_space<vmem>>, vector<16xi32>,
    %get3A_311 = vector.shape_cast %get3A_310 : vector<16xi32> to vector<16xi32>
    %add3A_312 = arith.addi %get3A_311, %broadcast_in_dim3A_308 : vector<16xi32>
    %swap3A_313 = arith.constant 512 : index
    %swap3A_314 = tpu.vector_load %arg5[%swap3A_313] {strides = array<i32>} : memref<6656xi32, #tpu.memory_space<vmem>>, vector<16xi32>,
    %swap3A_315 = vector.shape_cast %swap3A_314 : vector<16xi32> to vector<16xi32>
    %swap3A_316 = vector.shape_cast %add3A_312 : vector<16xi32> to vector<16xi32>
    tpu.vector_store %arg5[%swap3A_313], %swap3A_316 {strides = array<i32>} : memref<6656xi32, #tpu.memory_space<vmem>>, vector<16xi32>,
    %get3A_317 = arith.constant 528 : index
    %get3A_318 = tpu.vector_load %arg5[%get3A_317] {strides = array<i32>} : memref<6656xi32, #tpu.memory_space<vmem>>, vector<16xi32>,
    %get3A_319 = vector.shape_cast %get3A_318 : vector<16xi32> to vector<16xi32>
    %add3A_320 = arith.addi %get3A_319, %broadcast_in_dim3A_308 : vector<16xi32>
    %swap3A_321 = arith.constant 528 : index
    %swap3A_322 = tpu.vector_load %arg5[%swap3A_321] {strides = array<i32>} : memref<6656xi32, #tpu.memory_space<vmem>>, vector<16xi32>,
    %swap3A_323 = vector.shape_cast %swap3A_322 : vector<16xi32> to vector<16xi32>
    %swap3A_324 = vector.shape_cast %add3A_320 : vector<16xi32> to vector<16xi32>
    tpu.vector_store %arg5[%swap3A_321], %swap3A_324 {strides = array<i32>} : memref<6656xi32, #tpu.memory_space<vmem>>, vector<16xi32>,
    %get3A_325 = arith.constant 544 : index
    %get3A_326 = tpu.vector_load %arg5[%get3A_325] {strides = array<i32>} : memref<6656xi32, #tpu.memory_space<vmem>>, vector<16xi32>,
    %get3A_327 = vector.shape_cast %get3A_326 : vector<16xi32> to vector<16xi32>
    %add3A_328 = arith.addi %get3A_327, %broadcast_in_dim3A_308 : vector<16xi32>
    %swap3A_329 = arith.constant 544 : index
    %swap3A_330 = tpu.vector_load %arg5[%swap3A_329] {strides = array<i32>} : memref<6656xi32, #tpu.memory_space<vmem>>, vector<16xi32>,
    %swap3A_331 = vector.shape_cast %swap3A_330 : vector<16xi32> to vector<16xi32>
    %swap3A_332 = vector.shape_cast %add3A_328 : vector<16xi32> to vector<16xi32>
    tpu.vector_store %arg5[%swap3A_329], %swap3A_332 {strides = array<i32>} : memref<6656xi32, #tpu.memory_space<vmem>>, vector<16xi32>,
    %get3A_333 = arith.constant 560 : index
    %get3A_334 = tpu.vector_load %arg5[%get3A_333] {strides = array<i32>} : memref<6656xi32, #tpu.memory_space<vmem>>, vector<16xi32>,
    %get3A_335 = vector.shape_cast %get3A_334 : vector<16xi32> to vector<16xi32>
    %add3A_336 = arith.addi %get3A_335, %broadcast_in_dim3A_308 : vector<16xi32>
    %swap3A_337 = arith.constant 560 : index
    %swap3A_338 = tpu.vector_load %arg5[%swap3A_337] {strides = array<i32>} : memref<6656xi32, #tpu.memory_space<vmem>>, vector<16xi32>,
    %swap3A_339 = vector.shape_cast %swap3A_338 : vector<16xi32> to vector<16xi32>
    %swap3A_340 = vector.shape_cast %add3A_336 : vector<16xi32> to vector<16xi32>
    tpu.vector_store %arg5[%swap3A_337], %swap3A_340 {strides = array<i32>} : memref<6656xi32, #tpu.memory_space<vmem>>, vector<16xi32>,
    %get3A_341 = arith.constant 576 : index
    %get3A_342 = tpu.vector_load %arg5[%get3A_341] {strides = array<i32>} : memref<6656xi32, #tpu.memory_space<vmem>>, vector<16xi32>,
    %get3A_343 = vector.shape_cast %get3A_342 : vector<16xi32> to vector<16xi32>
    %add3A_344 = arith.addi %get3A_343, %broadcast_in_dim3A_308 : vector<16xi32>
    %swap3A_345 = arith.constant 576 : index
    %swap3A_346 = tpu.vector_load %arg5[%swap3A_345] {strides = array<i32>} : memref<6656xi32, #tpu.memory_space<vmem>>, vector<16xi32>,
    %swap3A_347 = vector.shape_cast %swap3A_346 : vector<16xi32> to vector<16xi32>
    %swap3A_348 = vector.shape_cast %add3A_344 : vector<16xi32> to vector<16xi32>
    tpu.vector_store %arg5[%swap3A_345], %swap3A_348 {strides = array<i32>} : memref<6656xi32, #tpu.memory_space<vmem>>, vector<16xi32>,
    %get3A_349 = arith.constant 592 : index
    %get3A_350 = tpu.vector_load %arg5[%get3A_349] {strides = array<i32>} : memref<6656xi32, #tpu.memory_space<vmem>>, vector<16xi32>,
    %get3A_351 = vector.shape_cast %get3A_350 : vector<16xi32> to vector<16xi32>
    %add3A_352 = arith.addi %get3A_351, %broadcast_in_dim3A_308 : vector<16xi32>
    %swap3A_353 = arith.constant 592 : index
    %swap3A_354 = tpu.vector_load %arg5[%swap3A_353] {strides = array<i32>} : memref<6656xi32, #tpu.memory_space<vmem>>, vector<16xi32>,
    %swap3A_355 = vector.shape_cast %swap3A_354 : vector<16xi32> to vector<16xi32>
    %swap3A_356 = vector.shape_cast %add3A_352 : vector<16xi32> to vector<16xi32>
    tpu.vector_store %arg5[%swap3A_353], %swap3A_356 {strides = array<i32>} : memref<6656xi32, #tpu.memory_space<vmem>>, vector<16xi32>,
    %get3A_357 = arith.constant 608 : index
    %get3A_358 = tpu.vector_load %arg5[%get3A_357] {strides = array<i32>} : memref<6656xi32, #tpu.memory_space<vmem>>, vector<16xi32>,
    %get3A_359 = vector.shape_cast %get3A_358 : vector<16xi32> to vector<16xi32>
    %add3A_360 = arith.addi %get3A_359, %broadcast_in_dim3A_308 : vector<16xi32>
    %swap3A_361 = arith.constant 608 : index
    %swap3A_362 = tpu.vector_load %arg5[%swap3A_361] {strides = array<i32>} : memref<6656xi32, #tpu.memory_space<vmem>>, vector<16xi32>,
    %swap3A_363 = vector.shape_cast %swap3A_362 : vector<16xi32> to vector<16xi32>
    %swap3A_364 = vector.shape_cast %add3A_360 : vector<16xi32> to vector<16xi32>
    tpu.vector_store %arg5[%swap3A_361], %swap3A_364 {strides = array<i32>} : memref<6656xi32, #tpu.memory_space<vmem>>, vector<16xi32>,
    %get3A_365 = arith.constant 624 : index
    %get3A_366 = tpu.vector_load %arg5[%get3A_365] {strides = array<i32>} : memref<6656xi32, #tpu.memory_space<vmem>>, vector<16xi32>,
    %get3A_367 = vector.shape_cast %get3A_366 : vector<16xi32> to vector<16xi32>
    %add3A_368 = arith.addi %get3A_367, %broadcast_in_dim3A_308 : vector<16xi32>
    %swap3A_369 = arith.constant 624 : index
    %swap3A_370 = tpu.vector_load %arg5[%swap3A_369] {strides = array<i32>} : memref<6656xi32, #tpu.memory_space<vmem>>, vector<16xi32>,
    %swap3A_371 = vector.shape_cast %swap3A_370 : vector<16xi32> to vector<16xi32>
    %swap3A_372 = vector.shape_cast %add3A_368 : vector<16xi32> to vector<16xi32>
    tpu.vector_store %arg5[%swap3A_369], %swap3A_372 {strides = array<i32>} : memref<6656xi32, #tpu.memory_space<vmem>>, vector<16xi32>,
    %dma_start3A_373 = arith.constant 512 : i32
    %dma_start3A_374 = tpu.memref_slice %arg5[%dma_start3A_373] : memref<6656xi32, #tpu.memory_space<vmem>> -> memref<128xi32, #tpu.memory_space<vmem>>
    %dma_start3A_375 = arith.constant 0 : i32
    %dma_start3A_376 = arith.constant 0 : i32
    %dma_start3A_377 = tpu.memref_slice %arg2[%dma_start3A_375, %dma_start3A_376] : memref<2600000x128xf32, #tpu.memory_space<hbm>> -> memref<2600000x128xf32, #tpu.memory_space<hbm>>
    tpu.enqueue_indirect_dma source(%dma_start3A_377 : memref<2600000x128xf32, #tpu.memory_space<hbm>>) target(%arg10 : memref<128x128xf32, #tpu.memory_space<vmem>>) offsets(%dma_start3A_374 : memref<128xi32, #tpu.memory_space<vmem>>) semaphore(%arg16 : memref<!tpu.dma_semaphore, #tpu.memory_space<semaphore_mem>>)
    %add3A_378 = arith.constant 640 : i32
    %add3A_379 = arith.addi %mul3A_2, %add3A_378 : i32
    %shift_right_logical3A_380 = arith.constant 13 : i32
    %shift_right_logical3A_381 = arith.shrui %add3A_379, %shift_right_logical3A_380 : i32
    %mul3A_382 = arith.constant 100000 : i32
    %mul3A_383 = arith.muli %shift_right_logical3A_381, %mul3A_382 : i32
    %broadcast_in_dim3A_384 = vector.broadcast %mul3A_383 : i32 to vector<16xi32>
    %get3A_385 = arith.constant 640 : index
    %get3A_386 = tpu.vector_load %arg5[%get3A_385] {strides = array<i32>} : memref<6656xi32, #tpu.memory_space<vmem>>, vector<16xi32>,
    %get3A_387 = vector.shape_cast %get3A_386 : vector<16xi32> to vector<16xi32>
    %add3A_388 = arith.addi %get3A_387, %broadcast_in_dim3A_384 : vector<16xi32>
    %swap3A_389 = arith.constant 640 : index
    %swap3A_390 = tpu.vector_load %arg5[%swap3A_389] {strides = array<i32>} : memref<6656xi32, #tpu.memory_space<vmem>>, vector<16xi32>,
    %swap3A_391 = vector.shape_cast %swap3A_390 : vector<16xi32> to vector<16xi32>
    %swap3A_392 = vector.shape_cast %add3A_388 : vector<16xi32> to vector<16xi32>
    tpu.vector_store %arg5[%swap3A_389], %swap3A_392 {strides = array<i32>} : memref<6656xi32, #tpu.memory_space<vmem>>, vector<16xi32>,
    %get3A_393 = arith.constant 656 : index
    %get3A_394 = tpu.vector_load %arg5[%get3A_393] {strides = array<i32>} : memref<6656xi32, #tpu.memory_space<vmem>>, vector<16xi32>,
    %get3A_395 = vector.shape_cast %get3A_394 : vector<16xi32> to vector<16xi32>
    %add3A_396 = arith.addi %get3A_395, %broadcast_in_dim3A_384 : vector<16xi32>
    %swap3A_397 = arith.constant 656 : index
    %swap3A_398 = tpu.vector_load %arg5[%swap3A_397] {strides = array<i32>} : memref<6656xi32, #tpu.memory_space<vmem>>, vector<16xi32>,
    %swap3A_399 = vector.shape_cast %swap3A_398 : vector<16xi32> to vector<16xi32>
    %swap3A_400 = vector.shape_cast %add3A_396 : vector<16xi32> to vector<16xi32>
    tpu.vector_store %arg5[%swap3A_397], %swap3A_400 {strides = array<i32>} : memref<6656xi32, #tpu.memory_space<vmem>>, vector<16xi32>,
    %get3A_401 = arith.constant 672 : index
    %get3A_402 = tpu.vector_load %arg5[%get3A_401] {strides = array<i32>} : memref<6656xi32, #tpu.memory_space<vmem>>, vector<16xi32>,
    %get3A_403 = vector.shape_cast %get3A_402 : vector<16xi32> to vector<16xi32>
    %add3A_404 = arith.addi %get3A_403, %broadcast_in_dim3A_384 : vector<16xi32>
    %swap3A_405 = arith.constant 672 : index
    %swap3A_406 = tpu.vector_load %arg5[%swap3A_405] {strides = array<i32>} : memref<6656xi32, #tpu.memory_space<vmem>>, vector<16xi32>,
    %swap3A_407 = vector.shape_cast %swap3A_406 : vector<16xi32> to vector<16xi32>
    %swap3A_408 = vector.shape_cast %add3A_404 : vector<16xi32> to vector<16xi32>
    tpu.vector_store %arg5[%swap3A_405], %swap3A_408 {strides = array<i32>} : memref<6656xi32, #tpu.memory_space<vmem>>, vector<16xi32>,
    %get3A_409 = arith.constant 688 : index
    %get3A_410 = tpu.vector_load %arg5[%get3A_409] {strides = array<i32>} : memref<6656xi32, #tpu.memory_space<vmem>>, vector<16xi32>,
    %get3A_411 = vector.shape_cast %get3A_410 : vector<16xi32> to vector<16xi32>
    %add3A_412 = arith.addi %get3A_411, %broadcast_in_dim3A_384 : vector<16xi32>
    %swap3A_413 = arith.constant 688 : index
    %swap3A_414 = tpu.vector_load %arg5[%swap3A_413] {strides = array<i32>} : memref<6656xi32, #tpu.memory_space<vmem>>, vector<16xi32>,
    %swap3A_415 = vector.shape_cast %swap3A_414 : vector<16xi32> to vector<16xi32>
    %swap3A_416 = vector.shape_cast %add3A_412 : vector<16xi32> to vector<16xi32>
    tpu.vector_store %arg5[%swap3A_413], %swap3A_416 {strides = array<i32>} : memref<6656xi32, #tpu.memory_space<vmem>>, vector<16xi32>,
    %get3A_417 = arith.constant 704 : index
    %get3A_418 = tpu.vector_load %arg5[%get3A_417] {strides = array<i32>} : memref<6656xi32, #tpu.memory_space<vmem>>, vector<16xi32>,
    %get3A_419 = vector.shape_cast %get3A_418 : vector<16xi32> to vector<16xi32>
    %add3A_420 = arith.addi %get3A_419, %broadcast_in_dim3A_384 : vector<16xi32>
    %swap3A_421 = arith.constant 704 : index
    %swap3A_422 = tpu.vector_load %arg5[%swap3A_421] {strides = array<i32>} : memref<6656xi32, #tpu.memory_space<vmem>>, vector<16xi32>,
    %swap3A_423 = vector.shape_cast %swap3A_422 : vector<16xi32> to vector<16xi32>
    %swap3A_424 = vector.shape_cast %add3A_420 : vector<16xi32> to vector<16xi32>
    tpu.vector_store %arg5[%swap3A_421], %swap3A_424 {strides = array<i32>} : memref<6656xi32, #tpu.memory_space<vmem>>, vector<16xi32>,
    %get3A_425 = arith.constant 720 : index
    %get3A_426 = tpu.vector_load %arg5[%get3A_425] {strides = array<i32>} : memref<6656xi32, #tpu.memory_space<vmem>>, vector<16xi32>,
    %get3A_427 = vector.shape_cast %get3A_426 : vector<16xi32> to vector<16xi32>
    %add3A_428 = arith.addi %get3A_427, %broadcast_in_dim3A_384 : vector<16xi32>
    %swap3A_429 = arith.constant 720 : index
    %swap3A_430 = tpu.vector_load %arg5[%swap3A_429] {strides = array<i32>} : memref<6656xi32, #tpu.memory_space<vmem>>, vector<16xi32>,
    %swap3A_431 = vector.shape_cast %swap3A_430 : vector<16xi32> to vector<16xi32>
    %swap3A_432 = vector.shape_cast %add3A_428 : vector<16xi32> to vector<16xi32>
    tpu.vector_store %arg5[%swap3A_429], %swap3A_432 {strides = array<i32>} : memref<6656xi32, #tpu.memory_space<vmem>>, vector<16xi32>,
    %get3A_433 = arith.constant 736 : index
    %get3A_434 = tpu.vector_load %arg5[%get3A_433] {strides = array<i32>} : memref<6656xi32, #tpu.memory_space<vmem>>, vector<16xi32>,
    %get3A_435 = vector.shape_cast %get3A_434 : vector<16xi32> to vector<16xi32>
    %add3A_436 = arith.addi %get3A_435, %broadcast_in_dim3A_384 : vector<16xi32>
    %swap3A_437 = arith.constant 736 : index
    %swap3A_438 = tpu.vector_load %arg5[%swap3A_437] {strides = array<i32>} : memref<6656xi32, #tpu.memory_space<vmem>>, vector<16xi32>,
    %swap3A_439 = vector.shape_cast %swap3A_438 : vector<16xi32> to vector<16xi32>
    %swap3A_440 = vector.shape_cast %add3A_436 : vector<16xi32> to vector<16xi32>
    tpu.vector_store %arg5[%swap3A_437], %swap3A_440 {strides = array<i32>} : memref<6656xi32, #tpu.memory_space<vmem>>, vector<16xi32>,
    %get3A_441 = arith.constant 752 : index
    %get3A_442 = tpu.vector_load %arg5[%get3A_441] {strides = array<i32>} : memref<6656xi32, #tpu.memory_space<vmem>>, vector<16xi32>,
    %get3A_443 = vector.shape_cast %get3A_442 : vector<16xi32> to vector<16xi32>
    %add3A_444 = arith.addi %get3A_443, %broadcast_in_dim3A_384 : vector<16xi32>
    %swap3A_445 = arith.constant 752 : index
    %swap3A_446 = tpu.vector_load %arg5[%swap3A_445] {strides = array<i32>} : memref<6656xi32, #tpu.memory_space<vmem>>, vector<16xi32>,
    %swap3A_447 = vector.shape_cast %swap3A_446 : vector<16xi32> to vector<16xi32>
    %swap3A_448 = vector.shape_cast %add3A_444 : vector<16xi32> to vector<16xi32>
    tpu.vector_store %arg5[%swap3A_445], %swap3A_448 {strides = array<i32>} : memref<6656xi32, #tpu.memory_space<vmem>>, vector<16xi32>,
    %dma_start3A_449 = arith.constant 640 : i32
    %dma_start3A_450 = tpu.memref_slice %arg5[%dma_start3A_449] : memref<6656xi32, #tpu.memory_space<vmem>> -> memref<128xi32, #tpu.memory_space<vmem>>
    %dma_start3A_451 = arith.constant 0 : i32
    %dma_start3A_452 = arith.constant 0 : i32
    %dma_start3A_453 = tpu.memref_slice %arg2[%dma_start3A_451, %dma_start3A_452] : memref<2600000x128xf32, #tpu.memory_space<hbm>> -> memref<2600000x128xf32, #tpu.memory_space<hbm>>
    tpu.enqueue_indirect_dma source(%dma_start3A_453 : memref<2600000x128xf32, #tpu.memory_space<hbm>>) target(%arg11 : memref<128x128xf32, #tpu.memory_space<vmem>>) offsets(%dma_start3A_450 : memref<128xi32, #tpu.memory_space<vmem>>) semaphore(%arg17 : memref<!tpu.dma_semaphore, #tpu.memory_space<semaphore_mem>>)
    %scan3A = arith.constant 0 : i32
    %scan3A_454 = arith.constant 0 : i32
    %scan3A_455 = arith.constant 9 : i32
    %scan3A_456 = arith.addi %scan3A_454, %scan3A_455 : i32
    %scan3A_457 = arith.constant 1 : i32
    scf.for %scan3A_459 = %scan3A_454 to %scan3A_456 step %scan3A_457  : i32 {
      %mul3A_460 = arith.constant 6 : i32
      %mul3A_461 = arith.muli %scan3A_459, %mul3A_460 : i32
      %add3A_462 = arith.constant 0 : i32
      %add3A_463 = arith.addi %mul3A_461, %add3A_462 : i32
      %lt3A = arith.constant 52 : i32
      %lt3A_464 = arith.cmpi slt, %add3A_463, %lt3A : i32
      %convert_element_type3A = arith.extui %lt3A_464 : i1 to i32
      %cond3A = arith.constant 0 : i32
      %cond3A_465 = arith.cmpi ne, %convert_element_type3A, %cond3A : i32
      scf.if %cond3A_465 {
        %mul3A_585 = arith.constant 128 : i32
        %mul3A_586 = arith.muli %add3A_463, %mul3A_585 : i32
        %dma_wait3A = tpu.memref_slice %arg5[%mul3A_586] : memref<6656xi32, #tpu.memory_space<vmem>> -> memref<128xi32, #tpu.memory_space<vmem>>
        %dma_wait3A_587 = arith.constant 0 : i32
        %dma_wait3A_588 = arith.constant 0 : i32
        %dma_wait3A_589 = tpu.memref_slice %arg2[%dma_wait3A_587, %dma_wait3A_588] : memref<2600000x128xf32, #tpu.memory_space<hbm>> -> memref<2600000x128xf32, #tpu.memory_space<hbm>>
        tpu.wait_indirect_dma semaphore(%arg12 : memref<!tpu.dma_semaphore, #tpu.memory_space<semaphore_mem>>) src(%dma_wait3A_589 : memref<2600000x128xf32, #tpu.memory_space<hbm>>) dst(%arg6 : memref<128x128xf32, #tpu.memory_space<vmem>>)
        %mul3A_590 = arith.constant 128 : i32
        %mul3A_591 = arith.muli %add3A_463, %mul3A_590 : i32
        %add3A_592 = arith.addi %mul3A_2, %mul3A_591 : i32
        %dma_start3A_593 = arith.constant 0 : i32
        %dma_start3A_594 = tpu.memref_slice %arg4[%add3A_592, %dma_start3A_593] : memref<212992x128xf32, #tpu.memory_space<hbm>> -> memref<128x128xf32, #tpu.memory_space<hbm>>
        %dma_start3A_595 = arith.constant 0 : i32
        %dma_start3A_596 = tpu.memref_slice %arg4[%add3A_592, %dma_start3A_595] : memref<212992x128xf32, #tpu.memory_space<hbm>> -> memref<128x128xf32, #tpu.memory_space<hbm>>
        tpu.enqueue_dma source(%arg6 : memref<128x128xf32, #tpu.memory_space<vmem>>) target(%dma_start3A_596 : memref<128x128xf32, #tpu.memory_space<hbm>>) target_semaphore(%arg18 : memref<!tpu.dma_semaphore, #tpu.memory_space<semaphore_mem>>)
      } else {
      }
      %add3A_466 = arith.constant 1 : i32
      %add3A_467 = arith.addi %mul3A_461, %add3A_466 : i32
      %lt3A_468 = arith.constant 52 : i32
      %lt3A_469 = arith.cmpi slt, %add3A_467, %lt3A_468 : i32
      %convert_element_type3A_470 = arith.extui %lt3A_469 : i1 to i32
      %cond3A_471 = arith.constant 0 : i32
      %cond3A_472 = arith.cmpi ne, %convert_element_type3A_470, %cond3A_471 : i32
      scf.if %cond3A_472 {
        %mul3A_585 = arith.constant 128 : i32
        %mul3A_586 = arith.muli %add3A_467, %mul3A_585 : i32
        %dma_wait3A = tpu.memref_slice %arg5[%mul3A_586] : memref<6656xi32, #tpu.memory_space<vmem>> -> memref<128xi32, #tpu.memory_space<vmem>>
        %dma_wait3A_587 = arith.constant 0 : i32
        %dma_wait3A_588 = arith.constant 0 : i32
        %dma_wait3A_589 = tpu.memref_slice %arg2[%dma_wait3A_587, %dma_wait3A_588] : memref<2600000x128xf32, #tpu.memory_space<hbm>> -> memref<2600000x128xf32, #tpu.memory_space<hbm>>
        tpu.wait_indirect_dma semaphore(%arg13 : memref<!tpu.dma_semaphore, #tpu.memory_space<semaphore_mem>>) src(%dma_wait3A_589 : memref<2600000x128xf32, #tpu.memory_space<hbm>>) dst(%arg7 : memref<128x128xf32, #tpu.memory_space<vmem>>)
        %mul3A_590 = arith.constant 128 : i32
        %mul3A_591 = arith.muli %add3A_467, %mul3A_590 : i32
        %add3A_592 = arith.addi %mul3A_2, %mul3A_591 : i32
        %dma_start3A_593 = arith.constant 0 : i32
        %dma_start3A_594 = tpu.memref_slice %arg4[%add3A_592, %dma_start3A_593] : memref<212992x128xf32, #tpu.memory_space<hbm>> -> memref<128x128xf32, #tpu.memory_space<hbm>>
        %dma_start3A_595 = arith.constant 0 : i32
        %dma_start3A_596 = tpu.memref_slice %arg4[%add3A_592, %dma_start3A_595] : memref<212992x128xf32, #tpu.memory_space<hbm>> -> memref<128x128xf32, #tpu.memory_space<hbm>>
        tpu.enqueue_dma source(%arg7 : memref<128x128xf32, #tpu.memory_space<vmem>>) target(%dma_start3A_596 : memref<128x128xf32, #tpu.memory_space<hbm>>) target_semaphore(%arg19 : memref<!tpu.dma_semaphore, #tpu.memory_space<semaphore_mem>>)
      } else {
      }
      %add3A_473 = arith.constant 2 : i32
      %add3A_474 = arith.addi %mul3A_461, %add3A_473 : i32
      %lt3A_475 = arith.constant 52 : i32
      %lt3A_476 = arith.cmpi slt, %add3A_474, %lt3A_475 : i32
      %convert_element_type3A_477 = arith.extui %lt3A_476 : i1 to i32
      %cond3A_478 = arith.constant 0 : i32
      %cond3A_479 = arith.cmpi ne, %convert_element_type3A_477, %cond3A_478 : i32
      scf.if %cond3A_479 {
        %mul3A_585 = arith.constant 128 : i32
        %mul3A_586 = arith.muli %add3A_474, %mul3A_585 : i32
        %dma_wait3A = tpu.memref_slice %arg5[%mul3A_586] : memref<6656xi32, #tpu.memory_space<vmem>> -> memref<128xi32, #tpu.memory_space<vmem>>
        %dma_wait3A_587 = arith.constant 0 : i32
        %dma_wait3A_588 = arith.constant 0 : i32
        %dma_wait3A_589 = tpu.memref_slice %arg2[%dma_wait3A_587, %dma_wait3A_588] : memref<2600000x128xf32, #tpu.memory_space<hbm>> -> memref<2600000x128xf32, #tpu.memory_space<hbm>>
        tpu.wait_indirect_dma semaphore(%arg14 : memref<!tpu.dma_semaphore, #tpu.memory_space<semaphore_mem>>) src(%dma_wait3A_589 : memref<2600000x128xf32, #tpu.memory_space<hbm>>) dst(%arg8 : memref<128x128xf32, #tpu.memory_space<vmem>>)
        %mul3A_590 = arith.constant 128 : i32
        %mul3A_591 = arith.muli %add3A_474, %mul3A_590 : i32
        %add3A_592 = arith.addi %mul3A_2, %mul3A_591 : i32
        %dma_start3A_593 = arith.constant 0 : i32
        %dma_start3A_594 = tpu.memref_slice %arg4[%add3A_592, %dma_start3A_593] : memref<212992x128xf32, #tpu.memory_space<hbm>> -> memref<128x128xf32, #tpu.memory_space<hbm>>
        %dma_start3A_595 = arith.constant 0 : i32
        %dma_start3A_596 = tpu.memref_slice %arg4[%add3A_592, %dma_start3A_595] : memref<212992x128xf32, #tpu.memory_space<hbm>> -> memref<128x128xf32, #tpu.memory_space<hbm>>
        tpu.enqueue_dma source(%arg8 : memref<128x128xf32, #tpu.memory_space<vmem>>) target(%dma_start3A_596 : memref<128x128xf32, #tpu.memory_space<hbm>>) target_semaphore(%arg20 : memref<!tpu.dma_semaphore, #tpu.memory_space<semaphore_mem>>)
      } else {
      }
      %add3A_480 = arith.constant 3 : i32
      %add3A_481 = arith.addi %mul3A_461, %add3A_480 : i32
      %lt3A_482 = arith.constant 52 : i32
      %lt3A_483 = arith.cmpi slt, %add3A_481, %lt3A_482 : i32
      %convert_element_type3A_484 = arith.extui %lt3A_483 : i1 to i32
      %cond3A_485 = arith.constant 0 : i32
      %cond3A_486 = arith.cmpi ne, %convert_element_type3A_484, %cond3A_485 : i32
      scf.if %cond3A_486 {
        %mul3A_585 = arith.constant 128 : i32
        %mul3A_586 = arith.muli %add3A_481, %mul3A_585 : i32
        %dma_wait3A = tpu.memref_slice %arg5[%mul3A_586] : memref<6656xi32, #tpu.memory_space<vmem>> -> memref<128xi32, #tpu.memory_space<vmem>>
        %dma_wait3A_587 = arith.constant 0 : i32
        %dma_wait3A_588 = arith.constant 0 : i32
        %dma_wait3A_589 = tpu.memref_slice %arg2[%dma_wait3A_587, %dma_wait3A_588] : memref<2600000x128xf32, #tpu.memory_space<hbm>> -> memref<2600000x128xf32, #tpu.memory_space<hbm>>
        tpu.wait_indirect_dma semaphore(%arg15 : memref<!tpu.dma_semaphore, #tpu.memory_space<semaphore_mem>>) src(%dma_wait3A_589 : memref<2600000x128xf32, #tpu.memory_space<hbm>>) dst(%arg9 : memref<128x128xf32, #tpu.memory_space<vmem>>)
        %mul3A_590 = arith.constant 128 : i32
        %mul3A_591 = arith.muli %add3A_481, %mul3A_590 : i32
        %add3A_592 = arith.addi %mul3A_2, %mul3A_591 : i32
        %dma_start3A_593 = arith.constant 0 : i32
        %dma_start3A_594 = tpu.memref_slice %arg4[%add3A_592, %dma_start3A_593] : memref<212992x128xf32, #tpu.memory_space<hbm>> -> memref<128x128xf32, #tpu.memory_space<hbm>>
        %dma_start3A_595 = arith.constant 0 : i32
        %dma_start3A_596 = tpu.memref_slice %arg4[%add3A_592, %dma_start3A_595] : memref<212992x128xf32, #tpu.memory_space<hbm>> -> memref<128x128xf32, #tpu.memory_space<hbm>>
        tpu.enqueue_dma source(%arg9 : memref<128x128xf32, #tpu.memory_space<vmem>>) target(%dma_start3A_596 : memref<128x128xf32, #tpu.memory_space<hbm>>) target_semaphore(%arg21 : memref<!tpu.dma_semaphore, #tpu.memory_space<semaphore_mem>>)
      } else {
      }
      %add3A_487 = arith.constant 4 : i32
      %add3A_488 = arith.addi %mul3A_461, %add3A_487 : i32
      %lt3A_489 = arith.constant 52 : i32
      %lt3A_490 = arith.cmpi slt, %add3A_488, %lt3A_489 : i32
      %convert_element_type3A_491 = arith.extui %lt3A_490 : i1 to i32
      %cond3A_492 = arith.constant 0 : i32
      %cond3A_493 = arith.cmpi ne, %convert_element_type3A_491, %cond3A_492 : i32
      scf.if %cond3A_493 {
        %mul3A_585 = arith.constant 128 : i32
        %mul3A_586 = arith.muli %add3A_488, %mul3A_585 : i32
        %dma_wait3A = tpu.memref_slice %arg5[%mul3A_586] : memref<6656xi32, #tpu.memory_space<vmem>> -> memref<128xi32, #tpu.memory_space<vmem>>
        %dma_wait3A_587 = arith.constant 0 : i32
        %dma_wait3A_588 = arith.constant 0 : i32
        %dma_wait3A_589 = tpu.memref_slice %arg2[%dma_wait3A_587, %dma_wait3A_588] : memref<2600000x128xf32, #tpu.memory_space<hbm>> -> memref<2600000x128xf32, #tpu.memory_space<hbm>>
        tpu.wait_indirect_dma semaphore(%arg16 : memref<!tpu.dma_semaphore, #tpu.memory_space<semaphore_mem>>) src(%dma_wait3A_589 : memref<2600000x128xf32, #tpu.memory_space<hbm>>) dst(%arg10 : memref<128x128xf32, #tpu.memory_space<vmem>>)
        %mul3A_590 = arith.constant 128 : i32
        %mul3A_591 = arith.muli %add3A_488, %mul3A_590 : i32
        %add3A_592 = arith.addi %mul3A_2, %mul3A_591 : i32
        %dma_start3A_593 = arith.constant 0 : i32
        %dma_start3A_594 = tpu.memref_slice %arg4[%add3A_592, %dma_start3A_593] : memref<212992x128xf32, #tpu.memory_space<hbm>> -> memref<128x128xf32, #tpu.memory_space<hbm>>
        %dma_start3A_595 = arith.constant 0 : i32
        %dma_start3A_596 = tpu.memref_slice %arg4[%add3A_592, %dma_start3A_595] : memref<212992x128xf32, #tpu.memory_space<hbm>> -> memref<128x128xf32, #tpu.memory_space<hbm>>
        tpu.enqueue_dma source(%arg10 : memref<128x128xf32, #tpu.memory_space<vmem>>) target(%dma_start3A_596 : memref<128x128xf32, #tpu.memory_space<hbm>>) target_semaphore(%arg22 : memref<!tpu.dma_semaphore, #tpu.memory_space<semaphore_mem>>)
      } else {
      }
      %add3A_494 = arith.constant 5 : i32
      %add3A_495 = arith.addi %mul3A_461, %add3A_494 : i32
      %lt3A_496 = arith.constant 52 : i32
      %lt3A_497 = arith.cmpi slt, %add3A_495, %lt3A_496 : i32
      %convert_element_type3A_498 = arith.extui %lt3A_497 : i1 to i32
      %cond3A_499 = arith.constant 0 : i32
      %cond3A_500 = arith.cmpi ne, %convert_element_type3A_498, %cond3A_499 : i32
      scf.if %cond3A_500 {
        %mul3A_585 = arith.constant 128 : i32
        %mul3A_586 = arith.muli %add3A_495, %mul3A_585 : i32
        %dma_wait3A = tpu.memref_slice %arg5[%mul3A_586] : memref<6656xi32, #tpu.memory_space<vmem>> -> memref<128xi32, #tpu.memory_space<vmem>>
        %dma_wait3A_587 = arith.constant 0 : i32
        %dma_wait3A_588 = arith.constant 0 : i32
        %dma_wait3A_589 = tpu.memref_slice %arg2[%dma_wait3A_587, %dma_wait3A_588] : memref<2600000x128xf32, #tpu.memory_space<hbm>> -> memref<2600000x128xf32, #tpu.memory_space<hbm>>
        tpu.wait_indirect_dma semaphore(%arg17 : memref<!tpu.dma_semaphore, #tpu.memory_space<semaphore_mem>>) src(%dma_wait3A_589 : memref<2600000x128xf32, #tpu.memory_space<hbm>>) dst(%arg11 : memref<128x128xf32, #tpu.memory_space<vmem>>)
        %mul3A_590 = arith.constant 128 : i32
        %mul3A_591 = arith.muli %add3A_495, %mul3A_590 : i32
        %add3A_592 = arith.addi %mul3A_2, %mul3A_591 : i32
        %dma_start3A_593 = arith.constant 0 : i32
        %dma_start3A_594 = tpu.memref_slice %arg4[%add3A_592, %dma_start3A_593] : memref<212992x128xf32, #tpu.memory_space<hbm>> -> memref<128x128xf32, #tpu.memory_space<hbm>>
        %dma_start3A_595 = arith.constant 0 : i32
        %dma_start3A_596 = tpu.memref_slice %arg4[%add3A_592, %dma_start3A_595] : memref<212992x128xf32, #tpu.memory_space<hbm>> -> memref<128x128xf32, #tpu.memory_space<hbm>>
        tpu.enqueue_dma source(%arg11 : memref<128x128xf32, #tpu.memory_space<vmem>>) target(%dma_start3A_596 : memref<128x128xf32, #tpu.memory_space<hbm>>) target_semaphore(%arg23 : memref<!tpu.dma_semaphore, #tpu.memory_space<semaphore_mem>>)
      } else {
      }
      %add3A_501 = arith.constant 0 : i32
      %add3A_502 = arith.addi %mul3A_461, %add3A_501 : i32
      %add3A_503 = arith.constant 6 : i32
      %add3A_504 = arith.addi %add3A_502, %add3A_503 : i32
      %lt3A_505 = arith.constant 52 : i32
      %lt3A_506 = arith.cmpi slt, %add3A_502, %lt3A_505 : i32
      %convert_element_type3A_507 = arith.extui %lt3A_506 : i1 to i32
      %cond3A_508 = arith.constant 0 : i32
      %cond3A_509 = arith.cmpi ne, %convert_element_type3A_507, %cond3A_508 : i32
      scf.if %cond3A_509 {
        %mul3A_585 = arith.constant 128 : i32
        %mul3A_586 = arith.muli %add3A_502, %mul3A_585 : i32
        %add3A_587 = arith.addi %mul3A_2, %mul3A_586 : i32
        %dma_wait3A = arith.constant 0 : i32
        %dma_wait3A_588 = tpu.memref_slice %arg4[%add3A_587, %dma_wait3A] : memref<212992x128xf32, #tpu.memory_space<hbm>> -> memref<128x128xf32, #tpu.memory_space<hbm>>
        %dma_wait3A_589 = arith.constant 0 : i32
        %dma_wait3A_590 = tpu.memref_slice %arg4[%add3A_587, %dma_wait3A_589] : memref<212992x128xf32, #tpu.memory_space<hbm>> -> memref<128x128xf32, #tpu.memory_space<hbm>>
        tpu.wait_dma2 semaphore(%arg18 : memref<!tpu.dma_semaphore, #tpu.memory_space<semaphore_mem>>) src(%arg6 : memref<128x128xf32, #tpu.memory_space<vmem>>) dst(%dma_wait3A_590 : memref<128x128xf32, #tpu.memory_space<hbm>>)
      } else {
      }
      %lt3A_510 = arith.constant 52 : i32
      %lt3A_511 = arith.cmpi slt, %add3A_504, %lt3A_510 : i32
      %convert_element_type3A_512 = arith.extui %lt3A_511 : i1 to i32
      %cond3A_513 = arith.constant 0 : i32
      %cond3A_514 = arith.cmpi ne, %convert_element_type3A_512, %cond3A_513 : i32
      scf.if %cond3A_514 {
        %mul3A_585 = arith.constant 128 : i32
        %mul3A_586 = arith.muli %add3A_504, %mul3A_585 : i32
        %add3A_587 = arith.addi %mul3A_2, %mul3A_586 : i32
        %shift_right_logical3A_588 = arith.constant 13 : i32
        %shift_right_logical3A_589 = arith.shrui %add3A_587, %shift_right_logical3A_588 : i32
        %mul3A_590 = arith.constant 100000 : i32
        %mul3A_591 = arith.muli %shift_right_logical3A_589, %mul3A_590 : i32
        %broadcast_in_dim3A_592 = vector.broadcast %mul3A_591 : i32 to vector<16xi32>
        %mul3A_593 = arith.constant 128 : i32
        %mul3A_594 = arith.muli %add3A_504, %mul3A_593 : i32
        %add3A_595 = arith.constant 0 : i32
        %add3A_596 = arith.addi %mul3A_594, %add3A_595 : i32
        %get3A_597 = arith.index_cast %add3A_596 : i32 to index
        %get3A_598 = tpu.vector_load %arg5[%get3A_597] {strides = array<i32>} : memref<6656xi32, #tpu.memory_space<vmem>>, vector<16xi32>,
        %get3A_599 = vector.shape_cast %get3A_598 : vector<16xi32> to vector<16xi32>
        %add3A_600 = arith.addi %get3A_599, %broadcast_in_dim3A_592 : vector<16xi32>
        %swap3A_601 = arith.index_cast %add3A_596 : i32 to index
        %swap3A_602 = tpu.vector_load %arg5[%swap3A_601] {strides = array<i32>} : memref<6656xi32, #tpu.memory_space<vmem>>, vector<16xi32>,
        %swap3A_603 = vector.shape_cast %swap3A_602 : vector<16xi32> to vector<16xi32>
        %swap3A_604 = vector.shape_cast %add3A_600 : vector<16xi32> to vector<16xi32>
        tpu.vector_store %arg5[%swap3A_601], %swap3A_604 {strides = array<i32>} : memref<6656xi32, #tpu.memory_space<vmem>>, vector<16xi32>,
        %mul3A_605 = arith.constant 128 : i32
        %mul3A_606 = arith.muli %add3A_504, %mul3A_605 : i32
        %add3A_607 = arith.constant 16 : i32
        %add3A_608 = arith.addi %mul3A_606, %add3A_607 : i32
        %get3A_609 = arith.index_cast %add3A_608 : i32 to index
        %get3A_610 = tpu.vector_load %arg5[%get3A_609] {strides = array<i32>} : memref<6656xi32, #tpu.memory_space<vmem>>, vector<16xi32>,
        %get3A_611 = vector.shape_cast %get3A_610 : vector<16xi32> to vector<16xi32>
        %add3A_612 = arith.addi %get3A_611, %broadcast_in_dim3A_592 : vector<16xi32>
        %swap3A_613 = arith.index_cast %add3A_608 : i32 to index
        %swap3A_614 = tpu.vector_load %arg5[%swap3A_613] {strides = array<i32>} : memref<6656xi32, #tpu.memory_space<vmem>>, vector<16xi32>,
        %swap3A_615 = vector.shape_cast %swap3A_614 : vector<16xi32> to vector<16xi32>
        %swap3A_616 = vector.shape_cast %add3A_612 : vector<16xi32> to vector<16xi32>
        tpu.vector_store %arg5[%swap3A_613], %swap3A_616 {strides = array<i32>} : memref<6656xi32, #tpu.memory_space<vmem>>, vector<16xi32>,
        %mul3A_617 = arith.constant 128 : i32
        %mul3A_618 = arith.muli %add3A_504, %mul3A_617 : i32
        %add3A_619 = arith.constant 32 : i32
        %add3A_620 = arith.addi %mul3A_618, %add3A_619 : i32
        %get3A_621 = arith.index_cast %add3A_620 : i32 to index
        %get3A_622 = tpu.vector_load %arg5[%get3A_621] {strides = array<i32>} : memref<6656xi32, #tpu.memory_space<vmem>>, vector<16xi32>,
        %get3A_623 = vector.shape_cast %get3A_622 : vector<16xi32> to vector<16xi32>
        %add3A_624 = arith.addi %get3A_623, %broadcast_in_dim3A_592 : vector<16xi32>
        %swap3A_625 = arith.index_cast %add3A_620 : i32 to index
        %swap3A_626 = tpu.vector_load %arg5[%swap3A_625] {strides = array<i32>} : memref<6656xi32, #tpu.memory_space<vmem>>, vector<16xi32>,
        %swap3A_627 = vector.shape_cast %swap3A_626 : vector<16xi32> to vector<16xi32>
        %swap3A_628 = vector.shape_cast %add3A_624 : vector<16xi32> to vector<16xi32>
        tpu.vector_store %arg5[%swap3A_625], %swap3A_628 {strides = array<i32>} : memref<6656xi32, #tpu.memory_space<vmem>>, vector<16xi32>,
        %mul3A_629 = arith.constant 128 : i32
        %mul3A_630 = arith.muli %add3A_504, %mul3A_629 : i32
        %add3A_631 = arith.constant 48 : i32
        %add3A_632 = arith.addi %mul3A_630, %add3A_631 : i32
        %get3A_633 = arith.index_cast %add3A_632 : i32 to index
        %get3A_634 = tpu.vector_load %arg5[%get3A_633] {strides = array<i32>} : memref<6656xi32, #tpu.memory_space<vmem>>, vector<16xi32>,
        %get3A_635 = vector.shape_cast %get3A_634 : vector<16xi32> to vector<16xi32>
        %add3A_636 = arith.addi %get3A_635, %broadcast_in_dim3A_592 : vector<16xi32>
        %swap3A_637 = arith.index_cast %add3A_632 : i32 to index
        %swap3A_638 = tpu.vector_load %arg5[%swap3A_637] {strides = array<i32>} : memref<6656xi32, #tpu.memory_space<vmem>>, vector<16xi32>,
        %swap3A_639 = vector.shape_cast %swap3A_638 : vector<16xi32> to vector<16xi32>
        %swap3A_640 = vector.shape_cast %add3A_636 : vector<16xi32> to vector<16xi32>
        tpu.vector_store %arg5[%swap3A_637], %swap3A_640 {strides = array<i32>} : memref<6656xi32, #tpu.memory_space<vmem>>, vector<16xi32>,
        %mul3A_641 = arith.constant 128 : i32
        %mul3A_642 = arith.muli %add3A_504, %mul3A_641 : i32
        %add3A_643 = arith.constant 64 : i32
        %add3A_644 = arith.addi %mul3A_642, %add3A_643 : i32
        %get3A_645 = arith.index_cast %add3A_644 : i32 to index
        %get3A_646 = tpu.vector_load %arg5[%get3A_645] {strides = array<i32>} : memref<6656xi32, #tpu.memory_space<vmem>>, vector<16xi32>,
        %get3A_647 = vector.shape_cast %get3A_646 : vector<16xi32> to vector<16xi32>
        %add3A_648 = arith.addi %get3A_647, %broadcast_in_dim3A_592 : vector<16xi32>
        %swap3A_649 = arith.index_cast %add3A_644 : i32 to index
        %swap3A_650 = tpu.vector_load %arg5[%swap3A_649] {strides = array<i32>} : memref<6656xi32, #tpu.memory_space<vmem>>, vector<16xi32>,
        %swap3A_651 = vector.shape_cast %swap3A_650 : vector<16xi32> to vector<16xi32>
        %swap3A_652 = vector.shape_cast %add3A_648 : vector<16xi32> to vector<16xi32>
        tpu.vector_store %arg5[%swap3A_649], %swap3A_652 {strides = array<i32>} : memref<6656xi32, #tpu.memory_space<vmem>>, vector<16xi32>,
        %mul3A_653 = arith.constant 128 : i32
        %mul3A_654 = arith.muli %add3A_504, %mul3A_653 : i32
        %add3A_655 = arith.constant 80 : i32
        %add3A_656 = arith.addi %mul3A_654, %add3A_655 : i32
        %get3A_657 = arith.index_cast %add3A_656 : i32 to index
        %get3A_658 = tpu.vector_load %arg5[%get3A_657] {strides = array<i32>} : memref<6656xi32, #tpu.memory_space<vmem>>, vector<16xi32>,
        %get3A_659 = vector.shape_cast %get3A_658 : vector<16xi32> to vector<16xi32>
        %add3A_660 = arith.addi %get3A_659, %broadcast_in_dim3A_592 : vector<16xi32>
        %swap3A_661 = arith.index_cast %add3A_656 : i32 to index
        %swap3A_662 = tpu.vector_load %arg5[%swap3A_661] {strides = array<i32>} : memref<6656xi32, #tpu.memory_space<vmem>>, vector<16xi32>,
        %swap3A_663 = vector.shape_cast %swap3A_662 : vector<16xi32> to vector<16xi32>
        %swap3A_664 = vector.shape_cast %add3A_660 : vector<16xi32> to vector<16xi32>
        tpu.vector_store %arg5[%swap3A_661], %swap3A_664 {strides = array<i32>} : memref<6656xi32, #tpu.memory_space<vmem>>, vector<16xi32>,
        %mul3A_665 = arith.constant 128 : i32
        %mul3A_666 = arith.muli %add3A_504, %mul3A_665 : i32
        %add3A_667 = arith.constant 96 : i32
        %add3A_668 = arith.addi %mul3A_666, %add3A_667 : i32
        %get3A_669 = arith.index_cast %add3A_668 : i32 to index
        %get3A_670 = tpu.vector_load %arg5[%get3A_669] {strides = array<i32>} : memref<6656xi32, #tpu.memory_space<vmem>>, vector<16xi32>,
        %get3A_671 = vector.shape_cast %get3A_670 : vector<16xi32> to vector<16xi32>
        %add3A_672 = arith.addi %get3A_671, %broadcast_in_dim3A_592 : vector<16xi32>
        %swap3A_673 = arith.index_cast %add3A_668 : i32 to index
        %swap3A_674 = tpu.vector_load %arg5[%swap3A_673] {strides = array<i32>} : memref<6656xi32, #tpu.memory_space<vmem>>, vector<16xi32>,
        %swap3A_675 = vector.shape_cast %swap3A_674 : vector<16xi32> to vector<16xi32>
        %swap3A_676 = vector.shape_cast %add3A_672 : vector<16xi32> to vector<16xi32>
        tpu.vector_store %arg5[%swap3A_673], %swap3A_676 {strides = array<i32>} : memref<6656xi32, #tpu.memory_space<vmem>>, vector<16xi32>,
        %mul3A_677 = arith.constant 128 : i32
        %mul3A_678 = arith.muli %add3A_504, %mul3A_677 : i32
        %add3A_679 = arith.constant 112 : i32
        %add3A_680 = arith.addi %mul3A_678, %add3A_679 : i32
        %get3A_681 = arith.index_cast %add3A_680 : i32 to index
        %get3A_682 = tpu.vector_load %arg5[%get3A_681] {strides = array<i32>} : memref<6656xi32, #tpu.memory_space<vmem>>, vector<16xi32>,
        %get3A_683 = vector.shape_cast %get3A_682 : vector<16xi32> to vector<16xi32>
        %add3A_684 = arith.addi %get3A_683, %broadcast_in_dim3A_592 : vector<16xi32>
        %swap3A_685 = arith.index_cast %add3A_680 : i32 to index
        %swap3A_686 = tpu.vector_load %arg5[%swap3A_685] {strides = array<i32>} : memref<6656xi32, #tpu.memory_space<vmem>>, vector<16xi32>,
        %swap3A_687 = vector.shape_cast %swap3A_686 : vector<16xi32> to vector<16xi32>
        %swap3A_688 = vector.shape_cast %add3A_684 : vector<16xi32> to vector<16xi32>
        tpu.vector_store %arg5[%swap3A_685], %swap3A_688 {strides = array<i32>} : memref<6656xi32, #tpu.memory_space<vmem>>, vector<16xi32>,
        %mul3A_689 = arith.constant 128 : i32
        %mul3A_690 = arith.muli %add3A_504, %mul3A_689 : i32
        %dma_start3A_691 = tpu.memref_slice %arg5[%mul3A_690] : memref<6656xi32, #tpu.memory_space<vmem>> -> memref<128xi32, #tpu.memory_space<vmem>>
        %dma_start3A_692 = arith.constant 0 : i32
        %dma_start3A_693 = arith.constant 0 : i32
        %dma_start3A_694 = tpu.memref_slice %arg2[%dma_start3A_692, %dma_start3A_693] : memref<2600000x128xf32, #tpu.memory_space<hbm>> -> memref<2600000x128xf32, #tpu.memory_space<hbm>>
        tpu.enqueue_indirect_dma source(%dma_start3A_694 : memref<2600000x128xf32, #tpu.memory_space<hbm>>) target(%arg6 : memref<128x128xf32, #tpu.memory_space<vmem>>) offsets(%dma_start3A_691 : memref<128xi32, #tpu.memory_space<vmem>>) semaphore(%arg12 : memref<!tpu.dma_semaphore, #tpu.memory_space<semaphore_mem>>)
      } else {
      }
      %add3A_515 = arith.constant 1 : i32
      %add3A_516 = arith.addi %mul3A_461, %add3A_515 : i32
      %add3A_517 = arith.constant 6 : i32
      %add3A_518 = arith.addi %add3A_516, %add3A_517 : i32
      %lt3A_519 = arith.constant 52 : i32
      %lt3A_520 = arith.cmpi slt, %add3A_516, %lt3A_519 : i32
      %convert_element_type3A_521 = arith.extui %lt3A_520 : i1 to i32
      %cond3A_522 = arith.constant 0 : i32
      %cond3A_523 = arith.cmpi ne, %convert_element_type3A_521, %cond3A_522 : i32
      scf.if %cond3A_523 {
        %mul3A_585 = arith.constant 128 : i32
        %mul3A_586 = arith.muli %add3A_516, %mul3A_585 : i32
        %add3A_587 = arith.addi %mul3A_2, %mul3A_586 : i32
        %dma_wait3A = arith.constant 0 : i32
        %dma_wait3A_588 = tpu.memref_slice %arg4[%add3A_587, %dma_wait3A] : memref<212992x128xf32, #tpu.memory_space<hbm>> -> memref<128x128xf32, #tpu.memory_space<hbm>>
        %dma_wait3A_589 = arith.constant 0 : i32
        %dma_wait3A_590 = tpu.memref_slice %arg4[%add3A_587, %dma_wait3A_589] : memref<212992x128xf32, #tpu.memory_space<hbm>> -> memref<128x128xf32, #tpu.memory_space<hbm>>
        tpu.wait_dma2 semaphore(%arg19 : memref<!tpu.dma_semaphore, #tpu.memory_space<semaphore_mem>>) src(%arg7 : memref<128x128xf32, #tpu.memory_space<vmem>>) dst(%dma_wait3A_590 : memref<128x128xf32, #tpu.memory_space<hbm>>)
      } else {
      }
      %lt3A_524 = arith.constant 52 : i32
      %lt3A_525 = arith.cmpi slt, %add3A_518, %lt3A_524 : i32
      %convert_element_type3A_526 = arith.extui %lt3A_525 : i1 to i32
      %cond3A_527 = arith.constant 0 : i32
      %cond3A_528 = arith.cmpi ne, %convert_element_type3A_526, %cond3A_527 : i32
      scf.if %cond3A_528 {
        %mul3A_585 = arith.constant 128 : i32
        %mul3A_586 = arith.muli %add3A_518, %mul3A_585 : i32
        %add3A_587 = arith.addi %mul3A_2, %mul3A_586 : i32
        %shift_right_logical3A_588 = arith.constant 13 : i32
        %shift_right_logical3A_589 = arith.shrui %add3A_587, %shift_right_logical3A_588 : i32
        %mul3A_590 = arith.constant 100000 : i32
        %mul3A_591 = arith.muli %shift_right_logical3A_589, %mul3A_590 : i32
        %broadcast_in_dim3A_592 = vector.broadcast %mul3A_591 : i32 to vector<16xi32>
        %mul3A_593 = arith.constant 128 : i32
        %mul3A_594 = arith.muli %add3A_518, %mul3A_593 : i32
        %add3A_595 = arith.constant 0 : i32
        %add3A_596 = arith.addi %mul3A_594, %add3A_595 : i32
        %get3A_597 = arith.index_cast %add3A_596 : i32 to index
        %get3A_598 = tpu.vector_load %arg5[%get3A_597] {strides = array<i32>} : memref<6656xi32, #tpu.memory_space<vmem>>, vector<16xi32>,
        %get3A_599 = vector.shape_cast %get3A_598 : vector<16xi32> to vector<16xi32>
        %add3A_600 = arith.addi %get3A_599, %broadcast_in_dim3A_592 : vector<16xi32>
        %swap3A_601 = arith.index_cast %add3A_596 : i32 to index
        %swap3A_602 = tpu.vector_load %arg5[%swap3A_601] {strides = array<i32>} : memref<6656xi32, #tpu.memory_space<vmem>>, vector<16xi32>,
        %swap3A_603 = vector.shape_cast %swap3A_602 : vector<16xi32> to vector<16xi32>
        %swap3A_604 = vector.shape_cast %add3A_600 : vector<16xi32> to vector<16xi32>
        tpu.vector_store %arg5[%swap3A_601], %swap3A_604 {strides = array<i32>} : memref<6656xi32, #tpu.memory_space<vmem>>, vector<16xi32>,
        %mul3A_605 = arith.constant 128 : i32
        %mul3A_606 = arith.muli %add3A_518, %mul3A_605 : i32
        %add3A_607 = arith.constant 16 : i32
        %add3A_608 = arith.addi %mul3A_606, %add3A_607 : i32
        %get3A_609 = arith.index_cast %add3A_608 : i32 to index
        %get3A_610 = tpu.vector_load %arg5[%get3A_609] {strides = array<i32>} : memref<6656xi32, #tpu.memory_space<vmem>>, vector<16xi32>,
        %get3A_611 = vector.shape_cast %get3A_610 : vector<16xi32> to vector<16xi32>
        %add3A_612 = arith.addi %get3A_611, %broadcast_in_dim3A_592 : vector<16xi32>
        %swap3A_613 = arith.index_cast %add3A_608 : i32 to index
        %swap3A_614 = tpu.vector_load %arg5[%swap3A_613] {strides = array<i32>} : memref<6656xi32, #tpu.memory_space<vmem>>, vector<16xi32>,
        %swap3A_615 = vector.shape_cast %swap3A_614 : vector<16xi32> to vector<16xi32>
        %swap3A_616 = vector.shape_cast %add3A_612 : vector<16xi32> to vector<16xi32>
        tpu.vector_store %arg5[%swap3A_613], %swap3A_616 {strides = array<i32>} : memref<6656xi32, #tpu.memory_space<vmem>>, vector<16xi32>,
        %mul3A_617 = arith.constant 128 : i32
        %mul3A_618 = arith.muli %add3A_518, %mul3A_617 : i32
        %add3A_619 = arith.constant 32 : i32
        %add3A_620 = arith.addi %mul3A_618, %add3A_619 : i32
        %get3A_621 = arith.index_cast %add3A_620 : i32 to index
        %get3A_622 = tpu.vector_load %arg5[%get3A_621] {strides = array<i32>} : memref<6656xi32, #tpu.memory_space<vmem>>, vector<16xi32>,
        %get3A_623 = vector.shape_cast %get3A_622 : vector<16xi32> to vector<16xi32>
        %add3A_624 = arith.addi %get3A_623, %broadcast_in_dim3A_592 : vector<16xi32>
        %swap3A_625 = arith.index_cast %add3A_620 : i32 to index
        %swap3A_626 = tpu.vector_load %arg5[%swap3A_625] {strides = array<i32>} : memref<6656xi32, #tpu.memory_space<vmem>>, vector<16xi32>,
        %swap3A_627 = vector.shape_cast %swap3A_626 : vector<16xi32> to vector<16xi32>
        %swap3A_628 = vector.shape_cast %add3A_624 : vector<16xi32> to vector<16xi32>
        tpu.vector_store %arg5[%swap3A_625], %swap3A_628 {strides = array<i32>} : memref<6656xi32, #tpu.memory_space<vmem>>, vector<16xi32>,
        %mul3A_629 = arith.constant 128 : i32
        %mul3A_630 = arith.muli %add3A_518, %mul3A_629 : i32
        %add3A_631 = arith.constant 48 : i32
        %add3A_632 = arith.addi %mul3A_630, %add3A_631 : i32
        %get3A_633 = arith.index_cast %add3A_632 : i32 to index
        %get3A_634 = tpu.vector_load %arg5[%get3A_633] {strides = array<i32>} : memref<6656xi32, #tpu.memory_space<vmem>>, vector<16xi32>,
        %get3A_635 = vector.shape_cast %get3A_634 : vector<16xi32> to vector<16xi32>
        %add3A_636 = arith.addi %get3A_635, %broadcast_in_dim3A_592 : vector<16xi32>
        %swap3A_637 = arith.index_cast %add3A_632 : i32 to index
        %swap3A_638 = tpu.vector_load %arg5[%swap3A_637] {strides = array<i32>} : memref<6656xi32, #tpu.memory_space<vmem>>, vector<16xi32>,
        %swap3A_639 = vector.shape_cast %swap3A_638 : vector<16xi32> to vector<16xi32>
        %swap3A_640 = vector.shape_cast %add3A_636 : vector<16xi32> to vector<16xi32>
        tpu.vector_store %arg5[%swap3A_637], %swap3A_640 {strides = array<i32>} : memref<6656xi32, #tpu.memory_space<vmem>>, vector<16xi32>,
        %mul3A_641 = arith.constant 128 : i32
        %mul3A_642 = arith.muli %add3A_518, %mul3A_641 : i32
        %add3A_643 = arith.constant 64 : i32
        %add3A_644 = arith.addi %mul3A_642, %add3A_643 : i32
        %get3A_645 = arith.index_cast %add3A_644 : i32 to index
        %get3A_646 = tpu.vector_load %arg5[%get3A_645] {strides = array<i32>} : memref<6656xi32, #tpu.memory_space<vmem>>, vector<16xi32>,
        %get3A_647 = vector.shape_cast %get3A_646 : vector<16xi32> to vector<16xi32>
        %add3A_648 = arith.addi %get3A_647, %broadcast_in_dim3A_592 : vector<16xi32>
        %swap3A_649 = arith.index_cast %add3A_644 : i32 to index
        %swap3A_650 = tpu.vector_load %arg5[%swap3A_649] {strides = array<i32>} : memref<6656xi32, #tpu.memory_space<vmem>>, vector<16xi32>,
        %swap3A_651 = vector.shape_cast %swap3A_650 : vector<16xi32> to vector<16xi32>
        %swap3A_652 = vector.shape_cast %add3A_648 : vector<16xi32> to vector<16xi32>
        tpu.vector_store %arg5[%swap3A_649], %swap3A_652 {strides = array<i32>} : memref<6656xi32, #tpu.memory_space<vmem>>, vector<16xi32>,
        %mul3A_653 = arith.constant 128 : i32
        %mul3A_654 = arith.muli %add3A_518, %mul3A_653 : i32
        %add3A_655 = arith.constant 80 : i32
        %add3A_656 = arith.addi %mul3A_654, %add3A_655 : i32
        %get3A_657 = arith.index_cast %add3A_656 : i32 to index
        %get3A_658 = tpu.vector_load %arg5[%get3A_657] {strides = array<i32>} : memref<6656xi32, #tpu.memory_space<vmem>>, vector<16xi32>,
        %get3A_659 = vector.shape_cast %get3A_658 : vector<16xi32> to vector<16xi32>
        %add3A_660 = arith.addi %get3A_659, %broadcast_in_dim3A_592 : vector<16xi32>
        %swap3A_661 = arith.index_cast %add3A_656 : i32 to index
        %swap3A_662 = tpu.vector_load %arg5[%swap3A_661] {strides = array<i32>} : memref<6656xi32, #tpu.memory_space<vmem>>, vector<16xi32>,
        %swap3A_663 = vector.shape_cast %swap3A_662 : vector<16xi32> to vector<16xi32>
        %swap3A_664 = vector.shape_cast %add3A_660 : vector<16xi32> to vector<16xi32>
        tpu.vector_store %arg5[%swap3A_661], %swap3A_664 {strides = array<i32>} : memref<6656xi32, #tpu.memory_space<vmem>>, vector<16xi32>,
        %mul3A_665 = arith.constant 128 : i32
        %mul3A_666 = arith.muli %add3A_518, %mul3A_665 : i32
        %add3A_667 = arith.constant 96 : i32
        %add3A_668 = arith.addi %mul3A_666, %add3A_667 : i32
        %get3A_669 = arith.index_cast %add3A_668 : i32 to index
        %get3A_670 = tpu.vector_load %arg5[%get3A_669] {strides = array<i32>} : memref<6656xi32, #tpu.memory_space<vmem>>, vector<16xi32>,
        %get3A_671 = vector.shape_cast %get3A_670 : vector<16xi32> to vector<16xi32>
        %add3A_672 = arith.addi %get3A_671, %broadcast_in_dim3A_592 : vector<16xi32>
        %swap3A_673 = arith.index_cast %add3A_668 : i32 to index
        %swap3A_674 = tpu.vector_load %arg5[%swap3A_673] {strides = array<i32>} : memref<6656xi32, #tpu.memory_space<vmem>>, vector<16xi32>,
        %swap3A_675 = vector.shape_cast %swap3A_674 : vector<16xi32> to vector<16xi32>
        %swap3A_676 = vector.shape_cast %add3A_672 : vector<16xi32> to vector<16xi32>
        tpu.vector_store %arg5[%swap3A_673], %swap3A_676 {strides = array<i32>} : memref<6656xi32, #tpu.memory_space<vmem>>, vector<16xi32>,
        %mul3A_677 = arith.constant 128 : i32
        %mul3A_678 = arith.muli %add3A_518, %mul3A_677 : i32
        %add3A_679 = arith.constant 112 : i32
        %add3A_680 = arith.addi %mul3A_678, %add3A_679 : i32
        %get3A_681 = arith.index_cast %add3A_680 : i32 to index
        %get3A_682 = tpu.vector_load %arg5[%get3A_681] {strides = array<i32>} : memref<6656xi32, #tpu.memory_space<vmem>>, vector<16xi32>,
        %get3A_683 = vector.shape_cast %get3A_682 : vector<16xi32> to vector<16xi32>
        %add3A_684 = arith.addi %get3A_683, %broadcast_in_dim3A_592 : vector<16xi32>
        %swap3A_685 = arith.index_cast %add3A_680 : i32 to index
        %swap3A_686 = tpu.vector_load %arg5[%swap3A_685] {strides = array<i32>} : memref<6656xi32, #tpu.memory_space<vmem>>, vector<16xi32>,
        %swap3A_687 = vector.shape_cast %swap3A_686 : vector<16xi32> to vector<16xi32>
        %swap3A_688 = vector.shape_cast %add3A_684 : vector<16xi32> to vector<16xi32>
        tpu.vector_store %arg5[%swap3A_685], %swap3A_688 {strides = array<i32>} : memref<6656xi32, #tpu.memory_space<vmem>>, vector<16xi32>,
        %mul3A_689 = arith.constant 128 : i32
        %mul3A_690 = arith.muli %add3A_518, %mul3A_689 : i32
        %dma_start3A_691 = tpu.memref_slice %arg5[%mul3A_690] : memref<6656xi32, #tpu.memory_space<vmem>> -> memref<128xi32, #tpu.memory_space<vmem>>
        %dma_start3A_692 = arith.constant 0 : i32
        %dma_start3A_693 = arith.constant 0 : i32
        %dma_start3A_694 = tpu.memref_slice %arg2[%dma_start3A_692, %dma_start3A_693] : memref<2600000x128xf32, #tpu.memory_space<hbm>> -> memref<2600000x128xf32, #tpu.memory_space<hbm>>
        tpu.enqueue_indirect_dma source(%dma_start3A_694 : memref<2600000x128xf32, #tpu.memory_space<hbm>>) target(%arg7 : memref<128x128xf32, #tpu.memory_space<vmem>>) offsets(%dma_start3A_691 : memref<128xi32, #tpu.memory_space<vmem>>) semaphore(%arg13 : memref<!tpu.dma_semaphore, #tpu.memory_space<semaphore_mem>>)
      } else {
      }
      %add3A_529 = arith.constant 2 : i32
      %add3A_530 = arith.addi %mul3A_461, %add3A_529 : i32
      %add3A_531 = arith.constant 6 : i32
      %add3A_532 = arith.addi %add3A_530, %add3A_531 : i32
      %lt3A_533 = arith.constant 52 : i32
      %lt3A_534 = arith.cmpi slt, %add3A_530, %lt3A_533 : i32
      %convert_element_type3A_535 = arith.extui %lt3A_534 : i1 to i32
      %cond3A_536 = arith.constant 0 : i32
      %cond3A_537 = arith.cmpi ne, %convert_element_type3A_535, %cond3A_536 : i32
      scf.if %cond3A_537 {
        %mul3A_585 = arith.constant 128 : i32
        %mul3A_586 = arith.muli %add3A_530, %mul3A_585 : i32
        %add3A_587 = arith.addi %mul3A_2, %mul3A_586 : i32
        %dma_wait3A = arith.constant 0 : i32
        %dma_wait3A_588 = tpu.memref_slice %arg4[%add3A_587, %dma_wait3A] : memref<212992x128xf32, #tpu.memory_space<hbm>> -> memref<128x128xf32, #tpu.memory_space<hbm>>
        %dma_wait3A_589 = arith.constant 0 : i32
        %dma_wait3A_590 = tpu.memref_slice %arg4[%add3A_587, %dma_wait3A_589] : memref<212992x128xf32, #tpu.memory_space<hbm>> -> memref<128x128xf32, #tpu.memory_space<hbm>>
        tpu.wait_dma2 semaphore(%arg20 : memref<!tpu.dma_semaphore, #tpu.memory_space<semaphore_mem>>) src(%arg8 : memref<128x128xf32, #tpu.memory_space<vmem>>) dst(%dma_wait3A_590 : memref<128x128xf32, #tpu.memory_space<hbm>>)
      } else {
      }
      %lt3A_538 = arith.constant 52 : i32
      %lt3A_539 = arith.cmpi slt, %add3A_532, %lt3A_538 : i32
      %convert_element_type3A_540 = arith.extui %lt3A_539 : i1 to i32
      %cond3A_541 = arith.constant 0 : i32
      %cond3A_542 = arith.cmpi ne, %convert_element_type3A_540, %cond3A_541 : i32
      scf.if %cond3A_542 {
        %mul3A_585 = arith.constant 128 : i32
        %mul3A_586 = arith.muli %add3A_532, %mul3A_585 : i32
        %add3A_587 = arith.addi %mul3A_2, %mul3A_586 : i32
        %shift_right_logical3A_588 = arith.constant 13 : i32
        %shift_right_logical3A_589 = arith.shrui %add3A_587, %shift_right_logical3A_588 : i32
        %mul3A_590 = arith.constant 100000 : i32
        %mul3A_591 = arith.muli %shift_right_logical3A_589, %mul3A_590 : i32
        %broadcast_in_dim3A_592 = vector.broadcast %mul3A_591 : i32 to vector<16xi32>
        %mul3A_593 = arith.constant 128 : i32
        %mul3A_594 = arith.muli %add3A_532, %mul3A_593 : i32
        %add3A_595 = arith.constant 0 : i32
        %add3A_596 = arith.addi %mul3A_594, %add3A_595 : i32
        %get3A_597 = arith.index_cast %add3A_596 : i32 to index
        %get3A_598 = tpu.vector_load %arg5[%get3A_597] {strides = array<i32>} : memref<6656xi32, #tpu.memory_space<vmem>>, vector<16xi32>,
        %get3A_599 = vector.shape_cast %get3A_598 : vector<16xi32> to vector<16xi32>
        %add3A_600 = arith.addi %get3A_599, %broadcast_in_dim3A_592 : vector<16xi32>
        %swap3A_601 = arith.index_cast %add3A_596 : i32 to index
        %swap3A_602 = tpu.vector_load %arg5[%swap3A_601] {strides = array<i32>} : memref<6656xi32, #tpu.memory_space<vmem>>, vector<16xi32>,
        %swap3A_603 = vector.shape_cast %swap3A_602 : vector<16xi32> to vector<16xi32>
        %swap3A_604 = vector.shape_cast %add3A_600 : vector<16xi32> to vector<16xi32>
        tpu.vector_store %arg5[%swap3A_601], %swap3A_604 {strides = array<i32>} : memref<6656xi32, #tpu.memory_space<vmem>>, vector<16xi32>,
        %mul3A_605 = arith.constant 128 : i32
        %mul3A_606 = arith.muli %add3A_532, %mul3A_605 : i32
        %add3A_607 = arith.constant 16 : i32
        %add3A_608 = arith.addi %mul3A_606, %add3A_607 : i32
        %get3A_609 = arith.index_cast %add3A_608 : i32 to index
        %get3A_610 = tpu.vector_load %arg5[%get3A_609] {strides = array<i32>} : memref<6656xi32, #tpu.memory_space<vmem>>, vector<16xi32>,
        %get3A_611 = vector.shape_cast %get3A_610 : vector<16xi32> to vector<16xi32>
        %add3A_612 = arith.addi %get3A_611, %broadcast_in_dim3A_592 : vector<16xi32>
        %swap3A_613 = arith.index_cast %add3A_608 : i32 to index
        %swap3A_614 = tpu.vector_load %arg5[%swap3A_613] {strides = array<i32>} : memref<6656xi32, #tpu.memory_space<vmem>>, vector<16xi32>,
        %swap3A_615 = vector.shape_cast %swap3A_614 : vector<16xi32> to vector<16xi32>
        %swap3A_616 = vector.shape_cast %add3A_612 : vector<16xi32> to vector<16xi32>
        tpu.vector_store %arg5[%swap3A_613], %swap3A_616 {strides = array<i32>} : memref<6656xi32, #tpu.memory_space<vmem>>, vector<16xi32>,
        %mul3A_617 = arith.constant 128 : i32
        %mul3A_618 = arith.muli %add3A_532, %mul3A_617 : i32
        %add3A_619 = arith.constant 32 : i32
        %add3A_620 = arith.addi %mul3A_618, %add3A_619 : i32
        %get3A_621 = arith.index_cast %add3A_620 : i32 to index
        %get3A_622 = tpu.vector_load %arg5[%get3A_621] {strides = array<i32>} : memref<6656xi32, #tpu.memory_space<vmem>>, vector<16xi32>,
        %get3A_623 = vector.shape_cast %get3A_622 : vector<16xi32> to vector<16xi32>
        %add3A_624 = arith.addi %get3A_623, %broadcast_in_dim3A_592 : vector<16xi32>
        %swap3A_625 = arith.index_cast %add3A_620 : i32 to index
        %swap3A_626 = tpu.vector_load %arg5[%swap3A_625] {strides = array<i32>} : memref<6656xi32, #tpu.memory_space<vmem>>, vector<16xi32>,
        %swap3A_627 = vector.shape_cast %swap3A_626 : vector<16xi32> to vector<16xi32>
        %swap3A_628 = vector.shape_cast %add3A_624 : vector<16xi32> to vector<16xi32>
        tpu.vector_store %arg5[%swap3A_625], %swap3A_628 {strides = array<i32>} : memref<6656xi32, #tpu.memory_space<vmem>>, vector<16xi32>,
        %mul3A_629 = arith.constant 128 : i32
        %mul3A_630 = arith.muli %add3A_532, %mul3A_629 : i32
        %add3A_631 = arith.constant 48 : i32
        %add3A_632 = arith.addi %mul3A_630, %add3A_631 : i32
        %get3A_633 = arith.index_cast %add3A_632 : i32 to index
        %get3A_634 = tpu.vector_load %arg5[%get3A_633] {strides = array<i32>} : memref<6656xi32, #tpu.memory_space<vmem>>, vector<16xi32>,
        %get3A_635 = vector.shape_cast %get3A_634 : vector<16xi32> to vector<16xi32>
        %add3A_636 = arith.addi %get3A_635, %broadcast_in_dim3A_592 : vector<16xi32>
        %swap3A_637 = arith.index_cast %add3A_632 : i32 to index
        %swap3A_638 = tpu.vector_load %arg5[%swap3A_637] {strides = array<i32>} : memref<6656xi32, #tpu.memory_space<vmem>>, vector<16xi32>,
        %swap3A_639 = vector.shape_cast %swap3A_638 : vector<16xi32> to vector<16xi32>
        %swap3A_640 = vector.shape_cast %add3A_636 : vector<16xi32> to vector<16xi32>
        tpu.vector_store %arg5[%swap3A_637], %swap3A_640 {strides = array<i32>} : memref<6656xi32, #tpu.memory_space<vmem>>, vector<16xi32>,
        %mul3A_641 = arith.constant 128 : i32
        %mul3A_642 = arith.muli %add3A_532, %mul3A_641 : i32
        %add3A_643 = arith.constant 64 : i32
        %add3A_644 = arith.addi %mul3A_642, %add3A_643 : i32
        %get3A_645 = arith.index_cast %add3A_644 : i32 to index
        %get3A_646 = tpu.vector_load %arg5[%get3A_645] {strides = array<i32>} : memref<6656xi32, #tpu.memory_space<vmem>>, vector<16xi32>,
        %get3A_647 = vector.shape_cast %get3A_646 : vector<16xi32> to vector<16xi32>
        %add3A_648 = arith.addi %get3A_647, %broadcast_in_dim3A_592 : vector<16xi32>
        %swap3A_649 = arith.index_cast %add3A_644 : i32 to index
        %swap3A_650 = tpu.vector_load %arg5[%swap3A_649] {strides = array<i32>} : memref<6656xi32, #tpu.memory_space<vmem>>, vector<16xi32>,
        %swap3A_651 = vector.shape_cast %swap3A_650 : vector<16xi32> to vector<16xi32>
        %swap3A_652 = vector.shape_cast %add3A_648 : vector<16xi32> to vector<16xi32>
        tpu.vector_store %arg5[%swap3A_649], %swap3A_652 {strides = array<i32>} : memref<6656xi32, #tpu.memory_space<vmem>>, vector<16xi32>,
        %mul3A_653 = arith.constant 128 : i32
        %mul3A_654 = arith.muli %add3A_532, %mul3A_653 : i32
        %add3A_655 = arith.constant 80 : i32
        %add3A_656 = arith.addi %mul3A_654, %add3A_655 : i32
        %get3A_657 = arith.index_cast %add3A_656 : i32 to index
        %get3A_658 = tpu.vector_load %arg5[%get3A_657] {strides = array<i32>} : memref<6656xi32, #tpu.memory_space<vmem>>, vector<16xi32>,
        %get3A_659 = vector.shape_cast %get3A_658 : vector<16xi32> to vector<16xi32>
        %add3A_660 = arith.addi %get3A_659, %broadcast_in_dim3A_592 : vector<16xi32>
        %swap3A_661 = arith.index_cast %add3A_656 : i32 to index
        %swap3A_662 = tpu.vector_load %arg5[%swap3A_661] {strides = array<i32>} : memref<6656xi32, #tpu.memory_space<vmem>>, vector<16xi32>,
        %swap3A_663 = vector.shape_cast %swap3A_662 : vector<16xi32> to vector<16xi32>
        %swap3A_664 = vector.shape_cast %add3A_660 : vector<16xi32> to vector<16xi32>
        tpu.vector_store %arg5[%swap3A_661], %swap3A_664 {strides = array<i32>} : memref<6656xi32, #tpu.memory_space<vmem>>, vector<16xi32>,
        %mul3A_665 = arith.constant 128 : i32
        %mul3A_666 = arith.muli %add3A_532, %mul3A_665 : i32
        %add3A_667 = arith.constant 96 : i32
        %add3A_668 = arith.addi %mul3A_666, %add3A_667 : i32
        %get3A_669 = arith.index_cast %add3A_668 : i32 to index
        %get3A_670 = tpu.vector_load %arg5[%get3A_669] {strides = array<i32>} : memref<6656xi32, #tpu.memory_space<vmem>>, vector<16xi32>,
        %get3A_671 = vector.shape_cast %get3A_670 : vector<16xi32> to vector<16xi32>
        %add3A_672 = arith.addi %get3A_671, %broadcast_in_dim3A_592 : vector<16xi32>
        %swap3A_673 = arith.index_cast %add3A_668 : i32 to index
        %swap3A_674 = tpu.vector_load %arg5[%swap3A_673] {strides = array<i32>} : memref<6656xi32, #tpu.memory_space<vmem>>, vector<16xi32>,
        %swap3A_675 = vector.shape_cast %swap3A_674 : vector<16xi32> to vector<16xi32>
        %swap3A_676 = vector.shape_cast %add3A_672 : vector<16xi32> to vector<16xi32>
        tpu.vector_store %arg5[%swap3A_673], %swap3A_676 {strides = array<i32>} : memref<6656xi32, #tpu.memory_space<vmem>>, vector<16xi32>,
        %mul3A_677 = arith.constant 128 : i32
        %mul3A_678 = arith.muli %add3A_532, %mul3A_677 : i32
        %add3A_679 = arith.constant 112 : i32
        %add3A_680 = arith.addi %mul3A_678, %add3A_679 : i32
        %get3A_681 = arith.index_cast %add3A_680 : i32 to index
        %get3A_682 = tpu.vector_load %arg5[%get3A_681] {strides = array<i32>} : memref<6656xi32, #tpu.memory_space<vmem>>, vector<16xi32>,
        %get3A_683 = vector.shape_cast %get3A_682 : vector<16xi32> to vector<16xi32>
        %add3A_684 = arith.addi %get3A_683, %broadcast_in_dim3A_592 : vector<16xi32>
        %swap3A_685 = arith.index_cast %add3A_680 : i32 to index
        %swap3A_686 = tpu.vector_load %arg5[%swap3A_685] {strides = array<i32>} : memref<6656xi32, #tpu.memory_space<vmem>>, vector<16xi32>,
        %swap3A_687 = vector.shape_cast %swap3A_686 : vector<16xi32> to vector<16xi32>
        %swap3A_688 = vector.shape_cast %add3A_684 : vector<16xi32> to vector<16xi32>
        tpu.vector_store %arg5[%swap3A_685], %swap3A_688 {strides = array<i32>} : memref<6656xi32, #tpu.memory_space<vmem>>, vector<16xi32>,
        %mul3A_689 = arith.constant 128 : i32
        %mul3A_690 = arith.muli %add3A_532, %mul3A_689 : i32
        %dma_start3A_691 = tpu.memref_slice %arg5[%mul3A_690] : memref<6656xi32, #tpu.memory_space<vmem>> -> memref<128xi32, #tpu.memory_space<vmem>>
        %dma_start3A_692 = arith.constant 0 : i32
        %dma_start3A_693 = arith.constant 0 : i32
        %dma_start3A_694 = tpu.memref_slice %arg2[%dma_start3A_692, %dma_start3A_693] : memref<2600000x128xf32, #tpu.memory_space<hbm>> -> memref<2600000x128xf32, #tpu.memory_space<hbm>>
        tpu.enqueue_indirect_dma source(%dma_start3A_694 : memref<2600000x128xf32, #tpu.memory_space<hbm>>) target(%arg8 : memref<128x128xf32, #tpu.memory_space<vmem>>) offsets(%dma_start3A_691 : memref<128xi32, #tpu.memory_space<vmem>>) semaphore(%arg14 : memref<!tpu.dma_semaphore, #tpu.memory_space<semaphore_mem>>)
      } else {
      }
      %add3A_543 = arith.constant 3 : i32
      %add3A_544 = arith.addi %mul3A_461, %add3A_543 : i32
      %add3A_545 = arith.constant 6 : i32
      %add3A_546 = arith.addi %add3A_544, %add3A_545 : i32
      %lt3A_547 = arith.constant 52 : i32
      %lt3A_548 = arith.cmpi slt, %add3A_544, %lt3A_547 : i32
      %convert_element_type3A_549 = arith.extui %lt3A_548 : i1 to i32
      %cond3A_550 = arith.constant 0 : i32
      %cond3A_551 = arith.cmpi ne, %convert_element_type3A_549, %cond3A_550 : i32
      scf.if %cond3A_551 {
        %mul3A_585 = arith.constant 128 : i32
        %mul3A_586 = arith.muli %add3A_544, %mul3A_585 : i32
        %add3A_587 = arith.addi %mul3A_2, %mul3A_586 : i32
        %dma_wait3A = arith.constant 0 : i32
        %dma_wait3A_588 = tpu.memref_slice %arg4[%add3A_587, %dma_wait3A] : memref<212992x128xf32, #tpu.memory_space<hbm>> -> memref<128x128xf32, #tpu.memory_space<hbm>>
        %dma_wait3A_589 = arith.constant 0 : i32
        %dma_wait3A_590 = tpu.memref_slice %arg4[%add3A_587, %dma_wait3A_589] : memref<212992x128xf32, #tpu.memory_space<hbm>> -> memref<128x128xf32, #tpu.memory_space<hbm>>
        tpu.wait_dma2 semaphore(%arg21 : memref<!tpu.dma_semaphore, #tpu.memory_space<semaphore_mem>>) src(%arg9 : memref<128x128xf32, #tpu.memory_space<vmem>>) dst(%dma_wait3A_590 : memref<128x128xf32, #tpu.memory_space<hbm>>)
      } else {
      }
      %lt3A_552 = arith.constant 52 : i32
      %lt3A_553 = arith.cmpi slt, %add3A_546, %lt3A_552 : i32
      %convert_element_type3A_554 = arith.extui %lt3A_553 : i1 to i32
      %cond3A_555 = arith.constant 0 : i32
      %cond3A_556 = arith.cmpi ne, %convert_element_type3A_554, %cond3A_555 : i32
      scf.if %cond3A_556 {
        %mul3A_585 = arith.constant 128 : i32
        %mul3A_586 = arith.muli %add3A_546, %mul3A_585 : i32
        %add3A_587 = arith.addi %mul3A_2, %mul3A_586 : i32
        %shift_right_logical3A_588 = arith.constant 13 : i32
        %shift_right_logical3A_589 = arith.shrui %add3A_587, %shift_right_logical3A_588 : i32
        %mul3A_590 = arith.constant 100000 : i32
        %mul3A_591 = arith.muli %shift_right_logical3A_589, %mul3A_590 : i32
        %broadcast_in_dim3A_592 = vector.broadcast %mul3A_591 : i32 to vector<16xi32>
        %mul3A_593 = arith.constant 128 : i32
        %mul3A_594 = arith.muli %add3A_546, %mul3A_593 : i32
        %add3A_595 = arith.constant 0 : i32
        %add3A_596 = arith.addi %mul3A_594, %add3A_595 : i32
        %get3A_597 = arith.index_cast %add3A_596 : i32 to index
        %get3A_598 = tpu.vector_load %arg5[%get3A_597] {strides = array<i32>} : memref<6656xi32, #tpu.memory_space<vmem>>, vector<16xi32>,
        %get3A_599 = vector.shape_cast %get3A_598 : vector<16xi32> to vector<16xi32>
        %add3A_600 = arith.addi %get3A_599, %broadcast_in_dim3A_592 : vector<16xi32>
        %swap3A_601 = arith.index_cast %add3A_596 : i32 to index
        %swap3A_602 = tpu.vector_load %arg5[%swap3A_601] {strides = array<i32>} : memref<6656xi32, #tpu.memory_space<vmem>>, vector<16xi32>,
        %swap3A_603 = vector.shape_cast %swap3A_602 : vector<16xi32> to vector<16xi32>
        %swap3A_604 = vector.shape_cast %add3A_600 : vector<16xi32> to vector<16xi32>
        tpu.vector_store %arg5[%swap3A_601], %swap3A_604 {strides = array<i32>} : memref<6656xi32, #tpu.memory_space<vmem>>, vector<16xi32>,
        %mul3A_605 = arith.constant 128 : i32
        %mul3A_606 = arith.muli %add3A_546, %mul3A_605 : i32
        %add3A_607 = arith.constant 16 : i32
        %add3A_608 = arith.addi %mul3A_606, %add3A_607 : i32
        %get3A_609 = arith.index_cast %add3A_608 : i32 to index
        %get3A_610 = tpu.vector_load %arg5[%get3A_609] {strides = array<i32>} : memref<6656xi32, #tpu.memory_space<vmem>>, vector<16xi32>,
        %get3A_611 = vector.shape_cast %get3A_610 : vector<16xi32> to vector<16xi32>
        %add3A_612 = arith.addi %get3A_611, %broadcast_in_dim3A_592 : vector<16xi32>
        %swap3A_613 = arith.index_cast %add3A_608 : i32 to index
        %swap3A_614 = tpu.vector_load %arg5[%swap3A_613] {strides = array<i32>} : memref<6656xi32, #tpu.memory_space<vmem>>, vector<16xi32>,
        %swap3A_615 = vector.shape_cast %swap3A_614 : vector<16xi32> to vector<16xi32>
        %swap3A_616 = vector.shape_cast %add3A_612 : vector<16xi32> to vector<16xi32>
        tpu.vector_store %arg5[%swap3A_613], %swap3A_616 {strides = array<i32>} : memref<6656xi32, #tpu.memory_space<vmem>>, vector<16xi32>,
        %mul3A_617 = arith.constant 128 : i32
        %mul3A_618 = arith.muli %add3A_546, %mul3A_617 : i32
        %add3A_619 = arith.constant 32 : i32
        %add3A_620 = arith.addi %mul3A_618, %add3A_619 : i32
        %get3A_621 = arith.index_cast %add3A_620 : i32 to index
        %get3A_622 = tpu.vector_load %arg5[%get3A_621] {strides = array<i32>} : memref<6656xi32, #tpu.memory_space<vmem>>, vector<16xi32>,
        %get3A_623 = vector.shape_cast %get3A_622 : vector<16xi32> to vector<16xi32>
        %add3A_624 = arith.addi %get3A_623, %broadcast_in_dim3A_592 : vector<16xi32>
        %swap3A_625 = arith.index_cast %add3A_620 : i32 to index
        %swap3A_626 = tpu.vector_load %arg5[%swap3A_625] {strides = array<i32>} : memref<6656xi32, #tpu.memory_space<vmem>>, vector<16xi32>,
        %swap3A_627 = vector.shape_cast %swap3A_626 : vector<16xi32> to vector<16xi32>
        %swap3A_628 = vector.shape_cast %add3A_624 : vector<16xi32> to vector<16xi32>
        tpu.vector_store %arg5[%swap3A_625], %swap3A_628 {strides = array<i32>} : memref<6656xi32, #tpu.memory_space<vmem>>, vector<16xi32>,
        %mul3A_629 = arith.constant 128 : i32
        %mul3A_630 = arith.muli %add3A_546, %mul3A_629 : i32
        %add3A_631 = arith.constant 48 : i32
        %add3A_632 = arith.addi %mul3A_630, %add3A_631 : i32
        %get3A_633 = arith.index_cast %add3A_632 : i32 to index
        %get3A_634 = tpu.vector_load %arg5[%get3A_633] {strides = array<i32>} : memref<6656xi32, #tpu.memory_space<vmem>>, vector<16xi32>,
        %get3A_635 = vector.shape_cast %get3A_634 : vector<16xi32> to vector<16xi32>
        %add3A_636 = arith.addi %get3A_635, %broadcast_in_dim3A_592 : vector<16xi32>
        %swap3A_637 = arith.index_cast %add3A_632 : i32 to index
        %swap3A_638 = tpu.vector_load %arg5[%swap3A_637] {strides = array<i32>} : memref<6656xi32, #tpu.memory_space<vmem>>, vector<16xi32>,
        %swap3A_639 = vector.shape_cast %swap3A_638 : vector<16xi32> to vector<16xi32>
        %swap3A_640 = vector.shape_cast %add3A_636 : vector<16xi32> to vector<16xi32>
        tpu.vector_store %arg5[%swap3A_637], %swap3A_640 {strides = array<i32>} : memref<6656xi32, #tpu.memory_space<vmem>>, vector<16xi32>,
        %mul3A_641 = arith.constant 128 : i32
        %mul3A_642 = arith.muli %add3A_546, %mul3A_641 : i32
        %add3A_643 = arith.constant 64 : i32
        %add3A_644 = arith.addi %mul3A_642, %add3A_643 : i32
        %get3A_645 = arith.index_cast %add3A_644 : i32 to index
        %get3A_646 = tpu.vector_load %arg5[%get3A_645] {strides = array<i32>} : memref<6656xi32, #tpu.memory_space<vmem>>, vector<16xi32>,
        %get3A_647 = vector.shape_cast %get3A_646 : vector<16xi32> to vector<16xi32>
        %add3A_648 = arith.addi %get3A_647, %broadcast_in_dim3A_592 : vector<16xi32>
        %swap3A_649 = arith.index_cast %add3A_644 : i32 to index
        %swap3A_650 = tpu.vector_load %arg5[%swap3A_649] {strides = array<i32>} : memref<6656xi32, #tpu.memory_space<vmem>>, vector<16xi32>,
        %swap3A_651 = vector.shape_cast %swap3A_650 : vector<16xi32> to vector<16xi32>
        %swap3A_652 = vector.shape_cast %add3A_648 : vector<16xi32> to vector<16xi32>
        tpu.vector_store %arg5[%swap3A_649], %swap3A_652 {strides = array<i32>} : memref<6656xi32, #tpu.memory_space<vmem>>, vector<16xi32>,
        %mul3A_653 = arith.constant 128 : i32
        %mul3A_654 = arith.muli %add3A_546, %mul3A_653 : i32
        %add3A_655 = arith.constant 80 : i32
        %add3A_656 = arith.addi %mul3A_654, %add3A_655 : i32
        %get3A_657 = arith.index_cast %add3A_656 : i32 to index
        %get3A_658 = tpu.vector_load %arg5[%get3A_657] {strides = array<i32>} : memref<6656xi32, #tpu.memory_space<vmem>>, vector<16xi32>,
        %get3A_659 = vector.shape_cast %get3A_658 : vector<16xi32> to vector<16xi32>
        %add3A_660 = arith.addi %get3A_659, %broadcast_in_dim3A_592 : vector<16xi32>
        %swap3A_661 = arith.index_cast %add3A_656 : i32 to index
        %swap3A_662 = tpu.vector_load %arg5[%swap3A_661] {strides = array<i32>} : memref<6656xi32, #tpu.memory_space<vmem>>, vector<16xi32>,
        %swap3A_663 = vector.shape_cast %swap3A_662 : vector<16xi32> to vector<16xi32>
        %swap3A_664 = vector.shape_cast %add3A_660 : vector<16xi32> to vector<16xi32>
        tpu.vector_store %arg5[%swap3A_661], %swap3A_664 {strides = array<i32>} : memref<6656xi32, #tpu.memory_space<vmem>>, vector<16xi32>,
        %mul3A_665 = arith.constant 128 : i32
        %mul3A_666 = arith.muli %add3A_546, %mul3A_665 : i32
        %add3A_667 = arith.constant 96 : i32
        %add3A_668 = arith.addi %mul3A_666, %add3A_667 : i32
        %get3A_669 = arith.index_cast %add3A_668 : i32 to index
        %get3A_670 = tpu.vector_load %arg5[%get3A_669] {strides = array<i32>} : memref<6656xi32, #tpu.memory_space<vmem>>, vector<16xi32>,
        %get3A_671 = vector.shape_cast %get3A_670 : vector<16xi32> to vector<16xi32>
        %add3A_672 = arith.addi %get3A_671, %broadcast_in_dim3A_592 : vector<16xi32>
        %swap3A_673 = arith.index_cast %add3A_668 : i32 to index
        %swap3A_674 = tpu.vector_load %arg5[%swap3A_673] {strides = array<i32>} : memref<6656xi32, #tpu.memory_space<vmem>>, vector<16xi32>,
        %swap3A_675 = vector.shape_cast %swap3A_674 : vector<16xi32> to vector<16xi32>
        %swap3A_676 = vector.shape_cast %add3A_672 : vector<16xi32> to vector<16xi32>
        tpu.vector_store %arg5[%swap3A_673], %swap3A_676 {strides = array<i32>} : memref<6656xi32, #tpu.memory_space<vmem>>, vector<16xi32>,
        %mul3A_677 = arith.constant 128 : i32
        %mul3A_678 = arith.muli %add3A_546, %mul3A_677 : i32
        %add3A_679 = arith.constant 112 : i32
        %add3A_680 = arith.addi %mul3A_678, %add3A_679 : i32
        %get3A_681 = arith.index_cast %add3A_680 : i32 to index
        %get3A_682 = tpu.vector_load %arg5[%get3A_681] {strides = array<i32>} : memref<6656xi32, #tpu.memory_space<vmem>>, vector<16xi32>,
        %get3A_683 = vector.shape_cast %get3A_682 : vector<16xi32> to vector<16xi32>
        %add3A_684 = arith.addi %get3A_683, %broadcast_in_dim3A_592 : vector<16xi32>
        %swap3A_685 = arith.index_cast %add3A_680 : i32 to index
        %swap3A_686 = tpu.vector_load %arg5[%swap3A_685] {strides = array<i32>} : memref<6656xi32, #tpu.memory_space<vmem>>, vector<16xi32>,
        %swap3A_687 = vector.shape_cast %swap3A_686 : vector<16xi32> to vector<16xi32>
        %swap3A_688 = vector.shape_cast %add3A_684 : vector<16xi32> to vector<16xi32>
        tpu.vector_store %arg5[%swap3A_685], %swap3A_688 {strides = array<i32>} : memref<6656xi32, #tpu.memory_space<vmem>>, vector<16xi32>,
        %mul3A_689 = arith.constant 128 : i32
        %mul3A_690 = arith.muli %add3A_546, %mul3A_689 : i32
        %dma_start3A_691 = tpu.memref_slice %arg5[%mul3A_690] : memref<6656xi32, #tpu.memory_space<vmem>> -> memref<128xi32, #tpu.memory_space<vmem>>
        %dma_start3A_692 = arith.constant 0 : i32
        %dma_start3A_693 = arith.constant 0 : i32
        %dma_start3A_694 = tpu.memref_slice %arg2[%dma_start3A_692, %dma_start3A_693] : memref<2600000x128xf32, #tpu.memory_space<hbm>> -> memref<2600000x128xf32, #tpu.memory_space<hbm>>
        tpu.enqueue_indirect_dma source(%dma_start3A_694 : memref<2600000x128xf32, #tpu.memory_space<hbm>>) target(%arg9 : memref<128x128xf32, #tpu.memory_space<vmem>>) offsets(%dma_start3A_691 : memref<128xi32, #tpu.memory_space<vmem>>) semaphore(%arg15 : memref<!tpu.dma_semaphore, #tpu.memory_space<semaphore_mem>>)
      } else {
      }
      %add3A_557 = arith.constant 4 : i32
      %add3A_558 = arith.addi %mul3A_461, %add3A_557 : i32
      %add3A_559 = arith.constant 6 : i32
      %add3A_560 = arith.addi %add3A_558, %add3A_559 : i32
      %lt3A_561 = arith.constant 52 : i32
      %lt3A_562 = arith.cmpi slt, %add3A_558, %lt3A_561 : i32
      %convert_element_type3A_563 = arith.extui %lt3A_562 : i1 to i32
      %cond3A_564 = arith.constant 0 : i32
      %cond3A_565 = arith.cmpi ne, %convert_element_type3A_563, %cond3A_564 : i32
      scf.if %cond3A_565 {
        %mul3A_585 = arith.constant 128 : i32
        %mul3A_586 = arith.muli %add3A_558, %mul3A_585 : i32
        %add3A_587 = arith.addi %mul3A_2, %mul3A_586 : i32
        %dma_wait3A = arith.constant 0 : i32
        %dma_wait3A_588 = tpu.memref_slice %arg4[%add3A_587, %dma_wait3A] : memref<212992x128xf32, #tpu.memory_space<hbm>> -> memref<128x128xf32, #tpu.memory_space<hbm>>
        %dma_wait3A_589 = arith.constant 0 : i32
        %dma_wait3A_590 = tpu.memref_slice %arg4[%add3A_587, %dma_wait3A_589] : memref<212992x128xf32, #tpu.memory_space<hbm>> -> memref<128x128xf32, #tpu.memory_space<hbm>>
        tpu.wait_dma2 semaphore(%arg22 : memref<!tpu.dma_semaphore, #tpu.memory_space<semaphore_mem>>) src(%arg10 : memref<128x128xf32, #tpu.memory_space<vmem>>) dst(%dma_wait3A_590 : memref<128x128xf32, #tpu.memory_space<hbm>>)
      } else {
      }
      %lt3A_566 = arith.constant 52 : i32
      %lt3A_567 = arith.cmpi slt, %add3A_560, %lt3A_566 : i32
      %convert_element_type3A_568 = arith.extui %lt3A_567 : i1 to i32
      %cond3A_569 = arith.constant 0 : i32
      %cond3A_570 = arith.cmpi ne, %convert_element_type3A_568, %cond3A_569 : i32
      scf.if %cond3A_570 {
        %mul3A_585 = arith.constant 128 : i32
        %mul3A_586 = arith.muli %add3A_560, %mul3A_585 : i32
        %add3A_587 = arith.addi %mul3A_2, %mul3A_586 : i32
        %shift_right_logical3A_588 = arith.constant 13 : i32
        %shift_right_logical3A_589 = arith.shrui %add3A_587, %shift_right_logical3A_588 : i32
        %mul3A_590 = arith.constant 100000 : i32
        %mul3A_591 = arith.muli %shift_right_logical3A_589, %mul3A_590 : i32
        %broadcast_in_dim3A_592 = vector.broadcast %mul3A_591 : i32 to vector<16xi32>
        %mul3A_593 = arith.constant 128 : i32
        %mul3A_594 = arith.muli %add3A_560, %mul3A_593 : i32
        %add3A_595 = arith.constant 0 : i32
        %add3A_596 = arith.addi %mul3A_594, %add3A_595 : i32
        %get3A_597 = arith.index_cast %add3A_596 : i32 to index
        %get3A_598 = tpu.vector_load %arg5[%get3A_597] {strides = array<i32>} : memref<6656xi32, #tpu.memory_space<vmem>>, vector<16xi32>,
        %get3A_599 = vector.shape_cast %get3A_598 : vector<16xi32> to vector<16xi32>
        %add3A_600 = arith.addi %get3A_599, %broadcast_in_dim3A_592 : vector<16xi32>
        %swap3A_601 = arith.index_cast %add3A_596 : i32 to index
        %swap3A_602 = tpu.vector_load %arg5[%swap3A_601] {strides = array<i32>} : memref<6656xi32, #tpu.memory_space<vmem>>, vector<16xi32>,
        %swap3A_603 = vector.shape_cast %swap3A_602 : vector<16xi32> to vector<16xi32>
        %swap3A_604 = vector.shape_cast %add3A_600 : vector<16xi32> to vector<16xi32>
        tpu.vector_store %arg5[%swap3A_601], %swap3A_604 {strides = array<i32>} : memref<6656xi32, #tpu.memory_space<vmem>>, vector<16xi32>,
        %mul3A_605 = arith.constant 128 : i32
        %mul3A_606 = arith.muli %add3A_560, %mul3A_605 : i32
        %add3A_607 = arith.constant 16 : i32
        %add3A_608 = arith.addi %mul3A_606, %add3A_607 : i32
        %get3A_609 = arith.index_cast %add3A_608 : i32 to index
        %get3A_610 = tpu.vector_load %arg5[%get3A_609] {strides = array<i32>} : memref<6656xi32, #tpu.memory_space<vmem>>, vector<16xi32>,
        %get3A_611 = vector.shape_cast %get3A_610 : vector<16xi32> to vector<16xi32>
        %add3A_612 = arith.addi %get3A_611, %broadcast_in_dim3A_592 : vector<16xi32>
        %swap3A_613 = arith.index_cast %add3A_608 : i32 to index
        %swap3A_614 = tpu.vector_load %arg5[%swap3A_613] {strides = array<i32>} : memref<6656xi32, #tpu.memory_space<vmem>>, vector<16xi32>,
        %swap3A_615 = vector.shape_cast %swap3A_614 : vector<16xi32> to vector<16xi32>
        %swap3A_616 = vector.shape_cast %add3A_612 : vector<16xi32> to vector<16xi32>
        tpu.vector_store %arg5[%swap3A_613], %swap3A_616 {strides = array<i32>} : memref<6656xi32, #tpu.memory_space<vmem>>, vector<16xi32>,
        %mul3A_617 = arith.constant 128 : i32
        %mul3A_618 = arith.muli %add3A_560, %mul3A_617 : i32
        %add3A_619 = arith.constant 32 : i32
        %add3A_620 = arith.addi %mul3A_618, %add3A_619 : i32
        %get3A_621 = arith.index_cast %add3A_620 : i32 to index
        %get3A_622 = tpu.vector_load %arg5[%get3A_621] {strides = array<i32>} : memref<6656xi32, #tpu.memory_space<vmem>>, vector<16xi32>,
        %get3A_623 = vector.shape_cast %get3A_622 : vector<16xi32> to vector<16xi32>
        %add3A_624 = arith.addi %get3A_623, %broadcast_in_dim3A_592 : vector<16xi32>
        %swap3A_625 = arith.index_cast %add3A_620 : i32 to index
        %swap3A_626 = tpu.vector_load %arg5[%swap3A_625] {strides = array<i32>} : memref<6656xi32, #tpu.memory_space<vmem>>, vector<16xi32>,
        %swap3A_627 = vector.shape_cast %swap3A_626 : vector<16xi32> to vector<16xi32>
        %swap3A_628 = vector.shape_cast %add3A_624 : vector<16xi32> to vector<16xi32>
        tpu.vector_store %arg5[%swap3A_625], %swap3A_628 {strides = array<i32>} : memref<6656xi32, #tpu.memory_space<vmem>>, vector<16xi32>,
        %mul3A_629 = arith.constant 128 : i32
        %mul3A_630 = arith.muli %add3A_560, %mul3A_629 : i32
        %add3A_631 = arith.constant 48 : i32
        %add3A_632 = arith.addi %mul3A_630, %add3A_631 : i32
        %get3A_633 = arith.index_cast %add3A_632 : i32 to index
        %get3A_634 = tpu.vector_load %arg5[%get3A_633] {strides = array<i32>} : memref<6656xi32, #tpu.memory_space<vmem>>, vector<16xi32>,
        %get3A_635 = vector.shape_cast %get3A_634 : vector<16xi32> to vector<16xi32>
        %add3A_636 = arith.addi %get3A_635, %broadcast_in_dim3A_592 : vector<16xi32>
        %swap3A_637 = arith.index_cast %add3A_632 : i32 to index
        %swap3A_638 = tpu.vector_load %arg5[%swap3A_637] {strides = array<i32>} : memref<6656xi32, #tpu.memory_space<vmem>>, vector<16xi32>,
        %swap3A_639 = vector.shape_cast %swap3A_638 : vector<16xi32> to vector<16xi32>
        %swap3A_640 = vector.shape_cast %add3A_636 : vector<16xi32> to vector<16xi32>
        tpu.vector_store %arg5[%swap3A_637], %swap3A_640 {strides = array<i32>} : memref<6656xi32, #tpu.memory_space<vmem>>, vector<16xi32>,
        %mul3A_641 = arith.constant 128 : i32
        %mul3A_642 = arith.muli %add3A_560, %mul3A_641 : i32
        %add3A_643 = arith.constant 64 : i32
        %add3A_644 = arith.addi %mul3A_642, %add3A_643 : i32
        %get3A_645 = arith.index_cast %add3A_644 : i32 to index
        %get3A_646 = tpu.vector_load %arg5[%get3A_645] {strides = array<i32>} : memref<6656xi32, #tpu.memory_space<vmem>>, vector<16xi32>,
        %get3A_647 = vector.shape_cast %get3A_646 : vector<16xi32> to vector<16xi32>
        %add3A_648 = arith.addi %get3A_647, %broadcast_in_dim3A_592 : vector<16xi32>
        %swap3A_649 = arith.index_cast %add3A_644 : i32 to index
        %swap3A_650 = tpu.vector_load %arg5[%swap3A_649] {strides = array<i32>} : memref<6656xi32, #tpu.memory_space<vmem>>, vector<16xi32>,
        %swap3A_651 = vector.shape_cast %swap3A_650 : vector<16xi32> to vector<16xi32>
        %swap3A_652 = vector.shape_cast %add3A_648 : vector<16xi32> to vector<16xi32>
        tpu.vector_store %arg5[%swap3A_649], %swap3A_652 {strides = array<i32>} : memref<6656xi32, #tpu.memory_space<vmem>>, vector<16xi32>,
        %mul3A_653 = arith.constant 128 : i32
        %mul3A_654 = arith.muli %add3A_560, %mul3A_653 : i32
        %add3A_655 = arith.constant 80 : i32
        %add3A_656 = arith.addi %mul3A_654, %add3A_655 : i32
        %get3A_657 = arith.index_cast %add3A_656 : i32 to index
        %get3A_658 = tpu.vector_load %arg5[%get3A_657] {strides = array<i32>} : memref<6656xi32, #tpu.memory_space<vmem>>, vector<16xi32>,
        %get3A_659 = vector.shape_cast %get3A_658 : vector<16xi32> to vector<16xi32>
        %add3A_660 = arith.addi %get3A_659, %broadcast_in_dim3A_592 : vector<16xi32>
        %swap3A_661 = arith.index_cast %add3A_656 : i32 to index
        %swap3A_662 = tpu.vector_load %arg5[%swap3A_661] {strides = array<i32>} : memref<6656xi32, #tpu.memory_space<vmem>>, vector<16xi32>,
        %swap3A_663 = vector.shape_cast %swap3A_662 : vector<16xi32> to vector<16xi32>
        %swap3A_664 = vector.shape_cast %add3A_660 : vector<16xi32> to vector<16xi32>
        tpu.vector_store %arg5[%swap3A_661], %swap3A_664 {strides = array<i32>} : memref<6656xi32, #tpu.memory_space<vmem>>, vector<16xi32>,
        %mul3A_665 = arith.constant 128 : i32
        %mul3A_666 = arith.muli %add3A_560, %mul3A_665 : i32
        %add3A_667 = arith.constant 96 : i32
        %add3A_668 = arith.addi %mul3A_666, %add3A_667 : i32
        %get3A_669 = arith.index_cast %add3A_668 : i32 to index
        %get3A_670 = tpu.vector_load %arg5[%get3A_669] {strides = array<i32>} : memref<6656xi32, #tpu.memory_space<vmem>>, vector<16xi32>,
        %get3A_671 = vector.shape_cast %get3A_670 : vector<16xi32> to vector<16xi32>
        %add3A_672 = arith.addi %get3A_671, %broadcast_in_dim3A_592 : vector<16xi32>
        %swap3A_673 = arith.index_cast %add3A_668 : i32 to index
        %swap3A_674 = tpu.vector_load %arg5[%swap3A_673] {strides = array<i32>} : memref<6656xi32, #tpu.memory_space<vmem>>, vector<16xi32>,
        %swap3A_675 = vector.shape_cast %swap3A_674 : vector<16xi32> to vector<16xi32>
        %swap3A_676 = vector.shape_cast %add3A_672 : vector<16xi32> to vector<16xi32>
        tpu.vector_store %arg5[%swap3A_673], %swap3A_676 {strides = array<i32>} : memref<6656xi32, #tpu.memory_space<vmem>>, vector<16xi32>,
        %mul3A_677 = arith.constant 128 : i32
        %mul3A_678 = arith.muli %add3A_560, %mul3A_677 : i32
        %add3A_679 = arith.constant 112 : i32
        %add3A_680 = arith.addi %mul3A_678, %add3A_679 : i32
        %get3A_681 = arith.index_cast %add3A_680 : i32 to index
        %get3A_682 = tpu.vector_load %arg5[%get3A_681] {strides = array<i32>} : memref<6656xi32, #tpu.memory_space<vmem>>, vector<16xi32>,
        %get3A_683 = vector.shape_cast %get3A_682 : vector<16xi32> to vector<16xi32>
        %add3A_684 = arith.addi %get3A_683, %broadcast_in_dim3A_592 : vector<16xi32>
        %swap3A_685 = arith.index_cast %add3A_680 : i32 to index
        %swap3A_686 = tpu.vector_load %arg5[%swap3A_685] {strides = array<i32>} : memref<6656xi32, #tpu.memory_space<vmem>>, vector<16xi32>,
        %swap3A_687 = vector.shape_cast %swap3A_686 : vector<16xi32> to vector<16xi32>
        %swap3A_688 = vector.shape_cast %add3A_684 : vector<16xi32> to vector<16xi32>
        tpu.vector_store %arg5[%swap3A_685], %swap3A_688 {strides = array<i32>} : memref<6656xi32, #tpu.memory_space<vmem>>, vector<16xi32>,
        %mul3A_689 = arith.constant 128 : i32
        %mul3A_690 = arith.muli %add3A_560, %mul3A_689 : i32
        %dma_start3A_691 = tpu.memref_slice %arg5[%mul3A_690] : memref<6656xi32, #tpu.memory_space<vmem>> -> memref<128xi32, #tpu.memory_space<vmem>>
        %dma_start3A_692 = arith.constant 0 : i32
        %dma_start3A_693 = arith.constant 0 : i32
        %dma_start3A_694 = tpu.memref_slice %arg2[%dma_start3A_692, %dma_start3A_693] : memref<2600000x128xf32, #tpu.memory_space<hbm>> -> memref<2600000x128xf32, #tpu.memory_space<hbm>>
        tpu.enqueue_indirect_dma source(%dma_start3A_694 : memref<2600000x128xf32, #tpu.memory_space<hbm>>) target(%arg10 : memref<128x128xf32, #tpu.memory_space<vmem>>) offsets(%dma_start3A_691 : memref<128xi32, #tpu.memory_space<vmem>>) semaphore(%arg16 : memref<!tpu.dma_semaphore, #tpu.memory_space<semaphore_mem>>)
      } else {
      }
      %add3A_571 = arith.constant 5 : i32
      %add3A_572 = arith.addi %mul3A_461, %add3A_571 : i32
      %add3A_573 = arith.constant 6 : i32
      %add3A_574 = arith.addi %add3A_572, %add3A_573 : i32
      %lt3A_575 = arith.constant 52 : i32
      %lt3A_576 = arith.cmpi slt, %add3A_572, %lt3A_575 : i32
      %convert_element_type3A_577 = arith.extui %lt3A_576 : i1 to i32
      %cond3A_578 = arith.constant 0 : i32
      %cond3A_579 = arith.cmpi ne, %convert_element_type3A_577, %cond3A_578 : i32
      scf.if %cond3A_579 {
        %mul3A_585 = arith.constant 128 : i32
        %mul3A_586 = arith.muli %add3A_572, %mul3A_585 : i32
        %add3A_587 = arith.addi %mul3A_2, %mul3A_586 : i32
        %dma_wait3A = arith.constant 0 : i32
        %dma_wait3A_588 = tpu.memref_slice %arg4[%add3A_587, %dma_wait3A] : memref<212992x128xf32, #tpu.memory_space<hbm>> -> memref<128x128xf32, #tpu.memory_space<hbm>>
        %dma_wait3A_589 = arith.constant 0 : i32
        %dma_wait3A_590 = tpu.memref_slice %arg4[%add3A_587, %dma_wait3A_589] : memref<212992x128xf32, #tpu.memory_space<hbm>> -> memref<128x128xf32, #tpu.memory_space<hbm>>
        tpu.wait_dma2 semaphore(%arg23 : memref<!tpu.dma_semaphore, #tpu.memory_space<semaphore_mem>>) src(%arg11 : memref<128x128xf32, #tpu.memory_space<vmem>>) dst(%dma_wait3A_590 : memref<128x128xf32, #tpu.memory_space<hbm>>)
      } else {
      }
      %lt3A_580 = arith.constant 52 : i32
      %lt3A_581 = arith.cmpi slt, %add3A_574, %lt3A_580 : i32
      %convert_element_type3A_582 = arith.extui %lt3A_581 : i1 to i32
      %cond3A_583 = arith.constant 0 : i32
      %cond3A_584 = arith.cmpi ne, %convert_element_type3A_582, %cond3A_583 : i32
      scf.if %cond3A_584 {
        %mul3A_585 = arith.constant 128 : i32
        %mul3A_586 = arith.muli %add3A_574, %mul3A_585 : i32
        %add3A_587 = arith.addi %mul3A_2, %mul3A_586 : i32
        %shift_right_logical3A_588 = arith.constant 13 : i32
        %shift_right_logical3A_589 = arith.shrui %add3A_587, %shift_right_logical3A_588 : i32
        %mul3A_590 = arith.constant 100000 : i32
        %mul3A_591 = arith.muli %shift_right_logical3A_589, %mul3A_590 : i32
        %broadcast_in_dim3A_592 = vector.broadcast %mul3A_591 : i32 to vector<16xi32>
        %mul3A_593 = arith.constant 128 : i32
        %mul3A_594 = arith.muli %add3A_574, %mul3A_593 : i32
        %add3A_595 = arith.constant 0 : i32
        %add3A_596 = arith.addi %mul3A_594, %add3A_595 : i32
        %get3A_597 = arith.index_cast %add3A_596 : i32 to index
        %get3A_598 = tpu.vector_load %arg5[%get3A_597] {strides = array<i32>} : memref<6656xi32, #tpu.memory_space<vmem>>, vector<16xi32>,
        %get3A_599 = vector.shape_cast %get3A_598 : vector<16xi32> to vector<16xi32>
        %add3A_600 = arith.addi %get3A_599, %broadcast_in_dim3A_592 : vector<16xi32>
        %swap3A_601 = arith.index_cast %add3A_596 : i32 to index
        %swap3A_602 = tpu.vector_load %arg5[%swap3A_601] {strides = array<i32>} : memref<6656xi32, #tpu.memory_space<vmem>>, vector<16xi32>,
        %swap3A_603 = vector.shape_cast %swap3A_602 : vector<16xi32> to vector<16xi32>
        %swap3A_604 = vector.shape_cast %add3A_600 : vector<16xi32> to vector<16xi32>
        tpu.vector_store %arg5[%swap3A_601], %swap3A_604 {strides = array<i32>} : memref<6656xi32, #tpu.memory_space<vmem>>, vector<16xi32>,
        %mul3A_605 = arith.constant 128 : i32
        %mul3A_606 = arith.muli %add3A_574, %mul3A_605 : i32
        %add3A_607 = arith.constant 16 : i32
        %add3A_608 = arith.addi %mul3A_606, %add3A_607 : i32
        %get3A_609 = arith.index_cast %add3A_608 : i32 to index
        %get3A_610 = tpu.vector_load %arg5[%get3A_609] {strides = array<i32>} : memref<6656xi32, #tpu.memory_space<vmem>>, vector<16xi32>,
        %get3A_611 = vector.shape_cast %get3A_610 : vector<16xi32> to vector<16xi32>
        %add3A_612 = arith.addi %get3A_611, %broadcast_in_dim3A_592 : vector<16xi32>
        %swap3A_613 = arith.index_cast %add3A_608 : i32 to index
        %swap3A_614 = tpu.vector_load %arg5[%swap3A_613] {strides = array<i32>} : memref<6656xi32, #tpu.memory_space<vmem>>, vector<16xi32>,
        %swap3A_615 = vector.shape_cast %swap3A_614 : vector<16xi32> to vector<16xi32>
        %swap3A_616 = vector.shape_cast %add3A_612 : vector<16xi32> to vector<16xi32>
        tpu.vector_store %arg5[%swap3A_613], %swap3A_616 {strides = array<i32>} : memref<6656xi32, #tpu.memory_space<vmem>>, vector<16xi32>,
        %mul3A_617 = arith.constant 128 : i32
        %mul3A_618 = arith.muli %add3A_574, %mul3A_617 : i32
        %add3A_619 = arith.constant 32 : i32
        %add3A_620 = arith.addi %mul3A_618, %add3A_619 : i32
        %get3A_621 = arith.index_cast %add3A_620 : i32 to index
        %get3A_622 = tpu.vector_load %arg5[%get3A_621] {strides = array<i32>} : memref<6656xi32, #tpu.memory_space<vmem>>, vector<16xi32>,
        %get3A_623 = vector.shape_cast %get3A_622 : vector<16xi32> to vector<16xi32>
        %add3A_624 = arith.addi %get3A_623, %broadcast_in_dim3A_592 : vector<16xi32>
        %swap3A_625 = arith.index_cast %add3A_620 : i32 to index
        %swap3A_626 = tpu.vector_load %arg5[%swap3A_625] {strides = array<i32>} : memref<6656xi32, #tpu.memory_space<vmem>>, vector<16xi32>,
        %swap3A_627 = vector.shape_cast %swap3A_626 : vector<16xi32> to vector<16xi32>
        %swap3A_628 = vector.shape_cast %add3A_624 : vector<16xi32> to vector<16xi32>
        tpu.vector_store %arg5[%swap3A_625], %swap3A_628 {strides = array<i32>} : memref<6656xi32, #tpu.memory_space<vmem>>, vector<16xi32>,
        %mul3A_629 = arith.constant 128 : i32
        %mul3A_630 = arith.muli %add3A_574, %mul3A_629 : i32
        %add3A_631 = arith.constant 48 : i32
        %add3A_632 = arith.addi %mul3A_630, %add3A_631 : i32
        %get3A_633 = arith.index_cast %add3A_632 : i32 to index
        %get3A_634 = tpu.vector_load %arg5[%get3A_633] {strides = array<i32>} : memref<6656xi32, #tpu.memory_space<vmem>>, vector<16xi32>,
        %get3A_635 = vector.shape_cast %get3A_634 : vector<16xi32> to vector<16xi32>
        %add3A_636 = arith.addi %get3A_635, %broadcast_in_dim3A_592 : vector<16xi32>
        %swap3A_637 = arith.index_cast %add3A_632 : i32 to index
        %swap3A_638 = tpu.vector_load %arg5[%swap3A_637] {strides = array<i32>} : memref<6656xi32, #tpu.memory_space<vmem>>, vector<16xi32>,
        %swap3A_639 = vector.shape_cast %swap3A_638 : vector<16xi32> to vector<16xi32>
        %swap3A_640 = vector.shape_cast %add3A_636 : vector<16xi32> to vector<16xi32>
        tpu.vector_store %arg5[%swap3A_637], %swap3A_640 {strides = array<i32>} : memref<6656xi32, #tpu.memory_space<vmem>>, vector<16xi32>,
        %mul3A_641 = arith.constant 128 : i32
        %mul3A_642 = arith.muli %add3A_574, %mul3A_641 : i32
        %add3A_643 = arith.constant 64 : i32
        %add3A_644 = arith.addi %mul3A_642, %add3A_643 : i32
        %get3A_645 = arith.index_cast %add3A_644 : i32 to index
        %get3A_646 = tpu.vector_load %arg5[%get3A_645] {strides = array<i32>} : memref<6656xi32, #tpu.memory_space<vmem>>, vector<16xi32>,
        %get3A_647 = vector.shape_cast %get3A_646 : vector<16xi32> to vector<16xi32>
        %add3A_648 = arith.addi %get3A_647, %broadcast_in_dim3A_592 : vector<16xi32>
        %swap3A_649 = arith.index_cast %add3A_644 : i32 to index
        %swap3A_650 = tpu.vector_load %arg5[%swap3A_649] {strides = array<i32>} : memref<6656xi32, #tpu.memory_space<vmem>>, vector<16xi32>,
        %swap3A_651 = vector.shape_cast %swap3A_650 : vector<16xi32> to vector<16xi32>
        %swap3A_652 = vector.shape_cast %add3A_648 : vector<16xi32> to vector<16xi32>
        tpu.vector_store %arg5[%swap3A_649], %swap3A_652 {strides = array<i32>} : memref<6656xi32, #tpu.memory_space<vmem>>, vector<16xi32>,
        %mul3A_653 = arith.constant 128 : i32
        %mul3A_654 = arith.muli %add3A_574, %mul3A_653 : i32
        %add3A_655 = arith.constant 80 : i32
        %add3A_656 = arith.addi %mul3A_654, %add3A_655 : i32
        %get3A_657 = arith.index_cast %add3A_656 : i32 to index
        %get3A_658 = tpu.vector_load %arg5[%get3A_657] {strides = array<i32>} : memref<6656xi32, #tpu.memory_space<vmem>>, vector<16xi32>,
        %get3A_659 = vector.shape_cast %get3A_658 : vector<16xi32> to vector<16xi32>
        %add3A_660 = arith.addi %get3A_659, %broadcast_in_dim3A_592 : vector<16xi32>
        %swap3A_661 = arith.index_cast %add3A_656 : i32 to index
        %swap3A_662 = tpu.vector_load %arg5[%swap3A_661] {strides = array<i32>} : memref<6656xi32, #tpu.memory_space<vmem>>, vector<16xi32>,
        %swap3A_663 = vector.shape_cast %swap3A_662 : vector<16xi32> to vector<16xi32>
        %swap3A_664 = vector.shape_cast %add3A_660 : vector<16xi32> to vector<16xi32>
        tpu.vector_store %arg5[%swap3A_661], %swap3A_664 {strides = array<i32>} : memref<6656xi32, #tpu.memory_space<vmem>>, vector<16xi32>,
        %mul3A_665 = arith.constant 128 : i32
        %mul3A_666 = arith.muli %add3A_574, %mul3A_665 : i32
        %add3A_667 = arith.constant 96 : i32
        %add3A_668 = arith.addi %mul3A_666, %add3A_667 : i32
        %get3A_669 = arith.index_cast %add3A_668 : i32 to index
        %get3A_670 = tpu.vector_load %arg5[%get3A_669] {strides = array<i32>} : memref<6656xi32, #tpu.memory_space<vmem>>, vector<16xi32>,
        %get3A_671 = vector.shape_cast %get3A_670 : vector<16xi32> to vector<16xi32>
        %add3A_672 = arith.addi %get3A_671, %broadcast_in_dim3A_592 : vector<16xi32>
        %swap3A_673 = arith.index_cast %add3A_668 : i32 to index
        %swap3A_674 = tpu.vector_load %arg5[%swap3A_673] {strides = array<i32>} : memref<6656xi32, #tpu.memory_space<vmem>>, vector<16xi32>,
        %swap3A_675 = vector.shape_cast %swap3A_674 : vector<16xi32> to vector<16xi32>
        %swap3A_676 = vector.shape_cast %add3A_672 : vector<16xi32> to vector<16xi32>
        tpu.vector_store %arg5[%swap3A_673], %swap3A_676 {strides = array<i32>} : memref<6656xi32, #tpu.memory_space<vmem>>, vector<16xi32>,
        %mul3A_677 = arith.constant 128 : i32
        %mul3A_678 = arith.muli %add3A_574, %mul3A_677 : i32
        %add3A_679 = arith.constant 112 : i32
        %add3A_680 = arith.addi %mul3A_678, %add3A_679 : i32
        %get3A_681 = arith.index_cast %add3A_680 : i32 to index
        %get3A_682 = tpu.vector_load %arg5[%get3A_681] {strides = array<i32>} : memref<6656xi32, #tpu.memory_space<vmem>>, vector<16xi32>,
        %get3A_683 = vector.shape_cast %get3A_682 : vector<16xi32> to vector<16xi32>
        %add3A_684 = arith.addi %get3A_683, %broadcast_in_dim3A_592 : vector<16xi32>
        %swap3A_685 = arith.index_cast %add3A_680 : i32 to index
        %swap3A_686 = tpu.vector_load %arg5[%swap3A_685] {strides = array<i32>} : memref<6656xi32, #tpu.memory_space<vmem>>, vector<16xi32>,
        %swap3A_687 = vector.shape_cast %swap3A_686 : vector<16xi32> to vector<16xi32>
        %swap3A_688 = vector.shape_cast %add3A_684 : vector<16xi32> to vector<16xi32>
        tpu.vector_store %arg5[%swap3A_685], %swap3A_688 {strides = array<i32>} : memref<6656xi32, #tpu.memory_space<vmem>>, vector<16xi32>,
        %mul3A_689 = arith.constant 128 : i32
        %mul3A_690 = arith.muli %add3A_574, %mul3A_689 : i32
        %dma_start3A_691 = tpu.memref_slice %arg5[%mul3A_690] : memref<6656xi32, #tpu.memory_space<vmem>> -> memref<128xi32, #tpu.memory_space<vmem>>
        %dma_start3A_692 = arith.constant 0 : i32
        %dma_start3A_693 = arith.constant 0 : i32
        %dma_start3A_694 = tpu.memref_slice %arg2[%dma_start3A_692, %dma_start3A_693] : memref<2600000x128xf32, #tpu.memory_space<hbm>> -> memref<2600000x128xf32, #tpu.memory_space<hbm>>
        tpu.enqueue_indirect_dma source(%dma_start3A_694 : memref<2600000x128xf32, #tpu.memory_space<hbm>>) target(%arg11 : memref<128x128xf32, #tpu.memory_space<vmem>>) offsets(%dma_start3A_691 : memref<128xi32, #tpu.memory_space<vmem>>) semaphore(%arg17 : memref<!tpu.dma_semaphore, #tpu.memory_space<semaphore_mem>>)
      } else {
      }
    }
    %scan3A_458 = arith.constant 9 : i32
    return
  }
}

#map = affine_map<(d0, d1) -> (0, 0)>
#map1 = affine_map<(d0, d1) -> (0)>
module attributes {stable_mosaic.version = 14 : i64} {
  func.func @gather_kernel(%arg0: i32, %arg1: i32, %arg2: memref<2600000x128xf32, #tpu.memory_space<hbm>>, %arg3: memref<212992xi32, #tpu.memory_space<hbm>>, %arg4: memref<212992x128xf32, #tpu.memory_space<hbm>>, %arg5: memref<6656xi32, #tpu.memory_space<vmem>>, %arg6: memref<128x128xf32, #tpu.memory_space<vmem>>, %arg7: memref<128x128xf32, #tpu.memory_space<vmem>>, %arg8: memref<128x128xf32, #tpu.memory_space<vmem>>, %arg9: memref<128x128xf32, #tpu.memory_space<vmem>>, %arg10: memref<128x128xf32, #tpu.memory_space<vmem>>, %arg11: memref<128x128xf32, #tpu.memory_space<vmem>>, %arg12: memref<!tpu.dma_semaphore, #tpu.memory_space<semaphore_mem>>, %arg13: memref<!tpu.dma_semaphore, #tpu.memory_space<semaphore_mem>>, %arg14: memref<!tpu.dma_semaphore, #tpu.memory_space<semaphore_mem>>, %arg15: memref<!tpu.dma_semaphore, #tpu.memory_space<semaphore_mem>>, %arg16: memref<!tpu.dma_semaphore, #tpu.memory_space<semaphore_mem>>, %arg17: memref<!tpu.dma_semaphore, #tpu.memory_space<semaphore_mem>>, %arg18: memref<!tpu.dma_semaphore, #tpu.memory_space<semaphore_mem>>, %arg19: memref<!tpu.dma_semaphore, #tpu.memory_space<semaphore_mem>>, %arg20: memref<!tpu.dma_semaphore, #tpu.memory_space<semaphore_mem>>, %arg21: memref<!tpu.dma_semaphore, #tpu.memory_space<semaphore_mem>>, %arg22: memref<!tpu.dma_semaphore, #tpu.memory_space<semaphore_mem>>, %arg23: memref<!tpu.dma_semaphore, #tpu.memory_space<semaphore_mem>>) attributes {dimension_semantics = [#tpu.dimension_semantics<core_parallel>, #tpu.dimension_semantics<subcore_parallel>], iteration_bounds = array<i64: 2, 16>, scalar_prefetch = 0 : i64, scratch_operands = 19 : i64, tpu.core_type = #tpu.core_type<sc_vector_subcore>, window_params = [{transform_indices = #map}, {transform_indices = #map1}, {transform_indices = #map}]} {
    %mul3A = arith.constant 2 : i32
    %mul3A_0 = arith.muli %arg1, %mul3A : i32
    %add3A = arith.addi %mul3A_0, %arg0 : i32
    %mul3A_1 = arith.constant 6656 : i32
    %mul3A_2 = arith.muli %add3A, %mul3A_1 : i32
    "tpu.region"() ({
      %run_scoped3A = tpu.sem_alloc : memref<!tpu.dma_semaphore, #tpu.memory_space<semaphore_mem>>
      %dma_start3A_459 = tpu.memref_slice %arg3[%mul3A_2] : memref<212992xi32, #tpu.memory_space<hbm>> -> memref<6656xi32, #tpu.memory_space<hbm>>
      %dma_start3A_460 = tpu.memref_slice %arg3[%mul3A_2] : memref<212992xi32, #tpu.memory_space<hbm>> -> memref<6656xi32, #tpu.memory_space<hbm>>
      tpu.enqueue_dma source(%dma_start3A_460 : memref<6656xi32, #tpu.memory_space<hbm>>) target(%arg5 : memref<6656xi32, #tpu.memory_space<vmem>>) target_semaphore(%run_scoped3A : memref<!tpu.dma_semaphore, #tpu.memory_space<semaphore_mem>>)
      %dma_wait3A = tpu.memref_slice %arg3[%mul3A_2] : memref<212992xi32, #tpu.memory_space<hbm>> -> memref<6656xi32, #tpu.memory_space<hbm>>
      %dma_wait3A_461 = tpu.memref_slice %arg3[%mul3A_2] : memref<212992xi32, #tpu.memory_space<hbm>> -> memref<6656xi32, #tpu.memory_space<hbm>>
      tpu.wait_dma2 semaphore(%run_scoped3A : memref<!tpu.dma_semaphore, #tpu.memory_space<semaphore_mem>>) src(%dma_wait3A_461 : memref<6656xi32, #tpu.memory_space<hbm>>) dst(%arg5 : memref<6656xi32, #tpu.memory_space<vmem>>)
      tpu.yield
    }) : () -> ()
    %add3A_3 = arith.constant 0 : i32
    %add3A_4 = arith.addi %mul3A_2, %add3A_3 : i32
    %shift_right_logical3A = arith.constant 13 : i32
    %shift_right_logical3A_5 = arith.shrui %add3A_4, %shift_right_logical3A : i32
    %mul3A_6 = arith.constant 100000 : i32
    %mul3A_7 = arith.muli %shift_right_logical3A_5, %mul3A_6 : i32
    %broadcast_in_dim3A = vector.broadcast %mul3A_7 : i32 to vector<16xi32>
    %get3A = arith.constant 0 : index
    %get3A_8 = tpu.vector_load %arg5[%get3A] {strides = array<i32>} : memref<6656xi32, #tpu.memory_space<vmem>>, vector<16xi32>,
    %get3A_9 = vector.shape_cast %get3A_8 : vector<16xi32> to vector<16xi32>
    %add3A_10 = arith.addi %get3A_9, %broadcast_in_dim3A : vector<16xi32>
    %swap3A = arith.constant 0 : index
    %swap3A_11 = tpu.vector_load %arg5[%swap3A] {strides = array<i32>} : memref<6656xi32, #tpu.memory_space<vmem>>, vector<16xi32>,
    %swap3A_12 = vector.shape_cast %swap3A_11 : vector<16xi32> to vector<16xi32>
    %swap3A_13 = vector.shape_cast %add3A_10 : vector<16xi32> to vector<16xi32>
    tpu.vector_store %arg5[%swap3A], %swap3A_13 {strides = array<i32>} : memref<6656xi32, #tpu.memory_space<vmem>>, vector<16xi32>,
    %get3A_14 = arith.constant 16 : index
    %get3A_15 = tpu.vector_load %arg5[%get3A_14] {strides = array<i32>} : memref<6656xi32, #tpu.memory_space<vmem>>, vector<16xi32>,
    %get3A_16 = vector.shape_cast %get3A_15 : vector<16xi32> to vector<16xi32>
    %add3A_17 = arith.addi %get3A_16, %broadcast_in_dim3A : vector<16xi32>
    %swap3A_18 = arith.constant 16 : index
    %swap3A_19 = tpu.vector_load %arg5[%swap3A_18] {strides = array<i32>} : memref<6656xi32, #tpu.memory_space<vmem>>, vector<16xi32>,
    %swap3A_20 = vector.shape_cast %swap3A_19 : vector<16xi32> to vector<16xi32>
    %swap3A_21 = vector.shape_cast %add3A_17 : vector<16xi32> to vector<16xi32>
    tpu.vector_store %arg5[%swap3A_18], %swap3A_21 {strides = array<i32>} : memref<6656xi32, #tpu.memory_space<vmem>>, vector<16xi32>,
    %get3A_22 = arith.constant 32 : index
    %get3A_23 = tpu.vector_load %arg5[%get3A_22] {strides = array<i32>} : memref<6656xi32, #tpu.memory_space<vmem>>, vector<16xi32>,
    %get3A_24 = vector.shape_cast %get3A_23 : vector<16xi32> to vector<16xi32>
    %add3A_25 = arith.addi %get3A_24, %broadcast_in_dim3A : vector<16xi32>
    %swap3A_26 = arith.constant 32 : index
    %swap3A_27 = tpu.vector_load %arg5[%swap3A_26] {strides = array<i32>} : memref<6656xi32, #tpu.memory_space<vmem>>, vector<16xi32>,
    %swap3A_28 = vector.shape_cast %swap3A_27 : vector<16xi32> to vector<16xi32>
    %swap3A_29 = vector.shape_cast %add3A_25 : vector<16xi32> to vector<16xi32>
    tpu.vector_store %arg5[%swap3A_26], %swap3A_29 {strides = array<i32>} : memref<6656xi32, #tpu.memory_space<vmem>>, vector<16xi32>,
    %get3A_30 = arith.constant 48 : index
    %get3A_31 = tpu.vector_load %arg5[%get3A_30] {strides = array<i32>} : memref<6656xi32, #tpu.memory_space<vmem>>, vector<16xi32>,
    %get3A_32 = vector.shape_cast %get3A_31 : vector<16xi32> to vector<16xi32>
    %add3A_33 = arith.addi %get3A_32, %broadcast_in_dim3A : vector<16xi32>
    %swap3A_34 = arith.constant 48 : index
    %swap3A_35 = tpu.vector_load %arg5[%swap3A_34] {strides = array<i32>} : memref<6656xi32, #tpu.memory_space<vmem>>, vector<16xi32>,
    %swap3A_36 = vector.shape_cast %swap3A_35 : vector<16xi32> to vector<16xi32>
    %swap3A_37 = vector.shape_cast %add3A_33 : vector<16xi32> to vector<16xi32>
    tpu.vector_store %arg5[%swap3A_34], %swap3A_37 {strides = array<i32>} : memref<6656xi32, #tpu.memory_space<vmem>>, vector<16xi32>,
    %get3A_38 = arith.constant 64 : index
    %get3A_39 = tpu.vector_load %arg5[%get3A_38] {strides = array<i32>} : memref<6656xi32, #tpu.memory_space<vmem>>, vector<16xi32>,
    %get3A_40 = vector.shape_cast %get3A_39 : vector<16xi32> to vector<16xi32>
    %add3A_41 = arith.addi %get3A_40, %broadcast_in_dim3A : vector<16xi32>
    %swap3A_42 = arith.constant 64 : index
    %swap3A_43 = tpu.vector_load %arg5[%swap3A_42] {strides = array<i32>} : memref<6656xi32, #tpu.memory_space<vmem>>, vector<16xi32>,
    %swap3A_44 = vector.shape_cast %swap3A_43 : vector<16xi32> to vector<16xi32>
    %swap3A_45 = vector.shape_cast %add3A_41 : vector<16xi32> to vector<16xi32>
    tpu.vector_store %arg5[%swap3A_42], %swap3A_45 {strides = array<i32>} : memref<6656xi32, #tpu.memory_space<vmem>>, vector<16xi32>,
    %get3A_46 = arith.constant 80 : index
    %get3A_47 = tpu.vector_load %arg5[%get3A_46] {strides = array<i32>} : memref<6656xi32, #tpu.memory_space<vmem>>, vector<16xi32>,
    %get3A_48 = vector.shape_cast %get3A_47 : vector<16xi32> to vector<16xi32>
    %add3A_49 = arith.addi %get3A_48, %broadcast_in_dim3A : vector<16xi32>
    %swap3A_50 = arith.constant 80 : index
    %swap3A_51 = tpu.vector_load %arg5[%swap3A_50] {strides = array<i32>} : memref<6656xi32, #tpu.memory_space<vmem>>, vector<16xi32>,
    %swap3A_52 = vector.shape_cast %swap3A_51 : vector<16xi32> to vector<16xi32>
    %swap3A_53 = vector.shape_cast %add3A_49 : vector<16xi32> to vector<16xi32>
    tpu.vector_store %arg5[%swap3A_50], %swap3A_53 {strides = array<i32>} : memref<6656xi32, #tpu.memory_space<vmem>>, vector<16xi32>,
    %get3A_54 = arith.constant 96 : index
    %get3A_55 = tpu.vector_load %arg5[%get3A_54] {strides = array<i32>} : memref<6656xi32, #tpu.memory_space<vmem>>, vector<16xi32>,
    %get3A_56 = vector.shape_cast %get3A_55 : vector<16xi32> to vector<16xi32>
    %add3A_57 = arith.addi %get3A_56, %broadcast_in_dim3A : vector<16xi32>
    %swap3A_58 = arith.constant 96 : index
    %swap3A_59 = tpu.vector_load %arg5[%swap3A_58] {strides = array<i32>} : memref<6656xi32, #tpu.memory_space<vmem>>, vector<16xi32>,
    %swap3A_60 = vector.shape_cast %swap3A_59 : vector<16xi32> to vector<16xi32>
    %swap3A_61 = vector.shape_cast %add3A_57 : vector<16xi32> to vector<16xi32>
    tpu.vector_store %arg5[%swap3A_58], %swap3A_61 {strides = array<i32>} : memref<6656xi32, #tpu.memory_space<vmem>>, vector<16xi32>,
    %get3A_62 = arith.constant 112 : index
    %get3A_63 = tpu.vector_load %arg5[%get3A_62] {strides = array<i32>} : memref<6656xi32, #tpu.memory_space<vmem>>, vector<16xi32>,
    %get3A_64 = vector.shape_cast %get3A_63 : vector<16xi32> to vector<16xi32>
    %add3A_65 = arith.addi %get3A_64, %broadcast_in_dim3A : vector<16xi32>
    %swap3A_66 = arith.constant 112 : index
    %swap3A_67 = tpu.vector_load %arg5[%swap3A_66] {strides = array<i32>} : memref<6656xi32, #tpu.memory_space<vmem>>, vector<16xi32>,
    %swap3A_68 = vector.shape_cast %swap3A_67 : vector<16xi32> to vector<16xi32>
    %swap3A_69 = vector.shape_cast %add3A_65 : vector<16xi32> to vector<16xi32>
    tpu.vector_store %arg5[%swap3A_66], %swap3A_69 {strides = array<i32>} : memref<6656xi32, #tpu.memory_space<vmem>>, vector<16xi32>,
    %dma_start3A = arith.constant 0 : i32
    %dma_start3A_70 = tpu.memref_slice %arg5[%dma_start3A] : memref<6656xi32, #tpu.memory_space<vmem>> -> memref<128xi32, #tpu.memory_space<vmem>>
    %dma_start3A_71 = arith.constant 0 : i32
    %dma_start3A_72 = arith.constant 0 : i32
    %dma_start3A_73 = tpu.memref_slice %arg2[%dma_start3A_71, %dma_start3A_72] : memref<2600000x128xf32, #tpu.memory_space<hbm>> -> memref<2600000x128xf32, #tpu.memory_space<hbm>>
    tpu.enqueue_indirect_dma source(%dma_start3A_73 : memref<2600000x128xf32, #tpu.memory_space<hbm>>) target(%arg6 : memref<128x128xf32, #tpu.memory_space<vmem>>) offsets(%dma_start3A_70 : memref<128xi32, #tpu.memory_space<vmem>>) semaphore(%arg12 : memref<!tpu.dma_semaphore, #tpu.memory_space<semaphore_mem>>)
    %add3A_74 = arith.constant 128 : i32
    %add3A_75 = arith.addi %mul3A_2, %add3A_74 : i32
    %shift_right_logical3A_76 = arith.constant 13 : i32
    %shift_right_logical3A_77 = arith.shrui %add3A_75, %shift_right_logical3A_76 : i32
    %mul3A_78 = arith.constant 100000 : i32
    %mul3A_79 = arith.muli %shift_right_logical3A_77, %mul3A_78 : i32
    %broadcast_in_dim3A_80 = vector.broadcast %mul3A_79 : i32 to vector<16xi32>
    %get3A_81 = arith.constant 128 : index
    %get3A_82 = tpu.vector_load %arg5[%get3A_81] {strides = array<i32>} : memref<6656xi32, #tpu.memory_space<vmem>>, vector<16xi32>,
    %get3A_83 = vector.shape_cast %get3A_82 : vector<16xi32> to vector<16xi32>
    %add3A_84 = arith.addi %get3A_83, %broadcast_in_dim3A_80 : vector<16xi32>
    %swap3A_85 = arith.constant 128 : index
    %swap3A_86 = tpu.vector_load %arg5[%swap3A_85] {strides = array<i32>} : memref<6656xi32, #tpu.memory_space<vmem>>, vector<16xi32>,
    %swap3A_87 = vector.shape_cast %swap3A_86 : vector<16xi32> to vector<16xi32>
    %swap3A_88 = vector.shape_cast %add3A_84 : vector<16xi32> to vector<16xi32>
    tpu.vector_store %arg5[%swap3A_85], %swap3A_88 {strides = array<i32>} : memref<6656xi32, #tpu.memory_space<vmem>>, vector<16xi32>,
    %get3A_89 = arith.constant 144 : index
    %get3A_90 = tpu.vector_load %arg5[%get3A_89] {strides = array<i32>} : memref<6656xi32, #tpu.memory_space<vmem>>, vector<16xi32>,
    %get3A_91 = vector.shape_cast %get3A_90 : vector<16xi32> to vector<16xi32>
    %add3A_92 = arith.addi %get3A_91, %broadcast_in_dim3A_80 : vector<16xi32>
    %swap3A_93 = arith.constant 144 : index
    %swap3A_94 = tpu.vector_load %arg5[%swap3A_93] {strides = array<i32>} : memref<6656xi32, #tpu.memory_space<vmem>>, vector<16xi32>,
    %swap3A_95 = vector.shape_cast %swap3A_94 : vector<16xi32> to vector<16xi32>
    %swap3A_96 = vector.shape_cast %add3A_92 : vector<16xi32> to vector<16xi32>
    tpu.vector_store %arg5[%swap3A_93], %swap3A_96 {strides = array<i32>} : memref<6656xi32, #tpu.memory_space<vmem>>, vector<16xi32>,
    %get3A_97 = arith.constant 160 : index
    %get3A_98 = tpu.vector_load %arg5[%get3A_97] {strides = array<i32>} : memref<6656xi32, #tpu.memory_space<vmem>>, vector<16xi32>,
    %get3A_99 = vector.shape_cast %get3A_98 : vector<16xi32> to vector<16xi32>
    %add3A_100 = arith.addi %get3A_99, %broadcast_in_dim3A_80 : vector<16xi32>
    %swap3A_101 = arith.constant 160 : index
    %swap3A_102 = tpu.vector_load %arg5[%swap3A_101] {strides = array<i32>} : memref<6656xi32, #tpu.memory_space<vmem>>, vector<16xi32>,
    %swap3A_103 = vector.shape_cast %swap3A_102 : vector<16xi32> to vector<16xi32>
    %swap3A_104 = vector.shape_cast %add3A_100 : vector<16xi32> to vector<16xi32>
    tpu.vector_store %arg5[%swap3A_101], %swap3A_104 {strides = array<i32>} : memref<6656xi32, #tpu.memory_space<vmem>>, vector<16xi32>,
    %get3A_105 = arith.constant 176 : index
    %get3A_106 = tpu.vector_load %arg5[%get3A_105] {strides = array<i32>} : memref<6656xi32, #tpu.memory_space<vmem>>, vector<16xi32>,
    %get3A_107 = vector.shape_cast %get3A_106 : vector<16xi32> to vector<16xi32>
    %add3A_108 = arith.addi %get3A_107, %broadcast_in_dim3A_80 : vector<16xi32>
    %swap3A_109 = arith.constant 176 : index
    %swap3A_110 = tpu.vector_load %arg5[%swap3A_109] {strides = array<i32>} : memref<6656xi32, #tpu.memory_space<vmem>>, vector<16xi32>,
    %swap3A_111 = vector.shape_cast %swap3A_110 : vector<16xi32> to vector<16xi32>
    %swap3A_112 = vector.shape_cast %add3A_108 : vector<16xi32> to vector<16xi32>
    tpu.vector_store %arg5[%swap3A_109], %swap3A_112 {strides = array<i32>} : memref<6656xi32, #tpu.memory_space<vmem>>, vector<16xi32>,
    %get3A_113 = arith.constant 192 : index
    %get3A_114 = tpu.vector_load %arg5[%get3A_113] {strides = array<i32>} : memref<6656xi32, #tpu.memory_space<vmem>>, vector<16xi32>,
    %get3A_115 = vector.shape_cast %get3A_114 : vector<16xi32> to vector<16xi32>
    %add3A_116 = arith.addi %get3A_115, %broadcast_in_dim3A_80 : vector<16xi32>
    %swap3A_117 = arith.constant 192 : index
    %swap3A_118 = tpu.vector_load %arg5[%swap3A_117] {strides = array<i32>} : memref<6656xi32, #tpu.memory_space<vmem>>, vector<16xi32>,
    %swap3A_119 = vector.shape_cast %swap3A_118 : vector<16xi32> to vector<16xi32>
    %swap3A_120 = vector.shape_cast %add3A_116 : vector<16xi32> to vector<16xi32>
    tpu.vector_store %arg5[%swap3A_117], %swap3A_120 {strides = array<i32>} : memref<6656xi32, #tpu.memory_space<vmem>>, vector<16xi32>,
    %get3A_121 = arith.constant 208 : index
    %get3A_122 = tpu.vector_load %arg5[%get3A_121] {strides = array<i32>} : memref<6656xi32, #tpu.memory_space<vmem>>, vector<16xi32>,
    %get3A_123 = vector.shape_cast %get3A_122 : vector<16xi32> to vector<16xi32>
    %add3A_124 = arith.addi %get3A_123, %broadcast_in_dim3A_80 : vector<16xi32>
    %swap3A_125 = arith.constant 208 : index
    %swap3A_126 = tpu.vector_load %arg5[%swap3A_125] {strides = array<i32>} : memref<6656xi32, #tpu.memory_space<vmem>>, vector<16xi32>,
    %swap3A_127 = vector.shape_cast %swap3A_126 : vector<16xi32> to vector<16xi32>
    %swap3A_128 = vector.shape_cast %add3A_124 : vector<16xi32> to vector<16xi32>
    tpu.vector_store %arg5[%swap3A_125], %swap3A_128 {strides = array<i32>} : memref<6656xi32, #tpu.memory_space<vmem>>, vector<16xi32>,
    %get3A_129 = arith.constant 224 : index
    %get3A_130 = tpu.vector_load %arg5[%get3A_129] {strides = array<i32>} : memref<6656xi32, #tpu.memory_space<vmem>>, vector<16xi32>,
    %get3A_131 = vector.shape_cast %get3A_130 : vector<16xi32> to vector<16xi32>
    %add3A_132 = arith.addi %get3A_131, %broadcast_in_dim3A_80 : vector<16xi32>
    %swap3A_133 = arith.constant 224 : index
    %swap3A_134 = tpu.vector_load %arg5[%swap3A_133] {strides = array<i32>} : memref<6656xi32, #tpu.memory_space<vmem>>, vector<16xi32>,
    %swap3A_135 = vector.shape_cast %swap3A_134 : vector<16xi32> to vector<16xi32>
    %swap3A_136 = vector.shape_cast %add3A_132 : vector<16xi32> to vector<16xi32>
    tpu.vector_store %arg5[%swap3A_133], %swap3A_136 {strides = array<i32>} : memref<6656xi32, #tpu.memory_space<vmem>>, vector<16xi32>,
    %get3A_137 = arith.constant 240 : index
    %get3A_138 = tpu.vector_load %arg5[%get3A_137] {strides = array<i32>} : memref<6656xi32, #tpu.memory_space<vmem>>, vector<16xi32>,
    %get3A_139 = vector.shape_cast %get3A_138 : vector<16xi32> to vector<16xi32>
    %add3A_140 = arith.addi %get3A_139, %broadcast_in_dim3A_80 : vector<16xi32>
    %swap3A_141 = arith.constant 240 : index
    %swap3A_142 = tpu.vector_load %arg5[%swap3A_141] {strides = array<i32>} : memref<6656xi32, #tpu.memory_space<vmem>>, vector<16xi32>,
    %swap3A_143 = vector.shape_cast %swap3A_142 : vector<16xi32> to vector<16xi32>
    %swap3A_144 = vector.shape_cast %add3A_140 : vector<16xi32> to vector<16xi32>
    tpu.vector_store %arg5[%swap3A_141], %swap3A_144 {strides = array<i32>} : memref<6656xi32, #tpu.memory_space<vmem>>, vector<16xi32>,
    %dma_start3A_145 = arith.constant 128 : i32
    %dma_start3A_146 = tpu.memref_slice %arg5[%dma_start3A_145] : memref<6656xi32, #tpu.memory_space<vmem>> -> memref<128xi32, #tpu.memory_space<vmem>>
    %dma_start3A_147 = arith.constant 0 : i32
    %dma_start3A_148 = arith.constant 0 : i32
    %dma_start3A_149 = tpu.memref_slice %arg2[%dma_start3A_147, %dma_start3A_148] : memref<2600000x128xf32, #tpu.memory_space<hbm>> -> memref<2600000x128xf32, #tpu.memory_space<hbm>>
    tpu.enqueue_indirect_dma source(%dma_start3A_149 : memref<2600000x128xf32, #tpu.memory_space<hbm>>) target(%arg7 : memref<128x128xf32, #tpu.memory_space<vmem>>) offsets(%dma_start3A_146 : memref<128xi32, #tpu.memory_space<vmem>>) semaphore(%arg13 : memref<!tpu.dma_semaphore, #tpu.memory_space<semaphore_mem>>)
    %add3A_150 = arith.constant 256 : i32
    %add3A_151 = arith.addi %mul3A_2, %add3A_150 : i32
    %shift_right_logical3A_152 = arith.constant 13 : i32
    %shift_right_logical3A_153 = arith.shrui %add3A_151, %shift_right_logical3A_152 : i32
    %mul3A_154 = arith.constant 100000 : i32
    %mul3A_155 = arith.muli %shift_right_logical3A_153, %mul3A_154 : i32
    %broadcast_in_dim3A_156 = vector.broadcast %mul3A_155 : i32 to vector<16xi32>
    %get3A_157 = arith.constant 256 : index
    %get3A_158 = tpu.vector_load %arg5[%get3A_157] {strides = array<i32>} : memref<6656xi32, #tpu.memory_space<vmem>>, vector<16xi32>,
    %get3A_159 = vector.shape_cast %get3A_158 : vector<16xi32> to vector<16xi32>
    %add3A_160 = arith.addi %get3A_159, %broadcast_in_dim3A_156 : vector<16xi32>
    %swap3A_161 = arith.constant 256 : index
    %swap3A_162 = tpu.vector_load %arg5[%swap3A_161] {strides = array<i32>} : memref<6656xi32, #tpu.memory_space<vmem>>, vector<16xi32>,
    %swap3A_163 = vector.shape_cast %swap3A_162 : vector<16xi32> to vector<16xi32>
    %swap3A_164 = vector.shape_cast %add3A_160 : vector<16xi32> to vector<16xi32>
    tpu.vector_store %arg5[%swap3A_161], %swap3A_164 {strides = array<i32>} : memref<6656xi32, #tpu.memory_space<vmem>>, vector<16xi32>,
    %get3A_165 = arith.constant 272 : index
    %get3A_166 = tpu.vector_load %arg5[%get3A_165] {strides = array<i32>} : memref<6656xi32, #tpu.memory_space<vmem>>, vector<16xi32>,
    %get3A_167 = vector.shape_cast %get3A_166 : vector<16xi32> to vector<16xi32>
    %add3A_168 = arith.addi %get3A_167, %broadcast_in_dim3A_156 : vector<16xi32>
    %swap3A_169 = arith.constant 272 : index
    %swap3A_170 = tpu.vector_load %arg5[%swap3A_169] {strides = array<i32>} : memref<6656xi32, #tpu.memory_space<vmem>>, vector<16xi32>,
    %swap3A_171 = vector.shape_cast %swap3A_170 : vector<16xi32> to vector<16xi32>
    %swap3A_172 = vector.shape_cast %add3A_168 : vector<16xi32> to vector<16xi32>
    tpu.vector_store %arg5[%swap3A_169], %swap3A_172 {strides = array<i32>} : memref<6656xi32, #tpu.memory_space<vmem>>, vector<16xi32>,
    %get3A_173 = arith.constant 288 : index
    %get3A_174 = tpu.vector_load %arg5[%get3A_173] {strides = array<i32>} : memref<6656xi32, #tpu.memory_space<vmem>>, vector<16xi32>,
    %get3A_175 = vector.shape_cast %get3A_174 : vector<16xi32> to vector<16xi32>
    %add3A_176 = arith.addi %get3A_175, %broadcast_in_dim3A_156 : vector<16xi32>
    %swap3A_177 = arith.constant 288 : index
    %swap3A_178 = tpu.vector_load %arg5[%swap3A_177] {strides = array<i32>} : memref<6656xi32, #tpu.memory_space<vmem>>, vector<16xi32>,
    %swap3A_179 = vector.shape_cast %swap3A_178 : vector<16xi32> to vector<16xi32>
    %swap3A_180 = vector.shape_cast %add3A_176 : vector<16xi32> to vector<16xi32>
    tpu.vector_store %arg5[%swap3A_177], %swap3A_180 {strides = array<i32>} : memref<6656xi32, #tpu.memory_space<vmem>>, vector<16xi32>,
    %get3A_181 = arith.constant 304 : index
    %get3A_182 = tpu.vector_load %arg5[%get3A_181] {strides = array<i32>} : memref<6656xi32, #tpu.memory_space<vmem>>, vector<16xi32>,
    %get3A_183 = vector.shape_cast %get3A_182 : vector<16xi32> to vector<16xi32>
    %add3A_184 = arith.addi %get3A_183, %broadcast_in_dim3A_156 : vector<16xi32>
    %swap3A_185 = arith.constant 304 : index
    %swap3A_186 = tpu.vector_load %arg5[%swap3A_185] {strides = array<i32>} : memref<6656xi32, #tpu.memory_space<vmem>>, vector<16xi32>,
    %swap3A_187 = vector.shape_cast %swap3A_186 : vector<16xi32> to vector<16xi32>
    %swap3A_188 = vector.shape_cast %add3A_184 : vector<16xi32> to vector<16xi32>
    tpu.vector_store %arg5[%swap3A_185], %swap3A_188 {strides = array<i32>} : memref<6656xi32, #tpu.memory_space<vmem>>, vector<16xi32>,
    %get3A_189 = arith.constant 320 : index
    %get3A_190 = tpu.vector_load %arg5[%get3A_189] {strides = array<i32>} : memref<6656xi32, #tpu.memory_space<vmem>>, vector<16xi32>,
    %get3A_191 = vector.shape_cast %get3A_190 : vector<16xi32> to vector<16xi32>
    %add3A_192 = arith.addi %get3A_191, %broadcast_in_dim3A_156 : vector<16xi32>
    %swap3A_193 = arith.constant 320 : index
    %swap3A_194 = tpu.vector_load %arg5[%swap3A_193] {strides = array<i32>} : memref<6656xi32, #tpu.memory_space<vmem>>, vector<16xi32>,
    %swap3A_195 = vector.shape_cast %swap3A_194 : vector<16xi32> to vector<16xi32>
    %swap3A_196 = vector.shape_cast %add3A_192 : vector<16xi32> to vector<16xi32>
    tpu.vector_store %arg5[%swap3A_193], %swap3A_196 {strides = array<i32>} : memref<6656xi32, #tpu.memory_space<vmem>>, vector<16xi32>,
    %get3A_197 = arith.constant 336 : index
    %get3A_198 = tpu.vector_load %arg5[%get3A_197] {strides = array<i32>} : memref<6656xi32, #tpu.memory_space<vmem>>, vector<16xi32>,
    %get3A_199 = vector.shape_cast %get3A_198 : vector<16xi32> to vector<16xi32>
    %add3A_200 = arith.addi %get3A_199, %broadcast_in_dim3A_156 : vector<16xi32>
    %swap3A_201 = arith.constant 336 : index
    %swap3A_202 = tpu.vector_load %arg5[%swap3A_201] {strides = array<i32>} : memref<6656xi32, #tpu.memory_space<vmem>>, vector<16xi32>,
    %swap3A_203 = vector.shape_cast %swap3A_202 : vector<16xi32> to vector<16xi32>
    %swap3A_204 = vector.shape_cast %add3A_200 : vector<16xi32> to vector<16xi32>
    tpu.vector_store %arg5[%swap3A_201], %swap3A_204 {strides = array<i32>} : memref<6656xi32, #tpu.memory_space<vmem>>, vector<16xi32>,
    %get3A_205 = arith.constant 352 : index
    %get3A_206 = tpu.vector_load %arg5[%get3A_205] {strides = array<i32>} : memref<6656xi32, #tpu.memory_space<vmem>>, vector<16xi32>,
    %get3A_207 = vector.shape_cast %get3A_206 : vector<16xi32> to vector<16xi32>
    %add3A_208 = arith.addi %get3A_207, %broadcast_in_dim3A_156 : vector<16xi32>
    %swap3A_209 = arith.constant 352 : index
    %swap3A_210 = tpu.vector_load %arg5[%swap3A_209] {strides = array<i32>} : memref<6656xi32, #tpu.memory_space<vmem>>, vector<16xi32>,
    %swap3A_211 = vector.shape_cast %swap3A_210 : vector<16xi32> to vector<16xi32>
    %swap3A_212 = vector.shape_cast %add3A_208 : vector<16xi32> to vector<16xi32>
    tpu.vector_store %arg5[%swap3A_209], %swap3A_212 {strides = array<i32>} : memref<6656xi32, #tpu.memory_space<vmem>>, vector<16xi32>,
    %get3A_213 = arith.constant 368 : index
    %get3A_214 = tpu.vector_load %arg5[%get3A_213] {strides = array<i32>} : memref<6656xi32, #tpu.memory_space<vmem>>, vector<16xi32>,
    %get3A_215 = vector.shape_cast %get3A_214 : vector<16xi32> to vector<16xi32>
    %add3A_216 = arith.addi %get3A_215, %broadcast_in_dim3A_156 : vector<16xi32>
    %swap3A_217 = arith.constant 368 : index
    %swap3A_218 = tpu.vector_load %arg5[%swap3A_217] {strides = array<i32>} : memref<6656xi32, #tpu.memory_space<vmem>>, vector<16xi32>,
    %swap3A_219 = vector.shape_cast %swap3A_218 : vector<16xi32> to vector<16xi32>
    %swap3A_220 = vector.shape_cast %add3A_216 : vector<16xi32> to vector<16xi32>
    tpu.vector_store %arg5[%swap3A_217], %swap3A_220 {strides = array<i32>} : memref<6656xi32, #tpu.memory_space<vmem>>, vector<16xi32>,
    %dma_start3A_221 = arith.constant 256 : i32
    %dma_start3A_222 = tpu.memref_slice %arg5[%dma_start3A_221] : memref<6656xi32, #tpu.memory_space<vmem>> -> memref<128xi32, #tpu.memory_space<vmem>>
    %dma_start3A_223 = arith.constant 0 : i32
    %dma_start3A_224 = arith.constant 0 : i32
    %dma_start3A_225 = tpu.memref_slice %arg2[%dma_start3A_223, %dma_start3A_224] : memref<2600000x128xf32, #tpu.memory_space<hbm>> -> memref<2600000x128xf32, #tpu.memory_space<hbm>>
    tpu.enqueue_indirect_dma source(%dma_start3A_225 : memref<2600000x128xf32, #tpu.memory_space<hbm>>) target(%arg8 : memref<128x128xf32, #tpu.memory_space<vmem>>) offsets(%dma_start3A_222 : memref<128xi32, #tpu.memory_space<vmem>>) semaphore(%arg14 : memref<!tpu.dma_semaphore, #tpu.memory_space<semaphore_mem>>)
    %add3A_226 = arith.constant 384 : i32
    %add3A_227 = arith.addi %mul3A_2, %add3A_226 : i32
    %shift_right_logical3A_228 = arith.constant 13 : i32
    %shift_right_logical3A_229 = arith.shrui %add3A_227, %shift_right_logical3A_228 : i32
    %mul3A_230 = arith.constant 100000 : i32
    %mul3A_231 = arith.muli %shift_right_logical3A_229, %mul3A_230 : i32
    %broadcast_in_dim3A_232 = vector.broadcast %mul3A_231 : i32 to vector<16xi32>
    %get3A_233 = arith.constant 384 : index
    %get3A_234 = tpu.vector_load %arg5[%get3A_233] {strides = array<i32>} : memref<6656xi32, #tpu.memory_space<vmem>>, vector<16xi32>,
    %get3A_235 = vector.shape_cast %get3A_234 : vector<16xi32> to vector<16xi32>
    %add3A_236 = arith.addi %get3A_235, %broadcast_in_dim3A_232 : vector<16xi32>
    %swap3A_237 = arith.constant 384 : index
    %swap3A_238 = tpu.vector_load %arg5[%swap3A_237] {strides = array<i32>} : memref<6656xi32, #tpu.memory_space<vmem>>, vector<16xi32>,
    %swap3A_239 = vector.shape_cast %swap3A_238 : vector<16xi32> to vector<16xi32>
    %swap3A_240 = vector.shape_cast %add3A_236 : vector<16xi32> to vector<16xi32>
    tpu.vector_store %arg5[%swap3A_237], %swap3A_240 {strides = array<i32>} : memref<6656xi32, #tpu.memory_space<vmem>>, vector<16xi32>,
    %get3A_241 = arith.constant 400 : index
    %get3A_242 = tpu.vector_load %arg5[%get3A_241] {strides = array<i32>} : memref<6656xi32, #tpu.memory_space<vmem>>, vector<16xi32>,
    %get3A_243 = vector.shape_cast %get3A_242 : vector<16xi32> to vector<16xi32>
    %add3A_244 = arith.addi %get3A_243, %broadcast_in_dim3A_232 : vector<16xi32>
    %swap3A_245 = arith.constant 400 : index
    %swap3A_246 = tpu.vector_load %arg5[%swap3A_245] {strides = array<i32>} : memref<6656xi32, #tpu.memory_space<vmem>>, vector<16xi32>,
    %swap3A_247 = vector.shape_cast %swap3A_246 : vector<16xi32> to vector<16xi32>
    %swap3A_248 = vector.shape_cast %add3A_244 : vector<16xi32> to vector<16xi32>
    tpu.vector_store %arg5[%swap3A_245], %swap3A_248 {strides = array<i32>} : memref<6656xi32, #tpu.memory_space<vmem>>, vector<16xi32>,
    %get3A_249 = arith.constant 416 : index
    %get3A_250 = tpu.vector_load %arg5[%get3A_249] {strides = array<i32>} : memref<6656xi32, #tpu.memory_space<vmem>>, vector<16xi32>,
    %get3A_251 = vector.shape_cast %get3A_250 : vector<16xi32> to vector<16xi32>
    %add3A_252 = arith.addi %get3A_251, %broadcast_in_dim3A_232 : vector<16xi32>
    %swap3A_253 = arith.constant 416 : index
    %swap3A_254 = tpu.vector_load %arg5[%swap3A_253] {strides = array<i32>} : memref<6656xi32, #tpu.memory_space<vmem>>, vector<16xi32>,
    %swap3A_255 = vector.shape_cast %swap3A_254 : vector<16xi32> to vector<16xi32>
    %swap3A_256 = vector.shape_cast %add3A_252 : vector<16xi32> to vector<16xi32>
    tpu.vector_store %arg5[%swap3A_253], %swap3A_256 {strides = array<i32>} : memref<6656xi32, #tpu.memory_space<vmem>>, vector<16xi32>,
    %get3A_257 = arith.constant 432 : index
    %get3A_258 = tpu.vector_load %arg5[%get3A_257] {strides = array<i32>} : memref<6656xi32, #tpu.memory_space<vmem>>, vector<16xi32>,
    %get3A_259 = vector.shape_cast %get3A_258 : vector<16xi32> to vector<16xi32>
    %add3A_260 = arith.addi %get3A_259, %broadcast_in_dim3A_232 : vector<16xi32>
    %swap3A_261 = arith.constant 432 : index
    %swap3A_262 = tpu.vector_load %arg5[%swap3A_261] {strides = array<i32>} : memref<6656xi32, #tpu.memory_space<vmem>>, vector<16xi32>,
    %swap3A_263 = vector.shape_cast %swap3A_262 : vector<16xi32> to vector<16xi32>
    %swap3A_264 = vector.shape_cast %add3A_260 : vector<16xi32> to vector<16xi32>
    tpu.vector_store %arg5[%swap3A_261], %swap3A_264 {strides = array<i32>} : memref<6656xi32, #tpu.memory_space<vmem>>, vector<16xi32>,
    %get3A_265 = arith.constant 448 : index
    %get3A_266 = tpu.vector_load %arg5[%get3A_265] {strides = array<i32>} : memref<6656xi32, #tpu.memory_space<vmem>>, vector<16xi32>,
    %get3A_267 = vector.shape_cast %get3A_266 : vector<16xi32> to vector<16xi32>
    %add3A_268 = arith.addi %get3A_267, %broadcast_in_dim3A_232 : vector<16xi32>
    %swap3A_269 = arith.constant 448 : index
    %swap3A_270 = tpu.vector_load %arg5[%swap3A_269] {strides = array<i32>} : memref<6656xi32, #tpu.memory_space<vmem>>, vector<16xi32>,
    %swap3A_271 = vector.shape_cast %swap3A_270 : vector<16xi32> to vector<16xi32>
    %swap3A_272 = vector.shape_cast %add3A_268 : vector<16xi32> to vector<16xi32>
    tpu.vector_store %arg5[%swap3A_269], %swap3A_272 {strides = array<i32>} : memref<6656xi32, #tpu.memory_space<vmem>>, vector<16xi32>,
    %get3A_273 = arith.constant 464 : index
    %get3A_274 = tpu.vector_load %arg5[%get3A_273] {strides = array<i32>} : memref<6656xi32, #tpu.memory_space<vmem>>, vector<16xi32>,
    %get3A_275 = vector.shape_cast %get3A_274 : vector<16xi32> to vector<16xi32>
    %add3A_276 = arith.addi %get3A_275, %broadcast_in_dim3A_232 : vector<16xi32>
    %swap3A_277 = arith.constant 464 : index
    %swap3A_278 = tpu.vector_load %arg5[%swap3A_277] {strides = array<i32>} : memref<6656xi32, #tpu.memory_space<vmem>>, vector<16xi32>,
    %swap3A_279 = vector.shape_cast %swap3A_278 : vector<16xi32> to vector<16xi32>
    %swap3A_280 = vector.shape_cast %add3A_276 : vector<16xi32> to vector<16xi32>
    tpu.vector_store %arg5[%swap3A_277], %swap3A_280 {strides = array<i32>} : memref<6656xi32, #tpu.memory_space<vmem>>, vector<16xi32>,
    %get3A_281 = arith.constant 480 : index
    %get3A_282 = tpu.vector_load %arg5[%get3A_281] {strides = array<i32>} : memref<6656xi32, #tpu.memory_space<vmem>>, vector<16xi32>,
    %get3A_283 = vector.shape_cast %get3A_282 : vector<16xi32> to vector<16xi32>
    %add3A_284 = arith.addi %get3A_283, %broadcast_in_dim3A_232 : vector<16xi32>
    %swap3A_285 = arith.constant 480 : index
    %swap3A_286 = tpu.vector_load %arg5[%swap3A_285] {strides = array<i32>} : memref<6656xi32, #tpu.memory_space<vmem>>, vector<16xi32>,
    %swap3A_287 = vector.shape_cast %swap3A_286 : vector<16xi32> to vector<16xi32>
    %swap3A_288 = vector.shape_cast %add3A_284 : vector<16xi32> to vector<16xi32>
    tpu.vector_store %arg5[%swap3A_285], %swap3A_288 {strides = array<i32>} : memref<6656xi32, #tpu.memory_space<vmem>>, vector<16xi32>,
    %get3A_289 = arith.constant 496 : index
    %get3A_290 = tpu.vector_load %arg5[%get3A_289] {strides = array<i32>} : memref<6656xi32, #tpu.memory_space<vmem>>, vector<16xi32>,
    %get3A_291 = vector.shape_cast %get3A_290 : vector<16xi32> to vector<16xi32>
    %add3A_292 = arith.addi %get3A_291, %broadcast_in_dim3A_232 : vector<16xi32>
    %swap3A_293 = arith.constant 496 : index
    %swap3A_294 = tpu.vector_load %arg5[%swap3A_293] {strides = array<i32>} : memref<6656xi32, #tpu.memory_space<vmem>>, vector<16xi32>,
    %swap3A_295 = vector.shape_cast %swap3A_294 : vector<16xi32> to vector<16xi32>
    %swap3A_296 = vector.shape_cast %add3A_292 : vector<16xi32> to vector<16xi32>
    tpu.vector_store %arg5[%swap3A_293], %swap3A_296 {strides = array<i32>} : memref<6656xi32, #tpu.memory_space<vmem>>, vector<16xi32>,
    %dma_start3A_297 = arith.constant 384 : i32
    %dma_start3A_298 = tpu.memref_slice %arg5[%dma_start3A_297] : memref<6656xi32, #tpu.memory_space<vmem>> -> memref<128xi32, #tpu.memory_space<vmem>>
    %dma_start3A_299 = arith.constant 0 : i32
    %dma_start3A_300 = arith.constant 0 : i32
    %dma_start3A_301 = tpu.memref_slice %arg2[%dma_start3A_299, %dma_start3A_300] : memref<2600000x128xf32, #tpu.memory_space<hbm>> -> memref<2600000x128xf32, #tpu.memory_space<hbm>>
    tpu.enqueue_indirect_dma source(%dma_start3A_301 : memref<2600000x128xf32, #tpu.memory_space<hbm>>) target(%arg9 : memref<128x128xf32, #tpu.memory_space<vmem>>) offsets(%dma_start3A_298 : memref<128xi32, #tpu.memory_space<vmem>>) semaphore(%arg15 : memref<!tpu.dma_semaphore, #tpu.memory_space<semaphore_mem>>)
    %add3A_302 = arith.constant 512 : i32
    %add3A_303 = arith.addi %mul3A_2, %add3A_302 : i32
    %shift_right_logical3A_304 = arith.constant 13 : i32
    %shift_right_logical3A_305 = arith.shrui %add3A_303, %shift_right_logical3A_304 : i32
    %mul3A_306 = arith.constant 100000 : i32
    %mul3A_307 = arith.muli %shift_right_logical3A_305, %mul3A_306 : i32
    %broadcast_in_dim3A_308 = vector.broadcast %mul3A_307 : i32 to vector<16xi32>
    %get3A_309 = arith.constant 512 : index
    %get3A_310 = tpu.vector_load %arg5[%get3A_309] {strides = array<i32>} : memref<6656xi32, #tpu.memory_space<vmem>>, vector<16xi32>,
    %get3A_311 = vector.shape_cast %get3A_310 : vector<16xi32> to vector<16xi32>
    %add3A_312 = arith.addi %get3A_311, %broadcast_in_dim3A_308 : vector<16xi32>
    %swap3A_313 = arith.constant 512 : index
    %swap3A_314 = tpu.vector_load %arg5[%swap3A_313] {strides = array<i32>} : memref<6656xi32, #tpu.memory_space<vmem>>, vector<16xi32>,
    %swap3A_315 = vector.shape_cast %swap3A_314 : vector<16xi32> to vector<16xi32>
    %swap3A_316 = vector.shape_cast %add3A_312 : vector<16xi32> to vector<16xi32>
    tpu.vector_store %arg5[%swap3A_313], %swap3A_316 {strides = array<i32>} : memref<6656xi32, #tpu.memory_space<vmem>>, vector<16xi32>,
    %get3A_317 = arith.constant 528 : index
    %get3A_318 = tpu.vector_load %arg5[%get3A_317] {strides = array<i32>} : memref<6656xi32, #tpu.memory_space<vmem>>, vector<16xi32>,
    %get3A_319 = vector.shape_cast %get3A_318 : vector<16xi32> to vector<16xi32>
    %add3A_320 = arith.addi %get3A_319, %broadcast_in_dim3A_308 : vector<16xi32>
    %swap3A_321 = arith.constant 528 : index
    %swap3A_322 = tpu.vector_load %arg5[%swap3A_321] {strides = array<i32>} : memref<6656xi32, #tpu.memory_space<vmem>>, vector<16xi32>,
    %swap3A_323 = vector.shape_cast %swap3A_322 : vector<16xi32> to vector<16xi32>
    %swap3A_324 = vector.shape_cast %add3A_320 : vector<16xi32> to vector<16xi32>
    tpu.vector_store %arg5[%swap3A_321], %swap3A_324 {strides = array<i32>} : memref<6656xi32, #tpu.memory_space<vmem>>, vector<16xi32>,
    %get3A_325 = arith.constant 544 : index
    %get3A_326 = tpu.vector_load %arg5[%get3A_325] {strides = array<i32>} : memref<6656xi32, #tpu.memory_space<vmem>>, vector<16xi32>,
    %get3A_327 = vector.shape_cast %get3A_326 : vector<16xi32> to vector<16xi32>
    %add3A_328 = arith.addi %get3A_327, %broadcast_in_dim3A_308 : vector<16xi32>
    %swap3A_329 = arith.constant 544 : index
    %swap3A_330 = tpu.vector_load %arg5[%swap3A_329] {strides = array<i32>} : memref<6656xi32, #tpu.memory_space<vmem>>, vector<16xi32>,
    %swap3A_331 = vector.shape_cast %swap3A_330 : vector<16xi32> to vector<16xi32>
    %swap3A_332 = vector.shape_cast %add3A_328 : vector<16xi32> to vector<16xi32>
    tpu.vector_store %arg5[%swap3A_329], %swap3A_332 {strides = array<i32>} : memref<6656xi32, #tpu.memory_space<vmem>>, vector<16xi32>,
    %get3A_333 = arith.constant 560 : index
    %get3A_334 = tpu.vector_load %arg5[%get3A_333] {strides = array<i32>} : memref<6656xi32, #tpu.memory_space<vmem>>, vector<16xi32>,
    %get3A_335 = vector.shape_cast %get3A_334 : vector<16xi32> to vector<16xi32>
    %add3A_336 = arith.addi %get3A_335, %broadcast_in_dim3A_308 : vector<16xi32>
    %swap3A_337 = arith.constant 560 : index
    %swap3A_338 = tpu.vector_load %arg5[%swap3A_337] {strides = array<i32>} : memref<6656xi32, #tpu.memory_space<vmem>>, vector<16xi32>,
    %swap3A_339 = vector.shape_cast %swap3A_338 : vector<16xi32> to vector<16xi32>
    %swap3A_340 = vector.shape_cast %add3A_336 : vector<16xi32> to vector<16xi32>
    tpu.vector_store %arg5[%swap3A_337], %swap3A_340 {strides = array<i32>} : memref<6656xi32, #tpu.memory_space<vmem>>, vector<16xi32>,
    %get3A_341 = arith.constant 576 : index
    %get3A_342 = tpu.vector_load %arg5[%get3A_341] {strides = array<i32>} : memref<6656xi32, #tpu.memory_space<vmem>>, vector<16xi32>,
    %get3A_343 = vector.shape_cast %get3A_342 : vector<16xi32> to vector<16xi32>
    %add3A_344 = arith.addi %get3A_343, %broadcast_in_dim3A_308 : vector<16xi32>
    %swap3A_345 = arith.constant 576 : index
    %swap3A_346 = tpu.vector_load %arg5[%swap3A_345] {strides = array<i32>} : memref<6656xi32, #tpu.memory_space<vmem>>, vector<16xi32>,
    %swap3A_347 = vector.shape_cast %swap3A_346 : vector<16xi32> to vector<16xi32>
    %swap3A_348 = vector.shape_cast %add3A_344 : vector<16xi32> to vector<16xi32>
    tpu.vector_store %arg5[%swap3A_345], %swap3A_348 {strides = array<i32>} : memref<6656xi32, #tpu.memory_space<vmem>>, vector<16xi32>,
    %get3A_349 = arith.constant 592 : index
    %get3A_350 = tpu.vector_load %arg5[%get3A_349] {strides = array<i32>} : memref<6656xi32, #tpu.memory_space<vmem>>, vector<16xi32>,
    %get3A_351 = vector.shape_cast %get3A_350 : vector<16xi32> to vector<16xi32>
    %add3A_352 = arith.addi %get3A_351, %broadcast_in_dim3A_308 : vector<16xi32>
    %swap3A_353 = arith.constant 592 : index
    %swap3A_354 = tpu.vector_load %arg5[%swap3A_353] {strides = array<i32>} : memref<6656xi32, #tpu.memory_space<vmem>>, vector<16xi32>,
    %swap3A_355 = vector.shape_cast %swap3A_354 : vector<16xi32> to vector<16xi32>
    %swap3A_356 = vector.shape_cast %add3A_352 : vector<16xi32> to vector<16xi32>
    tpu.vector_store %arg5[%swap3A_353], %swap3A_356 {strides = array<i32>} : memref<6656xi32, #tpu.memory_space<vmem>>, vector<16xi32>,
    %get3A_357 = arith.constant 608 : index
    %get3A_358 = tpu.vector_load %arg5[%get3A_357] {strides = array<i32>} : memref<6656xi32, #tpu.memory_space<vmem>>, vector<16xi32>,
    %get3A_359 = vector.shape_cast %get3A_358 : vector<16xi32> to vector<16xi32>
    %add3A_360 = arith.addi %get3A_359, %broadcast_in_dim3A_308 : vector<16xi32>
    %swap3A_361 = arith.constant 608 : index
    %swap3A_362 = tpu.vector_load %arg5[%swap3A_361] {strides = array<i32>} : memref<6656xi32, #tpu.memory_space<vmem>>, vector<16xi32>,
    %swap3A_363 = vector.shape_cast %swap3A_362 : vector<16xi32> to vector<16xi32>
    %swap3A_364 = vector.shape_cast %add3A_360 : vector<16xi32> to vector<16xi32>
    tpu.vector_store %arg5[%swap3A_361], %swap3A_364 {strides = array<i32>} : memref<6656xi32, #tpu.memory_space<vmem>>, vector<16xi32>,
    %get3A_365 = arith.constant 624 : index
    %get3A_366 = tpu.vector_load %arg5[%get3A_365] {strides = array<i32>} : memref<6656xi32, #tpu.memory_space<vmem>>, vector<16xi32>,
    %get3A_367 = vector.shape_cast %get3A_366 : vector<16xi32> to vector<16xi32>
    %add3A_368 = arith.addi %get3A_367, %broadcast_in_dim3A_308 : vector<16xi32>
    %swap3A_369 = arith.constant 624 : index
    %swap3A_370 = tpu.vector_load %arg5[%swap3A_369] {strides = array<i32>} : memref<6656xi32, #tpu.memory_space<vmem>>, vector<16xi32>,
    %swap3A_371 = vector.shape_cast %swap3A_370 : vector<16xi32> to vector<16xi32>
    %swap3A_372 = vector.shape_cast %add3A_368 : vector<16xi32> to vector<16xi32>
    tpu.vector_store %arg5[%swap3A_369], %swap3A_372 {strides = array<i32>} : memref<6656xi32, #tpu.memory_space<vmem>>, vector<16xi32>,
    %dma_start3A_373 = arith.constant 512 : i32
    %dma_start3A_374 = tpu.memref_slice %arg5[%dma_start3A_373] : memref<6656xi32, #tpu.memory_space<vmem>> -> memref<128xi32, #tpu.memory_space<vmem>>
    %dma_start3A_375 = arith.constant 0 : i32
    %dma_start3A_376 = arith.constant 0 : i32
    %dma_start3A_377 = tpu.memref_slice %arg2[%dma_start3A_375, %dma_start3A_376] : memref<2600000x128xf32, #tpu.memory_space<hbm>> -> memref<2600000x128xf32, #tpu.memory_space<hbm>>
    tpu.enqueue_indirect_dma source(%dma_start3A_377 : memref<2600000x128xf32, #tpu.memory_space<hbm>>) target(%arg10 : memref<128x128xf32, #tpu.memory_space<vmem>>) offsets(%dma_start3A_374 : memref<128xi32, #tpu.memory_space<vmem>>) semaphore(%arg16 : memref<!tpu.dma_semaphore, #tpu.memory_space<semaphore_mem>>)
    %add3A_378 = arith.constant 640 : i32
    %add3A_379 = arith.addi %mul3A_2, %add3A_378 : i32
    %shift_right_logical3A_380 = arith.constant 13 : i32
    %shift_right_logical3A_381 = arith.shrui %add3A_379, %shift_right_logical3A_380 : i32
    %mul3A_382 = arith.constant 100000 : i32
    %mul3A_383 = arith.muli %shift_right_logical3A_381, %mul3A_382 : i32
    %broadcast_in_dim3A_384 = vector.broadcast %mul3A_383 : i32 to vector<16xi32>
    %get3A_385 = arith.constant 640 : index
    %get3A_386 = tpu.vector_load %arg5[%get3A_385] {strides = array<i32>} : memref<6656xi32, #tpu.memory_space<vmem>>, vector<16xi32>,
    %get3A_387 = vector.shape_cast %get3A_386 : vector<16xi32> to vector<16xi32>
    %add3A_388 = arith.addi %get3A_387, %broadcast_in_dim3A_384 : vector<16xi32>
    %swap3A_389 = arith.constant 640 : index
    %swap3A_390 = tpu.vector_load %arg5[%swap3A_389] {strides = array<i32>} : memref<6656xi32, #tpu.memory_space<vmem>>, vector<16xi32>,
    %swap3A_391 = vector.shape_cast %swap3A_390 : vector<16xi32> to vector<16xi32>
    %swap3A_392 = vector.shape_cast %add3A_388 : vector<16xi32> to vector<16xi32>
    tpu.vector_store %arg5[%swap3A_389], %swap3A_392 {strides = array<i32>} : memref<6656xi32, #tpu.memory_space<vmem>>, vector<16xi32>,
    %get3A_393 = arith.constant 656 : index
    %get3A_394 = tpu.vector_load %arg5[%get3A_393] {strides = array<i32>} : memref<6656xi32, #tpu.memory_space<vmem>>, vector<16xi32>,
    %get3A_395 = vector.shape_cast %get3A_394 : vector<16xi32> to vector<16xi32>
    %add3A_396 = arith.addi %get3A_395, %broadcast_in_dim3A_384 : vector<16xi32>
    %swap3A_397 = arith.constant 656 : index
    %swap3A_398 = tpu.vector_load %arg5[%swap3A_397] {strides = array<i32>} : memref<6656xi32, #tpu.memory_space<vmem>>, vector<16xi32>,
    %swap3A_399 = vector.shape_cast %swap3A_398 : vector<16xi32> to vector<16xi32>
    %swap3A_400 = vector.shape_cast %add3A_396 : vector<16xi32> to vector<16xi32>
    tpu.vector_store %arg5[%swap3A_397], %swap3A_400 {strides = array<i32>} : memref<6656xi32, #tpu.memory_space<vmem>>, vector<16xi32>,
    %get3A_401 = arith.constant 672 : index
    %get3A_402 = tpu.vector_load %arg5[%get3A_401] {strides = array<i32>} : memref<6656xi32, #tpu.memory_space<vmem>>, vector<16xi32>,
    %get3A_403 = vector.shape_cast %get3A_402 : vector<16xi32> to vector<16xi32>
    %add3A_404 = arith.addi %get3A_403, %broadcast_in_dim3A_384 : vector<16xi32>
    %swap3A_405 = arith.constant 672 : index
    %swap3A_406 = tpu.vector_load %arg5[%swap3A_405] {strides = array<i32>} : memref<6656xi32, #tpu.memory_space<vmem>>, vector<16xi32>,
    %swap3A_407 = vector.shape_cast %swap3A_406 : vector<16xi32> to vector<16xi32>
    %swap3A_408 = vector.shape_cast %add3A_404 : vector<16xi32> to vector<16xi32>
    tpu.vector_store %arg5[%swap3A_405], %swap3A_408 {strides = array<i32>} : memref<6656xi32, #tpu.memory_space<vmem>>, vector<16xi32>,
    %get3A_409 = arith.constant 688 : index
    %get3A_410 = tpu.vector_load %arg5[%get3A_409] {strides = array<i32>} : memref<6656xi32, #tpu.memory_space<vmem>>, vector<16xi32>,
    %get3A_411 = vector.shape_cast %get3A_410 : vector<16xi32> to vector<16xi32>
    %add3A_412 = arith.addi %get3A_411, %broadcast_in_dim3A_384 : vector<16xi32>
    %swap3A_413 = arith.constant 688 : index
    %swap3A_414 = tpu.vector_load %arg5[%swap3A_413] {strides = array<i32>} : memref<6656xi32, #tpu.memory_space<vmem>>, vector<16xi32>,
    %swap3A_415 = vector.shape_cast %swap3A_414 : vector<16xi32> to vector<16xi32>
    %swap3A_416 = vector.shape_cast %add3A_412 : vector<16xi32> to vector<16xi32>
    tpu.vector_store %arg5[%swap3A_413], %swap3A_416 {strides = array<i32>} : memref<6656xi32, #tpu.memory_space<vmem>>, vector<16xi32>,
    %get3A_417 = arith.constant 704 : index
    %get3A_418 = tpu.vector_load %arg5[%get3A_417] {strides = array<i32>} : memref<6656xi32, #tpu.memory_space<vmem>>, vector<16xi32>,
    %get3A_419 = vector.shape_cast %get3A_418 : vector<16xi32> to vector<16xi32>
    %add3A_420 = arith.addi %get3A_419, %broadcast_in_dim3A_384 : vector<16xi32>
    %swap3A_421 = arith.constant 704 : index
    %swap3A_422 = tpu.vector_load %arg5[%swap3A_421] {strides = array<i32>} : memref<6656xi32, #tpu.memory_space<vmem>>, vector<16xi32>,
    %swap3A_423 = vector.shape_cast %swap3A_422 : vector<16xi32> to vector<16xi32>
    %swap3A_424 = vector.shape_cast %add3A_420 : vector<16xi32> to vector<16xi32>
    tpu.vector_store %arg5[%swap3A_421], %swap3A_424 {strides = array<i32>} : memref<6656xi32, #tpu.memory_space<vmem>>, vector<16xi32>,
    %get3A_425 = arith.constant 720 : index
    %get3A_426 = tpu.vector_load %arg5[%get3A_425] {strides = array<i32>} : memref<6656xi32, #tpu.memory_space<vmem>>, vector<16xi32>,
    %get3A_427 = vector.shape_cast %get3A_426 : vector<16xi32> to vector<16xi32>
    %add3A_428 = arith.addi %get3A_427, %broadcast_in_dim3A_384 : vector<16xi32>
    %swap3A_429 = arith.constant 720 : index
    %swap3A_430 = tpu.vector_load %arg5[%swap3A_429] {strides = array<i32>} : memref<6656xi32, #tpu.memory_space<vmem>>, vector<16xi32>,
    %swap3A_431 = vector.shape_cast %swap3A_430 : vector<16xi32> to vector<16xi32>
    %swap3A_432 = vector.shape_cast %add3A_428 : vector<16xi32> to vector<16xi32>
    tpu.vector_store %arg5[%swap3A_429], %swap3A_432 {strides = array<i32>} : memref<6656xi32, #tpu.memory_space<vmem>>, vector<16xi32>,
    %get3A_433 = arith.constant 736 : index
    %get3A_434 = tpu.vector_load %arg5[%get3A_433] {strides = array<i32>} : memref<6656xi32, #tpu.memory_space<vmem>>, vector<16xi32>,
    %get3A_435 = vector.shape_cast %get3A_434 : vector<16xi32> to vector<16xi32>
    %add3A_436 = arith.addi %get3A_435, %broadcast_in_dim3A_384 : vector<16xi32>
    %swap3A_437 = arith.constant 736 : index
    %swap3A_438 = tpu.vector_load %arg5[%swap3A_437] {strides = array<i32>} : memref<6656xi32, #tpu.memory_space<vmem>>, vector<16xi32>,
    %swap3A_439 = vector.shape_cast %swap3A_438 : vector<16xi32> to vector<16xi32>
    %swap3A_440 = vector.shape_cast %add3A_436 : vector<16xi32> to vector<16xi32>
    tpu.vector_store %arg5[%swap3A_437], %swap3A_440 {strides = array<i32>} : memref<6656xi32, #tpu.memory_space<vmem>>, vector<16xi32>,
    %get3A_441 = arith.constant 752 : index
    %get3A_442 = tpu.vector_load %arg5[%get3A_441] {strides = array<i32>} : memref<6656xi32, #tpu.memory_space<vmem>>, vector<16xi32>,
    %get3A_443 = vector.shape_cast %get3A_442 : vector<16xi32> to vector<16xi32>
    %add3A_444 = arith.addi %get3A_443, %broadcast_in_dim3A_384 : vector<16xi32>
    %swap3A_445 = arith.constant 752 : index
    %swap3A_446 = tpu.vector_load %arg5[%swap3A_445] {strides = array<i32>} : memref<6656xi32, #tpu.memory_space<vmem>>, vector<16xi32>,
    %swap3A_447 = vector.shape_cast %swap3A_446 : vector<16xi32> to vector<16xi32>
    %swap3A_448 = vector.shape_cast %add3A_444 : vector<16xi32> to vector<16xi32>
    tpu.vector_store %arg5[%swap3A_445], %swap3A_448 {strides = array<i32>} : memref<6656xi32, #tpu.memory_space<vmem>>, vector<16xi32>,
    %dma_start3A_449 = arith.constant 640 : i32
    %dma_start3A_450 = tpu.memref_slice %arg5[%dma_start3A_449] : memref<6656xi32, #tpu.memory_space<vmem>> -> memref<128xi32, #tpu.memory_space<vmem>>
    %dma_start3A_451 = arith.constant 0 : i32
    %dma_start3A_452 = arith.constant 0 : i32
    %dma_start3A_453 = tpu.memref_slice %arg2[%dma_start3A_451, %dma_start3A_452] : memref<2600000x128xf32, #tpu.memory_space<hbm>> -> memref<2600000x128xf32, #tpu.memory_space<hbm>>
    tpu.enqueue_indirect_dma source(%dma_start3A_453 : memref<2600000x128xf32, #tpu.memory_space<hbm>>) target(%arg11 : memref<128x128xf32, #tpu.memory_space<vmem>>) offsets(%dma_start3A_450 : memref<128xi32, #tpu.memory_space<vmem>>) semaphore(%arg17 : memref<!tpu.dma_semaphore, #tpu.memory_space<semaphore_mem>>)
    %scan3A = arith.constant 0 : i32
    %scan3A_454 = arith.constant 0 : i32
    %scan3A_455 = arith.constant 9 : i32
    %scan3A_456 = arith.addi %scan3A_454, %scan3A_455 : i32
    %scan3A_457 = arith.constant 1 : i32
    scf.for %scan3A_459 = %scan3A_454 to %scan3A_456 step %scan3A_457  : i32 {
      %mul3A_460 = arith.constant 6 : i32
      %mul3A_461 = arith.muli %scan3A_459, %mul3A_460 : i32
      %add3A_462 = arith.constant 0 : i32
      %add3A_463 = arith.addi %mul3A_461, %add3A_462 : i32
      %lt3A = arith.constant 52 : i32
      %lt3A_464 = arith.cmpi slt, %add3A_463, %lt3A : i32
      %convert_element_type3A = arith.extui %lt3A_464 : i1 to i32
      %cond3A = arith.constant 0 : i32
      %cond3A_465 = arith.cmpi ne, %convert_element_type3A, %cond3A : i32
      scf.if %cond3A_465 {
        %mul3A_585 = arith.constant 128 : i32
        %mul3A_586 = arith.muli %add3A_463, %mul3A_585 : i32
        %dma_wait3A = tpu.memref_slice %arg5[%mul3A_586] : memref<6656xi32, #tpu.memory_space<vmem>> -> memref<128xi32, #tpu.memory_space<vmem>>
        %dma_wait3A_587 = arith.constant 0 : i32
        %dma_wait3A_588 = arith.constant 0 : i32
        %dma_wait3A_589 = tpu.memref_slice %arg2[%dma_wait3A_587, %dma_wait3A_588] : memref<2600000x128xf32, #tpu.memory_space<hbm>> -> memref<2600000x128xf32, #tpu.memory_space<hbm>>
        tpu.wait_indirect_dma semaphore(%arg12 : memref<!tpu.dma_semaphore, #tpu.memory_space<semaphore_mem>>) src(%dma_wait3A_589 : memref<2600000x128xf32, #tpu.memory_space<hbm>>) dst(%arg6 : memref<128x128xf32, #tpu.memory_space<vmem>>)
        %mul3A_590 = arith.constant 128 : i32
        %mul3A_591 = arith.muli %add3A_463, %mul3A_590 : i32
        %add3A_592 = arith.addi %mul3A_2, %mul3A_591 : i32
        %dma_start3A_593 = arith.constant 0 : i32
        %dma_start3A_594 = tpu.memref_slice %arg4[%add3A_592, %dma_start3A_593] : memref<212992x128xf32, #tpu.memory_space<hbm>> -> memref<128x128xf32, #tpu.memory_space<hbm>>
        %dma_start3A_595 = arith.constant 0 : i32
        %dma_start3A_596 = tpu.memref_slice %arg4[%add3A_592, %dma_start3A_595] : memref<212992x128xf32, #tpu.memory_space<hbm>> -> memref<128x128xf32, #tpu.memory_space<hbm>>
        tpu.enqueue_dma source(%arg6 : memref<128x128xf32, #tpu.memory_space<vmem>>) target(%dma_start3A_596 : memref<128x128xf32, #tpu.memory_space<hbm>>) target_semaphore(%arg18 : memref<!tpu.dma_semaphore, #tpu.memory_space<semaphore_mem>>)
      } else {
      }
      %add3A_466 = arith.constant 1 : i32
      %add3A_467 = arith.addi %mul3A_461, %add3A_466 : i32
      %lt3A_468 = arith.constant 52 : i32
      %lt3A_469 = arith.cmpi slt, %add3A_467, %lt3A_468 : i32
      %convert_element_type3A_470 = arith.extui %lt3A_469 : i1 to i32
      %cond3A_471 = arith.constant 0 : i32
      %cond3A_472 = arith.cmpi ne, %convert_element_type3A_470, %cond3A_471 : i32
      scf.if %cond3A_472 {
        %mul3A_585 = arith.constant 128 : i32
        %mul3A_586 = arith.muli %add3A_467, %mul3A_585 : i32
        %dma_wait3A = tpu.memref_slice %arg5[%mul3A_586] : memref<6656xi32, #tpu.memory_space<vmem>> -> memref<128xi32, #tpu.memory_space<vmem>>
        %dma_wait3A_587 = arith.constant 0 : i32
        %dma_wait3A_588 = arith.constant 0 : i32
        %dma_wait3A_589 = tpu.memref_slice %arg2[%dma_wait3A_587, %dma_wait3A_588] : memref<2600000x128xf32, #tpu.memory_space<hbm>> -> memref<2600000x128xf32, #tpu.memory_space<hbm>>
        tpu.wait_indirect_dma semaphore(%arg13 : memref<!tpu.dma_semaphore, #tpu.memory_space<semaphore_mem>>) src(%dma_wait3A_589 : memref<2600000x128xf32, #tpu.memory_space<hbm>>) dst(%arg7 : memref<128x128xf32, #tpu.memory_space<vmem>>)
        %mul3A_590 = arith.constant 128 : i32
        %mul3A_591 = arith.muli %add3A_467, %mul3A_590 : i32
        %add3A_592 = arith.addi %mul3A_2, %mul3A_591 : i32
        %dma_start3A_593 = arith.constant 0 : i32
        %dma_start3A_594 = tpu.memref_slice %arg4[%add3A_592, %dma_start3A_593] : memref<212992x128xf32, #tpu.memory_space<hbm>> -> memref<128x128xf32, #tpu.memory_space<hbm>>
        %dma_start3A_595 = arith.constant 0 : i32
        %dma_start3A_596 = tpu.memref_slice %arg4[%add3A_592, %dma_start3A_595] : memref<212992x128xf32, #tpu.memory_space<hbm>> -> memref<128x128xf32, #tpu.memory_space<hbm>>
        tpu.enqueue_dma source(%arg7 : memref<128x128xf32, #tpu.memory_space<vmem>>) target(%dma_start3A_596 : memref<128x128xf32, #tpu.memory_space<hbm>>) target_semaphore(%arg19 : memref<!tpu.dma_semaphore, #tpu.memory_space<semaphore_mem>>)
      } else {
      }
      %add3A_473 = arith.constant 2 : i32
      %add3A_474 = arith.addi %mul3A_461, %add3A_473 : i32
      %lt3A_475 = arith.constant 52 : i32
      %lt3A_476 = arith.cmpi slt, %add3A_474, %lt3A_475 : i32
      %convert_element_type3A_477 = arith.extui %lt3A_476 : i1 to i32
      %cond3A_478 = arith.constant 0 : i32
      %cond3A_479 = arith.cmpi ne, %convert_element_type3A_477, %cond3A_478 : i32
      scf.if %cond3A_479 {
        %mul3A_585 = arith.constant 128 : i32
        %mul3A_586 = arith.muli %add3A_474, %mul3A_585 : i32
        %dma_wait3A = tpu.memref_slice %arg5[%mul3A_586] : memref<6656xi32, #tpu.memory_space<vmem>> -> memref<128xi32, #tpu.memory_space<vmem>>
        %dma_wait3A_587 = arith.constant 0 : i32
        %dma_wait3A_588 = arith.constant 0 : i32
        %dma_wait3A_589 = tpu.memref_slice %arg2[%dma_wait3A_587, %dma_wait3A_588] : memref<2600000x128xf32, #tpu.memory_space<hbm>> -> memref<2600000x128xf32, #tpu.memory_space<hbm>>
        tpu.wait_indirect_dma semaphore(%arg14 : memref<!tpu.dma_semaphore, #tpu.memory_space<semaphore_mem>>) src(%dma_wait3A_589 : memref<2600000x128xf32, #tpu.memory_space<hbm>>) dst(%arg8 : memref<128x128xf32, #tpu.memory_space<vmem>>)
        %mul3A_590 = arith.constant 128 : i32
        %mul3A_591 = arith.muli %add3A_474, %mul3A_590 : i32
        %add3A_592 = arith.addi %mul3A_2, %mul3A_591 : i32
        %dma_start3A_593 = arith.constant 0 : i32
        %dma_start3A_594 = tpu.memref_slice %arg4[%add3A_592, %dma_start3A_593] : memref<212992x128xf32, #tpu.memory_space<hbm>> -> memref<128x128xf32, #tpu.memory_space<hbm>>
        %dma_start3A_595 = arith.constant 0 : i32
        %dma_start3A_596 = tpu.memref_slice %arg4[%add3A_592, %dma_start3A_595] : memref<212992x128xf32, #tpu.memory_space<hbm>> -> memref<128x128xf32, #tpu.memory_space<hbm>>
        tpu.enqueue_dma source(%arg8 : memref<128x128xf32, #tpu.memory_space<vmem>>) target(%dma_start3A_596 : memref<128x128xf32, #tpu.memory_space<hbm>>) target_semaphore(%arg20 : memref<!tpu.dma_semaphore, #tpu.memory_space<semaphore_mem>>)
      } else {
      }
      %add3A_480 = arith.constant 3 : i32
      %add3A_481 = arith.addi %mul3A_461, %add3A_480 : i32
      %lt3A_482 = arith.constant 52 : i32
      %lt3A_483 = arith.cmpi slt, %add3A_481, %lt3A_482 : i32
      %convert_element_type3A_484 = arith.extui %lt3A_483 : i1 to i32
      %cond3A_485 = arith.constant 0 : i32
      %cond3A_486 = arith.cmpi ne, %convert_element_type3A_484, %cond3A_485 : i32
      scf.if %cond3A_486 {
        %mul3A_585 = arith.constant 128 : i32
        %mul3A_586 = arith.muli %add3A_481, %mul3A_585 : i32
        %dma_wait3A = tpu.memref_slice %arg5[%mul3A_586] : memref<6656xi32, #tpu.memory_space<vmem>> -> memref<128xi32, #tpu.memory_space<vmem>>
        %dma_wait3A_587 = arith.constant 0 : i32
        %dma_wait3A_588 = arith.constant 0 : i32
        %dma_wait3A_589 = tpu.memref_slice %arg2[%dma_wait3A_587, %dma_wait3A_588] : memref<2600000x128xf32, #tpu.memory_space<hbm>> -> memref<2600000x128xf32, #tpu.memory_space<hbm>>
        tpu.wait_indirect_dma semaphore(%arg15 : memref<!tpu.dma_semaphore, #tpu.memory_space<semaphore_mem>>) src(%dma_wait3A_589 : memref<2600000x128xf32, #tpu.memory_space<hbm>>) dst(%arg9 : memref<128x128xf32, #tpu.memory_space<vmem>>)
        %mul3A_590 = arith.constant 128 : i32
        %mul3A_591 = arith.muli %add3A_481, %mul3A_590 : i32
        %add3A_592 = arith.addi %mul3A_2, %mul3A_591 : i32
        %dma_start3A_593 = arith.constant 0 : i32
        %dma_start3A_594 = tpu.memref_slice %arg4[%add3A_592, %dma_start3A_593] : memref<212992x128xf32, #tpu.memory_space<hbm>> -> memref<128x128xf32, #tpu.memory_space<hbm>>
        %dma_start3A_595 = arith.constant 0 : i32
        %dma_start3A_596 = tpu.memref_slice %arg4[%add3A_592, %dma_start3A_595] : memref<212992x128xf32, #tpu.memory_space<hbm>> -> memref<128x128xf32, #tpu.memory_space<hbm>>
        tpu.enqueue_dma source(%arg9 : memref<128x128xf32, #tpu.memory_space<vmem>>) target(%dma_start3A_596 : memref<128x128xf32, #tpu.memory_space<hbm>>) target_semaphore(%arg21 : memref<!tpu.dma_semaphore, #tpu.memory_space<semaphore_mem>>)
      } else {
      }
      %add3A_487 = arith.constant 4 : i32
      %add3A_488 = arith.addi %mul3A_461, %add3A_487 : i32
      %lt3A_489 = arith.constant 52 : i32
      %lt3A_490 = arith.cmpi slt, %add3A_488, %lt3A_489 : i32
      %convert_element_type3A_491 = arith.extui %lt3A_490 : i1 to i32
      %cond3A_492 = arith.constant 0 : i32
      %cond3A_493 = arith.cmpi ne, %convert_element_type3A_491, %cond3A_492 : i32
      scf.if %cond3A_493 {
        %mul3A_585 = arith.constant 128 : i32
        %mul3A_586 = arith.muli %add3A_488, %mul3A_585 : i32
        %dma_wait3A = tpu.memref_slice %arg5[%mul3A_586] : memref<6656xi32, #tpu.memory_space<vmem>> -> memref<128xi32, #tpu.memory_space<vmem>>
        %dma_wait3A_587 = arith.constant 0 : i32
        %dma_wait3A_588 = arith.constant 0 : i32
        %dma_wait3A_589 = tpu.memref_slice %arg2[%dma_wait3A_587, %dma_wait3A_588] : memref<2600000x128xf32, #tpu.memory_space<hbm>> -> memref<2600000x128xf32, #tpu.memory_space<hbm>>
        tpu.wait_indirect_dma semaphore(%arg16 : memref<!tpu.dma_semaphore, #tpu.memory_space<semaphore_mem>>) src(%dma_wait3A_589 : memref<2600000x128xf32, #tpu.memory_space<hbm>>) dst(%arg10 : memref<128x128xf32, #tpu.memory_space<vmem>>)
        %mul3A_590 = arith.constant 128 : i32
        %mul3A_591 = arith.muli %add3A_488, %mul3A_590 : i32
        %add3A_592 = arith.addi %mul3A_2, %mul3A_591 : i32
        %dma_start3A_593 = arith.constant 0 : i32
        %dma_start3A_594 = tpu.memref_slice %arg4[%add3A_592, %dma_start3A_593] : memref<212992x128xf32, #tpu.memory_space<hbm>> -> memref<128x128xf32, #tpu.memory_space<hbm>>
        %dma_start3A_595 = arith.constant 0 : i32
        %dma_start3A_596 = tpu.memref_slice %arg4[%add3A_592, %dma_start3A_595] : memref<212992x128xf32, #tpu.memory_space<hbm>> -> memref<128x128xf32, #tpu.memory_space<hbm>>
        tpu.enqueue_dma source(%arg10 : memref<128x128xf32, #tpu.memory_space<vmem>>) target(%dma_start3A_596 : memref<128x128xf32, #tpu.memory_space<hbm>>) target_semaphore(%arg22 : memref<!tpu.dma_semaphore, #tpu.memory_space<semaphore_mem>>)
      } else {
      }
      %add3A_494 = arith.constant 5 : i32
      %add3A_495 = arith.addi %mul3A_461, %add3A_494 : i32
      %lt3A_496 = arith.constant 52 : i32
      %lt3A_497 = arith.cmpi slt, %add3A_495, %lt3A_496 : i32
      %convert_element_type3A_498 = arith.extui %lt3A_497 : i1 to i32
      %cond3A_499 = arith.constant 0 : i32
      %cond3A_500 = arith.cmpi ne, %convert_element_type3A_498, %cond3A_499 : i32
      scf.if %cond3A_500 {
        %mul3A_585 = arith.constant 128 : i32
        %mul3A_586 = arith.muli %add3A_495, %mul3A_585 : i32
        %dma_wait3A = tpu.memref_slice %arg5[%mul3A_586] : memref<6656xi32, #tpu.memory_space<vmem>> -> memref<128xi32, #tpu.memory_space<vmem>>
        %dma_wait3A_587 = arith.constant 0 : i32
        %dma_wait3A_588 = arith.constant 0 : i32
        %dma_wait3A_589 = tpu.memref_slice %arg2[%dma_wait3A_587, %dma_wait3A_588] : memref<2600000x128xf32, #tpu.memory_space<hbm>> -> memref<2600000x128xf32, #tpu.memory_space<hbm>>
        tpu.wait_indirect_dma semaphore(%arg17 : memref<!tpu.dma_semaphore, #tpu.memory_space<semaphore_mem>>) src(%dma_wait3A_589 : memref<2600000x128xf32, #tpu.memory_space<hbm>>) dst(%arg11 : memref<128x128xf32, #tpu.memory_space<vmem>>)
        %mul3A_590 = arith.constant 128 : i32
        %mul3A_591 = arith.muli %add3A_495, %mul3A_590 : i32
        %add3A_592 = arith.addi %mul3A_2, %mul3A_591 : i32
        %dma_start3A_593 = arith.constant 0 : i32
        %dma_start3A_594 = tpu.memref_slice %arg4[%add3A_592, %dma_start3A_593] : memref<212992x128xf32, #tpu.memory_space<hbm>> -> memref<128x128xf32, #tpu.memory_space<hbm>>
        %dma_start3A_595 = arith.constant 0 : i32
        %dma_start3A_596 = tpu.memref_slice %arg4[%add3A_592, %dma_start3A_595] : memref<212992x128xf32, #tpu.memory_space<hbm>> -> memref<128x128xf32, #tpu.memory_space<hbm>>
        tpu.enqueue_dma source(%arg11 : memref<128x128xf32, #tpu.memory_space<vmem>>) target(%dma_start3A_596 : memref<128x128xf32, #tpu.memory_space<hbm>>) target_semaphore(%arg23 : memref<!tpu.dma_semaphore, #tpu.memory_space<semaphore_mem>>)
      } else {
      }
      %add3A_501 = arith.constant 0 : i32
      %add3A_502 = arith.addi %mul3A_461, %add3A_501 : i32
      %add3A_503 = arith.constant 6 : i32
      %add3A_504 = arith.addi %add3A_502, %add3A_503 : i32
      %lt3A_505 = arith.constant 52 : i32
      %lt3A_506 = arith.cmpi slt, %add3A_502, %lt3A_505 : i32
      %convert_element_type3A_507 = arith.extui %lt3A_506 : i1 to i32
      %cond3A_508 = arith.constant 0 : i32
      %cond3A_509 = arith.cmpi ne, %convert_element_type3A_507, %cond3A_508 : i32
      scf.if %cond3A_509 {
        %mul3A_585 = arith.constant 128 : i32
        %mul3A_586 = arith.muli %add3A_502, %mul3A_585 : i32
        %add3A_587 = arith.addi %mul3A_2, %mul3A_586 : i32
        %dma_wait3A = arith.constant 0 : i32
        %dma_wait3A_588 = tpu.memref_slice %arg4[%add3A_587, %dma_wait3A] : memref<212992x128xf32, #tpu.memory_space<hbm>> -> memref<128x128xf32, #tpu.memory_space<hbm>>
        %dma_wait3A_589 = arith.constant 0 : i32
        %dma_wait3A_590 = tpu.memref_slice %arg4[%add3A_587, %dma_wait3A_589] : memref<212992x128xf32, #tpu.memory_space<hbm>> -> memref<128x128xf32, #tpu.memory_space<hbm>>
        tpu.wait_dma2 semaphore(%arg18 : memref<!tpu.dma_semaphore, #tpu.memory_space<semaphore_mem>>) src(%arg6 : memref<128x128xf32, #tpu.memory_space<vmem>>) dst(%dma_wait3A_590 : memref<128x128xf32, #tpu.memory_space<hbm>>)
      } else {
      }
      %lt3A_510 = arith.constant 52 : i32
      %lt3A_511 = arith.cmpi slt, %add3A_504, %lt3A_510 : i32
      %convert_element_type3A_512 = arith.extui %lt3A_511 : i1 to i32
      %cond3A_513 = arith.constant 0 : i32
      %cond3A_514 = arith.cmpi ne, %convert_element_type3A_512, %cond3A_513 : i32
      scf.if %cond3A_514 {
        %mul3A_585 = arith.constant 128 : i32
        %mul3A_586 = arith.muli %add3A_504, %mul3A_585 : i32
        %add3A_587 = arith.addi %mul3A_2, %mul3A_586 : i32
        %shift_right_logical3A_588 = arith.constant 13 : i32
        %shift_right_logical3A_589 = arith.shrui %add3A_587, %shift_right_logical3A_588 : i32
        %mul3A_590 = arith.constant 100000 : i32
        %mul3A_591 = arith.muli %shift_right_logical3A_589, %mul3A_590 : i32
        %broadcast_in_dim3A_592 = vector.broadcast %mul3A_591 : i32 to vector<16xi32>
        %mul3A_593 = arith.constant 128 : i32
        %mul3A_594 = arith.muli %add3A_504, %mul3A_593 : i32
        %add3A_595 = arith.constant 0 : i32
        %add3A_596 = arith.addi %mul3A_594, %add3A_595 : i32
        %get3A_597 = arith.index_cast %add3A_596 : i32 to index
        %get3A_598 = tpu.vector_load %arg5[%get3A_597] {strides = array<i32>} : memref<6656xi32, #tpu.memory_space<vmem>>, vector<16xi32>,
        %get3A_599 = vector.shape_cast %get3A_598 : vector<16xi32> to vector<16xi32>
        %add3A_600 = arith.addi %get3A_599, %broadcast_in_dim3A_592 : vector<16xi32>
        %swap3A_601 = arith.index_cast %add3A_596 : i32 to index
        %swap3A_602 = tpu.vector_load %arg5[%swap3A_601] {strides = array<i32>} : memref<6656xi32, #tpu.memory_space<vmem>>, vector<16xi32>,
        %swap3A_603 = vector.shape_cast %swap3A_602 : vector<16xi32> to vector<16xi32>
        %swap3A_604 = vector.shape_cast %add3A_600 : vector<16xi32> to vector<16xi32>
        tpu.vector_store %arg5[%swap3A_601], %swap3A_604 {strides = array<i32>} : memref<6656xi32, #tpu.memory_space<vmem>>, vector<16xi32>,
        %mul3A_605 = arith.constant 128 : i32
        %mul3A_606 = arith.muli %add3A_504, %mul3A_605 : i32
        %add3A_607 = arith.constant 16 : i32
        %add3A_608 = arith.addi %mul3A_606, %add3A_607 : i32
        %get3A_609 = arith.index_cast %add3A_608 : i32 to index
        %get3A_610 = tpu.vector_load %arg5[%get3A_609] {strides = array<i32>} : memref<6656xi32, #tpu.memory_space<vmem>>, vector<16xi32>,
        %get3A_611 = vector.shape_cast %get3A_610 : vector<16xi32> to vector<16xi32>
        %add3A_612 = arith.addi %get3A_611, %broadcast_in_dim3A_592 : vector<16xi32>
        %swap3A_613 = arith.index_cast %add3A_608 : i32 to index
        %swap3A_614 = tpu.vector_load %arg5[%swap3A_613] {strides = array<i32>} : memref<6656xi32, #tpu.memory_space<vmem>>, vector<16xi32>,
        %swap3A_615 = vector.shape_cast %swap3A_614 : vector<16xi32> to vector<16xi32>
        %swap3A_616 = vector.shape_cast %add3A_612 : vector<16xi32> to vector<16xi32>
        tpu.vector_store %arg5[%swap3A_613], %swap3A_616 {strides = array<i32>} : memref<6656xi32, #tpu.memory_space<vmem>>, vector<16xi32>,
        %mul3A_617 = arith.constant 128 : i32
        %mul3A_618 = arith.muli %add3A_504, %mul3A_617 : i32
        %add3A_619 = arith.constant 32 : i32
        %add3A_620 = arith.addi %mul3A_618, %add3A_619 : i32
        %get3A_621 = arith.index_cast %add3A_620 : i32 to index
        %get3A_622 = tpu.vector_load %arg5[%get3A_621] {strides = array<i32>} : memref<6656xi32, #tpu.memory_space<vmem>>, vector<16xi32>,
        %get3A_623 = vector.shape_cast %get3A_622 : vector<16xi32> to vector<16xi32>
        %add3A_624 = arith.addi %get3A_623, %broadcast_in_dim3A_592 : vector<16xi32>
        %swap3A_625 = arith.index_cast %add3A_620 : i32 to index
        %swap3A_626 = tpu.vector_load %arg5[%swap3A_625] {strides = array<i32>} : memref<6656xi32, #tpu.memory_space<vmem>>, vector<16xi32>,
        %swap3A_627 = vector.shape_cast %swap3A_626 : vector<16xi32> to vector<16xi32>
        %swap3A_628 = vector.shape_cast %add3A_624 : vector<16xi32> to vector<16xi32>
        tpu.vector_store %arg5[%swap3A_625], %swap3A_628 {strides = array<i32>} : memref<6656xi32, #tpu.memory_space<vmem>>, vector<16xi32>,
        %mul3A_629 = arith.constant 128 : i32
        %mul3A_630 = arith.muli %add3A_504, %mul3A_629 : i32
        %add3A_631 = arith.constant 48 : i32
        %add3A_632 = arith.addi %mul3A_630, %add3A_631 : i32
        %get3A_633 = arith.index_cast %add3A_632 : i32 to index
        %get3A_634 = tpu.vector_load %arg5[%get3A_633] {strides = array<i32>} : memref<6656xi32, #tpu.memory_space<vmem>>, vector<16xi32>,
        %get3A_635 = vector.shape_cast %get3A_634 : vector<16xi32> to vector<16xi32>
        %add3A_636 = arith.addi %get3A_635, %broadcast_in_dim3A_592 : vector<16xi32>
        %swap3A_637 = arith.index_cast %add3A_632 : i32 to index
        %swap3A_638 = tpu.vector_load %arg5[%swap3A_637] {strides = array<i32>} : memref<6656xi32, #tpu.memory_space<vmem>>, vector<16xi32>,
        %swap3A_639 = vector.shape_cast %swap3A_638 : vector<16xi32> to vector<16xi32>
        %swap3A_640 = vector.shape_cast %add3A_636 : vector<16xi32> to vector<16xi32>
        tpu.vector_store %arg5[%swap3A_637], %swap3A_640 {strides = array<i32>} : memref<6656xi32, #tpu.memory_space<vmem>>, vector<16xi32>,
        %mul3A_641 = arith.constant 128 : i32
        %mul3A_642 = arith.muli %add3A_504, %mul3A_641 : i32
        %add3A_643 = arith.constant 64 : i32
        %add3A_644 = arith.addi %mul3A_642, %add3A_643 : i32
        %get3A_645 = arith.index_cast %add3A_644 : i32 to index
        %get3A_646 = tpu.vector_load %arg5[%get3A_645] {strides = array<i32>} : memref<6656xi32, #tpu.memory_space<vmem>>, vector<16xi32>,
        %get3A_647 = vector.shape_cast %get3A_646 : vector<16xi32> to vector<16xi32>
        %add3A_648 = arith.addi %get3A_647, %broadcast_in_dim3A_592 : vector<16xi32>
        %swap3A_649 = arith.index_cast %add3A_644 : i32 to index
        %swap3A_650 = tpu.vector_load %arg5[%swap3A_649] {strides = array<i32>} : memref<6656xi32, #tpu.memory_space<vmem>>, vector<16xi32>,
        %swap3A_651 = vector.shape_cast %swap3A_650 : vector<16xi32> to vector<16xi32>
        %swap3A_652 = vector.shape_cast %add3A_648 : vector<16xi32> to vector<16xi32>
        tpu.vector_store %arg5[%swap3A_649], %swap3A_652 {strides = array<i32>} : memref<6656xi32, #tpu.memory_space<vmem>>, vector<16xi32>,
        %mul3A_653 = arith.constant 128 : i32
        %mul3A_654 = arith.muli %add3A_504, %mul3A_653 : i32
        %add3A_655 = arith.constant 80 : i32
        %add3A_656 = arith.addi %mul3A_654, %add3A_655 : i32
        %get3A_657 = arith.index_cast %add3A_656 : i32 to index
        %get3A_658 = tpu.vector_load %arg5[%get3A_657] {strides = array<i32>} : memref<6656xi32, #tpu.memory_space<vmem>>, vector<16xi32>,
        %get3A_659 = vector.shape_cast %get3A_658 : vector<16xi32> to vector<16xi32>
        %add3A_660 = arith.addi %get3A_659, %broadcast_in_dim3A_592 : vector<16xi32>
        %swap3A_661 = arith.index_cast %add3A_656 : i32 to index
        %swap3A_662 = tpu.vector_load %arg5[%swap3A_661] {strides = array<i32>} : memref<6656xi32, #tpu.memory_space<vmem>>, vector<16xi32>,
        %swap3A_663 = vector.shape_cast %swap3A_662 : vector<16xi32> to vector<16xi32>
        %swap3A_664 = vector.shape_cast %add3A_660 : vector<16xi32> to vector<16xi32>
        tpu.vector_store %arg5[%swap3A_661], %swap3A_664 {strides = array<i32>} : memref<6656xi32, #tpu.memory_space<vmem>>, vector<16xi32>,
        %mul3A_665 = arith.constant 128 : i32
        %mul3A_666 = arith.muli %add3A_504, %mul3A_665 : i32
        %add3A_667 = arith.constant 96 : i32
        %add3A_668 = arith.addi %mul3A_666, %add3A_667 : i32
        %get3A_669 = arith.index_cast %add3A_668 : i32 to index
        %get3A_670 = tpu.vector_load %arg5[%get3A_669] {strides = array<i32>} : memref<6656xi32, #tpu.memory_space<vmem>>, vector<16xi32>,
        %get3A_671 = vector.shape_cast %get3A_670 : vector<16xi32> to vector<16xi32>
        %add3A_672 = arith.addi %get3A_671, %broadcast_in_dim3A_592 : vector<16xi32>
        %swap3A_673 = arith.index_cast %add3A_668 : i32 to index
        %swap3A_674 = tpu.vector_load %arg5[%swap3A_673] {strides = array<i32>} : memref<6656xi32, #tpu.memory_space<vmem>>, vector<16xi32>,
        %swap3A_675 = vector.shape_cast %swap3A_674 : vector<16xi32> to vector<16xi32>
        %swap3A_676 = vector.shape_cast %add3A_672 : vector<16xi32> to vector<16xi32>
        tpu.vector_store %arg5[%swap3A_673], %swap3A_676 {strides = array<i32>} : memref<6656xi32, #tpu.memory_space<vmem>>, vector<16xi32>,
        %mul3A_677 = arith.constant 128 : i32
        %mul3A_678 = arith.muli %add3A_504, %mul3A_677 : i32
        %add3A_679 = arith.constant 112 : i32
        %add3A_680 = arith.addi %mul3A_678, %add3A_679 : i32
        %get3A_681 = arith.index_cast %add3A_680 : i32 to index
        %get3A_682 = tpu.vector_load %arg5[%get3A_681] {strides = array<i32>} : memref<6656xi32, #tpu.memory_space<vmem>>, vector<16xi32>,
        %get3A_683 = vector.shape_cast %get3A_682 : vector<16xi32> to vector<16xi32>
        %add3A_684 = arith.addi %get3A_683, %broadcast_in_dim3A_592 : vector<16xi32>
        %swap3A_685 = arith.index_cast %add3A_680 : i32 to index
        %swap3A_686 = tpu.vector_load %arg5[%swap3A_685] {strides = array<i32>} : memref<6656xi32, #tpu.memory_space<vmem>>, vector<16xi32>,
        %swap3A_687 = vector.shape_cast %swap3A_686 : vector<16xi32> to vector<16xi32>
        %swap3A_688 = vector.shape_cast %add3A_684 : vector<16xi32> to vector<16xi32>
        tpu.vector_store %arg5[%swap3A_685], %swap3A_688 {strides = array<i32>} : memref<6656xi32, #tpu.memory_space<vmem>>, vector<16xi32>,
        %mul3A_689 = arith.constant 128 : i32
        %mul3A_690 = arith.muli %add3A_504, %mul3A_689 : i32
        %dma_start3A_691 = tpu.memref_slice %arg5[%mul3A_690] : memref<6656xi32, #tpu.memory_space<vmem>> -> memref<128xi32, #tpu.memory_space<vmem>>
        %dma_start3A_692 = arith.constant 0 : i32
        %dma_start3A_693 = arith.constant 0 : i32
        %dma_start3A_694 = tpu.memref_slice %arg2[%dma_start3A_692, %dma_start3A_693] : memref<2600000x128xf32, #tpu.memory_space<hbm>> -> memref<2600000x128xf32, #tpu.memory_space<hbm>>
        tpu.enqueue_indirect_dma source(%dma_start3A_694 : memref<2600000x128xf32, #tpu.memory_space<hbm>>) target(%arg6 : memref<128x128xf32, #tpu.memory_space<vmem>>) offsets(%dma_start3A_691 : memref<128xi32, #tpu.memory_space<vmem>>) semaphore(%arg12 : memref<!tpu.dma_semaphore, #tpu.memory_space<semaphore_mem>>)
      } else {
      }
      %add3A_515 = arith.constant 1 : i32
      %add3A_516 = arith.addi %mul3A_461, %add3A_515 : i32
      %add3A_517 = arith.constant 6 : i32
      %add3A_518 = arith.addi %add3A_516, %add3A_517 : i32
      %lt3A_519 = arith.constant 52 : i32
      %lt3A_520 = arith.cmpi slt, %add3A_516, %lt3A_519 : i32
      %convert_element_type3A_521 = arith.extui %lt3A_520 : i1 to i32
      %cond3A_522 = arith.constant 0 : i32
      %cond3A_523 = arith.cmpi ne, %convert_element_type3A_521, %cond3A_522 : i32
      scf.if %cond3A_523 {
        %mul3A_585 = arith.constant 128 : i32
        %mul3A_586 = arith.muli %add3A_516, %mul3A_585 : i32
        %add3A_587 = arith.addi %mul3A_2, %mul3A_586 : i32
        %dma_wait3A = arith.constant 0 : i32
        %dma_wait3A_588 = tpu.memref_slice %arg4[%add3A_587, %dma_wait3A] : memref<212992x128xf32, #tpu.memory_space<hbm>> -> memref<128x128xf32, #tpu.memory_space<hbm>>
        %dma_wait3A_589 = arith.constant 0 : i32
        %dma_wait3A_590 = tpu.memref_slice %arg4[%add3A_587, %dma_wait3A_589] : memref<212992x128xf32, #tpu.memory_space<hbm>> -> memref<128x128xf32, #tpu.memory_space<hbm>>
        tpu.wait_dma2 semaphore(%arg19 : memref<!tpu.dma_semaphore, #tpu.memory_space<semaphore_mem>>) src(%arg7 : memref<128x128xf32, #tpu.memory_space<vmem>>) dst(%dma_wait3A_590 : memref<128x128xf32, #tpu.memory_space<hbm>>)
      } else {
      }
      %lt3A_524 = arith.constant 52 : i32
      %lt3A_525 = arith.cmpi slt, %add3A_518, %lt3A_524 : i32
      %convert_element_type3A_526 = arith.extui %lt3A_525 : i1 to i32
      %cond3A_527 = arith.constant 0 : i32
      %cond3A_528 = arith.cmpi ne, %convert_element_type3A_526, %cond3A_527 : i32
      scf.if %cond3A_528 {
        %mul3A_585 = arith.constant 128 : i32
        %mul3A_586 = arith.muli %add3A_518, %mul3A_585 : i32
        %add3A_587 = arith.addi %mul3A_2, %mul3A_586 : i32
        %shift_right_logical3A_588 = arith.constant 13 : i32
        %shift_right_logical3A_589 = arith.shrui %add3A_587, %shift_right_logical3A_588 : i32
        %mul3A_590 = arith.constant 100000 : i32
        %mul3A_591 = arith.muli %shift_right_logical3A_589, %mul3A_590 : i32
        %broadcast_in_dim3A_592 = vector.broadcast %mul3A_591 : i32 to vector<16xi32>
        %mul3A_593 = arith.constant 128 : i32
        %mul3A_594 = arith.muli %add3A_518, %mul3A_593 : i32
        %add3A_595 = arith.constant 0 : i32
        %add3A_596 = arith.addi %mul3A_594, %add3A_595 : i32
        %get3A_597 = arith.index_cast %add3A_596 : i32 to index
        %get3A_598 = tpu.vector_load %arg5[%get3A_597] {strides = array<i32>} : memref<6656xi32, #tpu.memory_space<vmem>>, vector<16xi32>,
        %get3A_599 = vector.shape_cast %get3A_598 : vector<16xi32> to vector<16xi32>
        %add3A_600 = arith.addi %get3A_599, %broadcast_in_dim3A_592 : vector<16xi32>
        %swap3A_601 = arith.index_cast %add3A_596 : i32 to index
        %swap3A_602 = tpu.vector_load %arg5[%swap3A_601] {strides = array<i32>} : memref<6656xi32, #tpu.memory_space<vmem>>, vector<16xi32>,
        %swap3A_603 = vector.shape_cast %swap3A_602 : vector<16xi32> to vector<16xi32>
        %swap3A_604 = vector.shape_cast %add3A_600 : vector<16xi32> to vector<16xi32>
        tpu.vector_store %arg5[%swap3A_601], %swap3A_604 {strides = array<i32>} : memref<6656xi32, #tpu.memory_space<vmem>>, vector<16xi32>,
        %mul3A_605 = arith.constant 128 : i32
        %mul3A_606 = arith.muli %add3A_518, %mul3A_605 : i32
        %add3A_607 = arith.constant 16 : i32
        %add3A_608 = arith.addi %mul3A_606, %add3A_607 : i32
        %get3A_609 = arith.index_cast %add3A_608 : i32 to index
        %get3A_610 = tpu.vector_load %arg5[%get3A_609] {strides = array<i32>} : memref<6656xi32, #tpu.memory_space<vmem>>, vector<16xi32>,
        %get3A_611 = vector.shape_cast %get3A_610 : vector<16xi32> to vector<16xi32>
        %add3A_612 = arith.addi %get3A_611, %broadcast_in_dim3A_592 : vector<16xi32>
        %swap3A_613 = arith.index_cast %add3A_608 : i32 to index
        %swap3A_614 = tpu.vector_load %arg5[%swap3A_613] {strides = array<i32>} : memref<6656xi32, #tpu.memory_space<vmem>>, vector<16xi32>,
        %swap3A_615 = vector.shape_cast %swap3A_614 : vector<16xi32> to vector<16xi32>
        %swap3A_616 = vector.shape_cast %add3A_612 : vector<16xi32> to vector<16xi32>
        tpu.vector_store %arg5[%swap3A_613], %swap3A_616 {strides = array<i32>} : memref<6656xi32, #tpu.memory_space<vmem>>, vector<16xi32>,
        %mul3A_617 = arith.constant 128 : i32
        %mul3A_618 = arith.muli %add3A_518, %mul3A_617 : i32
        %add3A_619 = arith.constant 32 : i32
        %add3A_620 = arith.addi %mul3A_618, %add3A_619 : i32
        %get3A_621 = arith.index_cast %add3A_620 : i32 to index
        %get3A_622 = tpu.vector_load %arg5[%get3A_621] {strides = array<i32>} : memref<6656xi32, #tpu.memory_space<vmem>>, vector<16xi32>,
        %get3A_623 = vector.shape_cast %get3A_622 : vector<16xi32> to vector<16xi32>
        %add3A_624 = arith.addi %get3A_623, %broadcast_in_dim3A_592 : vector<16xi32>
        %swap3A_625 = arith.index_cast %add3A_620 : i32 to index
        %swap3A_626 = tpu.vector_load %arg5[%swap3A_625] {strides = array<i32>} : memref<6656xi32, #tpu.memory_space<vmem>>, vector<16xi32>,
        %swap3A_627 = vector.shape_cast %swap3A_626 : vector<16xi32> to vector<16xi32>
        %swap3A_628 = vector.shape_cast %add3A_624 : vector<16xi32> to vector<16xi32>
        tpu.vector_store %arg5[%swap3A_625], %swap3A_628 {strides = array<i32>} : memref<6656xi32, #tpu.memory_space<vmem>>, vector<16xi32>,
        %mul3A_629 = arith.constant 128 : i32
        %mul3A_630 = arith.muli %add3A_518, %mul3A_629 : i32
        %add3A_631 = arith.constant 48 : i32
        %add3A_632 = arith.addi %mul3A_630, %add3A_631 : i32
        %get3A_633 = arith.index_cast %add3A_632 : i32 to index
        %get3A_634 = tpu.vector_load %arg5[%get3A_633] {strides = array<i32>} : memref<6656xi32, #tpu.memory_space<vmem>>, vector<16xi32>,
        %get3A_635 = vector.shape_cast %get3A_634 : vector<16xi32> to vector<16xi32>
        %add3A_636 = arith.addi %get3A_635, %broadcast_in_dim3A_592 : vector<16xi32>
        %swap3A_637 = arith.index_cast %add3A_632 : i32 to index
        %swap3A_638 = tpu.vector_load %arg5[%swap3A_637] {strides = array<i32>} : memref<6656xi32, #tpu.memory_space<vmem>>, vector<16xi32>,
        %swap3A_639 = vector.shape_cast %swap3A_638 : vector<16xi32> to vector<16xi32>
        %swap3A_640 = vector.shape_cast %add3A_636 : vector<16xi32> to vector<16xi32>
        tpu.vector_store %arg5[%swap3A_637], %swap3A_640 {strides = array<i32>} : memref<6656xi32, #tpu.memory_space<vmem>>, vector<16xi32>,
        %mul3A_641 = arith.constant 128 : i32
        %mul3A_642 = arith.muli %add3A_518, %mul3A_641 : i32
        %add3A_643 = arith.constant 64 : i32
        %add3A_644 = arith.addi %mul3A_642, %add3A_643 : i32
        %get3A_645 = arith.index_cast %add3A_644 : i32 to index
        %get3A_646 = tpu.vector_load %arg5[%get3A_645] {strides = array<i32>} : memref<6656xi32, #tpu.memory_space<vmem>>, vector<16xi32>,
        %get3A_647 = vector.shape_cast %get3A_646 : vector<16xi32> to vector<16xi32>
        %add3A_648 = arith.addi %get3A_647, %broadcast_in_dim3A_592 : vector<16xi32>
        %swap3A_649 = arith.index_cast %add3A_644 : i32 to index
        %swap3A_650 = tpu.vector_load %arg5[%swap3A_649] {strides = array<i32>} : memref<6656xi32, #tpu.memory_space<vmem>>, vector<16xi32>,
        %swap3A_651 = vector.shape_cast %swap3A_650 : vector<16xi32> to vector<16xi32>
        %swap3A_652 = vector.shape_cast %add3A_648 : vector<16xi32> to vector<16xi32>
        tpu.vector_store %arg5[%swap3A_649], %swap3A_652 {strides = array<i32>} : memref<6656xi32, #tpu.memory_space<vmem>>, vector<16xi32>,
        %mul3A_653 = arith.constant 128 : i32
        %mul3A_654 = arith.muli %add3A_518, %mul3A_653 : i32
        %add3A_655 = arith.constant 80 : i32
        %add3A_656 = arith.addi %mul3A_654, %add3A_655 : i32
        %get3A_657 = arith.index_cast %add3A_656 : i32 to index
        %get3A_658 = tpu.vector_load %arg5[%get3A_657] {strides = array<i32>} : memref<6656xi32, #tpu.memory_space<vmem>>, vector<16xi32>,
        %get3A_659 = vector.shape_cast %get3A_658 : vector<16xi32> to vector<16xi32>
        %add3A_660 = arith.addi %get3A_659, %broadcast_in_dim3A_592 : vector<16xi32>
        %swap3A_661 = arith.index_cast %add3A_656 : i32 to index
        %swap3A_662 = tpu.vector_load %arg5[%swap3A_661] {strides = array<i32>} : memref<6656xi32, #tpu.memory_space<vmem>>, vector<16xi32>,
        %swap3A_663 = vector.shape_cast %swap3A_662 : vector<16xi32> to vector<16xi32>
        %swap3A_664 = vector.shape_cast %add3A_660 : vector<16xi32> to vector<16xi32>
        tpu.vector_store %arg5[%swap3A_661], %swap3A_664 {strides = array<i32>} : memref<6656xi32, #tpu.memory_space<vmem>>, vector<16xi32>,
        %mul3A_665 = arith.constant 128 : i32
        %mul3A_666 = arith.muli %add3A_518, %mul3A_665 : i32
        %add3A_667 = arith.constant 96 : i32
        %add3A_668 = arith.addi %mul3A_666, %add3A_667 : i32
        %get3A_669 = arith.index_cast %add3A_668 : i32 to index
        %get3A_670 = tpu.vector_load %arg5[%get3A_669] {strides = array<i32>} : memref<6656xi32, #tpu.memory_space<vmem>>, vector<16xi32>,
        %get3A_671 = vector.shape_cast %get3A_670 : vector<16xi32> to vector<16xi32>
        %add3A_672 = arith.addi %get3A_671, %broadcast_in_dim3A_592 : vector<16xi32>
        %swap3A_673 = arith.index_cast %add3A_668 : i32 to index
        %swap3A_674 = tpu.vector_load %arg5[%swap3A_673] {strides = array<i32>} : memref<6656xi32, #tpu.memory_space<vmem>>, vector<16xi32>,
        %swap3A_675 = vector.shape_cast %swap3A_674 : vector<16xi32> to vector<16xi32>
        %swap3A_676 = vector.shape_cast %add3A_672 : vector<16xi32> to vector<16xi32>
        tpu.vector_store %arg5[%swap3A_673], %swap3A_676 {strides = array<i32>} : memref<6656xi32, #tpu.memory_space<vmem>>, vector<16xi32>,
        %mul3A_677 = arith.constant 128 : i32
        %mul3A_678 = arith.muli %add3A_518, %mul3A_677 : i32
        %add3A_679 = arith.constant 112 : i32
        %add3A_680 = arith.addi %mul3A_678, %add3A_679 : i32
        %get3A_681 = arith.index_cast %add3A_680 : i32 to index
        %get3A_682 = tpu.vector_load %arg5[%get3A_681] {strides = array<i32>} : memref<6656xi32, #tpu.memory_space<vmem>>, vector<16xi32>,
        %get3A_683 = vector.shape_cast %get3A_682 : vector<16xi32> to vector<16xi32>
        %add3A_684 = arith.addi %get3A_683, %broadcast_in_dim3A_592 : vector<16xi32>
        %swap3A_685 = arith.index_cast %add3A_680 : i32 to index
        %swap3A_686 = tpu.vector_load %arg5[%swap3A_685] {strides = array<i32>} : memref<6656xi32, #tpu.memory_space<vmem>>, vector<16xi32>,
        %swap3A_687 = vector.shape_cast %swap3A_686 : vector<16xi32> to vector<16xi32>
        %swap3A_688 = vector.shape_cast %add3A_684 : vector<16xi32> to vector<16xi32>
        tpu.vector_store %arg5[%swap3A_685], %swap3A_688 {strides = array<i32>} : memref<6656xi32, #tpu.memory_space<vmem>>, vector<16xi32>,
        %mul3A_689 = arith.constant 128 : i32
        %mul3A_690 = arith.muli %add3A_518, %mul3A_689 : i32
        %dma_start3A_691 = tpu.memref_slice %arg5[%mul3A_690] : memref<6656xi32, #tpu.memory_space<vmem>> -> memref<128xi32, #tpu.memory_space<vmem>>
        %dma_start3A_692 = arith.constant 0 : i32
        %dma_start3A_693 = arith.constant 0 : i32
        %dma_start3A_694 = tpu.memref_slice %arg2[%dma_start3A_692, %dma_start3A_693] : memref<2600000x128xf32, #tpu.memory_space<hbm>> -> memref<2600000x128xf32, #tpu.memory_space<hbm>>
        tpu.enqueue_indirect_dma source(%dma_start3A_694 : memref<2600000x128xf32, #tpu.memory_space<hbm>>) target(%arg7 : memref<128x128xf32, #tpu.memory_space<vmem>>) offsets(%dma_start3A_691 : memref<128xi32, #tpu.memory_space<vmem>>) semaphore(%arg13 : memref<!tpu.dma_semaphore, #tpu.memory_space<semaphore_mem>>)
      } else {
      }
      %add3A_529 = arith.constant 2 : i32
      %add3A_530 = arith.addi %mul3A_461, %add3A_529 : i32
      %add3A_531 = arith.constant 6 : i32
      %add3A_532 = arith.addi %add3A_530, %add3A_531 : i32
      %lt3A_533 = arith.constant 52 : i32
      %lt3A_534 = arith.cmpi slt, %add3A_530, %lt3A_533 : i32
      %convert_element_type3A_535 = arith.extui %lt3A_534 : i1 to i32
      %cond3A_536 = arith.constant 0 : i32
      %cond3A_537 = arith.cmpi ne, %convert_element_type3A_535, %cond3A_536 : i32
      scf.if %cond3A_537 {
        %mul3A_585 = arith.constant 128 : i32
        %mul3A_586 = arith.muli %add3A_530, %mul3A_585 : i32
        %add3A_587 = arith.addi %mul3A_2, %mul3A_586 : i32
        %dma_wait3A = arith.constant 0 : i32
        %dma_wait3A_588 = tpu.memref_slice %arg4[%add3A_587, %dma_wait3A] : memref<212992x128xf32, #tpu.memory_space<hbm>> -> memref<128x128xf32, #tpu.memory_space<hbm>>
        %dma_wait3A_589 = arith.constant 0 : i32
        %dma_wait3A_590 = tpu.memref_slice %arg4[%add3A_587, %dma_wait3A_589] : memref<212992x128xf32, #tpu.memory_space<hbm>> -> memref<128x128xf32, #tpu.memory_space<hbm>>
        tpu.wait_dma2 semaphore(%arg20 : memref<!tpu.dma_semaphore, #tpu.memory_space<semaphore_mem>>) src(%arg8 : memref<128x128xf32, #tpu.memory_space<vmem>>) dst(%dma_wait3A_590 : memref<128x128xf32, #tpu.memory_space<hbm>>)
      } else {
      }
      %lt3A_538 = arith.constant 52 : i32
      %lt3A_539 = arith.cmpi slt, %add3A_532, %lt3A_538 : i32
      %convert_element_type3A_540 = arith.extui %lt3A_539 : i1 to i32
      %cond3A_541 = arith.constant 0 : i32
      %cond3A_542 = arith.cmpi ne, %convert_element_type3A_540, %cond3A_541 : i32
      scf.if %cond3A_542 {
        %mul3A_585 = arith.constant 128 : i32
        %mul3A_586 = arith.muli %add3A_532, %mul3A_585 : i32
        %add3A_587 = arith.addi %mul3A_2, %mul3A_586 : i32
        %shift_right_logical3A_588 = arith.constant 13 : i32
        %shift_right_logical3A_589 = arith.shrui %add3A_587, %shift_right_logical3A_588 : i32
        %mul3A_590 = arith.constant 100000 : i32
        %mul3A_591 = arith.muli %shift_right_logical3A_589, %mul3A_590 : i32
        %broadcast_in_dim3A_592 = vector.broadcast %mul3A_591 : i32 to vector<16xi32>
        %mul3A_593 = arith.constant 128 : i32
        %mul3A_594 = arith.muli %add3A_532, %mul3A_593 : i32
        %add3A_595 = arith.constant 0 : i32
        %add3A_596 = arith.addi %mul3A_594, %add3A_595 : i32
        %get3A_597 = arith.index_cast %add3A_596 : i32 to index
        %get3A_598 = tpu.vector_load %arg5[%get3A_597] {strides = array<i32>} : memref<6656xi32, #tpu.memory_space<vmem>>, vector<16xi32>,
        %get3A_599 = vector.shape_cast %get3A_598 : vector<16xi32> to vector<16xi32>
        %add3A_600 = arith.addi %get3A_599, %broadcast_in_dim3A_592 : vector<16xi32>
        %swap3A_601 = arith.index_cast %add3A_596 : i32 to index
        %swap3A_602 = tpu.vector_load %arg5[%swap3A_601] {strides = array<i32>} : memref<6656xi32, #tpu.memory_space<vmem>>, vector<16xi32>,
        %swap3A_603 = vector.shape_cast %swap3A_602 : vector<16xi32> to vector<16xi32>
        %swap3A_604 = vector.shape_cast %add3A_600 : vector<16xi32> to vector<16xi32>
        tpu.vector_store %arg5[%swap3A_601], %swap3A_604 {strides = array<i32>} : memref<6656xi32, #tpu.memory_space<vmem>>, vector<16xi32>,
        %mul3A_605 = arith.constant 128 : i32
        %mul3A_606 = arith.muli %add3A_532, %mul3A_605 : i32
        %add3A_607 = arith.constant 16 : i32
        %add3A_608 = arith.addi %mul3A_606, %add3A_607 : i32
        %get3A_609 = arith.index_cast %add3A_608 : i32 to index
        %get3A_610 = tpu.vector_load %arg5[%get3A_609] {strides = array<i32>} : memref<6656xi32, #tpu.memory_space<vmem>>, vector<16xi32>,
        %get3A_611 = vector.shape_cast %get3A_610 : vector<16xi32> to vector<16xi32>
        %add3A_612 = arith.addi %get3A_611, %broadcast_in_dim3A_592 : vector<16xi32>
        %swap3A_613 = arith.index_cast %add3A_608 : i32 to index
        %swap3A_614 = tpu.vector_load %arg5[%swap3A_613] {strides = array<i32>} : memref<6656xi32, #tpu.memory_space<vmem>>, vector<16xi32>,
        %swap3A_615 = vector.shape_cast %swap3A_614 : vector<16xi32> to vector<16xi32>
        %swap3A_616 = vector.shape_cast %add3A_612 : vector<16xi32> to vector<16xi32>
        tpu.vector_store %arg5[%swap3A_613], %swap3A_616 {strides = array<i32>} : memref<6656xi32, #tpu.memory_space<vmem>>, vector<16xi32>,
        %mul3A_617 = arith.constant 128 : i32
        %mul3A_618 = arith.muli %add3A_532, %mul3A_617 : i32
        %add3A_619 = arith.constant 32 : i32
        %add3A_620 = arith.addi %mul3A_618, %add3A_619 : i32
        %get3A_621 = arith.index_cast %add3A_620 : i32 to index
        %get3A_622 = tpu.vector_load %arg5[%get3A_621] {strides = array<i32>} : memref<6656xi32, #tpu.memory_space<vmem>>, vector<16xi32>,
        %get3A_623 = vector.shape_cast %get3A_622 : vector<16xi32> to vector<16xi32>
        %add3A_624 = arith.addi %get3A_623, %broadcast_in_dim3A_592 : vector<16xi32>
        %swap3A_625 = arith.index_cast %add3A_620 : i32 to index
        %swap3A_626 = tpu.vector_load %arg5[%swap3A_625] {strides = array<i32>} : memref<6656xi32, #tpu.memory_space<vmem>>, vector<16xi32>,
        %swap3A_627 = vector.shape_cast %swap3A_626 : vector<16xi32> to vector<16xi32>
        %swap3A_628 = vector.shape_cast %add3A_624 : vector<16xi32> to vector<16xi32>
        tpu.vector_store %arg5[%swap3A_625], %swap3A_628 {strides = array<i32>} : memref<6656xi32, #tpu.memory_space<vmem>>, vector<16xi32>,
        %mul3A_629 = arith.constant 128 : i32
        %mul3A_630 = arith.muli %add3A_532, %mul3A_629 : i32
        %add3A_631 = arith.constant 48 : i32
        %add3A_632 = arith.addi %mul3A_630, %add3A_631 : i32
        %get3A_633 = arith.index_cast %add3A_632 : i32 to index
        %get3A_634 = tpu.vector_load %arg5[%get3A_633] {strides = array<i32>} : memref<6656xi32, #tpu.memory_space<vmem>>, vector<16xi32>,
        %get3A_635 = vector.shape_cast %get3A_634 : vector<16xi32> to vector<16xi32>
        %add3A_636 = arith.addi %get3A_635, %broadcast_in_dim3A_592 : vector<16xi32>
        %swap3A_637 = arith.index_cast %add3A_632 : i32 to index
        %swap3A_638 = tpu.vector_load %arg5[%swap3A_637] {strides = array<i32>} : memref<6656xi32, #tpu.memory_space<vmem>>, vector<16xi32>,
        %swap3A_639 = vector.shape_cast %swap3A_638 : vector<16xi32> to vector<16xi32>
        %swap3A_640 = vector.shape_cast %add3A_636 : vector<16xi32> to vector<16xi32>
        tpu.vector_store %arg5[%swap3A_637], %swap3A_640 {strides = array<i32>} : memref<6656xi32, #tpu.memory_space<vmem>>, vector<16xi32>,
        %mul3A_641 = arith.constant 128 : i32
        %mul3A_642 = arith.muli %add3A_532, %mul3A_641 : i32
        %add3A_643 = arith.constant 64 : i32
        %add3A_644 = arith.addi %mul3A_642, %add3A_643 : i32
        %get3A_645 = arith.index_cast %add3A_644 : i32 to index
        %get3A_646 = tpu.vector_load %arg5[%get3A_645] {strides = array<i32>} : memref<6656xi32, #tpu.memory_space<vmem>>, vector<16xi32>,
        %get3A_647 = vector.shape_cast %get3A_646 : vector<16xi32> to vector<16xi32>
        %add3A_648 = arith.addi %get3A_647, %broadcast_in_dim3A_592 : vector<16xi32>
        %swap3A_649 = arith.index_cast %add3A_644 : i32 to index
        %swap3A_650 = tpu.vector_load %arg5[%swap3A_649] {strides = array<i32>} : memref<6656xi32, #tpu.memory_space<vmem>>, vector<16xi32>,
        %swap3A_651 = vector.shape_cast %swap3A_650 : vector<16xi32> to vector<16xi32>
        %swap3A_652 = vector.shape_cast %add3A_648 : vector<16xi32> to vector<16xi32>
        tpu.vector_store %arg5[%swap3A_649], %swap3A_652 {strides = array<i32>} : memref<6656xi32, #tpu.memory_space<vmem>>, vector<16xi32>,
        %mul3A_653 = arith.constant 128 : i32
        %mul3A_654 = arith.muli %add3A_532, %mul3A_653 : i32
        %add3A_655 = arith.constant 80 : i32
        %add3A_656 = arith.addi %mul3A_654, %add3A_655 : i32
        %get3A_657 = arith.index_cast %add3A_656 : i32 to index
        %get3A_658 = tpu.vector_load %arg5[%get3A_657] {strides = array<i32>} : memref<6656xi32, #tpu.memory_space<vmem>>, vector<16xi32>,
        %get3A_659 = vector.shape_cast %get3A_658 : vector<16xi32> to vector<16xi32>
        %add3A_660 = arith.addi %get3A_659, %broadcast_in_dim3A_592 : vector<16xi32>
        %swap3A_661 = arith.index_cast %add3A_656 : i32 to index
        %swap3A_662 = tpu.vector_load %arg5[%swap3A_661] {strides = array<i32>} : memref<6656xi32, #tpu.memory_space<vmem>>, vector<16xi32>,
        %swap3A_663 = vector.shape_cast %swap3A_662 : vector<16xi32> to vector<16xi32>
        %swap3A_664 = vector.shape_cast %add3A_660 : vector<16xi32> to vector<16xi32>
        tpu.vector_store %arg5[%swap3A_661], %swap3A_664 {strides = array<i32>} : memref<6656xi32, #tpu.memory_space<vmem>>, vector<16xi32>,
        %mul3A_665 = arith.constant 128 : i32
        %mul3A_666 = arith.muli %add3A_532, %mul3A_665 : i32
        %add3A_667 = arith.constant 96 : i32
        %add3A_668 = arith.addi %mul3A_666, %add3A_667 : i32
        %get3A_669 = arith.index_cast %add3A_668 : i32 to index
        %get3A_670 = tpu.vector_load %arg5[%get3A_669] {strides = array<i32>} : memref<6656xi32, #tpu.memory_space<vmem>>, vector<16xi32>,
        %get3A_671 = vector.shape_cast %get3A_670 : vector<16xi32> to vector<16xi32>
        %add3A_672 = arith.addi %get3A_671, %broadcast_in_dim3A_592 : vector<16xi32>
        %swap3A_673 = arith.index_cast %add3A_668 : i32 to index
        %swap3A_674 = tpu.vector_load %arg5[%swap3A_673] {strides = array<i32>} : memref<6656xi32, #tpu.memory_space<vmem>>, vector<16xi32>,
        %swap3A_675 = vector.shape_cast %swap3A_674 : vector<16xi32> to vector<16xi32>
        %swap3A_676 = vector.shape_cast %add3A_672 : vector<16xi32> to vector<16xi32>
        tpu.vector_store %arg5[%swap3A_673], %swap3A_676 {strides = array<i32>} : memref<6656xi32, #tpu.memory_space<vmem>>, vector<16xi32>,
        %mul3A_677 = arith.constant 128 : i32
        %mul3A_678 = arith.muli %add3A_532, %mul3A_677 : i32
        %add3A_679 = arith.constant 112 : i32
        %add3A_680 = arith.addi %mul3A_678, %add3A_679 : i32
        %get3A_681 = arith.index_cast %add3A_680 : i32 to index
        %get3A_682 = tpu.vector_load %arg5[%get3A_681] {strides = array<i32>} : memref<6656xi32, #tpu.memory_space<vmem>>, vector<16xi32>,
        %get3A_683 = vector.shape_cast %get3A_682 : vector<16xi32> to vector<16xi32>
        %add3A_684 = arith.addi %get3A_683, %broadcast_in_dim3A_592 : vector<16xi32>
        %swap3A_685 = arith.index_cast %add3A_680 : i32 to index
        %swap3A_686 = tpu.vector_load %arg5[%swap3A_685] {strides = array<i32>} : memref<6656xi32, #tpu.memory_space<vmem>>, vector<16xi32>,
        %swap3A_687 = vector.shape_cast %swap3A_686 : vector<16xi32> to vector<16xi32>
        %swap3A_688 = vector.shape_cast %add3A_684 : vector<16xi32> to vector<16xi32>
        tpu.vector_store %arg5[%swap3A_685], %swap3A_688 {strides = array<i32>} : memref<6656xi32, #tpu.memory_space<vmem>>, vector<16xi32>,
        %mul3A_689 = arith.constant 128 : i32
        %mul3A_690 = arith.muli %add3A_532, %mul3A_689 : i32
        %dma_start3A_691 = tpu.memref_slice %arg5[%mul3A_690] : memref<6656xi32, #tpu.memory_space<vmem>> -> memref<128xi32, #tpu.memory_space<vmem>>
        %dma_start3A_692 = arith.constant 0 : i32
        %dma_start3A_693 = arith.constant 0 : i32
        %dma_start3A_694 = tpu.memref_slice %arg2[%dma_start3A_692, %dma_start3A_693] : memref<2600000x128xf32, #tpu.memory_space<hbm>> -> memref<2600000x128xf32, #tpu.memory_space<hbm>>
        tpu.enqueue_indirect_dma source(%dma_start3A_694 : memref<2600000x128xf32, #tpu.memory_space<hbm>>) target(%arg8 : memref<128x128xf32, #tpu.memory_space<vmem>>) offsets(%dma_start3A_691 : memref<128xi32, #tpu.memory_space<vmem>>) semaphore(%arg14 : memref<!tpu.dma_semaphore, #tpu.memory_space<semaphore_mem>>)
      } else {
      }
      %add3A_543 = arith.constant 3 : i32
      %add3A_544 = arith.addi %mul3A_461, %add3A_543 : i32
      %add3A_545 = arith.constant 6 : i32
      %add3A_546 = arith.addi %add3A_544, %add3A_545 : i32
      %lt3A_547 = arith.constant 52 : i32
      %lt3A_548 = arith.cmpi slt, %add3A_544, %lt3A_547 : i32
      %convert_element_type3A_549 = arith.extui %lt3A_548 : i1 to i32
      %cond3A_550 = arith.constant 0 : i32
      %cond3A_551 = arith.cmpi ne, %convert_element_type3A_549, %cond3A_550 : i32
      scf.if %cond3A_551 {
        %mul3A_585 = arith.constant 128 : i32
        %mul3A_586 = arith.muli %add3A_544, %mul3A_585 : i32
        %add3A_587 = arith.addi %mul3A_2, %mul3A_586 : i32
        %dma_wait3A = arith.constant 0 : i32
        %dma_wait3A_588 = tpu.memref_slice %arg4[%add3A_587, %dma_wait3A] : memref<212992x128xf32, #tpu.memory_space<hbm>> -> memref<128x128xf32, #tpu.memory_space<hbm>>
        %dma_wait3A_589 = arith.constant 0 : i32
        %dma_wait3A_590 = tpu.memref_slice %arg4[%add3A_587, %dma_wait3A_589] : memref<212992x128xf32, #tpu.memory_space<hbm>> -> memref<128x128xf32, #tpu.memory_space<hbm>>
        tpu.wait_dma2 semaphore(%arg21 : memref<!tpu.dma_semaphore, #tpu.memory_space<semaphore_mem>>) src(%arg9 : memref<128x128xf32, #tpu.memory_space<vmem>>) dst(%dma_wait3A_590 : memref<128x128xf32, #tpu.memory_space<hbm>>)
      } else {
      }
      %lt3A_552 = arith.constant 52 : i32
      %lt3A_553 = arith.cmpi slt, %add3A_546, %lt3A_552 : i32
      %convert_element_type3A_554 = arith.extui %lt3A_553 : i1 to i32
      %cond3A_555 = arith.constant 0 : i32
      %cond3A_556 = arith.cmpi ne, %convert_element_type3A_554, %cond3A_555 : i32
      scf.if %cond3A_556 {
        %mul3A_585 = arith.constant 128 : i32
        %mul3A_586 = arith.muli %add3A_546, %mul3A_585 : i32
        %add3A_587 = arith.addi %mul3A_2, %mul3A_586 : i32
        %shift_right_logical3A_588 = arith.constant 13 : i32
        %shift_right_logical3A_589 = arith.shrui %add3A_587, %shift_right_logical3A_588 : i32
        %mul3A_590 = arith.constant 100000 : i32
        %mul3A_591 = arith.muli %shift_right_logical3A_589, %mul3A_590 : i32
        %broadcast_in_dim3A_592 = vector.broadcast %mul3A_591 : i32 to vector<16xi32>
        %mul3A_593 = arith.constant 128 : i32
        %mul3A_594 = arith.muli %add3A_546, %mul3A_593 : i32
        %add3A_595 = arith.constant 0 : i32
        %add3A_596 = arith.addi %mul3A_594, %add3A_595 : i32
        %get3A_597 = arith.index_cast %add3A_596 : i32 to index
        %get3A_598 = tpu.vector_load %arg5[%get3A_597] {strides = array<i32>} : memref<6656xi32, #tpu.memory_space<vmem>>, vector<16xi32>,
        %get3A_599 = vector.shape_cast %get3A_598 : vector<16xi32> to vector<16xi32>
        %add3A_600 = arith.addi %get3A_599, %broadcast_in_dim3A_592 : vector<16xi32>
        %swap3A_601 = arith.index_cast %add3A_596 : i32 to index
        %swap3A_602 = tpu.vector_load %arg5[%swap3A_601] {strides = array<i32>} : memref<6656xi32, #tpu.memory_space<vmem>>, vector<16xi32>,
        %swap3A_603 = vector.shape_cast %swap3A_602 : vector<16xi32> to vector<16xi32>
        %swap3A_604 = vector.shape_cast %add3A_600 : vector<16xi32> to vector<16xi32>
        tpu.vector_store %arg5[%swap3A_601], %swap3A_604 {strides = array<i32>} : memref<6656xi32, #tpu.memory_space<vmem>>, vector<16xi32>,
        %mul3A_605 = arith.constant 128 : i32
        %mul3A_606 = arith.muli %add3A_546, %mul3A_605 : i32
        %add3A_607 = arith.constant 16 : i32
        %add3A_608 = arith.addi %mul3A_606, %add3A_607 : i32
        %get3A_609 = arith.index_cast %add3A_608 : i32 to index
        %get3A_610 = tpu.vector_load %arg5[%get3A_609] {strides = array<i32>} : memref<6656xi32, #tpu.memory_space<vmem>>, vector<16xi32>,
        %get3A_611 = vector.shape_cast %get3A_610 : vector<16xi32> to vector<16xi32>
        %add3A_612 = arith.addi %get3A_611, %broadcast_in_dim3A_592 : vector<16xi32>
        %swap3A_613 = arith.index_cast %add3A_608 : i32 to index
        %swap3A_614 = tpu.vector_load %arg5[%swap3A_613] {strides = array<i32>} : memref<6656xi32, #tpu.memory_space<vmem>>, vector<16xi32>,
        %swap3A_615 = vector.shape_cast %swap3A_614 : vector<16xi32> to vector<16xi32>
        %swap3A_616 = vector.shape_cast %add3A_612 : vector<16xi32> to vector<16xi32>
        tpu.vector_store %arg5[%swap3A_613], %swap3A_616 {strides = array<i32>} : memref<6656xi32, #tpu.memory_space<vmem>>, vector<16xi32>,
        %mul3A_617 = arith.constant 128 : i32
        %mul3A_618 = arith.muli %add3A_546, %mul3A_617 : i32
        %add3A_619 = arith.constant 32 : i32
        %add3A_620 = arith.addi %mul3A_618, %add3A_619 : i32
        %get3A_621 = arith.index_cast %add3A_620 : i32 to index
        %get3A_622 = tpu.vector_load %arg5[%get3A_621] {strides = array<i32>} : memref<6656xi32, #tpu.memory_space<vmem>>, vector<16xi32>,
        %get3A_623 = vector.shape_cast %get3A_622 : vector<16xi32> to vector<16xi32>
        %add3A_624 = arith.addi %get3A_623, %broadcast_in_dim3A_592 : vector<16xi32>
        %swap3A_625 = arith.index_cast %add3A_620 : i32 to index
        %swap3A_626 = tpu.vector_load %arg5[%swap3A_625] {strides = array<i32>} : memref<6656xi32, #tpu.memory_space<vmem>>, vector<16xi32>,
        %swap3A_627 = vector.shape_cast %swap3A_626 : vector<16xi32> to vector<16xi32>
        %swap3A_628 = vector.shape_cast %add3A_624 : vector<16xi32> to vector<16xi32>
        tpu.vector_store %arg5[%swap3A_625], %swap3A_628 {strides = array<i32>} : memref<6656xi32, #tpu.memory_space<vmem>>, vector<16xi32>,
        %mul3A_629 = arith.constant 128 : i32
        %mul3A_630 = arith.muli %add3A_546, %mul3A_629 : i32
        %add3A_631 = arith.constant 48 : i32
        %add3A_632 = arith.addi %mul3A_630, %add3A_631 : i32
        %get3A_633 = arith.index_cast %add3A_632 : i32 to index
        %get3A_634 = tpu.vector_load %arg5[%get3A_633] {strides = array<i32>} : memref<6656xi32, #tpu.memory_space<vmem>>, vector<16xi32>,
        %get3A_635 = vector.shape_cast %get3A_634 : vector<16xi32> to vector<16xi32>
        %add3A_636 = arith.addi %get3A_635, %broadcast_in_dim3A_592 : vector<16xi32>
        %swap3A_637 = arith.index_cast %add3A_632 : i32 to index
        %swap3A_638 = tpu.vector_load %arg5[%swap3A_637] {strides = array<i32>} : memref<6656xi32, #tpu.memory_space<vmem>>, vector<16xi32>,
        %swap3A_639 = vector.shape_cast %swap3A_638 : vector<16xi32> to vector<16xi32>
        %swap3A_640 = vector.shape_cast %add3A_636 : vector<16xi32> to vector<16xi32>
        tpu.vector_store %arg5[%swap3A_637], %swap3A_640 {strides = array<i32>} : memref<6656xi32, #tpu.memory_space<vmem>>, vector<16xi32>,
        %mul3A_641 = arith.constant 128 : i32
        %mul3A_642 = arith.muli %add3A_546, %mul3A_641 : i32
        %add3A_643 = arith.constant 64 : i32
        %add3A_644 = arith.addi %mul3A_642, %add3A_643 : i32
        %get3A_645 = arith.index_cast %add3A_644 : i32 to index
        %get3A_646 = tpu.vector_load %arg5[%get3A_645] {strides = array<i32>} : memref<6656xi32, #tpu.memory_space<vmem>>, vector<16xi32>,
        %get3A_647 = vector.shape_cast %get3A_646 : vector<16xi32> to vector<16xi32>
        %add3A_648 = arith.addi %get3A_647, %broadcast_in_dim3A_592 : vector<16xi32>
        %swap3A_649 = arith.index_cast %add3A_644 : i32 to index
        %swap3A_650 = tpu.vector_load %arg5[%swap3A_649] {strides = array<i32>} : memref<6656xi32, #tpu.memory_space<vmem>>, vector<16xi32>,
        %swap3A_651 = vector.shape_cast %swap3A_650 : vector<16xi32> to vector<16xi32>
        %swap3A_652 = vector.shape_cast %add3A_648 : vector<16xi32> to vector<16xi32>
        tpu.vector_store %arg5[%swap3A_649], %swap3A_652 {strides = array<i32>} : memref<6656xi32, #tpu.memory_space<vmem>>, vector<16xi32>,
        %mul3A_653 = arith.constant 128 : i32
        %mul3A_654 = arith.muli %add3A_546, %mul3A_653 : i32
        %add3A_655 = arith.constant 80 : i32
        %add3A_656 = arith.addi %mul3A_654, %add3A_655 : i32
        %get3A_657 = arith.index_cast %add3A_656 : i32 to index
        %get3A_658 = tpu.vector_load %arg5[%get3A_657] {strides = array<i32>} : memref<6656xi32, #tpu.memory_space<vmem>>, vector<16xi32>,
        %get3A_659 = vector.shape_cast %get3A_658 : vector<16xi32> to vector<16xi32>
        %add3A_660 = arith.addi %get3A_659, %broadcast_in_dim3A_592 : vector<16xi32>
        %swap3A_661 = arith.index_cast %add3A_656 : i32 to index
        %swap3A_662 = tpu.vector_load %arg5[%swap3A_661] {strides = array<i32>} : memref<6656xi32, #tpu.memory_space<vmem>>, vector<16xi32>,
        %swap3A_663 = vector.shape_cast %swap3A_662 : vector<16xi32> to vector<16xi32>
        %swap3A_664 = vector.shape_cast %add3A_660 : vector<16xi32> to vector<16xi32>
        tpu.vector_store %arg5[%swap3A_661], %swap3A_664 {strides = array<i32>} : memref<6656xi32, #tpu.memory_space<vmem>>, vector<16xi32>,
        %mul3A_665 = arith.constant 128 : i32
        %mul3A_666 = arith.muli %add3A_546, %mul3A_665 : i32
        %add3A_667 = arith.constant 96 : i32
        %add3A_668 = arith.addi %mul3A_666, %add3A_667 : i32
        %get3A_669 = arith.index_cast %add3A_668 : i32 to index
        %get3A_670 = tpu.vector_load %arg5[%get3A_669] {strides = array<i32>} : memref<6656xi32, #tpu.memory_space<vmem>>, vector<16xi32>,
        %get3A_671 = vector.shape_cast %get3A_670 : vector<16xi32> to vector<16xi32>
        %add3A_672 = arith.addi %get3A_671, %broadcast_in_dim3A_592 : vector<16xi32>
        %swap3A_673 = arith.index_cast %add3A_668 : i32 to index
        %swap3A_674 = tpu.vector_load %arg5[%swap3A_673] {strides = array<i32>} : memref<6656xi32, #tpu.memory_space<vmem>>, vector<16xi32>,
        %swap3A_675 = vector.shape_cast %swap3A_674 : vector<16xi32> to vector<16xi32>
        %swap3A_676 = vector.shape_cast %add3A_672 : vector<16xi32> to vector<16xi32>
        tpu.vector_store %arg5[%swap3A_673], %swap3A_676 {strides = array<i32>} : memref<6656xi32, #tpu.memory_space<vmem>>, vector<16xi32>,
        %mul3A_677 = arith.constant 128 : i32
        %mul3A_678 = arith.muli %add3A_546, %mul3A_677 : i32
        %add3A_679 = arith.constant 112 : i32
        %add3A_680 = arith.addi %mul3A_678, %add3A_679 : i32
        %get3A_681 = arith.index_cast %add3A_680 : i32 to index
        %get3A_682 = tpu.vector_load %arg5[%get3A_681] {strides = array<i32>} : memref<6656xi32, #tpu.memory_space<vmem>>, vector<16xi32>,
        %get3A_683 = vector.shape_cast %get3A_682 : vector<16xi32> to vector<16xi32>
        %add3A_684 = arith.addi %get3A_683, %broadcast_in_dim3A_592 : vector<16xi32>
        %swap3A_685 = arith.index_cast %add3A_680 : i32 to index
        %swap3A_686 = tpu.vector_load %arg5[%swap3A_685] {strides = array<i32>} : memref<6656xi32, #tpu.memory_space<vmem>>, vector<16xi32>,
        %swap3A_687 = vector.shape_cast %swap3A_686 : vector<16xi32> to vector<16xi32>
        %swap3A_688 = vector.shape_cast %add3A_684 : vector<16xi32> to vector<16xi32>
        tpu.vector_store %arg5[%swap3A_685], %swap3A_688 {strides = array<i32>} : memref<6656xi32, #tpu.memory_space<vmem>>, vector<16xi32>,
        %mul3A_689 = arith.constant 128 : i32
        %mul3A_690 = arith.muli %add3A_546, %mul3A_689 : i32
        %dma_start3A_691 = tpu.memref_slice %arg5[%mul3A_690] : memref<6656xi32, #tpu.memory_space<vmem>> -> memref<128xi32, #tpu.memory_space<vmem>>
        %dma_start3A_692 = arith.constant 0 : i32
        %dma_start3A_693 = arith.constant 0 : i32
        %dma_start3A_694 = tpu.memref_slice %arg2[%dma_start3A_692, %dma_start3A_693] : memref<2600000x128xf32, #tpu.memory_space<hbm>> -> memref<2600000x128xf32, #tpu.memory_space<hbm>>
        tpu.enqueue_indirect_dma source(%dma_start3A_694 : memref<2600000x128xf32, #tpu.memory_space<hbm>>) target(%arg9 : memref<128x128xf32, #tpu.memory_space<vmem>>) offsets(%dma_start3A_691 : memref<128xi32, #tpu.memory_space<vmem>>) semaphore(%arg15 : memref<!tpu.dma_semaphore, #tpu.memory_space<semaphore_mem>>)
      } else {
      }
      %add3A_557 = arith.constant 4 : i32
      %add3A_558 = arith.addi %mul3A_461, %add3A_557 : i32
      %add3A_559 = arith.constant 6 : i32
      %add3A_560 = arith.addi %add3A_558, %add3A_559 : i32
      %lt3A_561 = arith.constant 52 : i32
      %lt3A_562 = arith.cmpi slt, %add3A_558, %lt3A_561 : i32
      %convert_element_type3A_563 = arith.extui %lt3A_562 : i1 to i32
      %cond3A_564 = arith.constant 0 : i32
      %cond3A_565 = arith.cmpi ne, %convert_element_type3A_563, %cond3A_564 : i32
      scf.if %cond3A_565 {
        %mul3A_585 = arith.constant 128 : i32
        %mul3A_586 = arith.muli %add3A_558, %mul3A_585 : i32
        %add3A_587 = arith.addi %mul3A_2, %mul3A_586 : i32
        %dma_wait3A = arith.constant 0 : i32
        %dma_wait3A_588 = tpu.memref_slice %arg4[%add3A_587, %dma_wait3A] : memref<212992x128xf32, #tpu.memory_space<hbm>> -> memref<128x128xf32, #tpu.memory_space<hbm>>
        %dma_wait3A_589 = arith.constant 0 : i32
        %dma_wait3A_590 = tpu.memref_slice %arg4[%add3A_587, %dma_wait3A_589] : memref<212992x128xf32, #tpu.memory_space<hbm>> -> memref<128x128xf32, #tpu.memory_space<hbm>>
        tpu.wait_dma2 semaphore(%arg22 : memref<!tpu.dma_semaphore, #tpu.memory_space<semaphore_mem>>) src(%arg10 : memref<128x128xf32, #tpu.memory_space<vmem>>) dst(%dma_wait3A_590 : memref<128x128xf32, #tpu.memory_space<hbm>>)
      } else {
      }
      %lt3A_566 = arith.constant 52 : i32
      %lt3A_567 = arith.cmpi slt, %add3A_560, %lt3A_566 : i32
      %convert_element_type3A_568 = arith.extui %lt3A_567 : i1 to i32
      %cond3A_569 = arith.constant 0 : i32
      %cond3A_570 = arith.cmpi ne, %convert_element_type3A_568, %cond3A_569 : i32
      scf.if %cond3A_570 {
        %mul3A_585 = arith.constant 128 : i32
        %mul3A_586 = arith.muli %add3A_560, %mul3A_585 : i32
        %add3A_587 = arith.addi %mul3A_2, %mul3A_586 : i32
        %shift_right_logical3A_588 = arith.constant 13 : i32
        %shift_right_logical3A_589 = arith.shrui %add3A_587, %shift_right_logical3A_588 : i32
        %mul3A_590 = arith.constant 100000 : i32
        %mul3A_591 = arith.muli %shift_right_logical3A_589, %mul3A_590 : i32
        %broadcast_in_dim3A_592 = vector.broadcast %mul3A_591 : i32 to vector<16xi32>
        %mul3A_593 = arith.constant 128 : i32
        %mul3A_594 = arith.muli %add3A_560, %mul3A_593 : i32
        %add3A_595 = arith.constant 0 : i32
        %add3A_596 = arith.addi %mul3A_594, %add3A_595 : i32
        %get3A_597 = arith.index_cast %add3A_596 : i32 to index
        %get3A_598 = tpu.vector_load %arg5[%get3A_597] {strides = array<i32>} : memref<6656xi32, #tpu.memory_space<vmem>>, vector<16xi32>,
        %get3A_599 = vector.shape_cast %get3A_598 : vector<16xi32> to vector<16xi32>
        %add3A_600 = arith.addi %get3A_599, %broadcast_in_dim3A_592 : vector<16xi32>
        %swap3A_601 = arith.index_cast %add3A_596 : i32 to index
        %swap3A_602 = tpu.vector_load %arg5[%swap3A_601] {strides = array<i32>} : memref<6656xi32, #tpu.memory_space<vmem>>, vector<16xi32>,
        %swap3A_603 = vector.shape_cast %swap3A_602 : vector<16xi32> to vector<16xi32>
        %swap3A_604 = vector.shape_cast %add3A_600 : vector<16xi32> to vector<16xi32>
        tpu.vector_store %arg5[%swap3A_601], %swap3A_604 {strides = array<i32>} : memref<6656xi32, #tpu.memory_space<vmem>>, vector<16xi32>,
        %mul3A_605 = arith.constant 128 : i32
        %mul3A_606 = arith.muli %add3A_560, %mul3A_605 : i32
        %add3A_607 = arith.constant 16 : i32
        %add3A_608 = arith.addi %mul3A_606, %add3A_607 : i32
        %get3A_609 = arith.index_cast %add3A_608 : i32 to index
        %get3A_610 = tpu.vector_load %arg5[%get3A_609] {strides = array<i32>} : memref<6656xi32, #tpu.memory_space<vmem>>, vector<16xi32>,
        %get3A_611 = vector.shape_cast %get3A_610 : vector<16xi32> to vector<16xi32>
        %add3A_612 = arith.addi %get3A_611, %broadcast_in_dim3A_592 : vector<16xi32>
        %swap3A_613 = arith.index_cast %add3A_608 : i32 to index
        %swap3A_614 = tpu.vector_load %arg5[%swap3A_613] {strides = array<i32>} : memref<6656xi32, #tpu.memory_space<vmem>>, vector<16xi32>,
        %swap3A_615 = vector.shape_cast %swap3A_614 : vector<16xi32> to vector<16xi32>
        %swap3A_616 = vector.shape_cast %add3A_612 : vector<16xi32> to vector<16xi32>
        tpu.vector_store %arg5[%swap3A_613], %swap3A_616 {strides = array<i32>} : memref<6656xi32, #tpu.memory_space<vmem>>, vector<16xi32>,
        %mul3A_617 = arith.constant 128 : i32
        %mul3A_618 = arith.muli %add3A_560, %mul3A_617 : i32
        %add3A_619 = arith.constant 32 : i32
        %add3A_620 = arith.addi %mul3A_618, %add3A_619 : i32
        %get3A_621 = arith.index_cast %add3A_620 : i32 to index
        %get3A_622 = tpu.vector_load %arg5[%get3A_621] {strides = array<i32>} : memref<6656xi32, #tpu.memory_space<vmem>>, vector<16xi32>,
        %get3A_623 = vector.shape_cast %get3A_622 : vector<16xi32> to vector<16xi32>
        %add3A_624 = arith.addi %get3A_623, %broadcast_in_dim3A_592 : vector<16xi32>
        %swap3A_625 = arith.index_cast %add3A_620 : i32 to index
        %swap3A_626 = tpu.vector_load %arg5[%swap3A_625] {strides = array<i32>} : memref<6656xi32, #tpu.memory_space<vmem>>, vector<16xi32>,
        %swap3A_627 = vector.shape_cast %swap3A_626 : vector<16xi32> to vector<16xi32>
        %swap3A_628 = vector.shape_cast %add3A_624 : vector<16xi32> to vector<16xi32>
        tpu.vector_store %arg5[%swap3A_625], %swap3A_628 {strides = array<i32>} : memref<6656xi32, #tpu.memory_space<vmem>>, vector<16xi32>,
        %mul3A_629 = arith.constant 128 : i32
        %mul3A_630 = arith.muli %add3A_560, %mul3A_629 : i32
        %add3A_631 = arith.constant 48 : i32
        %add3A_632 = arith.addi %mul3A_630, %add3A_631 : i32
        %get3A_633 = arith.index_cast %add3A_632 : i32 to index
        %get3A_634 = tpu.vector_load %arg5[%get3A_633] {strides = array<i32>} : memref<6656xi32, #tpu.memory_space<vmem>>, vector<16xi32>,
        %get3A_635 = vector.shape_cast %get3A_634 : vector<16xi32> to vector<16xi32>
        %add3A_636 = arith.addi %get3A_635, %broadcast_in_dim3A_592 : vector<16xi32>
        %swap3A_637 = arith.index_cast %add3A_632 : i32 to index
        %swap3A_638 = tpu.vector_load %arg5[%swap3A_637] {strides = array<i32>} : memref<6656xi32, #tpu.memory_space<vmem>>, vector<16xi32>,
        %swap3A_639 = vector.shape_cast %swap3A_638 : vector<16xi32> to vector<16xi32>
        %swap3A_640 = vector.shape_cast %add3A_636 : vector<16xi32> to vector<16xi32>
        tpu.vector_store %arg5[%swap3A_637], %swap3A_640 {strides = array<i32>} : memref<6656xi32, #tpu.memory_space<vmem>>, vector<16xi32>,
        %mul3A_641 = arith.constant 128 : i32
        %mul3A_642 = arith.muli %add3A_560, %mul3A_641 : i32
        %add3A_643 = arith.constant 64 : i32
        %add3A_644 = arith.addi %mul3A_642, %add3A_643 : i32
        %get3A_645 = arith.index_cast %add3A_644 : i32 to index
        %get3A_646 = tpu.vector_load %arg5[%get3A_645] {strides = array<i32>} : memref<6656xi32, #tpu.memory_space<vmem>>, vector<16xi32>,
        %get3A_647 = vector.shape_cast %get3A_646 : vector<16xi32> to vector<16xi32>
        %add3A_648 = arith.addi %get3A_647, %broadcast_in_dim3A_592 : vector<16xi32>
        %swap3A_649 = arith.index_cast %add3A_644 : i32 to index
        %swap3A_650 = tpu.vector_load %arg5[%swap3A_649] {strides = array<i32>} : memref<6656xi32, #tpu.memory_space<vmem>>, vector<16xi32>,
        %swap3A_651 = vector.shape_cast %swap3A_650 : vector<16xi32> to vector<16xi32>
        %swap3A_652 = vector.shape_cast %add3A_648 : vector<16xi32> to vector<16xi32>
        tpu.vector_store %arg5[%swap3A_649], %swap3A_652 {strides = array<i32>} : memref<6656xi32, #tpu.memory_space<vmem>>, vector<16xi32>,
        %mul3A_653 = arith.constant 128 : i32
        %mul3A_654 = arith.muli %add3A_560, %mul3A_653 : i32
        %add3A_655 = arith.constant 80 : i32
        %add3A_656 = arith.addi %mul3A_654, %add3A_655 : i32
        %get3A_657 = arith.index_cast %add3A_656 : i32 to index
        %get3A_658 = tpu.vector_load %arg5[%get3A_657] {strides = array<i32>} : memref<6656xi32, #tpu.memory_space<vmem>>, vector<16xi32>,
        %get3A_659 = vector.shape_cast %get3A_658 : vector<16xi32> to vector<16xi32>
        %add3A_660 = arith.addi %get3A_659, %broadcast_in_dim3A_592 : vector<16xi32>
        %swap3A_661 = arith.index_cast %add3A_656 : i32 to index
        %swap3A_662 = tpu.vector_load %arg5[%swap3A_661] {strides = array<i32>} : memref<6656xi32, #tpu.memory_space<vmem>>, vector<16xi32>,
        %swap3A_663 = vector.shape_cast %swap3A_662 : vector<16xi32> to vector<16xi32>
        %swap3A_664 = vector.shape_cast %add3A_660 : vector<16xi32> to vector<16xi32>
        tpu.vector_store %arg5[%swap3A_661], %swap3A_664 {strides = array<i32>} : memref<6656xi32, #tpu.memory_space<vmem>>, vector<16xi32>,
        %mul3A_665 = arith.constant 128 : i32
        %mul3A_666 = arith.muli %add3A_560, %mul3A_665 : i32
        %add3A_667 = arith.constant 96 : i32
        %add3A_668 = arith.addi %mul3A_666, %add3A_667 : i32
        %get3A_669 = arith.index_cast %add3A_668 : i32 to index
        %get3A_670 = tpu.vector_load %arg5[%get3A_669] {strides = array<i32>} : memref<6656xi32, #tpu.memory_space<vmem>>, vector<16xi32>,
        %get3A_671 = vector.shape_cast %get3A_670 : vector<16xi32> to vector<16xi32>
        %add3A_672 = arith.addi %get3A_671, %broadcast_in_dim3A_592 : vector<16xi32>
        %swap3A_673 = arith.index_cast %add3A_668 : i32 to index
        %swap3A_674 = tpu.vector_load %arg5[%swap3A_673] {strides = array<i32>} : memref<6656xi32, #tpu.memory_space<vmem>>, vector<16xi32>,
        %swap3A_675 = vector.shape_cast %swap3A_674 : vector<16xi32> to vector<16xi32>
        %swap3A_676 = vector.shape_cast %add3A_672 : vector<16xi32> to vector<16xi32>
        tpu.vector_store %arg5[%swap3A_673], %swap3A_676 {strides = array<i32>} : memref<6656xi32, #tpu.memory_space<vmem>>, vector<16xi32>,
        %mul3A_677 = arith.constant 128 : i32
        %mul3A_678 = arith.muli %add3A_560, %mul3A_677 : i32
        %add3A_679 = arith.constant 112 : i32
        %add3A_680 = arith.addi %mul3A_678, %add3A_679 : i32
        %get3A_681 = arith.index_cast %add3A_680 : i32 to index
        %get3A_682 = tpu.vector_load %arg5[%get3A_681] {strides = array<i32>} : memref<6656xi32, #tpu.memory_space<vmem>>, vector<16xi32>,
        %get3A_683 = vector.shape_cast %get3A_682 : vector<16xi32> to vector<16xi32>
        %add3A_684 = arith.addi %get3A_683, %broadcast_in_dim3A_592 : vector<16xi32>
        %swap3A_685 = arith.index_cast %add3A_680 : i32 to index
        %swap3A_686 = tpu.vector_load %arg5[%swap3A_685] {strides = array<i32>} : memref<6656xi32, #tpu.memory_space<vmem>>, vector<16xi32>,
        %swap3A_687 = vector.shape_cast %swap3A_686 : vector<16xi32> to vector<16xi32>
        %swap3A_688 = vector.shape_cast %add3A_684 : vector<16xi32> to vector<16xi32>
        tpu.vector_store %arg5[%swap3A_685], %swap3A_688 {strides = array<i32>} : memref<6656xi32, #tpu.memory_space<vmem>>, vector<16xi32>,
        %mul3A_689 = arith.constant 128 : i32
        %mul3A_690 = arith.muli %add3A_560, %mul3A_689 : i32
        %dma_start3A_691 = tpu.memref_slice %arg5[%mul3A_690] : memref<6656xi32, #tpu.memory_space<vmem>> -> memref<128xi32, #tpu.memory_space<vmem>>
        %dma_start3A_692 = arith.constant 0 : i32
        %dma_start3A_693 = arith.constant 0 : i32
        %dma_start3A_694 = tpu.memref_slice %arg2[%dma_start3A_692, %dma_start3A_693] : memref<2600000x128xf32, #tpu.memory_space<hbm>> -> memref<2600000x128xf32, #tpu.memory_space<hbm>>
        tpu.enqueue_indirect_dma source(%dma_start3A_694 : memref<2600000x128xf32, #tpu.memory_space<hbm>>) target(%arg10 : memref<128x128xf32, #tpu.memory_space<vmem>>) offsets(%dma_start3A_691 : memref<128xi32, #tpu.memory_space<vmem>>) semaphore(%arg16 : memref<!tpu.dma_semaphore, #tpu.memory_space<semaphore_mem>>)
      } else {
      }
      %add3A_571 = arith.constant 5 : i32
      %add3A_572 = arith.addi %mul3A_461, %add3A_571 : i32
      %add3A_573 = arith.constant 6 : i32
      %add3A_574 = arith.addi %add3A_572, %add3A_573 : i32
      %lt3A_575 = arith.constant 52 : i32
      %lt3A_576 = arith.cmpi slt, %add3A_572, %lt3A_575 : i32
      %convert_element_type3A_577 = arith.extui %lt3A_576 : i1 to i32
      %cond3A_578 = arith.constant 0 : i32
      %cond3A_579 = arith.cmpi ne, %convert_element_type3A_577, %cond3A_578 : i32
      scf.if %cond3A_579 {
        %mul3A_585 = arith.constant 128 : i32
        %mul3A_586 = arith.muli %add3A_572, %mul3A_585 : i32
        %add3A_587 = arith.addi %mul3A_2, %mul3A_586 : i32
        %dma_wait3A = arith.constant 0 : i32
        %dma_wait3A_588 = tpu.memref_slice %arg4[%add3A_587, %dma_wait3A] : memref<212992x128xf32, #tpu.memory_space<hbm>> -> memref<128x128xf32, #tpu.memory_space<hbm>>
        %dma_wait3A_589 = arith.constant 0 : i32
        %dma_wait3A_590 = tpu.memref_slice %arg4[%add3A_587, %dma_wait3A_589] : memref<212992x128xf32, #tpu.memory_space<hbm>> -> memref<128x128xf32, #tpu.memory_space<hbm>>
        tpu.wait_dma2 semaphore(%arg23 : memref<!tpu.dma_semaphore, #tpu.memory_space<semaphore_mem>>) src(%arg11 : memref<128x128xf32, #tpu.memory_space<vmem>>) dst(%dma_wait3A_590 : memref<128x128xf32, #tpu.memory_space<hbm>>)
      } else {
      }
      %lt3A_580 = arith.constant 52 : i32
      %lt3A_581 = arith.cmpi slt, %add3A_574, %lt3A_580 : i32
      %convert_element_type3A_582 = arith.extui %lt3A_581 : i1 to i32
      %cond3A_583 = arith.constant 0 : i32
      %cond3A_584 = arith.cmpi ne, %convert_element_type3A_582, %cond3A_583 : i32
      scf.if %cond3A_584 {
        %mul3A_585 = arith.constant 128 : i32
        %mul3A_586 = arith.muli %add3A_574, %mul3A_585 : i32
        %add3A_587 = arith.addi %mul3A_2, %mul3A_586 : i32
        %shift_right_logical3A_588 = arith.constant 13 : i32
        %shift_right_logical3A_589 = arith.shrui %add3A_587, %shift_right_logical3A_588 : i32
        %mul3A_590 = arith.constant 100000 : i32
        %mul3A_591 = arith.muli %shift_right_logical3A_589, %mul3A_590 : i32
        %broadcast_in_dim3A_592 = vector.broadcast %mul3A_591 : i32 to vector<16xi32>
        %mul3A_593 = arith.constant 128 : i32
        %mul3A_594 = arith.muli %add3A_574, %mul3A_593 : i32
        %add3A_595 = arith.constant 0 : i32
        %add3A_596 = arith.addi %mul3A_594, %add3A_595 : i32
        %get3A_597 = arith.index_cast %add3A_596 : i32 to index
        %get3A_598 = tpu.vector_load %arg5[%get3A_597] {strides = array<i32>} : memref<6656xi32, #tpu.memory_space<vmem>>, vector<16xi32>,
        %get3A_599 = vector.shape_cast %get3A_598 : vector<16xi32> to vector<16xi32>
        %add3A_600 = arith.addi %get3A_599, %broadcast_in_dim3A_592 : vector<16xi32>
        %swap3A_601 = arith.index_cast %add3A_596 : i32 to index
        %swap3A_602 = tpu.vector_load %arg5[%swap3A_601] {strides = array<i32>} : memref<6656xi32, #tpu.memory_space<vmem>>, vector<16xi32>,
        %swap3A_603 = vector.shape_cast %swap3A_602 : vector<16xi32> to vector<16xi32>
        %swap3A_604 = vector.shape_cast %add3A_600 : vector<16xi32> to vector<16xi32>
        tpu.vector_store %arg5[%swap3A_601], %swap3A_604 {strides = array<i32>} : memref<6656xi32, #tpu.memory_space<vmem>>, vector<16xi32>,
        %mul3A_605 = arith.constant 128 : i32
        %mul3A_606 = arith.muli %add3A_574, %mul3A_605 : i32
        %add3A_607 = arith.constant 16 : i32
        %add3A_608 = arith.addi %mul3A_606, %add3A_607 : i32
        %get3A_609 = arith.index_cast %add3A_608 : i32 to index
        %get3A_610 = tpu.vector_load %arg5[%get3A_609] {strides = array<i32>} : memref<6656xi32, #tpu.memory_space<vmem>>, vector<16xi32>,
        %get3A_611 = vector.shape_cast %get3A_610 : vector<16xi32> to vector<16xi32>
        %add3A_612 = arith.addi %get3A_611, %broadcast_in_dim3A_592 : vector<16xi32>
        %swap3A_613 = arith.index_cast %add3A_608 : i32 to index
        %swap3A_614 = tpu.vector_load %arg5[%swap3A_613] {strides = array<i32>} : memref<6656xi32, #tpu.memory_space<vmem>>, vector<16xi32>,
        %swap3A_615 = vector.shape_cast %swap3A_614 : vector<16xi32> to vector<16xi32>
        %swap3A_616 = vector.shape_cast %add3A_612 : vector<16xi32> to vector<16xi32>
        tpu.vector_store %arg5[%swap3A_613], %swap3A_616 {strides = array<i32>} : memref<6656xi32, #tpu.memory_space<vmem>>, vector<16xi32>,
        %mul3A_617 = arith.constant 128 : i32
        %mul3A_618 = arith.muli %add3A_574, %mul3A_617 : i32
        %add3A_619 = arith.constant 32 : i32
        %add3A_620 = arith.addi %mul3A_618, %add3A_619 : i32
        %get3A_621 = arith.index_cast %add3A_620 : i32 to index
        %get3A_622 = tpu.vector_load %arg5[%get3A_621] {strides = array<i32>} : memref<6656xi32, #tpu.memory_space<vmem>>, vector<16xi32>,
        %get3A_623 = vector.shape_cast %get3A_622 : vector<16xi32> to vector<16xi32>
        %add3A_624 = arith.addi %get3A_623, %broadcast_in_dim3A_592 : vector<16xi32>
        %swap3A_625 = arith.index_cast %add3A_620 : i32 to index
        %swap3A_626 = tpu.vector_load %arg5[%swap3A_625] {strides = array<i32>} : memref<6656xi32, #tpu.memory_space<vmem>>, vector<16xi32>,
        %swap3A_627 = vector.shape_cast %swap3A_626 : vector<16xi32> to vector<16xi32>
        %swap3A_628 = vector.shape_cast %add3A_624 : vector<16xi32> to vector<16xi32>
        tpu.vector_store %arg5[%swap3A_625], %swap3A_628 {strides = array<i32>} : memref<6656xi32, #tpu.memory_space<vmem>>, vector<16xi32>,
        %mul3A_629 = arith.constant 128 : i32
        %mul3A_630 = arith.muli %add3A_574, %mul3A_629 : i32
        %add3A_631 = arith.constant 48 : i32
        %add3A_632 = arith.addi %mul3A_630, %add3A_631 : i32
        %get3A_633 = arith.index_cast %add3A_632 : i32 to index
        %get3A_634 = tpu.vector_load %arg5[%get3A_633] {strides = array<i32>} : memref<6656xi32, #tpu.memory_space<vmem>>, vector<16xi32>,
        %get3A_635 = vector.shape_cast %get3A_634 : vector<16xi32> to vector<16xi32>
        %add3A_636 = arith.addi %get3A_635, %broadcast_in_dim3A_592 : vector<16xi32>
        %swap3A_637 = arith.index_cast %add3A_632 : i32 to index
        %swap3A_638 = tpu.vector_load %arg5[%swap3A_637] {strides = array<i32>} : memref<6656xi32, #tpu.memory_space<vmem>>, vector<16xi32>,
        %swap3A_639 = vector.shape_cast %swap3A_638 : vector<16xi32> to vector<16xi32>
        %swap3A_640 = vector.shape_cast %add3A_636 : vector<16xi32> to vector<16xi32>
        tpu.vector_store %arg5[%swap3A_637], %swap3A_640 {strides = array<i32>} : memref<6656xi32, #tpu.memory_space<vmem>>, vector<16xi32>,
        %mul3A_641 = arith.constant 128 : i32
        %mul3A_642 = arith.muli %add3A_574, %mul3A_641 : i32
        %add3A_643 = arith.constant 64 : i32
        %add3A_644 = arith.addi %mul3A_642, %add3A_643 : i32
        %get3A_645 = arith.index_cast %add3A_644 : i32 to index
        %get3A_646 = tpu.vector_load %arg5[%get3A_645] {strides = array<i32>} : memref<6656xi32, #tpu.memory_space<vmem>>, vector<16xi32>,
        %get3A_647 = vector.shape_cast %get3A_646 : vector<16xi32> to vector<16xi32>
        %add3A_648 = arith.addi %get3A_647, %broadcast_in_dim3A_592 : vector<16xi32>
        %swap3A_649 = arith.index_cast %add3A_644 : i32 to index
        %swap3A_650 = tpu.vector_load %arg5[%swap3A_649] {strides = array<i32>} : memref<6656xi32, #tpu.memory_space<vmem>>, vector<16xi32>,
        %swap3A_651 = vector.shape_cast %swap3A_650 : vector<16xi32> to vector<16xi32>
        %swap3A_652 = vector.shape_cast %add3A_648 : vector<16xi32> to vector<16xi32>
        tpu.vector_store %arg5[%swap3A_649], %swap3A_652 {strides = array<i32>} : memref<6656xi32, #tpu.memory_space<vmem>>, vector<16xi32>,
        %mul3A_653 = arith.constant 128 : i32
        %mul3A_654 = arith.muli %add3A_574, %mul3A_653 : i32
        %add3A_655 = arith.constant 80 : i32
        %add3A_656 = arith.addi %mul3A_654, %add3A_655 : i32
        %get3A_657 = arith.index_cast %add3A_656 : i32 to index
        %get3A_658 = tpu.vector_load %arg5[%get3A_657] {strides = array<i32>} : memref<6656xi32, #tpu.memory_space<vmem>>, vector<16xi32>,
        %get3A_659 = vector.shape_cast %get3A_658 : vector<16xi32> to vector<16xi32>
        %add3A_660 = arith.addi %get3A_659, %broadcast_in_dim3A_592 : vector<16xi32>
        %swap3A_661 = arith.index_cast %add3A_656 : i32 to index
        %swap3A_662 = tpu.vector_load %arg5[%swap3A_661] {strides = array<i32>} : memref<6656xi32, #tpu.memory_space<vmem>>, vector<16xi32>,
        %swap3A_663 = vector.shape_cast %swap3A_662 : vector<16xi32> to vector<16xi32>
        %swap3A_664 = vector.shape_cast %add3A_660 : vector<16xi32> to vector<16xi32>
        tpu.vector_store %arg5[%swap3A_661], %swap3A_664 {strides = array<i32>} : memref<6656xi32, #tpu.memory_space<vmem>>, vector<16xi32>,
        %mul3A_665 = arith.constant 128 : i32
        %mul3A_666 = arith.muli %add3A_574, %mul3A_665 : i32
        %add3A_667 = arith.constant 96 : i32
        %add3A_668 = arith.addi %mul3A_666, %add3A_667 : i32
        %get3A_669 = arith.index_cast %add3A_668 : i32 to index
        %get3A_670 = tpu.vector_load %arg5[%get3A_669] {strides = array<i32>} : memref<6656xi32, #tpu.memory_space<vmem>>, vector<16xi32>,
        %get3A_671 = vector.shape_cast %get3A_670 : vector<16xi32> to vector<16xi32>
        %add3A_672 = arith.addi %get3A_671, %broadcast_in_dim3A_592 : vector<16xi32>
        %swap3A_673 = arith.index_cast %add3A_668 : i32 to index
        %swap3A_674 = tpu.vector_load %arg5[%swap3A_673] {strides = array<i32>} : memref<6656xi32, #tpu.memory_space<vmem>>, vector<16xi32>,
        %swap3A_675 = vector.shape_cast %swap3A_674 : vector<16xi32> to vector<16xi32>
        %swap3A_676 = vector.shape_cast %add3A_672 : vector<16xi32> to vector<16xi32>
        tpu.vector_store %arg5[%swap3A_673], %swap3A_676 {strides = array<i32>} : memref<6656xi32, #tpu.memory_space<vmem>>, vector<16xi32>,
        %mul3A_677 = arith.constant 128 : i32
        %mul3A_678 = arith.muli %add3A_574, %mul3A_677 : i32
        %add3A_679 = arith.constant 112 : i32
        %add3A_680 = arith.addi %mul3A_678, %add3A_679 : i32
        %get3A_681 = arith.index_cast %add3A_680 : i32 to index
        %get3A_682 = tpu.vector_load %arg5[%get3A_681] {strides = array<i32>} : memref<6656xi32, #tpu.memory_space<vmem>>, vector<16xi32>,
        %get3A_683 = vector.shape_cast %get3A_682 : vector<16xi32> to vector<16xi32>
        %add3A_684 = arith.addi %get3A_683, %broadcast_in_dim3A_592 : vector<16xi32>
        %swap3A_685 = arith.index_cast %add3A_680 : i32 to index
        %swap3A_686 = tpu.vector_load %arg5[%swap3A_685] {strides = array<i32>} : memref<6656xi32, #tpu.memory_space<vmem>>, vector<16xi32>,
        %swap3A_687 = vector.shape_cast %swap3A_686 : vector<16xi32> to vector<16xi32>
        %swap3A_688 = vector.shape_cast %add3A_684 : vector<16xi32> to vector<16xi32>
        tpu.vector_store %arg5[%swap3A_685], %swap3A_688 {strides = array<i32>} : memref<6656xi32, #tpu.memory_space<vmem>>, vector<16xi32>,
        %mul3A_689 = arith.constant 128 : i32
        %mul3A_690 = arith.muli %add3A_574, %mul3A_689 : i32
        %dma_start3A_691 = tpu.memref_slice %arg5[%mul3A_690] : memref<6656xi32, #tpu.memory_space<vmem>> -> memref<128xi32, #tpu.memory_space<vmem>>
        %dma_start3A_692 = arith.constant 0 : i32
        %dma_start3A_693 = arith.constant 0 : i32
        %dma_start3A_694 = tpu.memref_slice %arg2[%dma_start3A_692, %dma_start3A_693] : memref<2600000x128xf32, #tpu.memory_space<hbm>> -> memref<2600000x128xf32, #tpu.memory_space<hbm>>
        tpu.enqueue_indirect_dma source(%dma_start3A_694 : memref<2600000x128xf32, #tpu.memory_space<hbm>>) target(%arg11 : memref<128x128xf32, #tpu.memory_space<vmem>>) offsets(%dma_start3A_691 : memref<128xi32, #tpu.memory_space<vmem>>) semaphore(%arg17 : memref<!tpu.dma_semaphore, #tpu.memory_space<semaphore_mem>>)
      } else {
      }
    }
    %scan3A_458 = arith.constant 9 : i32
    return
  }
}

module attributes {stable_mosaic.version = 14 : i64} {
  func.func @mm_kernel(%arg0: i32, %arg1: memref<26x256x128xf32, #tpu.memory_space<vmem>>, %arg2: memref<3328x128xbf16, #tpu.memory_space<vmem>>, %arg3: memref<1x128xf32, #tpu.memory_space<vmem>>, %arg4: memref<256x128xf32, #tpu.memory_space<vmem>>) attributes {dimension_semantics = [#tpu.dimension_semantics<arbitrary>], iteration_bounds = array<i64: 32>, scalar_prefetch = 0 : i64, scratch_operands = 0 : i64, tpu.core_type = #tpu.core_type<tc>, window_params = [{transform_indices = @transform_0, window_bounds = array<i64: 26, 256, 128>}, {pipeline_mode = #tpu.pipeline_mode<synchronous>, transform_indices = @transform_1, window_bounds = array<i64: 3328, 128>}, {pipeline_mode = #tpu.pipeline_mode<synchronous>, transform_indices = @transform_2, window_bounds = array<i64: 1, 128>}, {transform_indices = @transform_3, window_bounds = array<i64: 256, 128>}]} {
    %broadcast_in_dim3A = arith.constant 0.000000e+00 : f32
    %broadcast_in_dim3A_0 = vector.broadcast %broadcast_in_dim3A : f32 to vector<256x128xf32>
    %get3A = arith.constant 0 : index
    %get3A_1 = arith.constant 0 : index
    %get3A_2 = arith.constant 0 : index
    %get3A_3 = vector.load %arg1[%get3A, %get3A_1, %get3A_2] : memref<26x256x128xf32, #tpu.memory_space<vmem>>, vector<1x256x128xf32>
    %get3A_4 = vector.shape_cast %get3A_3 : vector<1x256x128xf32> to vector<256x128xf32>
    %convert_element_type3A = arith.truncf %get3A_4 : vector<256x128xf32> to vector<256x128xbf16>
    %get3A_5 = arith.constant 1 : index
    %get3A_6 = arith.constant 0 : index
    %get3A_7 = arith.constant 0 : index
    %get3A_8 = vector.load %arg1[%get3A_5, %get3A_6, %get3A_7] : memref<26x256x128xf32, #tpu.memory_space<vmem>>, vector<1x256x128xf32>
    %get3A_9 = vector.shape_cast %get3A_8 : vector<1x256x128xf32> to vector<256x128xf32>
    %convert_element_type3A_10 = arith.truncf %get3A_9 : vector<256x128xf32> to vector<256x128xbf16>
    %concatenate3A = tpu.concatenate %convert_element_type3A, %convert_element_type3A_10 in 1 : vector<256x128xbf16>, vector<256x128xbf16> -> vector<256x256xbf16>
    %get3A_11 = arith.constant 0 : index
    %get3A_12 = arith.constant 0 : index
    %get3A_13 = vector.load %arg2[%get3A_11, %get3A_12] : memref<3328x128xbf16, #tpu.memory_space<vmem>>, vector<256x128xbf16>
    %dot_general3A = arith.constant dense<0.000000e+00> : vector<256x128xf32>
    %dot_general3A_14 = tpu.matmul %concatenate3A, %get3A_13, %dot_general3A {dimension_numbers = #tpu.dot_dimension_numbers<[1], [0], [0], [1], [0, 0, 1, 1], [], []>, transpose_lhs_hint = false} : vector<256x256xbf16>, vector<256x128xbf16>, vector<256x128xf32> -> vector<256x128xf32>
    %add3A = arith.addf %broadcast_in_dim3A_0, %dot_general3A_14 : vector<256x128xf32>
    %get3A_15 = arith.constant 2 : index
    %get3A_16 = arith.constant 0 : index
    %get3A_17 = arith.constant 0 : index
    %get3A_18 = vector.load %arg1[%get3A_15, %get3A_16, %get3A_17] : memref<26x256x128xf32, #tpu.memory_space<vmem>>, vector<1x256x128xf32>
    %get3A_19 = vector.shape_cast %get3A_18 : vector<1x256x128xf32> to vector<256x128xf32>
    %convert_element_type3A_20 = arith.truncf %get3A_19 : vector<256x128xf32> to vector<256x128xbf16>
    %get3A_21 = arith.constant 3 : index
    %get3A_22 = arith.constant 0 : index
    %get3A_23 = arith.constant 0 : index
    %get3A_24 = vector.load %arg1[%get3A_21, %get3A_22, %get3A_23] : memref<26x256x128xf32, #tpu.memory_space<vmem>>, vector<1x256x128xf32>
    %get3A_25 = vector.shape_cast %get3A_24 : vector<1x256x128xf32> to vector<256x128xf32>
    %convert_element_type3A_26 = arith.truncf %get3A_25 : vector<256x128xf32> to vector<256x128xbf16>
    %concatenate3A_27 = tpu.concatenate %convert_element_type3A_20, %convert_element_type3A_26 in 1 : vector<256x128xbf16>, vector<256x128xbf16> -> vector<256x256xbf16>
    %get3A_28 = arith.constant 256 : index
    %get3A_29 = arith.constant 0 : index
    %get3A_30 = vector.load %arg2[%get3A_28, %get3A_29] : memref<3328x128xbf16, #tpu.memory_space<vmem>>, vector<256x128xbf16>
    %dot_general3A_31 = arith.constant dense<0.000000e+00> : vector<256x128xf32>
    %dot_general3A_32 = tpu.matmul %concatenate3A_27, %get3A_30, %dot_general3A_31 {dimension_numbers = #tpu.dot_dimension_numbers<[1], [0], [0], [1], [0, 0, 1, 1], [], []>, transpose_lhs_hint = false} : vector<256x256xbf16>, vector<256x128xbf16>, vector<256x128xf32> -> vector<256x128xf32>
    %add3A_33 = arith.addf %add3A, %dot_general3A_32 : vector<256x128xf32>
    %get3A_34 = arith.constant 4 : index
    %get3A_35 = arith.constant 0 : index
    %get3A_36 = arith.constant 0 : index
    %get3A_37 = vector.load %arg1[%get3A_34, %get3A_35, %get3A_36] : memref<26x256x128xf32, #tpu.memory_space<vmem>>, vector<1x256x128xf32>
    %get3A_38 = vector.shape_cast %get3A_37 : vector<1x256x128xf32> to vector<256x128xf32>
    %convert_element_type3A_39 = arith.truncf %get3A_38 : vector<256x128xf32> to vector<256x128xbf16>
    %get3A_40 = arith.constant 5 : index
    %get3A_41 = arith.constant 0 : index
    %get3A_42 = arith.constant 0 : index
    %get3A_43 = vector.load %arg1[%get3A_40, %get3A_41, %get3A_42] : memref<26x256x128xf32, #tpu.memory_space<vmem>>, vector<1x256x128xf32>
    %get3A_44 = vector.shape_cast %get3A_43 : vector<1x256x128xf32> to vector<256x128xf32>
    %convert_element_type3A_45 = arith.truncf %get3A_44 : vector<256x128xf32> to vector<256x128xbf16>
    %concatenate3A_46 = tpu.concatenate %convert_element_type3A_39, %convert_element_type3A_45 in 1 : vector<256x128xbf16>, vector<256x128xbf16> -> vector<256x256xbf16>
    %get3A_47 = arith.constant 512 : index
    %get3A_48 = arith.constant 0 : index
    %get3A_49 = vector.load %arg2[%get3A_47, %get3A_48] : memref<3328x128xbf16, #tpu.memory_space<vmem>>, vector<256x128xbf16>
    %dot_general3A_50 = arith.constant dense<0.000000e+00> : vector<256x128xf32>
    %dot_general3A_51 = tpu.matmul %concatenate3A_46, %get3A_49, %dot_general3A_50 {dimension_numbers = #tpu.dot_dimension_numbers<[1], [0], [0], [1], [0, 0, 1, 1], [], []>, transpose_lhs_hint = false} : vector<256x256xbf16>, vector<256x128xbf16>, vector<256x128xf32> -> vector<256x128xf32>
    %add3A_52 = arith.addf %add3A_33, %dot_general3A_51 : vector<256x128xf32>
    %get3A_53 = arith.constant 6 : index
    %get3A_54 = arith.constant 0 : index
    %get3A_55 = arith.constant 0 : index
    %get3A_56 = vector.load %arg1[%get3A_53, %get3A_54, %get3A_55] : memref<26x256x128xf32, #tpu.memory_space<vmem>>, vector<1x256x128xf32>
    %get3A_57 = vector.shape_cast %get3A_56 : vector<1x256x128xf32> to vector<256x128xf32>
    %convert_element_type3A_58 = arith.truncf %get3A_57 : vector<256x128xf32> to vector<256x128xbf16>
    %get3A_59 = arith.constant 7 : index
    %get3A_60 = arith.constant 0 : index
    %get3A_61 = arith.constant 0 : index
    %get3A_62 = vector.load %arg1[%get3A_59, %get3A_60, %get3A_61] : memref<26x256x128xf32, #tpu.memory_space<vmem>>, vector<1x256x128xf32>
    %get3A_63 = vector.shape_cast %get3A_62 : vector<1x256x128xf32> to vector<256x128xf32>
    %convert_element_type3A_64 = arith.truncf %get3A_63 : vector<256x128xf32> to vector<256x128xbf16>
    %concatenate3A_65 = tpu.concatenate %convert_element_type3A_58, %convert_element_type3A_64 in 1 : vector<256x128xbf16>, vector<256x128xbf16> -> vector<256x256xbf16>
    %get3A_66 = arith.constant 768 : index
    %get3A_67 = arith.constant 0 : index
    %get3A_68 = vector.load %arg2[%get3A_66, %get3A_67] : memref<3328x128xbf16, #tpu.memory_space<vmem>>, vector<256x128xbf16>
    %dot_general3A_69 = arith.constant dense<0.000000e+00> : vector<256x128xf32>
    %dot_general3A_70 = tpu.matmul %concatenate3A_65, %get3A_68, %dot_general3A_69 {dimension_numbers = #tpu.dot_dimension_numbers<[1], [0], [0], [1], [0, 0, 1, 1], [], []>, transpose_lhs_hint = false} : vector<256x256xbf16>, vector<256x128xbf16>, vector<256x128xf32> -> vector<256x128xf32>
    %add3A_71 = arith.addf %add3A_52, %dot_general3A_70 : vector<256x128xf32>
    %get3A_72 = arith.constant 8 : index
    %get3A_73 = arith.constant 0 : index
    %get3A_74 = arith.constant 0 : index
    %get3A_75 = vector.load %arg1[%get3A_72, %get3A_73, %get3A_74] : memref<26x256x128xf32, #tpu.memory_space<vmem>>, vector<1x256x128xf32>
    %get3A_76 = vector.shape_cast %get3A_75 : vector<1x256x128xf32> to vector<256x128xf32>
    %convert_element_type3A_77 = arith.truncf %get3A_76 : vector<256x128xf32> to vector<256x128xbf16>
    %get3A_78 = arith.constant 9 : index
    %get3A_79 = arith.constant 0 : index
    %get3A_80 = arith.constant 0 : index
    %get3A_81 = vector.load %arg1[%get3A_78, %get3A_79, %get3A_80] : memref<26x256x128xf32, #tpu.memory_space<vmem>>, vector<1x256x128xf32>
    %get3A_82 = vector.shape_cast %get3A_81 : vector<1x256x128xf32> to vector<256x128xf32>
    %convert_element_type3A_83 = arith.truncf %get3A_82 : vector<256x128xf32> to vector<256x128xbf16>
    %concatenate3A_84 = tpu.concatenate %convert_element_type3A_77, %convert_element_type3A_83 in 1 : vector<256x128xbf16>, vector<256x128xbf16> -> vector<256x256xbf16>
    %get3A_85 = arith.constant 1024 : index
    %get3A_86 = arith.constant 0 : index
    %get3A_87 = vector.load %arg2[%get3A_85, %get3A_86] : memref<3328x128xbf16, #tpu.memory_space<vmem>>, vector<256x128xbf16>
    %dot_general3A_88 = arith.constant dense<0.000000e+00> : vector<256x128xf32>
    %dot_general3A_89 = tpu.matmul %concatenate3A_84, %get3A_87, %dot_general3A_88 {dimension_numbers = #tpu.dot_dimension_numbers<[1], [0], [0], [1], [0, 0, 1, 1], [], []>, transpose_lhs_hint = false} : vector<256x256xbf16>, vector<256x128xbf16>, vector<256x128xf32> -> vector<256x128xf32>
    %add3A_90 = arith.addf %add3A_71, %dot_general3A_89 : vector<256x128xf32>
    %get3A_91 = arith.constant 10 : index
    %get3A_92 = arith.constant 0 : index
    %get3A_93 = arith.constant 0 : index
    %get3A_94 = vector.load %arg1[%get3A_91, %get3A_92, %get3A_93] : memref<26x256x128xf32, #tpu.memory_space<vmem>>, vector<1x256x128xf32>
    %get3A_95 = vector.shape_cast %get3A_94 : vector<1x256x128xf32> to vector<256x128xf32>
    %convert_element_type3A_96 = arith.truncf %get3A_95 : vector<256x128xf32> to vector<256x128xbf16>
    %get3A_97 = arith.constant 11 : index
    %get3A_98 = arith.constant 0 : index
    %get3A_99 = arith.constant 0 : index
    %get3A_100 = vector.load %arg1[%get3A_97, %get3A_98, %get3A_99] : memref<26x256x128xf32, #tpu.memory_space<vmem>>, vector<1x256x128xf32>
    %get3A_101 = vector.shape_cast %get3A_100 : vector<1x256x128xf32> to vector<256x128xf32>
    %convert_element_type3A_102 = arith.truncf %get3A_101 : vector<256x128xf32> to vector<256x128xbf16>
    %concatenate3A_103 = tpu.concatenate %convert_element_type3A_96, %convert_element_type3A_102 in 1 : vector<256x128xbf16>, vector<256x128xbf16> -> vector<256x256xbf16>
    %get3A_104 = arith.constant 1280 : index
    %get3A_105 = arith.constant 0 : index
    %get3A_106 = vector.load %arg2[%get3A_104, %get3A_105] : memref<3328x128xbf16, #tpu.memory_space<vmem>>, vector<256x128xbf16>
    %dot_general3A_107 = arith.constant dense<0.000000e+00> : vector<256x128xf32>
    %dot_general3A_108 = tpu.matmul %concatenate3A_103, %get3A_106, %dot_general3A_107 {dimension_numbers = #tpu.dot_dimension_numbers<[1], [0], [0], [1], [0, 0, 1, 1], [], []>, transpose_lhs_hint = false} : vector<256x256xbf16>, vector<256x128xbf16>, vector<256x128xf32> -> vector<256x128xf32>
    %add3A_109 = arith.addf %add3A_90, %dot_general3A_108 : vector<256x128xf32>
    %get3A_110 = arith.constant 12 : index
    %get3A_111 = arith.constant 0 : index
    %get3A_112 = arith.constant 0 : index
    %get3A_113 = vector.load %arg1[%get3A_110, %get3A_111, %get3A_112] : memref<26x256x128xf32, #tpu.memory_space<vmem>>, vector<1x256x128xf32>
    %get3A_114 = vector.shape_cast %get3A_113 : vector<1x256x128xf32> to vector<256x128xf32>
    %convert_element_type3A_115 = arith.truncf %get3A_114 : vector<256x128xf32> to vector<256x128xbf16>
    %get3A_116 = arith.constant 13 : index
    %get3A_117 = arith.constant 0 : index
    %get3A_118 = arith.constant 0 : index
    %get3A_119 = vector.load %arg1[%get3A_116, %get3A_117, %get3A_118] : memref<26x256x128xf32, #tpu.memory_space<vmem>>, vector<1x256x128xf32>
    %get3A_120 = vector.shape_cast %get3A_119 : vector<1x256x128xf32> to vector<256x128xf32>
    %convert_element_type3A_121 = arith.truncf %get3A_120 : vector<256x128xf32> to vector<256x128xbf16>
    %concatenate3A_122 = tpu.concatenate %convert_element_type3A_115, %convert_element_type3A_121 in 1 : vector<256x128xbf16>, vector<256x128xbf16> -> vector<256x256xbf16>
    %get3A_123 = arith.constant 1536 : index
    %get3A_124 = arith.constant 0 : index
    %get3A_125 = vector.load %arg2[%get3A_123, %get3A_124] : memref<3328x128xbf16, #tpu.memory_space<vmem>>, vector<256x128xbf16>
    %dot_general3A_126 = arith.constant dense<0.000000e+00> : vector<256x128xf32>
    %dot_general3A_127 = tpu.matmul %concatenate3A_122, %get3A_125, %dot_general3A_126 {dimension_numbers = #tpu.dot_dimension_numbers<[1], [0], [0], [1], [0, 0, 1, 1], [], []>, transpose_lhs_hint = false} : vector<256x256xbf16>, vector<256x128xbf16>, vector<256x128xf32> -> vector<256x128xf32>
    %add3A_128 = arith.addf %add3A_109, %dot_general3A_127 : vector<256x128xf32>
    %get3A_129 = arith.constant 14 : index
    %get3A_130 = arith.constant 0 : index
    %get3A_131 = arith.constant 0 : index
    %get3A_132 = vector.load %arg1[%get3A_129, %get3A_130, %get3A_131] : memref<26x256x128xf32, #tpu.memory_space<vmem>>, vector<1x256x128xf32>
    %get3A_133 = vector.shape_cast %get3A_132 : vector<1x256x128xf32> to vector<256x128xf32>
    %convert_element_type3A_134 = arith.truncf %get3A_133 : vector<256x128xf32> to vector<256x128xbf16>
    %get3A_135 = arith.constant 15 : index
    %get3A_136 = arith.constant 0 : index
    %get3A_137 = arith.constant 0 : index
    %get3A_138 = vector.load %arg1[%get3A_135, %get3A_136, %get3A_137] : memref<26x256x128xf32, #tpu.memory_space<vmem>>, vector<1x256x128xf32>
    %get3A_139 = vector.shape_cast %get3A_138 : vector<1x256x128xf32> to vector<256x128xf32>
    %convert_element_type3A_140 = arith.truncf %get3A_139 : vector<256x128xf32> to vector<256x128xbf16>
    %concatenate3A_141 = tpu.concatenate %convert_element_type3A_134, %convert_element_type3A_140 in 1 : vector<256x128xbf16>, vector<256x128xbf16> -> vector<256x256xbf16>
    %get3A_142 = arith.constant 1792 : index
    %get3A_143 = arith.constant 0 : index
    %get3A_144 = vector.load %arg2[%get3A_142, %get3A_143] : memref<3328x128xbf16, #tpu.memory_space<vmem>>, vector<256x128xbf16>
    %dot_general3A_145 = arith.constant dense<0.000000e+00> : vector<256x128xf32>
    %dot_general3A_146 = tpu.matmul %concatenate3A_141, %get3A_144, %dot_general3A_145 {dimension_numbers = #tpu.dot_dimension_numbers<[1], [0], [0], [1], [0, 0, 1, 1], [], []>, transpose_lhs_hint = false} : vector<256x256xbf16>, vector<256x128xbf16>, vector<256x128xf32> -> vector<256x128xf32>
    %add3A_147 = arith.addf %add3A_128, %dot_general3A_146 : vector<256x128xf32>
    %get3A_148 = arith.constant 16 : index
    %get3A_149 = arith.constant 0 : index
    %get3A_150 = arith.constant 0 : index
    %get3A_151 = vector.load %arg1[%get3A_148, %get3A_149, %get3A_150] : memref<26x256x128xf32, #tpu.memory_space<vmem>>, vector<1x256x128xf32>
    %get3A_152 = vector.shape_cast %get3A_151 : vector<1x256x128xf32> to vector<256x128xf32>
    %convert_element_type3A_153 = arith.truncf %get3A_152 : vector<256x128xf32> to vector<256x128xbf16>
    %get3A_154 = arith.constant 17 : index
    %get3A_155 = arith.constant 0 : index
    %get3A_156 = arith.constant 0 : index
    %get3A_157 = vector.load %arg1[%get3A_154, %get3A_155, %get3A_156] : memref<26x256x128xf32, #tpu.memory_space<vmem>>, vector<1x256x128xf32>
    %get3A_158 = vector.shape_cast %get3A_157 : vector<1x256x128xf32> to vector<256x128xf32>
    %convert_element_type3A_159 = arith.truncf %get3A_158 : vector<256x128xf32> to vector<256x128xbf16>
    %concatenate3A_160 = tpu.concatenate %convert_element_type3A_153, %convert_element_type3A_159 in 1 : vector<256x128xbf16>, vector<256x128xbf16> -> vector<256x256xbf16>
    %get3A_161 = arith.constant 2048 : index
    %get3A_162 = arith.constant 0 : index
    %get3A_163 = vector.load %arg2[%get3A_161, %get3A_162] : memref<3328x128xbf16, #tpu.memory_space<vmem>>, vector<256x128xbf16>
    %dot_general3A_164 = arith.constant dense<0.000000e+00> : vector<256x128xf32>
    %dot_general3A_165 = tpu.matmul %concatenate3A_160, %get3A_163, %dot_general3A_164 {dimension_numbers = #tpu.dot_dimension_numbers<[1], [0], [0], [1], [0, 0, 1, 1], [], []>, transpose_lhs_hint = false} : vector<256x256xbf16>, vector<256x128xbf16>, vector<256x128xf32> -> vector<256x128xf32>
    %add3A_166 = arith.addf %add3A_147, %dot_general3A_165 : vector<256x128xf32>
    %get3A_167 = arith.constant 18 : index
    %get3A_168 = arith.constant 0 : index
    %get3A_169 = arith.constant 0 : index
    %get3A_170 = vector.load %arg1[%get3A_167, %get3A_168, %get3A_169] : memref<26x256x128xf32, #tpu.memory_space<vmem>>, vector<1x256x128xf32>
    %get3A_171 = vector.shape_cast %get3A_170 : vector<1x256x128xf32> to vector<256x128xf32>
    %convert_element_type3A_172 = arith.truncf %get3A_171 : vector<256x128xf32> to vector<256x128xbf16>
    %get3A_173 = arith.constant 19 : index
    %get3A_174 = arith.constant 0 : index
    %get3A_175 = arith.constant 0 : index
    %get3A_176 = vector.load %arg1[%get3A_173, %get3A_174, %get3A_175] : memref<26x256x128xf32, #tpu.memory_space<vmem>>, vector<1x256x128xf32>
    %get3A_177 = vector.shape_cast %get3A_176 : vector<1x256x128xf32> to vector<256x128xf32>
    %convert_element_type3A_178 = arith.truncf %get3A_177 : vector<256x128xf32> to vector<256x128xbf16>
    %concatenate3A_179 = tpu.concatenate %convert_element_type3A_172, %convert_element_type3A_178 in 1 : vector<256x128xbf16>, vector<256x128xbf16> -> vector<256x256xbf16>
    %get3A_180 = arith.constant 2304 : index
    %get3A_181 = arith.constant 0 : index
    %get3A_182 = vector.load %arg2[%get3A_180, %get3A_181] : memref<3328x128xbf16, #tpu.memory_space<vmem>>, vector<256x128xbf16>
    %dot_general3A_183 = arith.constant dense<0.000000e+00> : vector<256x128xf32>
    %dot_general3A_184 = tpu.matmul %concatenate3A_179, %get3A_182, %dot_general3A_183 {dimension_numbers = #tpu.dot_dimension_numbers<[1], [0], [0], [1], [0, 0, 1, 1], [], []>, transpose_lhs_hint = false} : vector<256x256xbf16>, vector<256x128xbf16>, vector<256x128xf32> -> vector<256x128xf32>
    %add3A_185 = arith.addf %add3A_166, %dot_general3A_184 : vector<256x128xf32>
    %get3A_186 = arith.constant 20 : index
    %get3A_187 = arith.constant 0 : index
    %get3A_188 = arith.constant 0 : index
    %get3A_189 = vector.load %arg1[%get3A_186, %get3A_187, %get3A_188] : memref<26x256x128xf32, #tpu.memory_space<vmem>>, vector<1x256x128xf32>
    %get3A_190 = vector.shape_cast %get3A_189 : vector<1x256x128xf32> to vector<256x128xf32>
    %convert_element_type3A_191 = arith.truncf %get3A_190 : vector<256x128xf32> to vector<256x128xbf16>
    %get3A_192 = arith.constant 21 : index
    %get3A_193 = arith.constant 0 : index
    %get3A_194 = arith.constant 0 : index
    %get3A_195 = vector.load %arg1[%get3A_192, %get3A_193, %get3A_194] : memref<26x256x128xf32, #tpu.memory_space<vmem>>, vector<1x256x128xf32>
    %get3A_196 = vector.shape_cast %get3A_195 : vector<1x256x128xf32> to vector<256x128xf32>
    %convert_element_type3A_197 = arith.truncf %get3A_196 : vector<256x128xf32> to vector<256x128xbf16>
    %concatenate3A_198 = tpu.concatenate %convert_element_type3A_191, %convert_element_type3A_197 in 1 : vector<256x128xbf16>, vector<256x128xbf16> -> vector<256x256xbf16>
    %get3A_199 = arith.constant 2560 : index
    %get3A_200 = arith.constant 0 : index
    %get3A_201 = vector.load %arg2[%get3A_199, %get3A_200] : memref<3328x128xbf16, #tpu.memory_space<vmem>>, vector<256x128xbf16>
    %dot_general3A_202 = arith.constant dense<0.000000e+00> : vector<256x128xf32>
    %dot_general3A_203 = tpu.matmul %concatenate3A_198, %get3A_201, %dot_general3A_202 {dimension_numbers = #tpu.dot_dimension_numbers<[1], [0], [0], [1], [0, 0, 1, 1], [], []>, transpose_lhs_hint = false} : vector<256x256xbf16>, vector<256x128xbf16>, vector<256x128xf32> -> vector<256x128xf32>
    %add3A_204 = arith.addf %add3A_185, %dot_general3A_203 : vector<256x128xf32>
    %get3A_205 = arith.constant 22 : index
    %get3A_206 = arith.constant 0 : index
    %get3A_207 = arith.constant 0 : index
    %get3A_208 = vector.load %arg1[%get3A_205, %get3A_206, %get3A_207] : memref<26x256x128xf32, #tpu.memory_space<vmem>>, vector<1x256x128xf32>
    %get3A_209 = vector.shape_cast %get3A_208 : vector<1x256x128xf32> to vector<256x128xf32>
    %convert_element_type3A_210 = arith.truncf %get3A_209 : vector<256x128xf32> to vector<256x128xbf16>
    %get3A_211 = arith.constant 23 : index
    %get3A_212 = arith.constant 0 : index
    %get3A_213 = arith.constant 0 : index
    %get3A_214 = vector.load %arg1[%get3A_211, %get3A_212, %get3A_213] : memref<26x256x128xf32, #tpu.memory_space<vmem>>, vector<1x256x128xf32>
    %get3A_215 = vector.shape_cast %get3A_214 : vector<1x256x128xf32> to vector<256x128xf32>
    %convert_element_type3A_216 = arith.truncf %get3A_215 : vector<256x128xf32> to vector<256x128xbf16>
    %concatenate3A_217 = tpu.concatenate %convert_element_type3A_210, %convert_element_type3A_216 in 1 : vector<256x128xbf16>, vector<256x128xbf16> -> vector<256x256xbf16>
    %get3A_218 = arith.constant 2816 : index
    %get3A_219 = arith.constant 0 : index
    %get3A_220 = vector.load %arg2[%get3A_218, %get3A_219] : memref<3328x128xbf16, #tpu.memory_space<vmem>>, vector<256x128xbf16>
    %dot_general3A_221 = arith.constant dense<0.000000e+00> : vector<256x128xf32>
    %dot_general3A_222 = tpu.matmul %concatenate3A_217, %get3A_220, %dot_general3A_221 {dimension_numbers = #tpu.dot_dimension_numbers<[1], [0], [0], [1], [0, 0, 1, 1], [], []>, transpose_lhs_hint = false} : vector<256x256xbf16>, vector<256x128xbf16>, vector<256x128xf32> -> vector<256x128xf32>
    %add3A_223 = arith.addf %add3A_204, %dot_general3A_222 : vector<256x128xf32>
    %get3A_224 = arith.constant 24 : index
    %get3A_225 = arith.constant 0 : index
    %get3A_226 = arith.constant 0 : index
    %get3A_227 = vector.load %arg1[%get3A_224, %get3A_225, %get3A_226] : memref<26x256x128xf32, #tpu.memory_space<vmem>>, vector<1x256x128xf32>
    %get3A_228 = vector.shape_cast %get3A_227 : vector<1x256x128xf32> to vector<256x128xf32>
    %convert_element_type3A_229 = arith.truncf %get3A_228 : vector<256x128xf32> to vector<256x128xbf16>
    %get3A_230 = arith.constant 25 : index
    %get3A_231 = arith.constant 0 : index
    %get3A_232 = arith.constant 0 : index
    %get3A_233 = vector.load %arg1[%get3A_230, %get3A_231, %get3A_232] : memref<26x256x128xf32, #tpu.memory_space<vmem>>, vector<1x256x128xf32>
    %get3A_234 = vector.shape_cast %get3A_233 : vector<1x256x128xf32> to vector<256x128xf32>
    %convert_element_type3A_235 = arith.truncf %get3A_234 : vector<256x128xf32> to vector<256x128xbf16>
    %concatenate3A_236 = tpu.concatenate %convert_element_type3A_229, %convert_element_type3A_235 in 1 : vector<256x128xbf16>, vector<256x128xbf16> -> vector<256x256xbf16>
    %get3A_237 = arith.constant 3072 : index
    %get3A_238 = arith.constant 0 : index
    %get3A_239 = vector.load %arg2[%get3A_237, %get3A_238] : memref<3328x128xbf16, #tpu.memory_space<vmem>>, vector<256x128xbf16>
    %dot_general3A_240 = arith.constant dense<0.000000e+00> : vector<256x128xf32>
    %dot_general3A_241 = tpu.matmul %concatenate3A_236, %get3A_239, %dot_general3A_240 {dimension_numbers = #tpu.dot_dimension_numbers<[1], [0], [0], [1], [0, 0, 1, 1], [], []>, transpose_lhs_hint = false} : vector<256x256xbf16>, vector<256x128xbf16>, vector<256x128xf32> -> vector<256x128xf32>
    %add3A_242 = arith.addf %add3A_223, %dot_general3A_241 : vector<256x128xf32>
    %get3A_243 = arith.constant 0 : index
    %get3A_244 = arith.constant 0 : index
    %get3A_245 = vector.load %arg3[%get3A_243, %get3A_244] : memref<1x128xf32, #tpu.memory_space<vmem>>, vector<1x128xf32>
    %add3A_246 = vector.broadcast %get3A_245 : vector<1x128xf32> to vector<256x128xf32>
    %add3A_247 = arith.addf %add3A_242, %add3A_246 : vector<256x128xf32>
    %max3A = arith.constant 0.000000e+00 : f32
    %max3A_248 = vector.broadcast %max3A : f32 to vector<256x128xf32>
    %max3A_249 = arith.maximumf %add3A_247, %max3A_248 : vector<256x128xf32>
    %swap3A = arith.constant 0 : index
    %swap3A_250 = arith.constant 0 : index
    %swap3A_251 = vector.load %arg4[%swap3A, %swap3A_250] : memref<256x128xf32, #tpu.memory_space<vmem>>, vector<256x128xf32>
    tpu.vector_store %arg4[%swap3A, %swap3A_250], %max3A_249 {strides = array<i32>} : memref<256x128xf32, #tpu.memory_space<vmem>>, vector<256x128xf32>,
    return
  }
  func.func @transform_0(%arg0: i32) -> (i32, i32, i32) {
    %c0_i32 = arith.constant 0 : i32
    %c0_i32_0 = arith.constant 0 : i32
    %c0_i32_1 = arith.constant 0 : i32
    return %c0_i32, %arg0, %c0_i32_0 : i32, i32, i32
  }
  func.func @transform_1(%arg0: i32) -> (i32, i32) {
    %c0_i32 = arith.constant 0 : i32
    %c0_i32_0 = arith.constant 0 : i32
    %c0_i32_1 = arith.constant 0 : i32
    return %c0_i32, %c0_i32_0 : i32, i32
  }
  func.func @transform_2(%arg0: i32) -> (i32, i32) {
    %c0_i32 = arith.constant 0 : i32
    %c0_i32_0 = arith.constant 0 : i32
    %c0_i32_1 = arith.constant 0 : i32
    return %c0_i32, %c0_i32_0 : i32, i32
  }
  func.func @transform_3(%arg0: i32) -> (i32, i32) {
    %c0_i32 = arith.constant 0 : i32
    %c0_i32_0 = arith.constant 0 : i32
    return %arg0, %c0_i32 : i32, i32
  }
}

</mosaic_0001>

<sc_bundles>
// kernel: kernel.6.cloned.1.call-start
scs
__scs_entry_jumppad:
0x0: {  	(pc) =	sbr.rel $0x88, $3  }
0x1: {  	(tag) =	ssettag $0x0;
	lr =	simm.s32 $0x1  }
0x2: {  	[smem:$0x3F9D] =	sst lr;
	_ =	strace $0xD0000000  }
0x3: {  	_ = 	snop  }
0x4: {  	_ = 	snop  }
0x5: {  	_ = 	snop  }
0x6: {  	_ = 	snop  }
0x7: {  	_ = 	snop  }
__scs_overlays_trampoline_lowered:
0x8: {  	[smem:$0x3FAC] =	sst s0  }
0x9: {  	[smem:$0x3FAD] =	sst s1  }
0xa: {  	[smem:$0x3FAE] =	sst s2  }
0xb: {  	[smem:$0x3FAF] =	sst s3  }
0xc: {  	[smem:$0x3FB0] =	sst s4  }
0xd: {  	[smem:$0x3FB1] =	sst s5  }
0xe: {  	[smem:$0x3FB2] =	sst s6  }
0xf: {  	[smem:$0x3FB3] =	sst s7  }
0x10: {  	[smem:$0x3FB4] =	sst s8  }
0x11: {  	[smem:$0x3FB5] =	sst s9;
	s0 =	simm.s32 @!p0 $0x0  }
0x12: {  	s1 =	sld [smem:$0x3F9B];
	s0 =	simm.s32 @p0 $0x1  }
0x13: {  	[smem:$0x3FB6] =	sst s0;
	s0 =	simm.s32 @!p1 $0x0  }
0x14: {  	s2 =	sld [smem:$0x3F9A];
	s0 =	simm.s32 @p1 $0x1  }
0x15: {  	[smem:$0x3FB7] =	sst s0;
	s0 =	simm.s32 @!p2 $0x0  }
0x16: {  	s3 =	sld [smem:$0x3FDB];
	s0 =	simm.s32 @p2 $0x1  }
0x17: {  	s4 =	simm.s32 $0x1BF5;
	[smem:$0x3FB9] =	sst s0  }
0x18: {  	s0 =	sld [smem:$0x3F9C];
	_ =	swait.ge [sflag:s4], $0x0  }
0x19: {  	s7 =	sld [smem:$0x3F9D]  }
0x1a: {  	s8 =	sadd.s32 $0xFFFFE003, lr  }
0x1b: {  	s9 =	sadd.s32 $0xFFFFFEF7, lr;
	s5 =	simm.s32 $0xFFFFFFFF;
	p2 =	slt.u32 s8, $0xFFFFF086  }
0x1c: {  	p1 =	slt.u32 s9, $0xF7A;
	s5 =	simm.s32 @!p2 $0x0  }
0x1d: {  	s5 =	simm.s32 @p1 $0x1;
	p0 =	seq.s32 s7, s2  }
0x1e: {  	s7 =	smul.u32 @!p0 $0xF7A, s2;
	p2 =	seq.s32 @!p0 s5, $0x0  }
0x1f: {  	s9 =	smul.u32 $0xF7A, s1;
	s8 =	simm.s32 @!p0 $0x1BF5;
	p2 =	por !p2, p0  }
0x20: {  	[sflag:s8] =	ssyncset.s32 @!p0 $0xFFFFF086;
	s6 =	sadd.s32 @!p0 s3, s7;
	s7 =	simm.s32 @!p0 $0x108  }
0x21: {  	s3 =	sadd.s32 s3, s9;
	s6 =	sadd.s32 @!p0 $0x88, s6;
	s7 =	simm.s32 @p2 $0x1082  }
0x22: {  	[simem:s7], [sflag:s8] =	dma.local @!p0 [hbm:s6], $0xF7A  }
0x23: {  	s9 =	sor.u32 $0xD0000000, s2;
	s6 =	simm.s32 $0x108;
	_ =	swait.ge @!p0 [sflag:s8], $0x0  }
0x24: {  	s3 =	sadd.s32 $0x88, s3;
	s6 =	simm.s32 @!p1 $0x1082;
	[sflag:s4] =	ssyncset.s32 $0xFFFFF086  }
0x25: {  	[simem:s6], [sflag:s4] =	dma.local [hbm:s3], $0xF7A  }
0x26: {  	[smem:$0x3F9D] =	sst s1;
	(tag) =	ssettag s2;
	_ =	strace s9  }
0x27: {  	s1 =	sld [smem:$0x3FAD]  }
0x28: {  	s2 =	sld [smem:$0x3FAE]  }
0x29: {  	s4 =	sld [smem:$0x3FB0]  }
0x2a: {  	p0 =	seq.s32 s5, $0x0;
	s5 =	sld [smem:$0x3FB1]  }
0x2b: {  	s6 =	sld [smem:$0x3FB2]  }
0x2c: {  	s7 =	sld [smem:$0x3FB3]  }
0x2d: {  	s3 =	simm.s32 $0x108;
	s8 =	sld [smem:$0x3FB4]  }
0x2e: {  	s3 =	simm.s32 @!p0 $0x1082;
	s9 =	sld [smem:$0x3FB5]  }
0x2f: {  	lr =	sadd.s32 s0, s3;
	s0 =	sld [smem:$0x3FAC]  }
0x30: {  	s3 =	sld [smem:$0x3FAF]  }
0x31: {  	[smem:$0x3FB8] =	sst s10  }
0x32: {  	s10 =	sld [smem:$0x3FB6];
	_ =	sdelay $0x3  }
0x33: {  	p0 =	seq.s32 s10, $0x1;
	s10 =	sld [smem:$0x3FB8];
	_ =	sdelay $0x3  }
0x34: {  	[smem:$0x3FB8] =	sst s10  }
0x35: {  	s10 =	sld [smem:$0x3FB7];
	_ =	sdelay $0x3  }
0x36: {  	p1 =	seq.s32 s10, $0x1;
	s10 =	sld [smem:$0x3FB8];
	_ =	sdelay $0x3  }
0x37: {  	[smem:$0x3FB8] =	sst s10  }
0x38: {  	s10 =	sld [smem:$0x3FB9]  }
0x39: {  	_ = 	snop;
	(pc) =	sbr.ind lr, $3  }
0x3a: {  	_ = 	snop  }
0x3b: {  	_ = 	snop  }
0x3c: {  	p2 =	seq.s32 s10, $0x1;
	s10 =	sld [smem:$0x3FB8]  }
0x3d: {  	_ =	shalt  }
0x3e: {  	_ =	shalt  }
0x3f: {  	_ =	shalt  }
0x40: {  	_ =	shalt  }
0x41: {  	_ =	shalt  }
0x42: {  	_ =	shalt  }
0x43: {  	_ =	shalt  }
0x44: {  	_ =	shalt  }
0x45: {  	_ =	shalt  }
0x46: {  	_ =	shalt  }
0x47: {  	_ =	shalt  }
0x48: {  	_ =	shalt  }
0x49: {  	_ =	shalt  }
0x4a: {  	_ =	shalt  }
0x4b: {  	_ =	shalt  }
0x4c: {  	_ =	shalt  }
0x4d: {  	_ =	shalt  }
0x4e: {  	_ =	shalt  }
0x4f: {  	_ =	shalt  }
0x50: {  	_ =	shalt  }
0x51: {  	_ =	shalt  }
0x52: {  	_ =	shalt  }
0x53: {  	_ =	shalt  }
0x54: {  	_ =	shalt  }
0x55: {  	_ =	shalt  }
0x56: {  	_ =	shalt  }
0x57: {  	_ =	shalt  }
0x58: {  	_ =	shalt  }
0x59: {  	_ =	shalt  }
0x5a: {  	_ =	shalt  }
0x5b: {  	_ =	shalt  }
0x5c: {  	_ =	shalt  }
0x5d: {  	_ =	shalt  }
0x5e: {  	_ =	shalt  }
0x5f: {  	_ =	shalt  }
0x60: {  	_ =	shalt  }
0x61: {  	_ =	shalt  }
0x62: {  	_ =	shalt  }
0x63: {  	_ =	shalt  }
0x64: {  	_ =	shalt  }
0x65: {  	_ =	shalt  }
0x66: {  	_ =	shalt  }
0x67: {  	_ =	shalt  }
0x68: {  	_ =	shalt  }
0x69: {  	_ =	shalt  }
0x6a: {  	_ =	shalt  }
0x6b: {  	_ =	shalt  }
0x6c: {  	_ =	shalt  }
0x6d: {  	_ =	shalt  }
0x6e: {  	_ =	shalt  }
0x6f: {  	_ =	shalt  }
0x70: {  	_ =	shalt  }
0x71: {  	_ =	shalt  }
0x72: {  	_ =	shalt  }
0x73: {  	_ =	shalt  }
0x74: {  	_ =	shalt  }
0x75: {  	_ =	shalt  }
0x76: {  	_ =	shalt  }
0x77: {  	_ =	shalt  }
0x78: {  	_ =	shalt  }
0x79: {  	_ =	shalt  }
0x7a: {  	_ =	shalt  }
0x7b: {  	_ =	shalt  }
0x7c: {  	_ =	shalt  }
0x7d: {  	_ =	shalt  }
0x7e: {  	_ =	shalt  }
0x7f: {  	_ =	shalt  }
0x80: {  	_ =	shalt  }
0x81: {  	_ =	shalt  }
0x82: {  	_ =	shalt  }
0x83: {  	_ =	shalt  }
0x84: {  	_ =	shalt  }
0x85: {  	_ =	shalt  }
0x86: {  	_ =	shalt  }
0x87: {  	_ =	shalt  }
.Lfunc_end0:
.L_simem_size_0:
called_computation_lowered:
.L_overlay_start_0:
0x88: {  	s2 =	sld [smem:$0x3FD9]  }
0x89: {  	s3 =	sld [smem:$0x3FFE];
	_ =	sdelay $0x1  }
0x8a: {  	s1 =	srdreg.scid  }
0x8b: {  	s0 =	sand.u32 $0x1, s1  }
0x8c: {  	s17 =	sshll.u32 s0, $0xA;
	s2 =	sadd.s32 s3, s2  }
0x8d: {  	s2 =	sadd.s32 s2, s17  }
0x8e: {  	[smem:$0x3FC4] =	sst s2  }
0x8f: {  	_ = 	snop  }
0x90: {  	s18 =	sld [smem:$0x3FC8]  }
0x91: {  	s4 =	sld [smem:$0x3FD0];
	(tm) =	ssettm $0x1  }
0x92: {  	s19 =	sld [smem:$0x3FFB];
	_ =	sdelay $0x3  }
0x93: {  	_ =	strace s19  }
0x94: {  	s2 =	sld [smem:$0x3FFC];
	_ =	sdelay $0x3  }
0x95: {  	_ =	strace s2  }
0x96: {  	s2 =	sld [smem:$0x3FFD];
	_ =	sdelay $0x3  }
0x97: {  	_ =	strace s2  }
0x98: {  	_ =	strace $0x8FFFFFFF  }
0x99: {  	s20 =	sld [smem:$0x3FDB];
	_ =	sdelay $0x1  }
0x9a: {  	s5 =	simm.s32 $_scs_section_size  }
0x9b: {  	s6 =	simm.s32 $_size__tile_overlayer_lowered;
	s7 =	simm.s32 $_tile_overlayer_lowered  }
0x9c: {  	s8 =	simm.s32 $0x1BFF;
	s21 =	sshll.u32 s7, $0x1;
	s5 =	sadd.s32 s5, s20  }
0x9d: {  	s22 =	simm.s32 $0x0;
	s6 =	sshll.u32 s6, $0x1;
	s7 =	sadd.s32 s21, s5  }
0x9e: {  	[timem:s22], [sflag:s8] =	dma.local [hbm:s7], s6  }
0x9f: {  	_ =	swait.ge [sflag:s8], s6  }
0xa0: {  	s6 =	ssub.s32 $0x0, s6;
	[sflag:s8] =	ssyncset.done $0x0  }
0xa1: {  	[sflag:s8] =	ssyncadd.s32 s6;
	_ =	sdelay $0x1  }
0xa2: {  	s23 =	simm.s32 $0x1B8B  }
0xa3: {  	_ =	swait.ge [sflag:s23], $0x1  }
0xa4: {  	[sflag:s23] =	ssyncset.done $0x0  }
0xa5: {  	[sflag:s23] =	ssyncadd.s32 $0xFFFFFFFF  }
0xa6: {  	s6 =	sld [smem:$0x0]  }
0xa7: {  	s7 =	sand.u32 $0xFFFFFFFE, s1  }
0xa8: {  	p0 =	sne.s32 s1, s7  }
0xa9: {  	s7 =	sshll.u32 @p0 s7, $0xE  }
0xaa: {  	s7 =	sadd.s32 @p0 $0x11B8D, s7;
	s8 =	sshll.u32 @p0 s6, $0x11  }
0xab: {  	s7 =	sor.u32 @p0 s8, s7  }
0xac: {  	[sflag:s7] =	ssyncadd.remote.s32 @p0 $0x1;
	_ =	sdelay $0x1  }
0xad: {  	s7 =	simm.s32 @p0 $0x1B8D  }
0xae: {  	_ =	swait.eq @p0 [sflag:s7], $0x1  }
0xaf: {  	[sflag:s7] =	ssyncadd.s32 @p0 $0xFFFFFFFF  }
0xb0: {  	s8 =	sshll.u32 @!p0 s1, $0xE  }
0xb1: {  	s8 =	sor.u32 @!p0 $0x4000, s8;
	s7 =	simm.s32 @!p0 $0x1B8D  }
0xb2: {  	s6 =	sshll.u32 @!p0 s6, $0x11;
	s8 =	sadd.s32 @!p0 $0x11B8D, s8;
	_ =	swait.eq @!p0 [sflag:s7], $0x1  }
0xb3: {  	s6 =	sor.u32 @!p0 s6, s8;
	[sflag:s7] =	ssyncadd.s32 @!p0 $0xFFFFFFFF  }
0xb4: {  	s25 =	simm.s32 $0x1B8E;
	s24 =	sld [smem:$0x3FFE];
	[sflag:s6] =	ssyncadd.remote.s32 @!p0 $0x1  }
0xb5: {  	s26 =	simm.s32 $execute0_lowered;
	[smem:$0x3FD2] =	sst s25  }
0xb6: {  	s7 =	sshll.u32 s26, $0x1;
	_ =	strace $0x80000049;
	[dreg:$0x1] =	wrdreg $0xFFFFFFFF  }
0xb7: {  	s28 =	simm.s32 $_size_execute0_lowered;
	s5 =	sadd.s32 s5, s7;
	[dreg:$0x0] =	wrdreg $0x0  }
0xb8: {  	s7 =	sshll.u32 s28, $0x1;
	[dreg:$0x2] =	wrdreg s5  }
0xb9: {  	[dreg:$0x3] =	wrdreg s7  }
0xba: {  	[dreg:$0x4] =	wrdreg $0xC0  }
0xbb: {  	_ =	task [dreg:s22], $0x5FFFF  }
0xbc: {  	[dreg:$0x1] =	wrdreg $0xFFFFFFFF  }
0xbd: {  	[dreg:$0x0] =	wrdreg $0x60  }
0xbe: {  	[dreg:$0x2] =	wrdreg s18  }
0xbf: {  	[dreg:$0x3] =	wrdreg s4  }
0xc0: {  	[dreg:$0x4] =	wrdreg s24  }
0xc1: {  	[dreg:$0x5] =	wrdreg $0x9  }
0xc2: {  	_ =	task.clear_ibuf [dreg:s22], $0x6FFFF;
	_ =	strace $0x90000049  }
0xc3: {  	s29 =	simm.s32 $0x9;
	_ =	strace $0x8000004B  }
0xc4: {  	_ =	swait.ge [sflag:s29], $0x1  }
0xc5: {  	[sflag:s29] =	ssyncadd.s32 $0xFFFFFFFF  }
0xc6: {  	_ =	strace $0x9000004B  }
0xc7: {  	_ =	sfence  }
0xc8: {  	s30 =	sld [smem:$0x0];
	_ =	sdelay $0x2  }
0xc9: {  	s31 =	sshll.u32 s1, $0xD;
	s1 =	sshrl.u32 s1, $0x2  }
0xca: {  	s4 =	sand.u32 $0x4000, s31;
	s1 =	sadd.s32 s1, s30  }
0xcb: {  	s0 =	sor.u32 s4, s0;
	s1 =	sshll.u32 s1, $0x11  }
0xcc: {  	s0 =	sor.u32 s1, s0  }
0xcd: {  	s0 =	sadd.s32 $0x8F2B, s0  }
0xce: {  	[sflag:s0] =	ssyncadd.remote.s32 $0x1  }
0xcf: {  	_ =	sfence.sel $0xFFFF  }
0xd0: {  	[dreg:$0x0] =	wrdreg $0xFFFFFFFF;
	(pc) =	sbr.abs _section_cstart, $3  }
0xd1: {  	[dreg:$0x1] =	wrdreg $0xFFFFFFFF  }
0xd2: {  	_ =	task.clear_ibuf [dreg:s22], $0x2FFFF;
	_ =	strace $0x9FFFFFFF  }
0xd3: {  	(tm) =	ssettm $0x7FFFFFFF  }
tec
execute0_lowered:
.L_overlay_start_1:
0x0: {  	(tag) =	ssettag $0x1  }
0x1: {  	s0 =	srdreg.scid;
	s6 =	rddreg [dreg:$0x1]  }
0x2: {  	s13 =	stileid.u32;
	s12 =	rddreg [dreg:$0x2];
	s28 =	simm.s32 $0x3  }
0x3: {  	s0 =	sand.u32 $0x1, s0;
	s1 =	sshll.u32 s13, $0x1;
	s8 =	smul.u32 $0x34000, s13  }
0x4: {  	s29 =	simm.s32 $0x4;
	s1 =	sor.u32 s0, s1;
	s9 =	smul.u32 $0x1A000, s0  }
0x5: {  	s30 =	simm.s32 $0x7;
	s31 =	simm.s32 $0x8;
	s2 =	smul.u32 $0x1A00, s1  }
0x6: {  	s10 =	ssub.s32 $0x2, s0;
	s14 =	smul.u32 $0xD0000, s0;
	s1 =	rddreg [dreg:$0x0]  }
0x7: {  	s3 =	sshrl.u32 s2, $0xD;
	s5 =	sadd.s32 $0x200, s2;
	s2 =	sshrl.u32 s2, $0x3  }
0x8: {  	s4 =	smul.u32 $0x186A0, s3;
	s11 =	sshrl.u32 s5, $0xD;
	s3 =	simm.s32 $0x0  }
0x9: {  	s5 =	sadd.s32 $0x347800, s12;
	s12 =	sshrl.u32 s10, $0x1;
	s7 =	smul.u32 $0x186A0, s11  }
0xa: {  	s2 =	sadd.s32 s6, s2;
	[smem:$0x7FF] =	sst s3;
	s11 =	smul.u32 $0x3400, s13  }
0xb: {  	s13 =	smul.u32 $0x1A0000, s13;
	s10 =	ssub.s32 s10, s12;
	s15 =	sadd.s32 s8, s5  }
0xc: {  	_ =	strace $0x8000004A;
	[dreg:$0x4] =	wrdreg s2;
	s16 =	smax.u32 s10, $0x1  }
0xd: {  	s0 =	smul.u32 $0x1A00, s0;
	s2 =	sadd.s32 s9, s15;
	[dreg:$0x5] =	wrdreg s16  }
0xe: {  	s15 =	simm.s32 $0x1A00;
	[dreg:$0x6] =	wrdreg s2;
	s17 =	sadd.s32 s14, s13  }
0xf: {  	s0 =	sadd.s32 s0, s11;
	s14 =	simm.s32 $0x80;
	s16 =	simm.s32 $0x5A00  }
0x10: {  	s18 =	sor.u32 $0x4000, s17;
	s19 =	sor.u32 $0x8000, s17;
	s0 =	sadd.s32 $0x580, s0  }
0x11: {  	s23 =	sor.u32 $0xC000, s17;
	s24 =	sadd.s32 $0x10000, s17;
	s2 =	sadd.s32 $0x14000, s17  }
0x12: {  	s17 =	simm.s32 $0x5;
	[dreg:$0x7] =	wrdreg s0;
	s20 =	sshrl.u32 s18, $0x3  }
0x13: {  	s21 =	sshrl.u32 s19, $0x3;
	s25 =	sshrl.u32 s24, $0x3;
	s2 =	sshrl.u32 s2, $0x3  }
0x14: {  	s18 =	simm.s32 $0x9A00;
	s24 =	simm.s32 $0x15A00;
	s19 =	simm.s32 $0x6  }
0x15: {  	s0 =	sadd.s32 s20, s5;
	s22 =	sadd.s32 s21, s5;
	s26 =	sadd.s32 s2, s5  }
0x16: {  	s20 =	simm.s32 $0xDA00;
	s2 =	simm.s32 $0x9;
	[dreg:$0x8] =	wrdreg s0  }
.Ltmp0:
0x17: {  	s21 =	simm.s32 $0xB;
	[dreg:$0x9] =	wrdreg s22;
	(pc) =	sbr.rel .LBB2_1-.Ltmp0, $4  }
0x18: {  	s0 =	sshrl.u32 s23, $0x3;
	[dreg:$0xc] =	wrdreg s26;
	s22 =	simm.s32 $0x11A00  }
0x19: {  	s26 =	simm.s32 $0x2;
	s23 =	simm.s32 $0xC;
	s0 =	sadd.s32 s0, s5  }
0x1a: {  	[dreg:$0xa] =	wrdreg s0;
	s0 =	sadd.s32 s25, s5;
	s25 =	simm.s32 $0x1  }
0x1b: {  	v0 =	vmov s4;
	v1 =	vmov s7;
	s5 =	simm.s32 $0x0;
	[dreg:$0xb] =	wrdreg s0;
	s0 =	simm.s32 $0xA  }
.LBB2_3:
0x1c: {  	_ =	swait.ge [sflag:s30], $0x4000  }
0x1d: {  	[sflag:s30] =	ssyncset.done $0x0  }
0x1e: {  	[sflag:s30] =	ssyncadd.s32 $0xFFFFC000  }
0x1f: {  	_ =	swait.ge [sflag:s31], $0x4000  }
0x20: {  	[sflag:s31] =	ssyncset.done $0x0  }
0x21: {  	[sflag:s31] =	ssyncadd.s32 $0xFFFFC000  }
0x22: {  	_ =	swait.ge [sflag:s2], $0x4000  }
0x23: {  	[sflag:s2] =	ssyncset.done $0x0  }
0x24: {  	[sflag:s2] =	ssyncadd.s32 $0xFFFFC000  }
0x25: {  	_ =	swait.ge [sflag:s0], $0x4000  }
0x26: {  	[sflag:s0] =	ssyncset.done $0x0  }
0x27: {  	[sflag:s0] =	ssyncadd.s32 $0xFFFFC000  }
.LBB2_8:
0x28: {  	s5 =	rddreg [dreg:$0xd]  }
0x29: {  	s4 =	rddreg [dreg:$0x5];
	s5 =	sadd.s32 $0x1, s5  }
0x2a: {  	p0 =	sne.s32 s5, s4  }
.Ltmp1:
0x2b: {  	_ = 	snop;
	(pc) =	sbr.rel @!p0 .LBB2_9-.Ltmp1, $1  }
0x2c: {  	_ =	sdelay $0x3  }
.LBB2_1:
0x2d: {  	[dreg:$0xd] =	wrdreg s5  }
0x2e: {  	s4 =	rddreg [dreg:$0x4];
	s9 =	simm.s32 $0xD  }
0x2f: {  	[tilespmem:s3], [sflag:$0xD] =	stream.linear.gather [hbm4b:s4+s3], $0x1A00, $0x38;
	[tilespmem:$0x19A00] =	vst v63  }
0x30: {  	_ =	swait.ge [sflag:s9], $0x1A00  }
0x31: {  	[sflag:s9] =	ssyncset.done $0x0  }
0x32: {  	[sflag:s9] =	ssyncadd.s32 $0xFFFFE600  }
0x33: {  	v2 =	vld [tilespmem:$0x0]  }
0x34: {  	v3 =	vld [tilespmem:$0x10]  }
0x35: {  	v4 =	vld [tilespmem:$0x20]  }
0x36: {  	v5 =	vld [tilespmem:$0x30]  }
0x37: {  	v6 =	vld [tilespmem:$0x40]  }
0x38: {  	v7 =	vld [tilespmem:$0x50];
	v2 =	vadd.s32 v0, v2  }
0x39: {  	[tilespmem:$0x0] =	vst v2;
	v2 =	vadd.s32 v0, v3;
	v3 =	vld [tilespmem:$0x60]  }
0x3a: {  	v38 =	vld [tilespmem:$0x70];
	[tilespmem:$0x10] =	vst v2;
	v2 =	vadd.s32 v0, v4  }
0x3b: {  	[tilespmem:$0x20] =	vst v2;
	v2 =	vadd.s32 v0, v5  }
0x3c: {  	[tilespmem:$0x30] =	vst v2;
	v2 =	vadd.s32 v0, v6  }
0x3d: {  	[tilespmem:$0x40] =	vst v2;
	v2 =	vadd.s32 v0, v7  }
0x3e: {  	[tilespmem:$0x50] =	vst v2;
	v2 =	vadd.s32 v0, v3  }
0x3f: {  	[tilespmem:$0x60] =	vst v2;
	v2 =	vadd.s32 v0, v38  }
0x40: {  	[tilespmem:$0x70] =	vst v2  }
0x41: {  	[tilespmem:s15], [sflag:$0x1] =	stream.indirect.gather [hbm4b:s1+s14], $0x80, s3, s14, $0xb8;
	[tilespmem:$0x19A00] =	vst v63  }
0x42: {  	v2 =	vld [tilespmem:$0x80]  }
0x43: {  	v3 =	vld [tilespmem:$0x90]  }
0x44: {  	v39 =	vld [tilespmem:$0xA0]  }
0x45: {  	v40 =	vld [tilespmem:$0xB0]  }
0x46: {  	v41 =	vld [tilespmem:$0xC0]  }
0x47: {  	v42 =	vld [tilespmem:$0xD0];
	v2 =	vadd.s32 v0, v2  }
0x48: {  	[tilespmem:$0x80] =	vst v2;
	v2 =	vadd.s32 v0, v3;
	v3 =	vld [tilespmem:$0xE0]  }
0x49: {  	v43 =	vld [tilespmem:$0xF0];
	[tilespmem:$0x90] =	vst v2;
	v2 =	vadd.s32 v0, v39  }
0x4a: {  	[tilespmem:$0xA0] =	vst v2;
	v2 =	vadd.s32 v0, v40  }
0x4b: {  	[tilespmem:$0xB0] =	vst v2;
	v2 =	vadd.s32 v0, v41  }
0x4c: {  	[tilespmem:$0xC0] =	vst v2;
	v2 =	vadd.s32 v0, v42  }
0x4d: {  	[tilespmem:$0xD0] =	vst v2;
	v2 =	vadd.s32 v0, v3  }
0x4e: {  	[tilespmem:$0xE0] =	vst v2;
	v2 =	vadd.s32 v0, v43  }
0x4f: {  	[tilespmem:$0xF0] =	vst v2  }
0x50: {  	[tilespmem:s16], [sflag:$0x2] =	stream.indirect.gather [hbm4b:s1+s14], $0x80, s14, s14, $0xb8;
	[tilespmem:$0x19A00] =	vst v63  }
0x51: {  	v2 =	vld [tilespmem:$0x100]  }
0x52: {  	v3 =	vld [tilespmem:$0x110]  }
0x53: {  	v44 =	vld [tilespmem:$0x120]  }
0x54: {  	v45 =	vld [tilespmem:$0x130]  }
0x55: {  	v46 =	vld [tilespmem:$0x140]  }
0x56: {  	v47 =	vld [tilespmem:$0x150];
	v2 =	vadd.s32 v0, v2  }
0x57: {  	[tilespmem:$0x100] =	vst v2;
	v2 =	vadd.s32 v0, v3;
	v3 =	vld [tilespmem:$0x160]  }
0x58: {  	v48 =	vld [tilespmem:$0x170];
	[tilespmem:$0x110] =	vst v2;
	v2 =	vadd.s32 v0, v44  }
0x59: {  	[tilespmem:$0x120] =	vst v2;
	v2 =	vadd.s32 v0, v45  }
0x5a: {  	[tilespmem:$0x130] =	vst v2;
	v2 =	vadd.s32 v0, v46  }
0x5b: {  	[tilespmem:$0x140] =	vst v2;
	v2 =	vadd.s32 v0, v47  }
0x5c: {  	[tilespmem:$0x150] =	vst v2;
	v2 =	vadd.s32 v0, v3  }
0x5d: {  	[tilespmem:$0x160] =	vst v2;
	v2 =	vadd.s32 v0, v48  }
0x5e: {  	s10 =	simm.s32 $0x100;
	[tilespmem:$0x170] =	vst v2  }
0x5f: {  	[tilespmem:s18], [sflag:$0x3] =	stream.indirect.gather [hbm4b:s1+s14], $0x80, s10, s14, $0xb8;
	[tilespmem:$0x19A00] =	vst v63  }
0x60: {  	v2 =	vld [tilespmem:$0x180]  }
0x61: {  	v3 =	vld [tilespmem:$0x190]  }
0x62: {  	v49 =	vld [tilespmem:$0x1A0]  }
0x63: {  	v50 =	vld [tilespmem:$0x1B0]  }
0x64: {  	v51 =	vld [tilespmem:$0x1C0]  }
0x65: {  	v52 =	vld [tilespmem:$0x1D0];
	v2 =	vadd.s32 v0, v2  }
0x66: {  	[tilespmem:$0x180] =	vst v2;
	v2 =	vadd.s32 v0, v3;
	v3 =	vld [tilespmem:$0x1E0]  }
0x67: {  	v53 =	vld [tilespmem:$0x1F0];
	[tilespmem:$0x190] =	vst v2;
	v2 =	vadd.s32 v0, v49  }
0x68: {  	[tilespmem:$0x1A0] =	vst v2;
	v2 =	vadd.s32 v0, v50  }
0x69: {  	[tilespmem:$0x1B0] =	vst v2;
	v2 =	vadd.s32 v0, v51  }
0x6a: {  	[tilespmem:$0x1C0] =	vst v2;
	v2 =	vadd.s32 v0, v52  }
0x6b: {  	[tilespmem:$0x1D0] =	vst v2;
	v2 =	vadd.s32 v0, v3  }
0x6c: {  	[tilespmem:$0x1E0] =	vst v2;
	v2 =	vadd.s32 v0, v53  }
0x6d: {  	s11 =	simm.s32 $0x180;
	[tilespmem:$0x1F0] =	vst v2  }
0x6e: {  	[tilespmem:s20], [sflag:$0x4] =	stream.indirect.gather [hbm4b:s1+s14], $0x80, s11, s14, $0xb8;
	[tilespmem:$0x19A00] =	vst v63  }
0x6f: {  	v2 =	vld [tilespmem:$0x200]  }
0x70: {  	v3 =	vld [tilespmem:$0x210]  }
0x71: {  	v54 =	vld [tilespmem:$0x220]  }
0x72: {  	v55 =	vld [tilespmem:$0x230]  }
0x73: {  	v56 =	vld [tilespmem:$0x240]  }
0x74: {  	v57 =	vld [tilespmem:$0x250];
	v2 =	vadd.s32 v1, v2  }
0x75: {  	[tilespmem:$0x200] =	vst v2;
	v2 =	vadd.s32 v1, v3;
	v3 =	vld [tilespmem:$0x260]  }
0x76: {  	v58 =	vld [tilespmem:$0x270];
	[tilespmem:$0x210] =	vst v2;
	v2 =	vadd.s32 v1, v54  }
0x77: {  	[tilespmem:$0x220] =	vst v2;
	v2 =	vadd.s32 v1, v55  }
0x78: {  	[tilespmem:$0x230] =	vst v2;
	v2 =	vadd.s32 v1, v56  }
0x79: {  	[tilespmem:$0x240] =	vst v2;
	v2 =	vadd.s32 v1, v57  }
0x7a: {  	[tilespmem:$0x250] =	vst v2;
	v2 =	vadd.s32 v1, v3  }
0x7b: {  	[tilespmem:$0x260] =	vst v2;
	v2 =	vadd.s32 v1, v58  }
0x7c: {  	s12 =	simm.s32 $0x200;
	[tilespmem:$0x270] =	vst v2  }
0x7d: {  	[tilespmem:s22], [sflag:$0x5] =	stream.indirect.gather [hbm4b:s1+s14], $0x80, s12, s14, $0xb8;
	[tilespmem:$0x19A00] =	vst v63  }
0x7e: {  	v2 =	vld [tilespmem:$0x280]  }
0x7f: {  	v3 =	vld [tilespmem:$0x290]  }
0x80: {  	v59 =	vld [tilespmem:$0x2A0]  }
0x81: {  	v60 =	vld [tilespmem:$0x2B0]  }
0x82: {  	v61 =	vld [tilespmem:$0x2C0]  }
0x83: {  	v62 =	vld [tilespmem:$0x2D0];
	v2 =	vadd.s32 v1, v2  }
0x84: {  	[tilespmem:$0x280] =	vst v2;
	v2 =	vadd.s32 v1, v3;
	v3 =	vld [tilespmem:$0x2E0]  }
0x85: {  	v63 =	vld [tilespmem:$0x2F0];
	[tilespmem:$0x290] =	vst v2;
	v2 =	vadd.s32 v1, v59  }
0x86: {  	s8 =	rddreg [dreg:$0x8];
	[tilespmem:$0x2A0] =	vst v2;
	v2 =	vadd.s32 v1, v60  }
0x87: {  	s7 =	rddreg [dreg:$0x7];
	[tilespmem:$0x2B0] =	vst v2;
	v2 =	vadd.s32 v1, v61  }
0x88: {  	s6 =	rddreg [dreg:$0x6];
	[tilespmem:$0x2C0] =	vst v2;
	v2 =	vadd.s32 v1, v62  }
.Ltmp2:
0x89: {  	s9 =	rddreg [dreg:$0x9];
	[tilespmem:$0x2D0] =	vst v2;
	v2 =	vadd.s32 v1, v3;
	(pc) =	sbr.rel .LBB2_2-.Ltmp2, $4  }
0x8a: {  	s10 =	rddreg [dreg:$0xa];
	[tilespmem:$0x2E0] =	vst v2;
	v2 =	vadd.s32 v1, v63  }
0x8b: {  	s13 =	simm.s32 $0x280;
	s11 =	rddreg [dreg:$0xb];
	[tilespmem:$0x2F0] =	vst v2  }
0x8c: {  	[tilespmem:s24], [sflag:$0x6] =	stream.indirect.gather [hbm4b:s1+s14], $0x80, s13, s14, $0xb8;
	[tilespmem:$0x19A00] =	vst v63  }
0x8d: {  	s5 =	simm.s32 $0x0;
	s12 =	rddreg [dreg:$0xc];
	s13 =	simm.s32 $0x0  }
.LBB2_6:
0x8e: {  	_ =	swait.ge [sflag:s23], $0x4000  }
0x8f: {  	[sflag:s23] =	ssyncset.done $0x0  }
0x90: {  	s24 =	simm.s32 $0x15A00;
	[sflag:s23] =	ssyncadd.s32 $0xFFFFC000  }
.LBB2_7:
0x91: {  	s5 =	sadd.s32 $0xC00, s5  }
0x92: {  	p0 =	sne.s32 s5, $0x6C00  }
.Ltmp3:
0x93: {  	_ = 	snop;
	(pc) =	sbr.rel @!p0 .LBB2_8-.Ltmp3, $4  }
0x94: {  	s13 =	sadd.s32 $0x1, s13  }
0x95: {  	s6 =	sadd.s32 $0x3000, s6;
	s7 =	sadd.s32 $0x300, s7;
	s8 =	sadd.s32 $0x3000, s8  }
0x96: {  	s9 =	sadd.s32 $0x3000, s9;
	s10 =	sadd.s32 $0x3000, s10;
	s11 =	sadd.s32 $0x3000, s11  }
0x97: {  	s12 =	sadd.s32 $0x3000, s12;
	s22 =	simm.s32 $0x11A00;
	s15 =	simm.s32 $0x1A00  }
.LBB2_2:
0x98: {  	_ =	swait.ge [sflag:s25], $0x4000  }
0x99: {  	[sflag:s25] =	ssyncset.done $0x0  }
0x9a: {  	[sflag:s25] =	ssyncadd.s32 $0xFFFFC000  }
0x9b: {  	[hbm4b:s6+s3] =	stream.linear.scatter [tilespmem:s15], [sflag:$0x7], $0x4000, $0x38;
	[tilespmem:$0x19A00] =	vst v63  }
0x9c: {  	_ =	swait.ge [sflag:s26], $0x4000  }
0x9d: {  	[sflag:s26] =	ssyncset.done $0x0  }
0x9e: {  	[sflag:s26] =	ssyncadd.s32 $0xFFFFC000  }
0x9f: {  	[hbm4b:s8+s3] =	stream.linear.scatter [tilespmem:s16], [sflag:$0x8], $0x4000, $0x38;
	[tilespmem:$0x19A00] =	vst v63  }
0xa0: {  	_ =	swait.ge [sflag:s28], $0x4000  }
0xa1: {  	[sflag:s28] =	ssyncset.done $0x0  }
0xa2: {  	p0 =	sne.s32 s5, $0x6000;
	[sflag:s28] =	ssyncadd.s32 $0xFFFFC000  }
0xa3: {  	[hbm4b:s9+s3] =	stream.linear.scatter [tilespmem:s18], [sflag:$0x9], $0x4000, $0x38;
	[tilespmem:$0x19A00] =	vst v63  }
.Ltmp4:
0xa4: {  	_ = 	snop;
	(pc) =	sbr.rel @!p0 .LBB2_3-.Ltmp4, $4  }
0xa5: {  	_ =	swait.ge [sflag:s29], $0x4000  }
0xa6: {  	[sflag:s29] =	ssyncset.done $0x0  }
0xa7: {  	[sflag:s29] =	ssyncadd.s32 $0xFFFFC000  }
0xa8: {  	[hbm4b:s10+s3] =	stream.linear.scatter [tilespmem:s20], [sflag:$0xA], $0x4000, $0x38;
	[tilespmem:$0x19A00] =	vst v63  }
0xa9: {  	_ =	swait.ge [sflag:s17], $0x4000  }
0xaa: {  	[sflag:s17] =	ssyncset.done $0x0  }
0xab: {  	[sflag:s17] =	ssyncadd.s32 $0xFFFFC000  }
0xac: {  	[hbm4b:s11+s3] =	stream.linear.scatter [tilespmem:s22], [sflag:$0xB], $0x4000, $0x38;
	[tilespmem:$0x19A00] =	vst v63  }
0xad: {  	_ =	swait.ge [sflag:s19], $0x4000  }
0xae: {  	[sflag:s19] =	ssyncset.done $0x0  }
0xaf: {  	[sflag:s19] =	ssyncadd.s32 $0xFFFFC000  }
0xb0: {  	[hbm4b:s12+s3] =	stream.linear.scatter [tilespmem:s24], [sflag:$0xC], $0x4000, $0x38;
	[tilespmem:$0x19A00] =	vst v63  }
0xb1: {  	_ =	swait.ge [sflag:s30], $0x4000  }
0xb2: {  	[sflag:s30] =	ssyncset.done $0x0  }
0xb3: {  	s4 =	sshra.s32 s5, $0x2;
	[sflag:s30] =	ssyncadd.s32 $0xFFFFC000  }
0xb4: {  	v2 =	vld [tilespmem:s4+$0x300]  }
0xb5: {  	s22 =	sadd.s32 $0xFFFFFD80, s7;
	v3 =	vld [tilespmem:s4+$0x310]  }
0xb6: {  	s22 =	sshrl.u32 s22, $0xD;
	v4 =	vld [tilespmem:s4+$0x320]  }
0xb7: {  	s22 =	smul.u32 $0x186A0, s22;
	v5 =	vld [tilespmem:s4+$0x330]  }
0xb8: {  	v6 =	vld [tilespmem:s4+$0x340]  }
0xb9: {  	v7 =	vld [tilespmem:s4+$0x350];
	v2 =	vadd.s32 s22, v2  }
0xba: {  	[tilespmem:s4+$0x300] =	vst v2;
	v2 =	vadd.s32 s22, v3;
	v3 =	vld [tilespmem:s4+$0x360]  }
0xbb: {  	v48 =	vld [tilespmem:s4+$0x370];
	[tilespmem:s4+$0x310] =	vst v2;
	v2 =	vadd.s32 s22, v4  }
0xbc: {  	[tilespmem:s4+$0x320] =	vst v2;
	v2 =	vadd.s32 s22, v5  }
0xbd: {  	[tilespmem:s4+$0x330] =	vst v2;
	v2 =	vadd.s32 s22, v6  }
0xbe: {  	[tilespmem:s4+$0x340] =	vst v2;
	v2 =	vadd.s32 s22, v7  }
0xbf: {  	[tilespmem:s4+$0x350] =	vst v2;
	v2 =	vadd.s32 s22, v3  }
0xc0: {  	[tilespmem:s4+$0x360] =	vst v2;
	v2 =	vadd.s32 s22, v48  }
0xc1: {  	s16 =	simm.s32 $0x1A00;
	s22 =	sadd.s32 $0x300, s4;
	[tilespmem:s4+$0x370] =	vst v2  }
0xc2: {  	[tilespmem:s16], [sflag:$0x1] =	stream.indirect.gather [hbm4b:s1+s14], $0x80, s22, s14, $0xb8;
	[tilespmem:$0x19A00] =	vst v63  }
0xc3: {  	_ =	swait.ge [sflag:s31], $0x4000  }
0xc4: {  	[sflag:s31] =	ssyncset.done $0x0  }
0xc5: {  	[sflag:s31] =	ssyncadd.s32 $0xFFFFC000  }
0xc6: {  	v2 =	vld [tilespmem:s4+$0x380]  }
0xc7: {  	s22 =	sadd.s32 $0xFFFFFE00, s7;
	v3 =	vld [tilespmem:s4+$0x390]  }
0xc8: {  	s22 =	sshrl.u32 s22, $0xD;
	v49 =	vld [tilespmem:s4+$0x3A0]  }
0xc9: {  	s22 =	smul.u32 $0x186A0, s22;
	v50 =	vld [tilespmem:s4+$0x3B0]  }
0xca: {  	v51 =	vld [tilespmem:s4+$0x3C0]  }
0xcb: {  	v52 =	vld [tilespmem:s4+$0x3D0];
	v2 =	vadd.s32 s22, v2  }
0xcc: {  	[tilespmem:s4+$0x380] =	vst v2;
	v2 =	vadd.s32 s22, v3;
	v3 =	vld [tilespmem:s4+$0x3E0]  }
0xcd: {  	v53 =	vld [tilespmem:s4+$0x3F0];
	[tilespmem:s4+$0x390] =	vst v2;
	v2 =	vadd.s32 s22, v49  }
0xce: {  	[tilespmem:s4+$0x3A0] =	vst v2;
	v2 =	vadd.s32 s22, v50  }
0xcf: {  	[tilespmem:s4+$0x3B0] =	vst v2;
	v2 =	vadd.s32 s22, v51  }
0xd0: {  	[tilespmem:s4+$0x3C0] =	vst v2;
	v2 =	vadd.s32 s22, v52  }
0xd1: {  	[tilespmem:s4+$0x3D0] =	vst v2;
	v2 =	vadd.s32 s22, v3  }
0xd2: {  	[tilespmem:s4+$0x3E0] =	vst v2;
	v2 =	vadd.s32 s22, v53  }
0xd3: {  	s16 =	simm.s32 $0x5A00;
	s22 =	sadd.s32 $0x380, s4;
	[tilespmem:s4+$0x3F0] =	vst v2  }
0xd4: {  	[tilespmem:s16], [sflag:$0x2] =	stream.indirect.gather [hbm4b:s1+s14], $0x80, s22, s14, $0xb8;
	[tilespmem:$0x19A00] =	vst v63  }
0xd5: {  	_ =	swait.ge [sflag:s2], $0x4000  }
0xd6: {  	[sflag:s2] =	ssyncset.done $0x0  }
0xd7: {  	[sflag:s2] =	ssyncadd.s32 $0xFFFFC000  }
0xd8: {  	v2 =	vld [tilespmem:s4+$0x400]  }
0xd9: {  	s22 =	sadd.s32 $0xFFFFFE80, s7;
	v3 =	vld [tilespmem:s4+$0x410]  }
0xda: {  	s22 =	sshrl.u32 s22, $0xD;
	v54 =	vld [tilespmem:s4+$0x420]  }
0xdb: {  	s22 =	smul.u32 $0x186A0, s22;
	v55 =	vld [tilespmem:s4+$0x430]  }
0xdc: {  	v56 =	vld [tilespmem:s4+$0x440]  }
0xdd: {  	v57 =	vld [tilespmem:s4+$0x450];
	v2 =	vadd.s32 s22, v2  }
0xde: {  	[tilespmem:s4+$0x400] =	vst v2;
	v2 =	vadd.s32 s22, v3;
	v3 =	vld [tilespmem:s4+$0x460]  }
0xdf: {  	v58 =	vld [tilespmem:s4+$0x470];
	[tilespmem:s4+$0x410] =	vst v2;
	v2 =	vadd.s32 s22, v54  }
0xe0: {  	[tilespmem:s4+$0x420] =	vst v2;
	v2 =	vadd.s32 s22, v55  }
0xe1: {  	[tilespmem:s4+$0x430] =	vst v2;
	v2 =	vadd.s32 s22, v56  }
0xe2: {  	[tilespmem:s4+$0x440] =	vst v2;
	v2 =	vadd.s32 s22, v57  }
0xe3: {  	[tilespmem:s4+$0x450] =	vst v2;
	v2 =	vadd.s32 s22, v3  }
0xe4: {  	[tilespmem:s4+$0x460] =	vst v2;
	v2 =	vadd.s32 s22, v58  }
0xe5: {  	s22 =	sadd.s32 $0x400, s4;
	[tilespmem:s4+$0x470] =	vst v2  }
0xe6: {  	[tilespmem:s18], [sflag:$0x3] =	stream.indirect.gather [hbm4b:s1+s14], $0x80, s22, s14, $0xb8;
	[tilespmem:$0x19A00] =	vst v63  }
0xe7: {  	_ =	swait.ge [sflag:s0], $0x4000  }
0xe8: {  	[sflag:s0] =	ssyncset.done $0x0  }
0xe9: {  	[sflag:s0] =	ssyncadd.s32 $0xFFFFC000  }
0xea: {  	v2 =	vld [tilespmem:s4+$0x480]  }
0xeb: {  	s22 =	sadd.s32 $0xFFFFFF00, s7;
	v3 =	vld [tilespmem:s4+$0x490]  }
0xec: {  	s22 =	sshrl.u32 s22, $0xD;
	v59 =	vld [tilespmem:s4+$0x4A0]  }
0xed: {  	s22 =	smul.u32 $0x186A0, s22;
	v60 =	vld [tilespmem:s4+$0x4B0]  }
0xee: {  	v61 =	vld [tilespmem:s4+$0x4C0]  }
0xef: {  	v62 =	vld [tilespmem:s4+$0x4D0];
	v2 =	vadd.s32 s22, v2  }
0xf0: {  	[tilespmem:s4+$0x480] =	vst v2;
	v2 =	vadd.s32 s22, v3;
	v3 =	vld [tilespmem:s4+$0x4E0]  }
0xf1: {  	v63 =	vld [tilespmem:s4+$0x4F0];
	[tilespmem:s4+$0x490] =	vst v2;
	v2 =	vadd.s32 s22, v59  }
0xf2: {  	[tilespmem:s4+$0x4A0] =	vst v2;
	v2 =	vadd.s32 s22, v60  }
0xf3: {  	[tilespmem:s4+$0x4B0] =	vst v2;
	v2 =	vadd.s32 s22, v61  }
0xf4: {  	[tilespmem:s4+$0x4C0] =	vst v2;
	v2 =	vadd.s32 s22, v62  }
0xf5: {  	[tilespmem:s4+$0x4D0] =	vst v2;
	v2 =	vadd.s32 s22, v3  }
0xf6: {  	p0 =	sgt.u32 s13, $0x6;
	[tilespmem:s4+$0x4E0] =	vst v2;
	v2 =	vadd.s32 s22, v63  }
.Ltmp5:
0xf7: {  	s22 =	sadd.s32 $0x480, s4;
	[tilespmem:s4+$0x4F0] =	vst v2;
	(pc) =	sbr.rel @p0 .LBB2_6-.Ltmp5, $4  }
0xf8: {  	[tilespmem:s20], [sflag:$0x4] =	stream.indirect.gather [hbm4b:s1+s14], $0x80, s22, s14, $0xb8;
	[tilespmem:$0x19A00] =	vst v63  }
0xf9: {  	_ =	swait.ge [sflag:s21], $0x4000  }
0xfa: {  	[sflag:s21] =	ssyncset.done $0x0  }
0xfb: {  	s15 =	simm.s32 $0x15A00;
	s24 =	simm.s32 $0x11A00;
	[sflag:s21] =	ssyncadd.s32 $0xFFFFC000  }
0xfc: {  	v2 =	vld [tilespmem:s4+$0x500]  }
0xfd: {  	s22 =	sadd.s32 $0xFFFFFF80, s7;
	v3 =	vld [tilespmem:s4+$0x510]  }
0xfe: {  	v4 =	vld [tilespmem:s4+$0x520];
	s22 =	sshrl.u32 s22, $0xD  }
0xff: {  	v5 =	vld [tilespmem:s4+$0x530];
	s22 =	smul.u32 $0x186A0, s22  }
0x100: {  	v6 =	vld [tilespmem:s4+$0x540]  }
0x101: {  	v7 =	vld [tilespmem:s4+$0x550];
	v2 =	vadd.s32 s22, v2  }
0x102: {  	[tilespmem:s4+$0x500] =	vst v2;
	v2 =	vadd.s32 s22, v3;
	v3 =	vld [tilespmem:s4+$0x560]  }
0x103: {  	v58 =	vld [tilespmem:s4+$0x570];
	[tilespmem:s4+$0x510] =	vst v2;
	v2 =	vadd.s32 s22, v4  }
0x104: {  	[tilespmem:s4+$0x520] =	vst v2;
	v2 =	vadd.s32 s22, v5  }
0x105: {  	[tilespmem:s4+$0x530] =	vst v2;
	v2 =	vadd.s32 s22, v6  }
0x106: {  	[tilespmem:s4+$0x540] =	vst v2;
	v2 =	vadd.s32 s22, v7  }
0x107: {  	[tilespmem:s4+$0x550] =	vst v2;
	v2 =	vadd.s32 s22, v3  }
0x108: {  	[tilespmem:s4+$0x560] =	vst v2;
	v2 =	vadd.s32 s22, v58  }
0x109: {  	s22 =	sadd.s32 $0x500, s4;
	[tilespmem:s4+$0x570] =	vst v2  }
0x10a: {  	[tilespmem:s24], [sflag:$0x5] =	stream.indirect.gather [hbm4b:s1+s14], $0x80, s22, s14, $0xb8;
	[tilespmem:$0x19A00] =	vst v63  }
0x10b: {  	_ =	swait.ge [sflag:s23], $0x4000  }
0x10c: {  	[sflag:s23] =	ssyncset.done $0x0  }
0x10d: {  	[sflag:s23] =	ssyncadd.s32 $0xFFFFC000  }
0x10e: {  	v2 =	vld [tilespmem:s4+$0x580]  }
0x10f: {  	v3 =	vld [tilespmem:s4+$0x590]  }
0x110: {  	s24 =	sshrl.u32 s7, $0xD;
	v59 =	vld [tilespmem:s4+$0x5A0]  }
0x111: {  	s22 =	smul.u32 $0x186A0, s24;
	v60 =	vld [tilespmem:s4+$0x5B0]  }
0x112: {  	v61 =	vld [tilespmem:s4+$0x5C0]  }
0x113: {  	v62 =	vld [tilespmem:s4+$0x5D0];
	v2 =	vadd.s32 s22, v2  }
0x114: {  	[tilespmem:s4+$0x580] =	vst v2;
	v2 =	vadd.s32 s22, v3;
	v3 =	vld [tilespmem:s4+$0x5E0]  }
0x115: {  	v63 =	vld [tilespmem:s4+$0x5F0];
	[tilespmem:s4+$0x590] =	vst v2;
	v2 =	vadd.s32 s22, v59  }
0x116: {  	[tilespmem:s4+$0x5A0] =	vst v2;
	v2 =	vadd.s32 s22, v60  }
0x117: {  	[tilespmem:s4+$0x5B0] =	vst v2;
	v2 =	vadd.s32 s22, v61  }
0x118: {  	[tilespmem:s4+$0x5C0] =	vst v2;
	v2 =	vadd.s32 s22, v62  }
.Ltmp6:
0x119: {  	[tilespmem:s4+$0x5D0] =	vst v2;
	v2 =	vadd.s32 s22, v3;
	(pc) =	sbr.rel .LBB2_7-.Ltmp6, $4  }
0x11a: {  	[tilespmem:s4+$0x5E0] =	vst v2;
	v2 =	vadd.s32 s22, v63  }
0x11b: {  	s24 =	sadd.s32 $0x580, s4;
	[tilespmem:s4+$0x5F0] =	vst v2  }
0x11c: {  	[tilespmem:s15], [sflag:$0x6] =	stream.indirect.gather [hbm4b:s1+s14], $0x80, s24, s14, $0xb8;
	[tilespmem:$0x19A00] =	vst v63  }
0x11d: {  	s24 =	simm.s32 $0x15A00  }
.LBB2_9:
0x11e: {  	_ =	sfence.sel $0x180000  }
0x11f: {  	[bflag:$0x0] =	sbarrier.arrive $0xFFFF  }
0x120: {  	_ =	strace $0x9000004A  }
0x121: {  	s0 =	stileid.u32;
	[bflag:$0x2] =	sbarrier.arrive $0xFFFF  }
0x122: {  	p0 =	sne.s32 s0, $0x0;
	s0 =	rddreg [dreg:$0x3]  }
0x123: {  	s0 =	sadd.s32 @!p0 $0x100000, s0  }
0x124: {  	[sflag:s0] =	ssyncadd.tile.s32 @!p0 $0x1;
	_ =	shalt  }
.Lfunc_end2:
_tile_overlayer_lowered:
.L_overlay_start_2:
0x125: {  	(tag) =	ssettag $0x2  }
0x126: {  	s0 =	rddreg [dreg:$0x0];
	s2 =	stileid.u32  }
0x127: {  	s1 =	rddreg [dreg:$0x1];
	p0 =	sne.s32 s2, $0x0  }
0x128: {  	s3 =	rddreg [dreg:$0x2];
	[bflag:$0x3] =	sbarrier.arrive $0xFFFF;
	s2 =	simm.s32 @!p0 $0x1C0D  }
0x129: {  	[timem:s3], [sflag:s2] =	dma.local @!p0 [hbm:s0], s1  }
0x12a: {  	s0 =	simm.s32 @!p0 $0xD  }
0x12b: {  	_ =	swait.ge @!p0 [sflag:s0], s1  }
0x12c: {  	s1 =	ssub.s32 @!p0 $0x0, s1;
	[sflag:s0] =	ssyncset.done @!p0 $0x0  }
0x12d: {  	[sflag:s0] =	ssyncadd.s32 @!p0 s1  }
0x12e: {  	[bflag:$0x3] =	sbarrier.arrive $0xFFFF  }
0x12f: {  	_ =	shalt  }

// kernel: kernel.9.cloned.1.call-start
scs
__scs_entry_jumppad:
0x0: {  	(pc) =	sbr.rel $0x88, $3  }
0x1: {  	(tag) =	ssettag $0x0;
	lr =	simm.s32 $0x1  }
0x2: {  	[smem:$0x3F9D] =	sst lr;
	_ =	strace $0xD0000000  }
0x3: {  	_ = 	snop  }
0x4: {  	_ = 	snop  }
0x5: {  	_ = 	snop  }
0x6: {  	_ = 	snop  }
0x7: {  	_ = 	snop  }
__scs_overlays_trampoline_lowered:
0x8: {  	[smem:$0x3FAC] =	sst s0  }
0x9: {  	[smem:$0x3FAD] =	sst s1  }
0xa: {  	[smem:$0x3FAE] =	sst s2  }
0xb: {  	[smem:$0x3FAF] =	sst s3  }
0xc: {  	[smem:$0x3FB0] =	sst s4  }
0xd: {  	[smem:$0x3FB1] =	sst s5  }
0xe: {  	[smem:$0x3FB2] =	sst s6  }
0xf: {  	[smem:$0x3FB3] =	sst s7  }
0x10: {  	[smem:$0x3FB4] =	sst s8  }
0x11: {  	[smem:$0x3FB5] =	sst s9;
	s0 =	simm.s32 @!p0 $0x0  }
0x12: {  	s1 =	sld [smem:$0x3F9B];
	s0 =	simm.s32 @p0 $0x1  }
0x13: {  	[smem:$0x3FB6] =	sst s0;
	s0 =	simm.s32 @!p1 $0x0  }
0x14: {  	s2 =	sld [smem:$0x3F9A];
	s0 =	simm.s32 @p1 $0x1  }
0x15: {  	[smem:$0x3FB7] =	sst s0;
	s0 =	simm.s32 @!p2 $0x0  }
0x16: {  	s3 =	sld [smem:$0x3FDB];
	s0 =	simm.s32 @p2 $0x1  }
0x17: {  	s4 =	simm.s32 $0x1BF5;
	[smem:$0x3FB9] =	sst s0  }
0x18: {  	s0 =	sld [smem:$0x3F9C];
	_ =	swait.ge [sflag:s4], $0x0  }
0x19: {  	s7 =	sld [smem:$0x3F9D]  }
0x1a: {  	s8 =	sadd.s32 $0xFFFFE003, lr  }
0x1b: {  	s9 =	sadd.s32 $0xFFFFFEF7, lr;
	s5 =	simm.s32 $0xFFFFFFFF;
	p2 =	slt.u32 s8, $0xFFFFF086  }
0x1c: {  	p1 =	slt.u32 s9, $0xF7A;
	s5 =	simm.s32 @!p2 $0x0  }
0x1d: {  	s5 =	simm.s32 @p1 $0x1;
	p0 =	seq.s32 s7, s2  }
0x1e: {  	s7 =	smul.u32 @!p0 $0xF7A, s2;
	p2 =	seq.s32 @!p0 s5, $0x0  }
0x1f: {  	s9 =	smul.u32 $0xF7A, s1;
	s8 =	simm.s32 @!p0 $0x1BF5;
	p2 =	por !p2, p0  }
0x20: {  	[sflag:s8] =	ssyncset.s32 @!p0 $0xFFFFF086;
	s6 =	sadd.s32 @!p0 s3, s7;
	s7 =	simm.s32 @!p0 $0x108  }
0x21: {  	s3 =	sadd.s32 s3, s9;
	s6 =	sadd.s32 @!p0 $0x88, s6;
	s7 =	simm.s32 @p2 $0x1082  }
0x22: {  	[simem:s7], [sflag:s8] =	dma.local @!p0 [hbm:s6], $0xF7A  }
0x23: {  	s9 =	sor.u32 $0xD0000000, s2;
	s6 =	simm.s32 $0x108;
	_ =	swait.ge @!p0 [sflag:s8], $0x0  }
0x24: {  	s3 =	sadd.s32 $0x88, s3;
	s6 =	simm.s32 @!p1 $0x1082;
	[sflag:s4] =	ssyncset.s32 $0xFFFFF086  }
0x25: {  	[simem:s6], [sflag:s4] =	dma.local [hbm:s3], $0xF7A  }
0x26: {  	[smem:$0x3F9D] =	sst s1;
	(tag) =	ssettag s2;
	_ =	strace s9  }
0x27: {  	s1 =	sld [smem:$0x3FAD]  }
0x28: {  	s2 =	sld [smem:$0x3FAE]  }
0x29: {  	s4 =	sld [smem:$0x3FB0]  }
0x2a: {  	p0 =	seq.s32 s5, $0x0;
	s5 =	sld [smem:$0x3FB1]  }
0x2b: {  	s6 =	sld [smem:$0x3FB2]  }
0x2c: {  	s7 =	sld [smem:$0x3FB3]  }
0x2d: {  	s3 =	simm.s32 $0x108;
	s8 =	sld [smem:$0x3FB4]  }
0x2e: {  	s3 =	simm.s32 @!p0 $0x1082;
	s9 =	sld [smem:$0x3FB5]  }
0x2f: {  	lr =	sadd.s32 s0, s3;
	s0 =	sld [smem:$0x3FAC]  }
0x30: {  	s3 =	sld [smem:$0x3FAF]  }
0x31: {  	[smem:$0x3FB8] =	sst s10  }
0x32: {  	s10 =	sld [smem:$0x3FB6];
	_ =	sdelay $0x3  }
0x33: {  	p0 =	seq.s32 s10, $0x1;
	s10 =	sld [smem:$0x3FB8];
	_ =	sdelay $0x3  }
0x34: {  	[smem:$0x3FB8] =	sst s10  }
0x35: {  	s10 =	sld [smem:$0x3FB7];
	_ =	sdelay $0x3  }
0x36: {  	p1 =	seq.s32 s10, $0x1;
	s10 =	sld [smem:$0x3FB8];
	_ =	sdelay $0x3  }
0x37: {  	[smem:$0x3FB8] =	sst s10  }
0x38: {  	s10 =	sld [smem:$0x3FB9]  }
0x39: {  	_ = 	snop;
	(pc) =	sbr.ind lr, $3  }
0x3a: {  	_ = 	snop  }
0x3b: {  	_ = 	snop  }
0x3c: {  	p2 =	seq.s32 s10, $0x1;
	s10 =	sld [smem:$0x3FB8]  }
0x3d: {  	_ =	shalt  }
0x3e: {  	_ =	shalt  }
0x3f: {  	_ =	shalt  }
0x40: {  	_ =	shalt  }
0x41: {  	_ =	shalt  }
0x42: {  	_ =	shalt  }
0x43: {  	_ =	shalt  }
0x44: {  	_ =	shalt  }
0x45: {  	_ =	shalt  }
0x46: {  	_ =	shalt  }
0x47: {  	_ =	shalt  }
0x48: {  	_ =	shalt  }
0x49: {  	_ =	shalt  }
0x4a: {  	_ =	shalt  }
0x4b: {  	_ =	shalt  }
0x4c: {  	_ =	shalt  }
0x4d: {  	_ =	shalt  }
0x4e: {  	_ =	shalt  }
0x4f: {  	_ =	shalt  }
0x50: {  	_ =	shalt  }
0x51: {  	_ =	shalt  }
0x52: {  	_ =	shalt  }
0x53: {  	_ =	shalt  }
0x54: {  	_ =	shalt  }
0x55: {  	_ =	shalt  }
0x56: {  	_ =	shalt  }
0x57: {  	_ =	shalt  }
0x58: {  	_ =	shalt  }
0x59: {  	_ =	shalt  }
0x5a: {  	_ =	shalt  }
0x5b: {  	_ =	shalt  }
0x5c: {  	_ =	shalt  }
0x5d: {  	_ =	shalt  }
0x5e: {  	_ =	shalt  }
0x5f: {  	_ =	shalt  }
0x60: {  	_ =	shalt  }
0x61: {  	_ =	shalt  }
0x62: {  	_ =	shalt  }
0x63: {  	_ =	shalt  }
0x64: {  	_ =	shalt  }
0x65: {  	_ =	shalt  }
0x66: {  	_ =	shalt  }
0x67: {  	_ =	shalt  }
0x68: {  	_ =	shalt  }
0x69: {  	_ =	shalt  }
0x6a: {  	_ =	shalt  }
0x6b: {  	_ =	shalt  }
0x6c: {  	_ =	shalt  }
0x6d: {  	_ =	shalt  }
0x6e: {  	_ =	shalt  }
0x6f: {  	_ =	shalt  }
0x70: {  	_ =	shalt  }
0x71: {  	_ =	shalt  }
0x72: {  	_ =	shalt  }
0x73: {  	_ =	shalt  }
0x74: {  	_ =	shalt  }
0x75: {  	_ =	shalt  }
0x76: {  	_ =	shalt  }
0x77: {  	_ =	shalt  }
0x78: {  	_ =	shalt  }
0x79: {  	_ =	shalt  }
0x7a: {  	_ =	shalt  }
0x7b: {  	_ =	shalt  }
0x7c: {  	_ =	shalt  }
0x7d: {  	_ =	shalt  }
0x7e: {  	_ =	shalt  }
0x7f: {  	_ =	shalt  }
0x80: {  	_ =	shalt  }
0x81: {  	_ =	shalt  }
0x82: {  	_ =	shalt  }
0x83: {  	_ =	shalt  }
0x84: {  	_ =	shalt  }
0x85: {  	_ =	shalt  }
0x86: {  	_ =	shalt  }
0x87: {  	_ =	shalt  }
.Lfunc_end0:
.L_simem_size_0:
called_computation.1_lowered:
.L_overlay_start_0:
0x88: {  	s2 =	sld [smem:$0x3FD9]  }
0x89: {  	s3 =	sld [smem:$0x3FFE];
	_ =	sdelay $0x1  }
0x8a: {  	s1 =	srdreg.scid  }
0x8b: {  	s0 =	sand.u32 $0x1, s1  }
0x8c: {  	s17 =	sshll.u32 s0, $0xA;
	s2 =	sadd.s32 s3, s2  }
0x8d: {  	s2 =	sadd.s32 s2, s17  }
0x8e: {  	[smem:$0x3FC4] =	sst s2  }
0x8f: {  	_ = 	snop  }
0x90: {  	s2 =	sld [smem:$0x3FC8];
	(tm) =	ssettm $0x1  }
0x91: {  	s18 =	sld [smem:$0x3FFB];
	_ =	sdelay $0x3  }
0x92: {  	_ =	strace s18  }
0x93: {  	s3 =	sld [smem:$0x3FFC];
	_ =	sdelay $0x3  }
0x94: {  	_ =	strace s3  }
0x95: {  	s3 =	sld [smem:$0x3FFD];
	_ =	sdelay $0x3  }
0x96: {  	_ =	strace s3  }
0x97: {  	_ =	strace $0x8FFFFFFF  }
0x98: {  	s19 =	sld [smem:$0x3FDB];
	_ =	sdelay $0x1  }
0x99: {  	s4 =	simm.s32 $_scs_section_size  }
0x9a: {  	s5 =	simm.s32 $_size__tile_overlayer_lowered;
	s6 =	simm.s32 $_tile_overlayer_lowered  }
0x9b: {  	s22 =	simm.s32 $0x1BFF;
	s21 =	sshll.u32 s6, $0x1;
	s3 =	sadd.s32 s4, s19  }
0x9c: {  	s7 =	simm.s32 $0x0;
	s20 =	sshll.u32 s5, $0x1;
	s5 =	sadd.s32 s21, s3  }
0x9d: {  	[timem:s7], [sflag:s22] =	dma.local [hbm:s5], s20  }
0x9e: {  	_ =	swait.ge [sflag:s22], s20  }
0x9f: {  	s4 =	ssub.s32 $0x0, s20;
	[sflag:s22] =	ssyncset.done $0x0  }
0xa0: {  	[sflag:s22] =	ssyncadd.s32 s4;
	_ =	sdelay $0x1  }
0xa1: {  	s23 =	simm.s32 $0x1B8B  }
0xa2: {  	_ =	swait.ge [sflag:s23], $0x1  }
0xa3: {  	[sflag:s23] =	ssyncset.done $0x0  }
0xa4: {  	s25 =	simm.s32 $0x1B8E;
	s24 =	sld [smem:$0x3FFE];
	[sflag:s23] =	ssyncadd.s32 $0xFFFFFFFF  }
0xa5: {  	s26 =	simm.s32 $execute0_lowered;
	[smem:$0x3FD2] =	sst s25  }
0xa6: {  	s5 =	sshll.u32 s26, $0x1;
	_ =	strace $0x80000046;
	[dreg:$0x1] =	wrdreg $0xFFFFFFFF  }
0xa7: {  	s28 =	simm.s32 $_size_execute0_lowered;
	s3 =	sadd.s32 s3, s5;
	[dreg:$0x0] =	wrdreg $0x0  }
0xa8: {  	s5 =	sshll.u32 s28, $0x1;
	[dreg:$0x2] =	wrdreg s3  }
0xa9: {  	[dreg:$0x3] =	wrdreg s5  }
0xaa: {  	[dreg:$0x4] =	wrdreg $0xC0  }
0xab: {  	_ =	task [dreg:s7], $0x5FFFF  }
0xac: {  	[dreg:$0x1] =	wrdreg $0xFFFFFFFF  }
0xad: {  	[dreg:$0x0] =	wrdreg $0x60  }
0xae: {  	[dreg:$0x2] =	wrdreg s2  }
0xaf: {  	[dreg:$0x3] =	wrdreg s24  }
0xb0: {  	[dreg:$0x4] =	wrdreg $0xA  }
0xb1: {  	_ =	task.clear_ibuf [dreg:s7], $0x5FFFF;
	_ =	strace $0x90000046  }
0xb2: {  	s29 =	simm.s32 $0xA;
	_ =	strace $0x80000048  }
0xb3: {  	_ =	swait.ge [sflag:s29], $0x1  }
0xb4: {  	[sflag:s29] =	ssyncadd.s32 $0xFFFFFFFF  }
0xb5: {  	_ =	strace $0x90000048  }
0xb6: {  	_ =	sfence  }
0xb7: {  	s30 =	sld [smem:$0x0];
	_ =	sdelay $0x2  }
0xb8: {  	s31 =	sshll.u32 s1, $0xD;
	s1 =	sshrl.u32 s1, $0x2  }
0xb9: {  	s3 =	sand.u32 $0x4000, s31;
	s1 =	sadd.s32 s1, s30  }
0xba: {  	s0 =	sor.u32 s3, s0;
	s1 =	sshll.u32 s1, $0x11  }
0xbb: {  	s0 =	sor.u32 s1, s0  }
0xbc: {  	s0 =	sadd.s32 $0x8F2B, s0  }
0xbd: {  	[sflag:s0] =	ssyncadd.remote.s32 $0x1  }
0xbe: {  	_ =	sfence.sel $0xFFFF  }
0xbf: {  	[dreg:$0x0] =	wrdreg $0xFFFFFFFF;
	(pc) =	sbr.abs _section_cstart, $3  }
0xc0: {  	[dreg:$0x1] =	wrdreg $0xFFFFFFFF  }
0xc1: {  	_ =	task.clear_ibuf [dreg:s7], $0x2FFFF;
	_ =	strace $0x9FFFFFFF  }
0xc2: {  	(tm) =	ssettm $0x7FFFFFFF  }
0xc3: {  	_ =	shalt  }
tec
execute0_lowered:
.L_overlay_start_1:
0x0: {  	(tag) =	ssettag $0x1  }
0x1: {  	s12 =	stileid.u32  }
0x2: {  	s0 =	srdreg.scid;
	s7 =	smul.u32 $0x34000, s12  }
0x3: {  	s2 =	rddreg [dreg:$0x0];
	s10 =	smul.u32 $0x3400, s12  }
0x4: {  	s0 =	sand.u32 $0x1, s0;
	s1 =	sshll.u32 s12, $0x1;
	s12 =	smul.u32 $0x1A0000, s12  }
0x5: {  	s6 =	rddreg [dreg:$0x1];
	s28 =	simm.s32 $0x3;
	s8 =	smul.u32 $0x1A000, s0  }
0x6: {  	s29 =	simm.s32 $0x4;
	s30 =	simm.s32 $0x7;
	s14 =	smul.u32 $0xD0000, s0  }
0x7: {  	s1 =	sor.u32 s0, s1;
	s9 =	ssub.s32 $0x2, s0;
	s0 =	smul.u32 $0x1A00, s0  }
0x8: {  	s31 =	simm.s32 $0x8;
	s1 =	smul.u32 $0x1A00, s1;
	s11 =	sshrl.u32 s9, $0x1  }
0x9: {  	s9 =	ssub.s32 s9, s11;
	s17 =	sadd.s32 s14, s12;
	s0 =	sadd.s32 s0, s10  }
0xa: {  	s14 =	simm.s32 $0x80;
	s3 =	sshrl.u32 s1, $0xD;
	s5 =	sadd.s32 $0x200, s1  }
0xb: {  	s1 =	sshrl.u32 s1, $0x3;
	s16 =	smax.u32 s9, $0x1;
	s18 =	sor.u32 $0x4000, s17  }
0xc: {  	s19 =	sor.u32 $0x8000, s17;
	s0 =	sadd.s32 $0x580, s0;
	s23 =	sor.u32 $0xC000, s17  }
0xd: {  	s24 =	sadd.s32 $0x10000, s17;
	s4 =	smul.u32 $0x186A0, s3;
	s5 =	sshrl.u32 s5, $0xD  }
0xe: {  	s3 =	simm.s32 $0x0;
	s1 =	sadd.s32 s1, s6;
	s6 =	sadd.s32 $0x7800, s6  }
0xf: {  	s20 =	sshrl.u32 s18, $0x3;
	s21 =	sshrl.u32 s19, $0x3;
	s25 =	sshrl.u32 s24, $0x3  }
0x10: {  	s18 =	simm.s32 $0x9A00;
	s24 =	simm.s32 $0x15A00;
	s19 =	simm.s32 $0x6  }
0x11: {  	s5 =	smul.u32 $0x186A0, s5;
	[smem:$0x7FF] =	sst s3;
	s1 =	sadd.s32 $0x1000, s1  }
0x12: {  	s15 =	sadd.s32 s7, s6;
	_ =	strace $0x80000047;
	[dreg:$0x3] =	wrdreg s1  }
0x13: {  	s22 =	sadd.s32 s21, s6;
	s21 =	simm.s32 $0xB;
	[dreg:$0x4] =	wrdreg s16  }
0x14: {  	s1 =	sadd.s32 s8, s15;
	[dreg:$0x6] =	wrdreg s0;
	s0 =	sadd.s32 s20, s6  }
0x15: {  	[dreg:$0x8] =	wrdreg s22;
	s15 =	simm.s32 $0x1A00;
	s16 =	simm.s32 $0x5A00  }
0x16: {  	s20 =	simm.s32 $0xDA00;
	s22 =	simm.s32 $0x11A00;
	[dreg:$0x5] =	wrdreg s1  }
0x17: {  	[dreg:$0x7] =	wrdreg s0;
	s0 =	sshrl.u32 s23, $0x3;
	s1 =	sadd.s32 $0x14000, s17  }
.Ltmp0:
0x18: {  	s17 =	simm.s32 $0x5;
	s23 =	simm.s32 $0xC;
	(pc) =	sbr.rel .LBB2_1-.Ltmp0, $4  }
0x19: {  	v1 =	vmov s5;
	s5 =	simm.s32 $0x0;
	s0 =	sadd.s32 s0, s6;
	s1 =	sshrl.u32 s1, $0x3  }
0x1a: {  	[dreg:$0x9] =	wrdreg s0;
	s0 =	sadd.s32 s25, s6;
	s26 =	sadd.s32 s1, s6  }
0x1b: {  	s25 =	simm.s32 $0x1;
	s1 =	simm.s32 $0x9;
	[dreg:$0xa] =	wrdreg s0  }
0x1c: {  	v0 =	vmov s4;
	[dreg:$0xb] =	wrdreg s26;
	s26 =	simm.s32 $0x2;
	s0 =	simm.s32 $0xA  }
.LBB2_3:
0x1d: {  	_ =	swait.ge [sflag:s30], $0x4000  }
0x1e: {  	[sflag:s30] =	ssyncset.done $0x0  }
0x1f: {  	[sflag:s30] =	ssyncadd.s32 $0xFFFFC000  }
0x20: {  	_ =	swait.ge [sflag:s31], $0x4000  }
0x21: {  	[sflag:s31] =	ssyncset.done $0x0  }
0x22: {  	[sflag:s31] =	ssyncadd.s32 $0xFFFFC000  }
0x23: {  	_ =	swait.ge [sflag:s1], $0x4000  }
0x24: {  	[sflag:s1] =	ssyncset.done $0x0  }
0x25: {  	[sflag:s1] =	ssyncadd.s32 $0xFFFFC000  }
0x26: {  	_ =	swait.ge [sflag:s0], $0x4000  }
0x27: {  	[sflag:s0] =	ssyncset.done $0x0  }
0x28: {  	[sflag:s0] =	ssyncadd.s32 $0xFFFFC000  }
.LBB2_8:
0x29: {  	s5 =	rddreg [dreg:$0xc]  }
0x2a: {  	s4 =	rddreg [dreg:$0x4];
	s5 =	sadd.s32 $0x1, s5  }
0x2b: {  	p0 =	sne.s32 s5, s4  }
.Ltmp1:
0x2c: {  	_ = 	snop;
	(pc) =	sbr.rel @!p0 .LBB2_9-.Ltmp1, $1  }
0x2d: {  	_ =	sdelay $0x3  }
.LBB2_1:
0x2e: {  	[dreg:$0xc] =	wrdreg s5  }
0x2f: {  	s4 =	rddreg [dreg:$0x3];
	s9 =	simm.s32 $0xD  }
0x30: {  	[tilespmem:s3], [sflag:$0xD] =	stream.linear.gather [hbm4b:s4+s3], $0x1A00, $0x38;
	[tilespmem:$0x19A00] =	vst v63  }
0x31: {  	_ =	swait.ge [sflag:s9], $0x1A00  }
0x32: {  	[sflag:s9] =	ssyncset.done $0x0  }
0x33: {  	[sflag:s9] =	ssyncadd.s32 $0xFFFFE600  }
0x34: {  	v2 =	vld [tilespmem:$0x0]  }
0x35: {  	v3 =	vld [tilespmem:$0x10]  }
0x36: {  	v4 =	vld [tilespmem:$0x20]  }
0x37: {  	v5 =	vld [tilespmem:$0x30]  }
0x38: {  	v6 =	vld [tilespmem:$0x40]  }
0x39: {  	v7 =	vld [tilespmem:$0x50];
	v2 =	vadd.s32 v0, v2  }
0x3a: {  	[tilespmem:$0x0] =	vst v2;
	v2 =	vadd.s32 v0, v3;
	v3 =	vld [tilespmem:$0x60]  }
0x3b: {  	v38 =	vld [tilespmem:$0x70];
	[tilespmem:$0x10] =	vst v2;
	v2 =	vadd.s32 v0, v4  }
0x3c: {  	[tilespmem:$0x20] =	vst v2;
	v2 =	vadd.s32 v0, v5  }
0x3d: {  	[tilespmem:$0x30] =	vst v2;
	v2 =	vadd.s32 v0, v6  }
0x3e: {  	[tilespmem:$0x40] =	vst v2;
	v2 =	vadd.s32 v0, v7  }
0x3f: {  	[tilespmem:$0x50] =	vst v2;
	v2 =	vadd.s32 v0, v3  }
0x40: {  	[tilespmem:$0x60] =	vst v2;
	v2 =	vadd.s32 v0, v38  }
0x41: {  	[tilespmem:$0x70] =	vst v2  }
0x42: {  	[tilespmem:s15], [sflag:$0x1] =	stream.indirect.gather [hbm4b:s2+s14], $0x80, s3, s14, $0xb8;
	[tilespmem:$0x19A00] =	vst v63  }
0x43: {  	v2 =	vld [tilespmem:$0x80]  }
0x44: {  	v3 =	vld [tilespmem:$0x90]  }
0x45: {  	v39 =	vld [tilespmem:$0xA0]  }
0x46: {  	v40 =	vld [tilespmem:$0xB0]  }
0x47: {  	v41 =	vld [tilespmem:$0xC0]  }
0x48: {  	v42 =	vld [tilespmem:$0xD0];
	v2 =	vadd.s32 v0, v2  }
0x49: {  	[tilespmem:$0x80] =	vst v2;
	v2 =	vadd.s32 v0, v3;
	v3 =	vld [tilespmem:$0xE0]  }
0x4a: {  	v43 =	vld [tilespmem:$0xF0];
	[tilespmem:$0x90] =	vst v2;
	v2 =	vadd.s32 v0, v39  }
0x4b: {  	[tilespmem:$0xA0] =	vst v2;
	v2 =	vadd.s32 v0, v40  }
0x4c: {  	[tilespmem:$0xB0] =	vst v2;
	v2 =	vadd.s32 v0, v41  }
0x4d: {  	[tilespmem:$0xC0] =	vst v2;
	v2 =	vadd.s32 v0, v42  }
0x4e: {  	[tilespmem:$0xD0] =	vst v2;
	v2 =	vadd.s32 v0, v3  }
0x4f: {  	[tilespmem:$0xE0] =	vst v2;
	v2 =	vadd.s32 v0, v43  }
0x50: {  	[tilespmem:$0xF0] =	vst v2  }
0x51: {  	[tilespmem:s16], [sflag:$0x2] =	stream.indirect.gather [hbm4b:s2+s14], $0x80, s14, s14, $0xb8;
	[tilespmem:$0x19A00] =	vst v63  }
0x52: {  	v2 =	vld [tilespmem:$0x100]  }
0x53: {  	v3 =	vld [tilespmem:$0x110]  }
0x54: {  	v44 =	vld [tilespmem:$0x120]  }
0x55: {  	v45 =	vld [tilespmem:$0x130]  }
0x56: {  	v46 =	vld [tilespmem:$0x140]  }
0x57: {  	v47 =	vld [tilespmem:$0x150];
	v2 =	vadd.s32 v0, v2  }
0x58: {  	[tilespmem:$0x100] =	vst v2;
	v2 =	vadd.s32 v0, v3;
	v3 =	vld [tilespmem:$0x160]  }
0x59: {  	v48 =	vld [tilespmem:$0x170];
	[tilespmem:$0x110] =	vst v2;
	v2 =	vadd.s32 v0, v44  }
0x5a: {  	[tilespmem:$0x120] =	vst v2;
	v2 =	vadd.s32 v0, v45  }
0x5b: {  	[tilespmem:$0x130] =	vst v2;
	v2 =	vadd.s32 v0, v46  }
0x5c: {  	[tilespmem:$0x140] =	vst v2;
	v2 =	vadd.s32 v0, v47  }
0x5d: {  	[tilespmem:$0x150] =	vst v2;
	v2 =	vadd.s32 v0, v3  }
0x5e: {  	[tilespmem:$0x160] =	vst v2;
	v2 =	vadd.s32 v0, v48  }
0x5f: {  	s10 =	simm.s32 $0x100;
	[tilespmem:$0x170] =	vst v2  }
0x60: {  	[tilespmem:s18], [sflag:$0x3] =	stream.indirect.gather [hbm4b:s2+s14], $0x80, s10, s14, $0xb8;
	[tilespmem:$0x19A00] =	vst v63  }
0x61: {  	v2 =	vld [tilespmem:$0x180]  }
0x62: {  	v3 =	vld [tilespmem:$0x190]  }
0x63: {  	v49 =	vld [tilespmem:$0x1A0]  }
0x64: {  	v50 =	vld [tilespmem:$0x1B0]  }
0x65: {  	v51 =	vld [tilespmem:$0x1C0]  }
0x66: {  	v52 =	vld [tilespmem:$0x1D0];
	v2 =	vadd.s32 v0, v2  }
0x67: {  	[tilespmem:$0x180] =	vst v2;
	v2 =	vadd.s32 v0, v3;
	v3 =	vld [tilespmem:$0x1E0]  }
0x68: {  	v53 =	vld [tilespmem:$0x1F0];
	[tilespmem:$0x190] =	vst v2;
	v2 =	vadd.s32 v0, v49  }
0x69: {  	[tilespmem:$0x1A0] =	vst v2;
	v2 =	vadd.s32 v0, v50  }
0x6a: {  	[tilespmem:$0x1B0] =	vst v2;
	v2 =	vadd.s32 v0, v51  }
0x6b: {  	[tilespmem:$0x1C0] =	vst v2;
	v2 =	vadd.s32 v0, v52  }
0x6c: {  	[tilespmem:$0x1D0] =	vst v2;
	v2 =	vadd.s32 v0, v3  }
0x6d: {  	[tilespmem:$0x1E0] =	vst v2;
	v2 =	vadd.s32 v0, v53  }
0x6e: {  	s11 =	simm.s32 $0x180;
	[tilespmem:$0x1F0] =	vst v2  }
0x6f: {  	[tilespmem:s20], [sflag:$0x4] =	stream.indirect.gather [hbm4b:s2+s14], $0x80, s11, s14, $0xb8;
	[tilespmem:$0x19A00] =	vst v63  }
0x70: {  	v2 =	vld [tilespmem:$0x200]  }
0x71: {  	v3 =	vld [tilespmem:$0x210]  }
0x72: {  	v54 =	vld [tilespmem:$0x220]  }
0x73: {  	v55 =	vld [tilespmem:$0x230]  }
0x74: {  	v56 =	vld [tilespmem:$0x240]  }
0x75: {  	v57 =	vld [tilespmem:$0x250];
	v2 =	vadd.s32 v1, v2  }
0x76: {  	[tilespmem:$0x200] =	vst v2;
	v2 =	vadd.s32 v1, v3;
	v3 =	vld [tilespmem:$0x260]  }
0x77: {  	v58 =	vld [tilespmem:$0x270];
	[tilespmem:$0x210] =	vst v2;
	v2 =	vadd.s32 v1, v54  }
0x78: {  	[tilespmem:$0x220] =	vst v2;
	v2 =	vadd.s32 v1, v55  }
0x79: {  	[tilespmem:$0x230] =	vst v2;
	v2 =	vadd.s32 v1, v56  }
0x7a: {  	[tilespmem:$0x240] =	vst v2;
	v2 =	vadd.s32 v1, v57  }
0x7b: {  	[tilespmem:$0x250] =	vst v2;
	v2 =	vadd.s32 v1, v3  }
0x7c: {  	[tilespmem:$0x260] =	vst v2;
	v2 =	vadd.s32 v1, v58  }
0x7d: {  	s12 =	simm.s32 $0x200;
	[tilespmem:$0x270] =	vst v2  }
0x7e: {  	[tilespmem:s22], [sflag:$0x5] =	stream.indirect.gather [hbm4b:s2+s14], $0x80, s12, s14, $0xb8;
	[tilespmem:$0x19A00] =	vst v63  }
0x7f: {  	v2 =	vld [tilespmem:$0x280]  }
0x80: {  	v3 =	vld [tilespmem:$0x290]  }
0x81: {  	v59 =	vld [tilespmem:$0x2A0]  }
0x82: {  	v60 =	vld [tilespmem:$0x2B0]  }
0x83: {  	v61 =	vld [tilespmem:$0x2C0]  }
0x84: {  	v62 =	vld [tilespmem:$0x2D0];
	v2 =	vadd.s32 v1, v2  }
0x85: {  	[tilespmem:$0x280] =	vst v2;
	v2 =	vadd.s32 v1, v3;
	v3 =	vld [tilespmem:$0x2E0]  }
0x86: {  	v63 =	vld [tilespmem:$0x2F0];
	[tilespmem:$0x290] =	vst v2;
	v2 =	vadd.s32 v1, v59  }
0x87: {  	s8 =	rddreg [dreg:$0x7];
	[tilespmem:$0x2A0] =	vst v2;
	v2 =	vadd.s32 v1, v60  }
0x88: {  	s7 =	rddreg [dreg:$0x6];
	[tilespmem:$0x2B0] =	vst v2;
	v2 =	vadd.s32 v1, v61  }
0x89: {  	s6 =	rddreg [dreg:$0x5];
	[tilespmem:$0x2C0] =	vst v2;
	v2 =	vadd.s32 v1, v62  }
.Ltmp2:
0x8a: {  	s9 =	rddreg [dreg:$0x8];
	[tilespmem:$0x2D0] =	vst v2;
	v2 =	vadd.s32 v1, v3;
	(pc) =	sbr.rel .LBB2_2-.Ltmp2, $4  }
0x8b: {  	s10 =	rddreg [dreg:$0x9];
	[tilespmem:$0x2E0] =	vst v2;
	v2 =	vadd.s32 v1, v63  }
0x8c: {  	s13 =	simm.s32 $0x280;
	s11 =	rddreg [dreg:$0xa];
	[tilespmem:$0x2F0] =	vst v2  }
0x8d: {  	[tilespmem:s24], [sflag:$0x6] =	stream.indirect.gather [hbm4b:s2+s14], $0x80, s13, s14, $0xb8;
	[tilespmem:$0x19A00] =	vst v63  }
0x8e: {  	s5 =	simm.s32 $0x0;
	s12 =	rddreg [dreg:$0xb];
	s13 =	simm.s32 $0x0  }
.LBB2_6:
0x8f: {  	_ =	swait.ge [sflag:s23], $0x4000  }
0x90: {  	[sflag:s23] =	ssyncset.done $0x0  }
0x91: {  	s24 =	simm.s32 $0x15A00;
	[sflag:s23] =	ssyncadd.s32 $0xFFFFC000  }
.LBB2_7:
0x92: {  	s5 =	sadd.s32 $0xC00, s5  }
0x93: {  	p0 =	sne.s32 s5, $0x6C00  }
.Ltmp3:
0x94: {  	_ = 	snop;
	(pc) =	sbr.rel @!p0 .LBB2_8-.Ltmp3, $4  }
0x95: {  	s13 =	sadd.s32 $0x1, s13  }
0x96: {  	s6 =	sadd.s32 $0x3000, s6;
	s7 =	sadd.s32 $0x300, s7;
	s8 =	sadd.s32 $0x3000, s8  }
0x97: {  	s9 =	sadd.s32 $0x3000, s9;
	s10 =	sadd.s32 $0x3000, s10;
	s11 =	sadd.s32 $0x3000, s11  }
0x98: {  	s12 =	sadd.s32 $0x3000, s12;
	s22 =	simm.s32 $0x11A00;
	s15 =	simm.s32 $0x1A00  }
.LBB2_2:
0x99: {  	_ =	swait.ge [sflag:s25], $0x4000  }
0x9a: {  	[sflag:s25] =	ssyncset.done $0x0  }
0x9b: {  	[sflag:s25] =	ssyncadd.s32 $0xFFFFC000  }
0x9c: {  	[hbm4b:s6+s3] =	stream.linear.scatter [tilespmem:s15], [sflag:$0x7], $0x4000, $0x38;
	[tilespmem:$0x19A00] =	vst v63  }
0x9d: {  	_ =	swait.ge [sflag:s26], $0x4000  }
0x9e: {  	[sflag:s26] =	ssyncset.done $0x0  }
0x9f: {  	[sflag:s26] =	ssyncadd.s32 $0xFFFFC000  }
0xa0: {  	[hbm4b:s8+s3] =	stream.linear.scatter [tilespmem:s16], [sflag:$0x8], $0x4000, $0x38;
	[tilespmem:$0x19A00] =	vst v63  }
0xa1: {  	_ =	swait.ge [sflag:s28], $0x4000  }
0xa2: {  	[sflag:s28] =	ssyncset.done $0x0  }
0xa3: {  	p0 =	sne.s32 s5, $0x6000;
	[sflag:s28] =	ssyncadd.s32 $0xFFFFC000  }
0xa4: {  	[hbm4b:s9+s3] =	stream.linear.scatter [tilespmem:s18], [sflag:$0x9], $0x4000, $0x38;
	[tilespmem:$0x19A00] =	vst v63  }
.Ltmp4:
0xa5: {  	_ = 	snop;
	(pc) =	sbr.rel @!p0 .LBB2_3-.Ltmp4, $4  }
0xa6: {  	_ =	swait.ge [sflag:s29], $0x4000  }
0xa7: {  	[sflag:s29] =	ssyncset.done $0x0  }
0xa8: {  	[sflag:s29] =	ssyncadd.s32 $0xFFFFC000  }
0xa9: {  	[hbm4b:s10+s3] =	stream.linear.scatter [tilespmem:s20], [sflag:$0xA], $0x4000, $0x38;
	[tilespmem:$0x19A00] =	vst v63  }
0xaa: {  	_ =	swait.ge [sflag:s17], $0x4000  }
0xab: {  	[sflag:s17] =	ssyncset.done $0x0  }
0xac: {  	[sflag:s17] =	ssyncadd.s32 $0xFFFFC000  }
0xad: {  	[hbm4b:s11+s3] =	stream.linear.scatter [tilespmem:s22], [sflag:$0xB], $0x4000, $0x38;
	[tilespmem:$0x19A00] =	vst v63  }
0xae: {  	_ =	swait.ge [sflag:s19], $0x4000  }
0xaf: {  	[sflag:s19] =	ssyncset.done $0x0  }
0xb0: {  	[sflag:s19] =	ssyncadd.s32 $0xFFFFC000  }
0xb1: {  	[hbm4b:s12+s3] =	stream.linear.scatter [tilespmem:s24], [sflag:$0xC], $0x4000, $0x38;
	[tilespmem:$0x19A00] =	vst v63  }
0xb2: {  	_ =	swait.ge [sflag:s30], $0x4000  }
0xb3: {  	[sflag:s30] =	ssyncset.done $0x0  }
0xb4: {  	s4 =	sshra.s32 s5, $0x2;
	[sflag:s30] =	ssyncadd.s32 $0xFFFFC000  }
0xb5: {  	v2 =	vld [tilespmem:s4+$0x300]  }
0xb6: {  	s22 =	sadd.s32 $0xFFFFFD80, s7;
	v3 =	vld [tilespmem:s4+$0x310]  }
0xb7: {  	s22 =	sshrl.u32 s22, $0xD;
	v4 =	vld [tilespmem:s4+$0x320]  }
0xb8: {  	s22 =	smul.u32 $0x186A0, s22;
	v5 =	vld [tilespmem:s4+$0x330]  }
0xb9: {  	v6 =	vld [tilespmem:s4+$0x340]  }
0xba: {  	v7 =	vld [tilespmem:s4+$0x350];
	v2 =	vadd.s32 s22, v2  }
0xbb: {  	[tilespmem:s4+$0x300] =	vst v2;
	v2 =	vadd.s32 s22, v3;
	v3 =	vld [tilespmem:s4+$0x360]  }
0xbc: {  	v48 =	vld [tilespmem:s4+$0x370];
	[tilespmem:s4+$0x310] =	vst v2;
	v2 =	vadd.s32 s22, v4  }
0xbd: {  	[tilespmem:s4+$0x320] =	vst v2;
	v2 =	vadd.s32 s22, v5  }
0xbe: {  	[tilespmem:s4+$0x330] =	vst v2;
	v2 =	vadd.s32 s22, v6  }
0xbf: {  	[tilespmem:s4+$0x340] =	vst v2;
	v2 =	vadd.s32 s22, v7  }
0xc0: {  	[tilespmem:s4+$0x350] =	vst v2;
	v2 =	vadd.s32 s22, v3  }
0xc1: {  	[tilespmem:s4+$0x360] =	vst v2;
	v2 =	vadd.s32 s22, v48  }
0xc2: {  	s16 =	simm.s32 $0x1A00;
	s22 =	sadd.s32 $0x300, s4;
	[tilespmem:s4+$0x370] =	vst v2  }
0xc3: {  	[tilespmem:s16], [sflag:$0x1] =	stream.indirect.gather [hbm4b:s2+s14], $0x80, s22, s14, $0xb8;
	[tilespmem:$0x19A00] =	vst v63  }
0xc4: {  	_ =	swait.ge [sflag:s31], $0x4000  }
0xc5: {  	[sflag:s31] =	ssyncset.done $0x0  }
0xc6: {  	[sflag:s31] =	ssyncadd.s32 $0xFFFFC000  }
0xc7: {  	v2 =	vld [tilespmem:s4+$0x380]  }
0xc8: {  	s22 =	sadd.s32 $0xFFFFFE00, s7;
	v3 =	vld [tilespmem:s4+$0x390]  }
0xc9: {  	s22 =	sshrl.u32 s22, $0xD;
	v49 =	vld [tilespmem:s4+$0x3A0]  }
0xca: {  	s22 =	smul.u32 $0x186A0, s22;
	v50 =	vld [tilespmem:s4+$0x3B0]  }
0xcb: {  	v51 =	vld [tilespmem:s4+$0x3C0]  }
0xcc: {  	v52 =	vld [tilespmem:s4+$0x3D0];
	v2 =	vadd.s32 s22, v2  }
0xcd: {  	[tilespmem:s4+$0x380] =	vst v2;
	v2 =	vadd.s32 s22, v3;
	v3 =	vld [tilespmem:s4+$0x3E0]  }
0xce: {  	v53 =	vld [tilespmem:s4+$0x3F0];
	[tilespmem:s4+$0x390] =	vst v2;
	v2 =	vadd.s32 s22, v49  }
0xcf: {  	[tilespmem:s4+$0x3A0] =	vst v2;
	v2 =	vadd.s32 s22, v50  }
0xd0: {  	[tilespmem:s4+$0x3B0] =	vst v2;
	v2 =	vadd.s32 s22, v51  }
0xd1: {  	[tilespmem:s4+$0x3C0] =	vst v2;
	v2 =	vadd.s32 s22, v52  }
0xd2: {  	[tilespmem:s4+$0x3D0] =	vst v2;
	v2 =	vadd.s32 s22, v3  }
0xd3: {  	[tilespmem:s4+$0x3E0] =	vst v2;
	v2 =	vadd.s32 s22, v53  }
0xd4: {  	s16 =	simm.s32 $0x5A00;
	s22 =	sadd.s32 $0x380, s4;
	[tilespmem:s4+$0x3F0] =	vst v2  }
0xd5: {  	[tilespmem:s16], [sflag:$0x2] =	stream.indirect.gather [hbm4b:s2+s14], $0x80, s22, s14, $0xb8;
	[tilespmem:$0x19A00] =	vst v63  }
0xd6: {  	_ =	swait.ge [sflag:s1], $0x4000  }
0xd7: {  	[sflag:s1] =	ssyncset.done $0x0  }
0xd8: {  	[sflag:s1] =	ssyncadd.s32 $0xFFFFC000  }
0xd9: {  	v2 =	vld [tilespmem:s4+$0x400]  }
0xda: {  	s22 =	sadd.s32 $0xFFFFFE80, s7;
	v3 =	vld [tilespmem:s4+$0x410]  }
0xdb: {  	s22 =	sshrl.u32 s22, $0xD;
	v54 =	vld [tilespmem:s4+$0x420]  }
0xdc: {  	s22 =	smul.u32 $0x186A0, s22;
	v55 =	vld [tilespmem:s4+$0x430]  }
0xdd: {  	v56 =	vld [tilespmem:s4+$0x440]  }
0xde: {  	v57 =	vld [tilespmem:s4+$0x450];
	v2 =	vadd.s32 s22, v2  }
0xdf: {  	[tilespmem:s4+$0x400] =	vst v2;
	v2 =	vadd.s32 s22, v3;
	v3 =	vld [tilespmem:s4+$0x460]  }
0xe0: {  	v58 =	vld [tilespmem:s4+$0x470];
	[tilespmem:s4+$0x410] =	vst v2;
	v2 =	vadd.s32 s22, v54  }
0xe1: {  	[tilespmem:s4+$0x420] =	vst v2;
	v2 =	vadd.s32 s22, v55  }
0xe2: {  	[tilespmem:s4+$0x430] =	vst v2;
	v2 =	vadd.s32 s22, v56  }
0xe3: {  	[tilespmem:s4+$0x440] =	vst v2;
	v2 =	vadd.s32 s22, v57  }
0xe4: {  	[tilespmem:s4+$0x450] =	vst v2;
	v2 =	vadd.s32 s22, v3  }
0xe5: {  	[tilespmem:s4+$0x460] =	vst v2;
	v2 =	vadd.s32 s22, v58  }
0xe6: {  	s22 =	sadd.s32 $0x400, s4;
	[tilespmem:s4+$0x470] =	vst v2  }
0xe7: {  	[tilespmem:s18], [sflag:$0x3] =	stream.indirect.gather [hbm4b:s2+s14], $0x80, s22, s14, $0xb8;
	[tilespmem:$0x19A00] =	vst v63  }
0xe8: {  	_ =	swait.ge [sflag:s0], $0x4000  }
0xe9: {  	[sflag:s0] =	ssyncset.done $0x0  }
0xea: {  	[sflag:s0] =	ssyncadd.s32 $0xFFFFC000  }
0xeb: {  	v2 =	vld [tilespmem:s4+$0x480]  }
0xec: {  	s22 =	sadd.s32 $0xFFFFFF00, s7;
	v3 =	vld [tilespmem:s4+$0x490]  }
0xed: {  	s22 =	sshrl.u32 s22, $0xD;
	v59 =	vld [tilespmem:s4+$0x4A0]  }
0xee: {  	s22 =	smul.u32 $0x186A0, s22;
	v60 =	vld [tilespmem:s4+$0x4B0]  }
0xef: {  	v61 =	vld [tilespmem:s4+$0x4C0]  }
0xf0: {  	v62 =	vld [tilespmem:s4+$0x4D0];
	v2 =	vadd.s32 s22, v2  }
0xf1: {  	[tilespmem:s4+$0x480] =	vst v2;
	v2 =	vadd.s32 s22, v3;
	v3 =	vld [tilespmem:s4+$0x4E0]  }
0xf2: {  	v63 =	vld [tilespmem:s4+$0x4F0];
	[tilespmem:s4+$0x490] =	vst v2;
	v2 =	vadd.s32 s22, v59  }
0xf3: {  	[tilespmem:s4+$0x4A0] =	vst v2;
	v2 =	vadd.s32 s22, v60  }
0xf4: {  	[tilespmem:s4+$0x4B0] =	vst v2;
	v2 =	vadd.s32 s22, v61  }
0xf5: {  	[tilespmem:s4+$0x4C0] =	vst v2;
	v2 =	vadd.s32 s22, v62  }
0xf6: {  	[tilespmem:s4+$0x4D0] =	vst v2;
	v2 =	vadd.s32 s22, v3  }
0xf7: {  	p0 =	sgt.u32 s13, $0x6;
	[tilespmem:s4+$0x4E0] =	vst v2;
	v2 =	vadd.s32 s22, v63  }
.Ltmp5:
0xf8: {  	s22 =	sadd.s32 $0x480, s4;
	[tilespmem:s4+$0x4F0] =	vst v2;
	(pc) =	sbr.rel @p0 .LBB2_6-.Ltmp5, $4  }
0xf9: {  	[tilespmem:s20], [sflag:$0x4] =	stream.indirect.gather [hbm4b:s2+s14], $0x80, s22, s14, $0xb8;
	[tilespmem:$0x19A00] =	vst v63  }
0xfa: {  	_ =	swait.ge [sflag:s21], $0x4000  }
0xfb: {  	[sflag:s21] =	ssyncset.done $0x0  }
0xfc: {  	s15 =	simm.s32 $0x15A00;
	s24 =	simm.s32 $0x11A00;
	[sflag:s21] =	ssyncadd.s32 $0xFFFFC000  }
0xfd: {  	v2 =	vld [tilespmem:s4+$0x500]  }
0xfe: {  	s22 =	sadd.s32 $0xFFFFFF80, s7;
	v3 =	vld [tilespmem:s4+$0x510]  }
0xff: {  	v4 =	vld [tilespmem:s4+$0x520];
	s22 =	sshrl.u32 s22, $0xD  }
0x100: {  	v5 =	vld [tilespmem:s4+$0x530];
	s22 =	smul.u32 $0x186A0, s22  }
0x101: {  	v6 =	vld [tilespmem:s4+$0x540]  }
0x102: {  	v7 =	vld [tilespmem:s4+$0x550];
	v2 =	vadd.s32 s22, v2  }
0x103: {  	[tilespmem:s4+$0x500] =	vst v2;
	v2 =	vadd.s32 s22, v3;
	v3 =	vld [tilespmem:s4+$0x560]  }
0x104: {  	v58 =	vld [tilespmem:s4+$0x570];
	[tilespmem:s4+$0x510] =	vst v2;
	v2 =	vadd.s32 s22, v4  }
0x105: {  	[tilespmem:s4+$0x520] =	vst v2;
	v2 =	vadd.s32 s22, v5  }
0x106: {  	[tilespmem:s4+$0x530] =	vst v2;
	v2 =	vadd.s32 s22, v6  }
0x107: {  	[tilespmem:s4+$0x540] =	vst v2;
	v2 =	vadd.s32 s22, v7  }
0x108: {  	[tilespmem:s4+$0x550] =	vst v2;
	v2 =	vadd.s32 s22, v3  }
0x109: {  	[tilespmem:s4+$0x560] =	vst v2;
	v2 =	vadd.s32 s22, v58  }
0x10a: {  	s22 =	sadd.s32 $0x500, s4;
	[tilespmem:s4+$0x570] =	vst v2  }
0x10b: {  	[tilespmem:s24], [sflag:$0x5] =	stream.indirect.gather [hbm4b:s2+s14], $0x80, s22, s14, $0xb8;
	[tilespmem:$0x19A00] =	vst v63  }
0x10c: {  	_ =	swait.ge [sflag:s23], $0x4000  }
0x10d: {  	[sflag:s23] =	ssyncset.done $0x0  }
0x10e: {  	[sflag:s23] =	ssyncadd.s32 $0xFFFFC000  }
0x10f: {  	v2 =	vld [tilespmem:s4+$0x580]  }
0x110: {  	v3 =	vld [tilespmem:s4+$0x590]  }
0x111: {  	s24 =	sshrl.u32 s7, $0xD;
	v59 =	vld [tilespmem:s4+$0x5A0]  }
0x112: {  	s22 =	smul.u32 $0x186A0, s24;
	v60 =	vld [tilespmem:s4+$0x5B0]  }
0x113: {  	v61 =	vld [tilespmem:s4+$0x5C0]  }
0x114: {  	v62 =	vld [tilespmem:s4+$0x5D0];
	v2 =	vadd.s32 s22, v2  }
0x115: {  	[tilespmem:s4+$0x580] =	vst v2;
	v2 =	vadd.s32 s22, v3;
	v3 =	vld [tilespmem:s4+$0x5E0]  }
0x116: {  	v63 =	vld [tilespmem:s4+$0x5F0];
	[tilespmem:s4+$0x590] =	vst v2;
	v2 =	vadd.s32 s22, v59  }
0x117: {  	[tilespmem:s4+$0x5A0] =	vst v2;
	v2 =	vadd.s32 s22, v60  }
0x118: {  	[tilespmem:s4+$0x5B0] =	vst v2;
	v2 =	vadd.s32 s22, v61  }
0x119: {  	[tilespmem:s4+$0x5C0] =	vst v2;
	v2 =	vadd.s32 s22, v62  }
.Ltmp6:
0x11a: {  	[tilespmem:s4+$0x5D0] =	vst v2;
	v2 =	vadd.s32 s22, v3;
	(pc) =	sbr.rel .LBB2_7-.Ltmp6, $4  }
0x11b: {  	[tilespmem:s4+$0x5E0] =	vst v2;
	v2 =	vadd.s32 s22, v63  }
0x11c: {  	s24 =	sadd.s32 $0x580, s4;
	[tilespmem:s4+$0x5F0] =	vst v2  }
0x11d: {  	[tilespmem:s15], [sflag:$0x6] =	stream.indirect.gather [hbm4b:s2+s14], $0x80, s24, s14, $0xb8;
	[tilespmem:$0x19A00] =	vst v63  }
0x11e: {  	s24 =	simm.s32 $0x15A00  }
.LBB2_9:
0x11f: {  	_ =	sfence.sel $0x180000  }
0x120: {  	[bflag:$0x0] =	sbarrier.arrive $0xFFFF  }
0x121: {  	_ =	strace $0x90000047  }
0x122: {  	s0 =	stileid.u32;
	[bflag:$0x2] =	sbarrier.arrive $0xFFFF  }
0x123: {  	p0 =	sne.s32 s0, $0x0;
	s0 =	rddreg [dreg:$0x2]  }
0x124: {  	s0 =	sadd.s32 @!p0 $0x100000, s0  }
0x125: {  	[sflag:s0] =	ssyncadd.tile.s32 @!p0 $0x1;
	_ =	shalt  }
.Lfunc_end2:
_tile_overlayer_lowered:
.L_overlay_start_2:
0x126: {  	(tag) =	ssettag $0x2  }
0x127: {  	s0 =	rddreg [dreg:$0x0];
	s2 =	stileid.u32  }
0x128: {  	s1 =	rddreg [dreg:$0x1];
	p0 =	sne.s32 s2, $0x0  }
0x129: {  	s3 =	rddreg [dreg:$0x2];
	[bflag:$0x3] =	sbarrier.arrive $0xFFFF;
	s2 =	simm.s32 @!p0 $0x1C0D  }
0x12a: {  	[timem:s3], [sflag:s2] =	dma.local @!p0 [hbm:s0], s1  }
0x12b: {  	s0 =	simm.s32 @!p0 $0xD  }
0x12c: {  	_ =	swait.ge @!p0 [sflag:s0], s1  }
0x12d: {  	s1 =	ssub.s32 @!p0 $0x0, s1;
	[sflag:s0] =	ssyncset.done @!p0 $0x0  }
0x12e: {  	[sflag:s0] =	ssyncadd.s32 @!p0 s1  }
0x12f: {  	[bflag:$0x3] =	sbarrier.arrive $0xFFFF  }
0x130: {  	_ =	shalt  }

</sc_bundles>
